<compile_context>
chip_gen: v7x
topology: tpu7x:2x2x1
jax: 0.10.2.dev20260603
libtpu: 0.0.44.dev20260713+nightly
codegen_flags: <defaults>
</compile_context>

<pallas_src>
import jax
import jax.numpy as jnp
from jax import lax
from jax.experimental import pallas as pl
from jax.experimental.pallas import tpu as pltpu
from jax.experimental.pallas import tpu_sc as plsc

B = 16384
N = 327680
D = 64
H = 64

NC = 2
NS = 16
NW = NC * NS

_SUB = 128
_CHA = 512
_KSUB = _CHA // _SUB



_PA = N // NW
_ITA = _PA // _CHA


def _gather_body(ids_hbm, emb_hbm, out_hbm, idx_v, rows_v,
                 sem_i, sem_g, sem_w):
    c = lax.axis_index("c")
    s = lax.axis_index("s")
    base = (s * NC + c) * _PA

    def idx_copy(i):
        r = lax.rem(i, 2)
        return (ids_hbm.at[pl.ds(base + i * _CHA, _CHA)], idx_v.at[r],
                sem_i)

    def wb_copy(i):
        r = lax.rem(i, 2)
        return (rows_v.at[r], out_hbm.at[pl.ds(base + i * _CHA, _CHA)],
                sem_w)

    pltpu.async_copy(*idx_copy(0))

    def it(i, carry):
        r = lax.rem(i, 2)
        pltpu.make_async_copy(*idx_copy(i)).wait()

        @pl.when(i + 1 < _ITA)
        def _():
            pltpu.async_copy(*idx_copy(i + 1))

        @pl.when(i >= 2)
        def _():
            pltpu.make_async_copy(*wb_copy(i - 2)).wait()

        descs = [
            pltpu.async_copy(
                emb_hbm.at[idx_v.at[r, pl.ds(k * _SUB, _SUB)]],
                rows_v.at[r, pl.ds(k * _SUB, _SUB)],
                sem_g)
            for k in range(_KSUB)
        ]
        for d_ in descs:
            d_.wait()
        pltpu.async_copy(*wb_copy(i))
        return carry

    lax.fori_loop(0, _ITA, it, 0)
    pltpu.make_async_copy(*wb_copy(_ITA - 2)).wait()
    pltpu.make_async_copy(*wb_copy(_ITA - 1)).wait()


def _sc_gather(ids, emb):
    return pl.kernel(
        _gather_body,
        out_type=jax.ShapeDtypeStruct((N, D), jnp.float32),
        mesh=plsc.VectorSubcoreMesh(
            core_axis_name="c", subcore_axis_name="s",
            num_cores=NC, num_subcores=NS),
        compiler_params=pltpu.CompilerParams(use_tc_tiling_on_sc=False),
        scratch_types=[
            pltpu.VMEM((2, _CHA), jnp.int32),
            pltpu.VMEM((2, _CHA, D), jnp.float32),
            pltpu.SemaphoreType.DMA,
            pltpu.SemaphoreType.DMA,
            pltpu.SemaphoreType.DMA,
        ],
    )(ids, emb)



_RB = 1024
_GBS = (N // 2) // _RB


def _mlp2(x, w1, b1, w2, b2):
    h = jnp.maximum(
        jnp.dot(x, w1[...], preferred_element_type=jnp.float32) + b1[...],
        0.0)
    return jnp.dot(h, w2[...], preferred_element_type=jnp.float32) + b2[...]


def _phi_body(x_ref, w1_ref, b1_ref, w2_ref, b2_ref, o_ref):
    o_ref[...] = _mlp2(x_ref[...], w1_ref, b1_ref, w2_ref, b2_ref)


def _tc_phi(x_p, w1p, b1p, w2p, b2p):
    full = lambda shape: pl.BlockSpec(shape, lambda i: tuple(0 for _ in shape))
    return pl.pallas_call(
        _phi_body,
        grid=(_GBS,),
        in_specs=[
            pl.BlockSpec((_RB, 2 * D), lambda i: (i, 0)),
            full((2 * D, 2 * H)),
            full((1, 2 * H)),
            full((2 * H, 2 * H)),
            full((1, 2 * H)),
        ],
        out_specs=pl.BlockSpec((_RB, 2 * H), lambda i: (i, 0)),
        out_shape=jax.ShapeDtypeStruct((N // 2, 2 * H), jnp.float32),
    )(x_p, w1p, b1p, w2p, b2p)



_CHP = 256
_KSP = _CHP // _SUB
_PC = N // NS
_ITC = _PC // _CHP
_BZ = B // NS


def _pool_body(h2_hbm, seg_hbm, out_hbm, idx_v, rows_v, acc, sem_p):
    s = lax.axis_index("s")
    base = s * _PC

    def rows_copy(i):
        r = lax.rem(i, 2)
        return (h2_hbm.at[pl.ds(base + i * _CHP, _CHP)], rows_v.at[r], sem_p)

    def idx_copy(i, k):
        r = lax.rem(i, 2)
        return (seg_hbm.at[pl.ds(base + i * _CHP + k * _SUB, _SUB)],
                idx_v.at[r, k], sem_p)

    def sc_copy(i, k):
        r = lax.rem(i, 2)
        return (rows_v.at[r, pl.ds(k * _SUB, _SUB)],
                acc.at[idx_v.at[r, k]])

    def start_pre(i):
        pltpu.async_copy(*rows_copy(i))
        for k in range(_KSP):
            pltpu.async_copy(*idx_copy(i, k))

    def wait_pre(i):
        pltpu.make_async_copy(*rows_copy(i)).wait()
        for k in range(_KSP):
            pltpu.make_async_copy(*idx_copy(i, k)).wait()

    def zr(i, carry):
        for j in range(D // 16):
            rows_v[0, i, pl.ds(16 * j, 16)] = jnp.zeros((16,), jnp.float32)
        return carry

    lax.fori_loop(0, _CHP, zr, 0)
    for t in range(_BZ // _CHP):
        pltpu.sync_copy(rows_v.at[0], acc.at[pl.ds(s * _BZ + t * _CHP, _CHP)])
    plsc.subcore_barrier()

    start_pre(0)

    def it(i, carry):
        wait_pre(i)

        @pl.when(i + 1 < _ITC)
        def _():
            start_pre(i + 1)

        for k in range(_KSP):
            pltpu.sync_copy(*sc_copy(i, k), add=True)
        return carry

    lax.fori_loop(0, _ITC, it, 0)
    plsc.subcore_barrier()

    for t in range(_BZ // _CHP):
        r0 = s * _BZ + t * _CHP
        pltpu.sync_copy(acc.at[pl.ds(r0, _CHP)], rows_v.at[0])
        pltpu.sync_copy(rows_v.at[0], out_hbm.at[pl.ds(r0, _CHP)])


def _sc_pool_side(h2_side, seg_side):
    return pl.kernel(
        _pool_body,
        out_type=jax.ShapeDtypeStruct((B, H), jnp.float32),
        mesh=plsc.VectorSubcoreMesh(
            core_axis_name="c", subcore_axis_name="s",
            num_cores=1, num_subcores=NS),
        compiler_params=pltpu.CompilerParams(use_tc_tiling_on_sc=False),
        scratch_types=[
            pltpu.VMEM((2, _KSP, _SUB), jnp.int32),
            pltpu.VMEM((2, _CHP, H), jnp.float32),
            pltpu.VMEM_SHARED((B, H), jnp.float32),
            pltpu.SemaphoreType.DMA,
        ],
    )(h2_side, seg_side)



_HB = 512
_HGB = (B // 2) // _HB


def _head_body(s_ref, r_ref, sw1, sb1, sw2, sb2, rw1, rb1, rw2, rb2,
               pa, pb, pb1, pw2, o_ref):
    def rho(x, w1, b1, w2, b2):
        t = jnp.maximum(
            jnp.dot(x, w1[...], preferred_element_type=jnp.float32) + b1[...],
            0.0)
        return jnp.dot(t, w2[...], preferred_element_type=jnp.float32) + b2[...]

    sr = rho(s_ref[...], sw1, sb1, sw2, sb2)
    rr = rho(r_ref[...], rw1, rb1, rw2, rb2)
    hh = jnp.maximum(
        jnp.dot(sr, pa[...], preferred_element_type=jnp.float32)
        + jnp.dot(rr, pb[...], preferred_element_type=jnp.float32)
        + pb1[...], 0.0)
    o_ref[...] = jnp.dot(hh, pw2[...], preferred_element_type=jnp.float32)


def _tc_head(s_p, r_p, args):
    full = lambda shape: pl.BlockSpec(shape, lambda i: tuple(0 for _ in shape))
    w_specs = [
        full((2 * H, 2 * H)), full((1, 2 * H)),
        full((2 * H, 2 * H)), full((1, 2 * H)),
        full((2 * H, 2 * H)), full((1, 2 * H)),
        full((2 * H, 2 * H)), full((1, 2 * H)),
        full((2 * H, 2 * H)), full((2 * H, 2 * H)), full((1, 2 * H)),
        full((2 * H, 8)),
    ]
    return pl.pallas_call(
        _head_body,
        grid=(_HGB,),
        in_specs=[pl.BlockSpec((_HB, 2 * H), lambda i: (i, 0)),
                  pl.BlockSpec((_HB, 2 * H), lambda i: (i, 0))] + w_specs,
        out_specs=pl.BlockSpec((_HB, 8), lambda i: (i, 0)),
        out_shape=jax.ShapeDtypeStruct((B // 2, 8), jnp.float32),
    )(s_p, r_p, *args)




def _blockdiag2(w):
    return jnp.kron(jnp.eye(2, dtype=w.dtype), w)


def _tile2(b):
    return jnp.tile(b.reshape(1, -1), (1, 2))


def kernel(senders, receivers, senders_batch, receivers_batch, params):
    p = params
    sp, rp = p['sender'], p['receiver']

    xs = _sc_gather(senders, p['emb'])
    xr = _sc_gather(receivers, p['emb'])

    h2s_p = _tc_phi(
        xs.reshape(N // 2, 2 * D),
        _blockdiag2(sp['phi_W1']), _tile2(sp['phi_b1']),
        _blockdiag2(sp['phi_W2']), _tile2(sp['phi_b2']))
    h2r_p = _tc_phi(
        xr.reshape(N // 2, 2 * D),
        _blockdiag2(rp['phi_W1']), _tile2(rp['phi_b1']),
        _blockdiag2(rp['phi_W2']), _tile2(rp['phi_b2']))

    pooled_s = _sc_pool_side(h2s_p.reshape(N, H), senders_batch)
    pooled_r = _sc_pool_side(h2r_p.reshape(N, H), receivers_batch)
    s_pk = pooled_s.reshape(B // 2, 2 * H)
    r_pk = pooled_r.reshape(B // 2, 2 * H)

    pw2 = jnp.zeros((2 * H, 8), jnp.float32)
    pw2 = pw2.at[:H, 0].set(p['pred_W2'][:, 0])
    pw2 = pw2.at[H:, 1].set(p['pred_W2'][:, 0])

    head_args = (
        _blockdiag2(sp['rho_W1']), _tile2(sp['rho_b1']),
        _blockdiag2(sp['rho_W2']), _tile2(sp['rho_b2']),
        _blockdiag2(rp['rho_W1']), _tile2(rp['rho_b1']),
        _blockdiag2(rp['rho_W2']), _tile2(rp['rho_b2']),
        _blockdiag2(p['pred_W1'][:H]), _blockdiag2(p['pred_W1'][H:]),
        _tile2(p['pred_b1']),
        pw2,
    )
    out_pk = _tc_head(s_pk, r_pk, head_args)
    out = out_pk[:, :2].reshape(B, 1) + p['pred_b2'].reshape(1, 1)
    return out

# --- scband reference (transcript-rebuilt; emitter-appended) ---
"""Pipeline reference for scband-double-deep-sets-9938554323114 (READ-ONLY COPY).

The authoritative reference and input builder live on the scoring server;
editing this copy changes nothing except your own understanding.
"""

import jax, jax.numpy as jnp
import numpy as np

B = 16384
N = 327680
V = 1000000
D = 64
H = 64

def _linear(key, fi, fo):
    kw, kb = jax.random.split(key)
    s = float(1.0 / np.sqrt(fi))
    W = jax.random.uniform(kw, (fi, fo), minval=-s, maxval=s, dtype=jnp.float32)
    b = jax.random.uniform(kb, (fo,), minval=-s, maxval=s, dtype=jnp.float32)
    return W, b

def _deepsets_params(key):
    ks = jax.random.split(key, 4)
    p = {}
    p['phi_W1'], p['phi_b1'] = _linear(ks[0], D, H)
    p['phi_W2'], p['phi_b2'] = _linear(ks[1], H, H)
    p['rho_W1'], p['rho_b1'] = _linear(ks[2], H, H)
    p['rho_W2'], p['rho_b2'] = _linear(ks[3], H, H)
    return p

def setup_inputs(seed: int = 0):
    key = jax.random.key(seed)
    ks = jax.random.split(key, 10)
    senders = jax.random.randint(ks[0], (N,), 0, V, dtype=jnp.int32)
    receivers = jax.random.randint(ks[1], (N,), 0, V, dtype=jnp.int32)
    senders_batch = jnp.sort(jax.random.randint(ks[2], (N,), 0, B, dtype=jnp.int32))
    receivers_batch = jnp.sort(jax.random.randint(ks[3], (N,), 0, B, dtype=jnp.int32))
    params = {}
    params['emb'] = jax.random.normal(ks[4], (V, D), dtype=jnp.float32) * 0.02
    params['sender'] = _deepsets_params(ks[5])
    params['receiver'] = _deepsets_params(ks[6])
    params['pred_W1'], params['pred_b1'] = _linear(ks[7], 2 * H, H)
    params['pred_W2'], params['pred_b2'] = _linear(ks[8], H, 1)
    return {'senders': senders, 'receivers': receivers, 'senders_batch': senders_batch, 'receivers_batch': receivers_batch, 'params': params}

def _deepsets(x, seg, p):
    h = jax.nn.relu(x @ p['phi_W1'] + p['phi_b1'])
    h = h @ p['phi_W2'] + p['phi_b2']
    pooled = jax.ops.segment_sum(h, seg, num_segments=B)
    r = jax.nn.relu(pooled @ p['rho_W1'] + p['rho_b1'])
    r = r @ p['rho_W2'] + p['rho_b2']
    return r

def reference(senders, receivers, senders_batch, receivers_batch, params):
    # NodeIdFeatureEncoder: embedding lookup of node ids
    s = jnp.take(params['emb'], senders, axis=0)
    r = jnp.take(params['emb'], receivers, axis=0)
    # Two independent DeepSets (phi MLP -> segment-sum pool -> rho MLP)
    s = _deepsets(s, senders_batch, params['sender'])
    r = _deepsets(r, receivers_batch, params['receiver'])
    # pred_mlp (dropout is identity at inference)
    z = jnp.concatenate([s, r], axis=-1)
    h = jax.nn.relu(z @ params['pred_W1'] + params['pred_b1'])
    out = h @ params['pred_W2'] + params['pred_b2']
    return out

if __name__ == "__main__":
    import jax
    _d = setup_inputs()
    print(jax.jit(kernel)(*tuple(_d.values())))

</pallas_src>

<mosaic_0001>
#map = affine_map<(d0, d1) -> (0, 0)>
#map1 = affine_map<(d0, d1) -> (0)>
module attributes {stable_mosaic.version = 14 : i64} {
  func.func @_pool_body(%arg0: i32, %arg1: i32, %arg2: memref<327680x64xf32, #tpu.memory_space<hbm>>, %arg3: memref<327680xi32, #tpu.memory_space<hbm>>, %arg4: memref<16384x64xf32, #tpu.memory_space<hbm>>, %arg5: memref<2x2x128xi32, #tpu.memory_space<vmem>>, %arg6: memref<2x256x64xf32, #tpu.memory_space<vmem>>, %arg7: memref<16384x64xf32, #tpu.memory_space<vmem_shared>>, %arg8: memref<!tpu.dma_semaphore, #tpu.memory_space<semaphore_mem>>) attributes {dimension_semantics = [#tpu.dimension_semantics<core_parallel>, #tpu.dimension_semantics<subcore_parallel>], iteration_bounds = array<i64: 1, 16>, scalar_prefetch = 0 : i64, scratch_operands = 4 : i64, tpu.core_type = #tpu.core_type<sc_vector_subcore>, window_params = [{transform_indices = #map}, {transform_indices = #map1}, {transform_indices = #map}]} {
    %mul3A = arith.constant 20480 : i32
    %mul3A_0 = arith.muli %arg1, %mul3A : i32
    %scan3A = arith.constant 0 : i32
    %scan3A_1 = arith.constant 0 : i32
    %scan3A_2 = arith.constant 256 : i32
    %scan3A_3 = arith.addi %scan3A_1, %scan3A_2 : i32
    %scan3A_4 = arith.constant 1 : i32
    scf.for %scan3A_102 = %scan3A_1 to %scan3A_3 step %scan3A_4  : i32 {
      %broadcast_in_dim3A = arith.constant 0.000000e+00 : f32
      %broadcast_in_dim3A_103 = vector.broadcast %broadcast_in_dim3A : f32 to vector<16xf32>
      %swap3A = arith.constant 0 : i32
      %swap3A_104 = arith.index_cast %swap3A : i32 to index
      %swap3A_105 = arith.index_cast %scan3A_102 : i32 to index
      %swap3A_106 = arith.constant 0 : index
      %swap3A_107 = tpu.vector_load %arg6[%swap3A_104, %swap3A_105, %swap3A_106] {strides = array<i32>} : memref<2x256x64xf32, #tpu.memory_space<vmem>>, vector<1x1x16xf32>,
      %swap3A_108 = vector.shape_cast %swap3A_107 : vector<1x1x16xf32> to vector<16xf32>
      %swap3A_109 = vector.shape_cast %broadcast_in_dim3A_103 : vector<16xf32> to vector<1x1x16xf32>
      tpu.vector_store %arg6[%swap3A_104, %swap3A_105, %swap3A_106], %swap3A_109 {strides = array<i32>} : memref<2x256x64xf32, #tpu.memory_space<vmem>>, vector<1x1x16xf32>,
      %broadcast_in_dim3A_110 = arith.constant 0.000000e+00 : f32
      %broadcast_in_dim3A_111 = vector.broadcast %broadcast_in_dim3A_110 : f32 to vector<16xf32>
      %swap3A_112 = arith.constant 0 : i32
      %swap3A_113 = arith.index_cast %swap3A_112 : i32 to index
      %swap3A_114 = arith.index_cast %scan3A_102 : i32 to index
      %swap3A_115 = arith.constant 16 : index
      %swap3A_116 = tpu.vector_load %arg6[%swap3A_113, %swap3A_114, %swap3A_115] {strides = array<i32>} : memref<2x256x64xf32, #tpu.memory_space<vmem>>, vector<1x1x16xf32>,
      %swap3A_117 = vector.shape_cast %swap3A_116 : vector<1x1x16xf32> to vector<16xf32>
      %swap3A_118 = vector.shape_cast %broadcast_in_dim3A_111 : vector<16xf32> to vector<1x1x16xf32>
      tpu.vector_store %arg6[%swap3A_113, %swap3A_114, %swap3A_115], %swap3A_118 {strides = array<i32>} : memref<2x256x64xf32, #tpu.memory_space<vmem>>, vector<1x1x16xf32>,
      %broadcast_in_dim3A_119 = arith.constant 0.000000e+00 : f32
      %broadcast_in_dim3A_120 = vector.broadcast %broadcast_in_dim3A_119 : f32 to vector<16xf32>
      %swap3A_121 = arith.constant 0 : i32
      %swap3A_122 = arith.index_cast %swap3A_121 : i32 to index
      %swap3A_123 = arith.index_cast %scan3A_102 : i32 to index
      %swap3A_124 = arith.constant 32 : index
      %swap3A_125 = tpu.vector_load %arg6[%swap3A_122, %swap3A_123, %swap3A_124] {strides = array<i32>} : memref<2x256x64xf32, #tpu.memory_space<vmem>>, vector<1x1x16xf32>,
      %swap3A_126 = vector.shape_cast %swap3A_125 : vector<1x1x16xf32> to vector<16xf32>
      %swap3A_127 = vector.shape_cast %broadcast_in_dim3A_120 : vector<16xf32> to vector<1x1x16xf32>
      tpu.vector_store %arg6[%swap3A_122, %swap3A_123, %swap3A_124], %swap3A_127 {strides = array<i32>} : memref<2x256x64xf32, #tpu.memory_space<vmem>>, vector<1x1x16xf32>,
      %broadcast_in_dim3A_128 = arith.constant 0.000000e+00 : f32
      %broadcast_in_dim3A_129 = vector.broadcast %broadcast_in_dim3A_128 : f32 to vector<16xf32>
      %swap3A_130 = arith.constant 0 : i32
      %swap3A_131 = arith.index_cast %swap3A_130 : i32 to index
      %swap3A_132 = arith.index_cast %scan3A_102 : i32 to index
      %swap3A_133 = arith.constant 48 : index
      %swap3A_134 = tpu.vector_load %arg6[%swap3A_131, %swap3A_132, %swap3A_133] {strides = array<i32>} : memref<2x256x64xf32, #tpu.memory_space<vmem>>, vector<1x1x16xf32>,
      %swap3A_135 = vector.shape_cast %swap3A_134 : vector<1x1x16xf32> to vector<16xf32>
      %swap3A_136 = vector.shape_cast %broadcast_in_dim3A_129 : vector<16xf32> to vector<1x1x16xf32>
      tpu.vector_store %arg6[%swap3A_131, %swap3A_132, %swap3A_133], %swap3A_136 {strides = array<i32>} : memref<2x256x64xf32, #tpu.memory_space<vmem>>, vector<1x1x16xf32>,
    }
    %scan3A_5 = arith.constant 256 : i32
    %mul3A_6 = arith.constant 1024 : i32
    %mul3A_7 = arith.muli %arg1, %mul3A_6 : i32
    %add3A = arith.constant 0 : i32
    %add3A_8 = arith.addi %mul3A_7, %add3A : i32
    %run_scoped3A = arith.constant 0 : i32
    "tpu.region"() ({
      %run_scoped3A_102 = tpu.sem_alloc : memref<!tpu.dma_semaphore, #tpu.memory_space<semaphore_mem>>
      %dma_start3A_103 = arith.constant 0 : i32
      %dma_start3A_104 = arith.constant 0 : i32
      %dma_start3A_105 = tpu.memref_slice %arg6[%run_scoped3A, %dma_start3A_103, %dma_start3A_104] : memref<2x256x64xf32, #tpu.memory_space<vmem>> -> memref<1x256x64xf32, #tpu.memory_space<vmem>>
      %dma_start3A_106 = tpu.memref_squeeze %dma_start3A_105 : memref<1x256x64xf32, #tpu.memory_space<vmem>> -> memref<256x64xf32, #tpu.memory_space<vmem>>
      %dma_start3A_107 = arith.constant 0 : i32
      %dma_start3A_108 = tpu.memref_slice %arg7[%add3A_8, %dma_start3A_107] : memref<16384x64xf32, #tpu.memory_space<vmem_shared>> -> memref<256x64xf32, #tpu.memory_space<vmem_shared>>
      %dma_start3A_109 = arith.constant 0 : i32
      %dma_start3A_110 = tpu.memref_slice %arg7[%add3A_8, %dma_start3A_109] : memref<16384x64xf32, #tpu.memory_space<vmem_shared>> -> memref<256x64xf32, #tpu.memory_space<vmem_shared>>
      %dma_start3A_111 = arith.constant 0 : i32
      %dma_start3A_112 = arith.constant 0 : i32
      %dma_start3A_113 = tpu.memref_slice %arg6[%run_scoped3A, %dma_start3A_111, %dma_start3A_112] : memref<2x256x64xf32, #tpu.memory_space<vmem>> -> memref<1x256x64xf32, #tpu.memory_space<vmem>>
      %dma_start3A_114 = tpu.memref_squeeze %dma_start3A_113 : memref<1x256x64xf32, #tpu.memory_space<vmem>> -> memref<256x64xf32, #tpu.memory_space<vmem>>
      tpu.enqueue_dma source(%dma_start3A_114 : memref<256x64xf32, #tpu.memory_space<vmem>>) target(%dma_start3A_110 : memref<256x64xf32, #tpu.memory_space<vmem_shared>>) target_semaphore(%run_scoped3A_102 : memref<!tpu.dma_semaphore, #tpu.memory_space<semaphore_mem>>)
      %dma_wait3A = arith.constant 0 : i32
      %dma_wait3A_115 = arith.constant 0 : i32
      %dma_wait3A_116 = tpu.memref_slice %arg6[%run_scoped3A, %dma_wait3A, %dma_wait3A_115] : memref<2x256x64xf32, #tpu.memory_space<vmem>> -> memref<1x256x64xf32, #tpu.memory_space<vmem>>
      %dma_wait3A_117 = tpu.memref_squeeze %dma_wait3A_116 : memref<1x256x64xf32, #tpu.memory_space<vmem>> -> memref<256x64xf32, #tpu.memory_space<vmem>>
      %dma_wait3A_118 = arith.constant 0 : i32
      %dma_wait3A_119 = tpu.memref_slice %arg7[%add3A_8, %dma_wait3A_118] : memref<16384x64xf32, #tpu.memory_space<vmem_shared>> -> memref<256x64xf32, #tpu.memory_space<vmem_shared>>
      %dma_wait3A_120 = arith.constant 0 : i32
      %dma_wait3A_121 = tpu.memref_slice %arg7[%add3A_8, %dma_wait3A_120] : memref<16384x64xf32, #tpu.memory_space<vmem_shared>> -> memref<256x64xf32, #tpu.memory_space<vmem_shared>>
      %dma_wait3A_122 = arith.constant 0 : i32
      %dma_wait3A_123 = arith.constant 0 : i32
      %dma_wait3A_124 = tpu.memref_slice %arg6[%run_scoped3A, %dma_wait3A_122, %dma_wait3A_123] : memref<2x256x64xf32, #tpu.memory_space<vmem>> -> memref<1x256x64xf32, #tpu.memory_space<vmem>>
      %dma_wait3A_125 = tpu.memref_squeeze %dma_wait3A_124 : memref<1x256x64xf32, #tpu.memory_space<vmem>> -> memref<256x64xf32, #tpu.memory_space<vmem>>
      tpu.wait_dma2 semaphore(%run_scoped3A_102 : memref<!tpu.dma_semaphore, #tpu.memory_space<semaphore_mem>>) src(%dma_wait3A_125 : memref<256x64xf32, #tpu.memory_space<vmem>>) dst(%dma_wait3A_121 : memref<256x64xf32, #tpu.memory_space<vmem_shared>>)
      tpu.yield
    }) : () -> ()
    %mul3A_9 = arith.constant 1024 : i32
    %mul3A_10 = arith.muli %arg1, %mul3A_9 : i32
    %add3A_11 = arith.constant 256 : i32
    %add3A_12 = arith.addi %mul3A_10, %add3A_11 : i32
    %run_scoped3A_13 = arith.constant 0 : i32
    "tpu.region"() ({
      %run_scoped3A_102 = tpu.sem_alloc : memref<!tpu.dma_semaphore, #tpu.memory_space<semaphore_mem>>
      %dma_start3A_103 = arith.constant 0 : i32
      %dma_start3A_104 = arith.constant 0 : i32
      %dma_start3A_105 = tpu.memref_slice %arg6[%run_scoped3A_13, %dma_start3A_103, %dma_start3A_104] : memref<2x256x64xf32, #tpu.memory_space<vmem>> -> memref<1x256x64xf32, #tpu.memory_space<vmem>>
      %dma_start3A_106 = tpu.memref_squeeze %dma_start3A_105 : memref<1x256x64xf32, #tpu.memory_space<vmem>> -> memref<256x64xf32, #tpu.memory_space<vmem>>
      %dma_start3A_107 = arith.constant 0 : i32
      %dma_start3A_108 = tpu.memref_slice %arg7[%add3A_12, %dma_start3A_107] : memref<16384x64xf32, #tpu.memory_space<vmem_shared>> -> memref<256x64xf32, #tpu.memory_space<vmem_shared>>
      %dma_start3A_109 = arith.constant 0 : i32
      %dma_start3A_110 = tpu.memref_slice %arg7[%add3A_12, %dma_start3A_109] : memref<16384x64xf32, #tpu.memory_space<vmem_shared>> -> memref<256x64xf32, #tpu.memory_space<vmem_shared>>
      %dma_start3A_111 = arith.constant 0 : i32
      %dma_start3A_112 = arith.constant 0 : i32
      %dma_start3A_113 = tpu.memref_slice %arg6[%run_scoped3A_13, %dma_start3A_111, %dma_start3A_112] : memref<2x256x64xf32, #tpu.memory_space<vmem>> -> memref<1x256x64xf32, #tpu.memory_space<vmem>>
      %dma_start3A_114 = tpu.memref_squeeze %dma_start3A_113 : memref<1x256x64xf32, #tpu.memory_space<vmem>> -> memref<256x64xf32, #tpu.memory_space<vmem>>
      tpu.enqueue_dma source(%dma_start3A_114 : memref<256x64xf32, #tpu.memory_space<vmem>>) target(%dma_start3A_110 : memref<256x64xf32, #tpu.memory_space<vmem_shared>>) target_semaphore(%run_scoped3A_102 : memref<!tpu.dma_semaphore, #tpu.memory_space<semaphore_mem>>)
      %dma_wait3A = arith.constant 0 : i32
      %dma_wait3A_115 = arith.constant 0 : i32
      %dma_wait3A_116 = tpu.memref_slice %arg6[%run_scoped3A_13, %dma_wait3A, %dma_wait3A_115] : memref<2x256x64xf32, #tpu.memory_space<vmem>> -> memref<1x256x64xf32, #tpu.memory_space<vmem>>
      %dma_wait3A_117 = tpu.memref_squeeze %dma_wait3A_116 : memref<1x256x64xf32, #tpu.memory_space<vmem>> -> memref<256x64xf32, #tpu.memory_space<vmem>>
      %dma_wait3A_118 = arith.constant 0 : i32
      %dma_wait3A_119 = tpu.memref_slice %arg7[%add3A_12, %dma_wait3A_118] : memref<16384x64xf32, #tpu.memory_space<vmem_shared>> -> memref<256x64xf32, #tpu.memory_space<vmem_shared>>
      %dma_wait3A_120 = arith.constant 0 : i32
      %dma_wait3A_121 = tpu.memref_slice %arg7[%add3A_12, %dma_wait3A_120] : memref<16384x64xf32, #tpu.memory_space<vmem_shared>> -> memref<256x64xf32, #tpu.memory_space<vmem_shared>>
      %dma_wait3A_122 = arith.constant 0 : i32
      %dma_wait3A_123 = arith.constant 0 : i32
      %dma_wait3A_124 = tpu.memref_slice %arg6[%run_scoped3A_13, %dma_wait3A_122, %dma_wait3A_123] : memref<2x256x64xf32, #tpu.memory_space<vmem>> -> memref<1x256x64xf32, #tpu.memory_space<vmem>>
      %dma_wait3A_125 = tpu.memref_squeeze %dma_wait3A_124 : memref<1x256x64xf32, #tpu.memory_space<vmem>> -> memref<256x64xf32, #tpu.memory_space<vmem>>
      tpu.wait_dma2 semaphore(%run_scoped3A_102 : memref<!tpu.dma_semaphore, #tpu.memory_space<semaphore_mem>>) src(%dma_wait3A_125 : memref<256x64xf32, #tpu.memory_space<vmem>>) dst(%dma_wait3A_121 : memref<256x64xf32, #tpu.memory_space<vmem_shared>>)
      tpu.yield
    }) : () -> ()
    %mul3A_14 = arith.constant 1024 : i32
    %mul3A_15 = arith.muli %arg1, %mul3A_14 : i32
    %add3A_16 = arith.constant 512 : i32
    %add3A_17 = arith.addi %mul3A_15, %add3A_16 : i32
    %run_scoped3A_18 = arith.constant 0 : i32
    "tpu.region"() ({
      %run_scoped3A_102 = tpu.sem_alloc : memref<!tpu.dma_semaphore, #tpu.memory_space<semaphore_mem>>
      %dma_start3A_103 = arith.constant 0 : i32
      %dma_start3A_104 = arith.constant 0 : i32
      %dma_start3A_105 = tpu.memref_slice %arg6[%run_scoped3A_18, %dma_start3A_103, %dma_start3A_104] : memref<2x256x64xf32, #tpu.memory_space<vmem>> -> memref<1x256x64xf32, #tpu.memory_space<vmem>>
      %dma_start3A_106 = tpu.memref_squeeze %dma_start3A_105 : memref<1x256x64xf32, #tpu.memory_space<vmem>> -> memref<256x64xf32, #tpu.memory_space<vmem>>
      %dma_start3A_107 = arith.constant 0 : i32
      %dma_start3A_108 = tpu.memref_slice %arg7[%add3A_17, %dma_start3A_107] : memref<16384x64xf32, #tpu.memory_space<vmem_shared>> -> memref<256x64xf32, #tpu.memory_space<vmem_shared>>
      %dma_start3A_109 = arith.constant 0 : i32
      %dma_start3A_110 = tpu.memref_slice %arg7[%add3A_17, %dma_start3A_109] : memref<16384x64xf32, #tpu.memory_space<vmem_shared>> -> memref<256x64xf32, #tpu.memory_space<vmem_shared>>
      %dma_start3A_111 = arith.constant 0 : i32
      %dma_start3A_112 = arith.constant 0 : i32
      %dma_start3A_113 = tpu.memref_slice %arg6[%run_scoped3A_18, %dma_start3A_111, %dma_start3A_112] : memref<2x256x64xf32, #tpu.memory_space<vmem>> -> memref<1x256x64xf32, #tpu.memory_space<vmem>>
      %dma_start3A_114 = tpu.memref_squeeze %dma_start3A_113 : memref<1x256x64xf32, #tpu.memory_space<vmem>> -> memref<256x64xf32, #tpu.memory_space<vmem>>
      tpu.enqueue_dma source(%dma_start3A_114 : memref<256x64xf32, #tpu.memory_space<vmem>>) target(%dma_start3A_110 : memref<256x64xf32, #tpu.memory_space<vmem_shared>>) target_semaphore(%run_scoped3A_102 : memref<!tpu.dma_semaphore, #tpu.memory_space<semaphore_mem>>)
      %dma_wait3A = arith.constant 0 : i32
      %dma_wait3A_115 = arith.constant 0 : i32
      %dma_wait3A_116 = tpu.memref_slice %arg6[%run_scoped3A_18, %dma_wait3A, %dma_wait3A_115] : memref<2x256x64xf32, #tpu.memory_space<vmem>> -> memref<1x256x64xf32, #tpu.memory_space<vmem>>
      %dma_wait3A_117 = tpu.memref_squeeze %dma_wait3A_116 : memref<1x256x64xf32, #tpu.memory_space<vmem>> -> memref<256x64xf32, #tpu.memory_space<vmem>>
      %dma_wait3A_118 = arith.constant 0 : i32
      %dma_wait3A_119 = tpu.memref_slice %arg7[%add3A_17, %dma_wait3A_118] : memref<16384x64xf32, #tpu.memory_space<vmem_shared>> -> memref<256x64xf32, #tpu.memory_space<vmem_shared>>
      %dma_wait3A_120 = arith.constant 0 : i32
      %dma_wait3A_121 = tpu.memref_slice %arg7[%add3A_17, %dma_wait3A_120] : memref<16384x64xf32, #tpu.memory_space<vmem_shared>> -> memref<256x64xf32, #tpu.memory_space<vmem_shared>>
      %dma_wait3A_122 = arith.constant 0 : i32
      %dma_wait3A_123 = arith.constant 0 : i32
      %dma_wait3A_124 = tpu.memref_slice %arg6[%run_scoped3A_18, %dma_wait3A_122, %dma_wait3A_123] : memref<2x256x64xf32, #tpu.memory_space<vmem>> -> memref<1x256x64xf32, #tpu.memory_space<vmem>>
      %dma_wait3A_125 = tpu.memref_squeeze %dma_wait3A_124 : memref<1x256x64xf32, #tpu.memory_space<vmem>> -> memref<256x64xf32, #tpu.memory_space<vmem>>
      tpu.wait_dma2 semaphore(%run_scoped3A_102 : memref<!tpu.dma_semaphore, #tpu.memory_space<semaphore_mem>>) src(%dma_wait3A_125 : memref<256x64xf32, #tpu.memory_space<vmem>>) dst(%dma_wait3A_121 : memref<256x64xf32, #tpu.memory_space<vmem_shared>>)
      tpu.yield
    }) : () -> ()
    %mul3A_19 = arith.constant 1024 : i32
    %mul3A_20 = arith.muli %arg1, %mul3A_19 : i32
    %add3A_21 = arith.constant 768 : i32
    %add3A_22 = arith.addi %mul3A_20, %add3A_21 : i32
    %run_scoped3A_23 = arith.constant 0 : i32
    "tpu.region"() ({
      %run_scoped3A_102 = tpu.sem_alloc : memref<!tpu.dma_semaphore, #tpu.memory_space<semaphore_mem>>
      %dma_start3A_103 = arith.constant 0 : i32
      %dma_start3A_104 = arith.constant 0 : i32
      %dma_start3A_105 = tpu.memref_slice %arg6[%run_scoped3A_23, %dma_start3A_103, %dma_start3A_104] : memref<2x256x64xf32, #tpu.memory_space<vmem>> -> memref<1x256x64xf32, #tpu.memory_space<vmem>>
      %dma_start3A_106 = tpu.memref_squeeze %dma_start3A_105 : memref<1x256x64xf32, #tpu.memory_space<vmem>> -> memref<256x64xf32, #tpu.memory_space<vmem>>
      %dma_start3A_107 = arith.constant 0 : i32
      %dma_start3A_108 = tpu.memref_slice %arg7[%add3A_22, %dma_start3A_107] : memref<16384x64xf32, #tpu.memory_space<vmem_shared>> -> memref<256x64xf32, #tpu.memory_space<vmem_shared>>
      %dma_start3A_109 = arith.constant 0 : i32
      %dma_start3A_110 = tpu.memref_slice %arg7[%add3A_22, %dma_start3A_109] : memref<16384x64xf32, #tpu.memory_space<vmem_shared>> -> memref<256x64xf32, #tpu.memory_space<vmem_shared>>
      %dma_start3A_111 = arith.constant 0 : i32
      %dma_start3A_112 = arith.constant 0 : i32
      %dma_start3A_113 = tpu.memref_slice %arg6[%run_scoped3A_23, %dma_start3A_111, %dma_start3A_112] : memref<2x256x64xf32, #tpu.memory_space<vmem>> -> memref<1x256x64xf32, #tpu.memory_space<vmem>>
      %dma_start3A_114 = tpu.memref_squeeze %dma_start3A_113 : memref<1x256x64xf32, #tpu.memory_space<vmem>> -> memref<256x64xf32, #tpu.memory_space<vmem>>
      tpu.enqueue_dma source(%dma_start3A_114 : memref<256x64xf32, #tpu.memory_space<vmem>>) target(%dma_start3A_110 : memref<256x64xf32, #tpu.memory_space<vmem_shared>>) target_semaphore(%run_scoped3A_102 : memref<!tpu.dma_semaphore, #tpu.memory_space<semaphore_mem>>)
      %dma_wait3A = arith.constant 0 : i32
      %dma_wait3A_115 = arith.constant 0 : i32
      %dma_wait3A_116 = tpu.memref_slice %arg6[%run_scoped3A_23, %dma_wait3A, %dma_wait3A_115] : memref<2x256x64xf32, #tpu.memory_space<vmem>> -> memref<1x256x64xf32, #tpu.memory_space<vmem>>
      %dma_wait3A_117 = tpu.memref_squeeze %dma_wait3A_116 : memref<1x256x64xf32, #tpu.memory_space<vmem>> -> memref<256x64xf32, #tpu.memory_space<vmem>>
      %dma_wait3A_118 = arith.constant 0 : i32
      %dma_wait3A_119 = tpu.memref_slice %arg7[%add3A_22, %dma_wait3A_118] : memref<16384x64xf32, #tpu.memory_space<vmem_shared>> -> memref<256x64xf32, #tpu.memory_space<vmem_shared>>
      %dma_wait3A_120 = arith.constant 0 : i32
      %dma_wait3A_121 = tpu.memref_slice %arg7[%add3A_22, %dma_wait3A_120] : memref<16384x64xf32, #tpu.memory_space<vmem_shared>> -> memref<256x64xf32, #tpu.memory_space<vmem_shared>>
      %dma_wait3A_122 = arith.constant 0 : i32
      %dma_wait3A_123 = arith.constant 0 : i32
      %dma_wait3A_124 = tpu.memref_slice %arg6[%run_scoped3A_23, %dma_wait3A_122, %dma_wait3A_123] : memref<2x256x64xf32, #tpu.memory_space<vmem>> -> memref<1x256x64xf32, #tpu.memory_space<vmem>>
      %dma_wait3A_125 = tpu.memref_squeeze %dma_wait3A_124 : memref<1x256x64xf32, #tpu.memory_space<vmem>> -> memref<256x64xf32, #tpu.memory_space<vmem>>
      tpu.wait_dma2 semaphore(%run_scoped3A_102 : memref<!tpu.dma_semaphore, #tpu.memory_space<semaphore_mem>>) src(%dma_wait3A_125 : memref<256x64xf32, #tpu.memory_space<vmem>>) dst(%dma_wait3A_121 : memref<256x64xf32, #tpu.memory_space<vmem_shared>>)
      tpu.yield
    }) : () -> ()
    %barrier3A = arith.constant 0 : index
    tpu.barrier barrier_id(%barrier3A)
    %rem3A = arith.constant 0 : i32
    %rem3A_24 = arith.constant 2 : i32
    %rem3A_25 = arith.remsi %rem3A, %rem3A_24 : i32
    %add3A_26 = arith.constant 0 : i32
    %add3A_27 = arith.addi %mul3A_0, %add3A_26 : i32
    %dma_start3A = arith.constant 0 : i32
    %dma_start3A_28 = arith.constant 0 : i32
    %dma_start3A_29 = tpu.memref_slice %arg6[%rem3A_25, %dma_start3A, %dma_start3A_28] : memref<2x256x64xf32, #tpu.memory_space<vmem>> -> memref<1x256x64xf32, #tpu.memory_space<vmem>>
    %dma_start3A_30 = tpu.memref_squeeze %dma_start3A_29 : memref<1x256x64xf32, #tpu.memory_space<vmem>> -> memref<256x64xf32, #tpu.memory_space<vmem>>
    %dma_start3A_31 = arith.constant 0 : i32
    %dma_start3A_32 = tpu.memref_slice %arg2[%add3A_27, %dma_start3A_31] : memref<327680x64xf32, #tpu.memory_space<hbm>> -> memref<256x64xf32, #tpu.memory_space<hbm>>
    %dma_start3A_33 = arith.constant 0 : i32
    %dma_start3A_34 = arith.constant 0 : i32
    %dma_start3A_35 = tpu.memref_slice %arg6[%rem3A_25, %dma_start3A_33, %dma_start3A_34] : memref<2x256x64xf32, #tpu.memory_space<vmem>> -> memref<1x256x64xf32, #tpu.memory_space<vmem>>
    %dma_start3A_36 = tpu.memref_squeeze %dma_start3A_35 : memref<1x256x64xf32, #tpu.memory_space<vmem>> -> memref<256x64xf32, #tpu.memory_space<vmem>>
    %dma_start3A_37 = arith.constant 0 : i32
    %dma_start3A_38 = tpu.memref_slice %arg2[%add3A_27, %dma_start3A_37] : memref<327680x64xf32, #tpu.memory_space<hbm>> -> memref<256x64xf32, #tpu.memory_space<hbm>>
    tpu.enqueue_dma source(%dma_start3A_38 : memref<256x64xf32, #tpu.memory_space<hbm>>) target(%dma_start3A_36 : memref<256x64xf32, #tpu.memory_space<vmem>>) target_semaphore(%arg8 : memref<!tpu.dma_semaphore, #tpu.memory_space<semaphore_mem>>)
    %rem3A_39 = arith.constant 0 : i32
    %rem3A_40 = arith.constant 2 : i32
    %rem3A_41 = arith.remsi %rem3A_39, %rem3A_40 : i32
    %add3A_42 = arith.constant 0 : i32
    %add3A_43 = arith.addi %mul3A_0, %add3A_42 : i32
    %add3A_44 = arith.constant 0 : i32
    %add3A_45 = arith.addi %add3A_43, %add3A_44 : i32
    %dma_start3A_46 = arith.constant 0 : i32
    %dma_start3A_47 = arith.constant 0 : i32
    %dma_start3A_48 = tpu.memref_slice %arg5[%rem3A_41, %dma_start3A_46, %dma_start3A_47] : memref<2x2x128xi32, #tpu.memory_space<vmem>> -> memref<1x1x128xi32, #tpu.memory_space<vmem>>
    %dma_start3A_49 = tpu.memref_squeeze %dma_start3A_48 : memref<1x1x128xi32, #tpu.memory_space<vmem>> -> memref<128xi32, #tpu.memory_space<vmem>>
    %dma_start3A_50 = tpu.memref_slice %arg3[%add3A_45] : memref<327680xi32, #tpu.memory_space<hbm>> -> memref<128xi32, #tpu.memory_space<hbm>>
    %dma_start3A_51 = arith.constant 0 : i32
    %dma_start3A_52 = tpu.memref_slice %arg5[%rem3A_41, %dma_start3A_46, %dma_start3A_51] : memref<2x2x128xi32, #tpu.memory_space<vmem>> -> memref<1x1x128xi32, #tpu.memory_space<vmem>>
    %dma_start3A_53 = tpu.memref_squeeze %dma_start3A_52 : memref<1x1x128xi32, #tpu.memory_space<vmem>> -> memref<128xi32, #tpu.memory_space<vmem>>
    %dma_start3A_54 = tpu.memref_slice %arg3[%add3A_45] : memref<327680xi32, #tpu.memory_space<hbm>> -> memref<128xi32, #tpu.memory_space<hbm>>
    tpu.enqueue_dma source(%dma_start3A_54 : memref<128xi32, #tpu.memory_space<hbm>>) target(%dma_start3A_53 : memref<128xi32, #tpu.memory_space<vmem>>) target_semaphore(%arg8 : memref<!tpu.dma_semaphore, #tpu.memory_space<semaphore_mem>>)
    %rem3A_55 = arith.constant 0 : i32
    %rem3A_56 = arith.constant 2 : i32
    %rem3A_57 = arith.remsi %rem3A_55, %rem3A_56 : i32
    %add3A_58 = arith.constant 0 : i32
    %add3A_59 = arith.addi %mul3A_0, %add3A_58 : i32
    %add3A_60 = arith.constant 128 : i32
    %add3A_61 = arith.addi %add3A_59, %add3A_60 : i32
    %dma_start3A_62 = arith.constant 1 : i32
    %dma_start3A_63 = arith.constant 0 : i32
    %dma_start3A_64 = tpu.memref_slice %arg5[%rem3A_57, %dma_start3A_62, %dma_start3A_63] : memref<2x2x128xi32, #tpu.memory_space<vmem>> -> memref<1x1x128xi32, #tpu.memory_space<vmem>>
    %dma_start3A_65 = tpu.memref_squeeze %dma_start3A_64 : memref<1x1x128xi32, #tpu.memory_space<vmem>> -> memref<128xi32, #tpu.memory_space<vmem>>
    %dma_start3A_66 = tpu.memref_slice %arg3[%add3A_61] : memref<327680xi32, #tpu.memory_space<hbm>> -> memref<128xi32, #tpu.memory_space<hbm>>
    %dma_start3A_67 = arith.constant 0 : i32
    %dma_start3A_68 = tpu.memref_slice %arg5[%rem3A_57, %dma_start3A_62, %dma_start3A_67] : memref<2x2x128xi32, #tpu.memory_space<vmem>> -> memref<1x1x128xi32, #tpu.memory_space<vmem>>
    %dma_start3A_69 = tpu.memref_squeeze %dma_start3A_68 : memref<1x1x128xi32, #tpu.memory_space<vmem>> -> memref<128xi32, #tpu.memory_space<vmem>>
    %dma_start3A_70 = tpu.memref_slice %arg3[%add3A_61] : memref<327680xi32, #tpu.memory_space<hbm>> -> memref<128xi32, #tpu.memory_space<hbm>>
    tpu.enqueue_dma source(%dma_start3A_70 : memref<128xi32, #tpu.memory_space<hbm>>) target(%dma_start3A_69 : memref<128xi32, #tpu.memory_space<vmem>>) target_semaphore(%arg8 : memref<!tpu.dma_semaphore, #tpu.memory_space<semaphore_mem>>)
    %scan3A_71 = arith.constant 0 : i32
    %scan3A_72 = arith.constant 0 : i32
    %scan3A_73 = arith.constant 80 : i32
    %scan3A_74 = arith.addi %scan3A_72, %scan3A_73 : i32
    %scan3A_75 = arith.constant 1 : i32
    scf.for %scan3A_102 = %scan3A_72 to %scan3A_74 step %scan3A_75  : i32 {
      %rem3A_103 = arith.constant 2 : i32
      %rem3A_104 = arith.remsi %scan3A_102, %rem3A_103 : i32
      %mul3A_105 = arith.constant 256 : i32
      %mul3A_106 = arith.muli %scan3A_102, %mul3A_105 : i32
      %add3A_107 = arith.addi %mul3A_0, %mul3A_106 : i32
      %dma_wait3A = arith.constant 0 : i32
      %dma_wait3A_108 = arith.constant 0 : i32
      %dma_wait3A_109 = tpu.memref_slice %arg6[%rem3A_104, %dma_wait3A, %dma_wait3A_108] : memref<2x256x64xf32, #tpu.memory_space<vmem>> -> memref<1x256x64xf32, #tpu.memory_space<vmem>>
      %dma_wait3A_110 = tpu.memref_squeeze %dma_wait3A_109 : memref<1x256x64xf32, #tpu.memory_space<vmem>> -> memref<256x64xf32, #tpu.memory_space<vmem>>
      %dma_wait3A_111 = arith.constant 0 : i32
      %dma_wait3A_112 = tpu.memref_slice %arg2[%add3A_107, %dma_wait3A_111] : memref<327680x64xf32, #tpu.memory_space<hbm>> -> memref<256x64xf32, #tpu.memory_space<hbm>>
      %dma_wait3A_113 = arith.constant 0 : i32
      %dma_wait3A_114 = arith.constant 0 : i32
      %dma_wait3A_115 = tpu.memref_slice %arg6[%rem3A_104, %dma_wait3A_113, %dma_wait3A_114] : memref<2x256x64xf32, #tpu.memory_space<vmem>> -> memref<1x256x64xf32, #tpu.memory_space<vmem>>
      %dma_wait3A_116 = tpu.memref_squeeze %dma_wait3A_115 : memref<1x256x64xf32, #tpu.memory_space<vmem>> -> memref<256x64xf32, #tpu.memory_space<vmem>>
      %dma_wait3A_117 = arith.constant 0 : i32
      %dma_wait3A_118 = tpu.memref_slice %arg2[%add3A_107, %dma_wait3A_117] : memref<327680x64xf32, #tpu.memory_space<hbm>> -> memref<256x64xf32, #tpu.memory_space<hbm>>
      tpu.wait_dma2 semaphore(%arg8 : memref<!tpu.dma_semaphore, #tpu.memory_space<semaphore_mem>>) src(%dma_wait3A_118 : memref<256x64xf32, #tpu.memory_space<hbm>>) dst(%dma_wait3A_116 : memref<256x64xf32, #tpu.memory_space<vmem>>)
      %rem3A_119 = arith.constant 2 : i32
      %rem3A_120 = arith.remsi %scan3A_102, %rem3A_119 : i32
      %mul3A_121 = arith.constant 256 : i32
      %mul3A_122 = arith.muli %scan3A_102, %mul3A_121 : i32
      %add3A_123 = arith.addi %mul3A_0, %mul3A_122 : i32
      %add3A_124 = arith.constant 0 : i32
      %add3A_125 = arith.addi %add3A_123, %add3A_124 : i32
      %dma_wait3A_126 = arith.constant 0 : i32
      %dma_wait3A_127 = arith.constant 0 : i32
      %dma_wait3A_128 = tpu.memref_slice %arg5[%rem3A_120, %dma_wait3A_126, %dma_wait3A_127] : memref<2x2x128xi32, #tpu.memory_space<vmem>> -> memref<1x1x128xi32, #tpu.memory_space<vmem>>
      %dma_wait3A_129 = tpu.memref_squeeze %dma_wait3A_128 : memref<1x1x128xi32, #tpu.memory_space<vmem>> -> memref<128xi32, #tpu.memory_space<vmem>>
      %dma_wait3A_130 = tpu.memref_slice %arg3[%add3A_125] : memref<327680xi32, #tpu.memory_space<hbm>> -> memref<128xi32, #tpu.memory_space<hbm>>
      %dma_wait3A_131 = arith.constant 0 : i32
      %dma_wait3A_132 = tpu.memref_slice %arg5[%rem3A_120, %dma_wait3A_126, %dma_wait3A_131] : memref<2x2x128xi32, #tpu.memory_space<vmem>> -> memref<1x1x128xi32, #tpu.memory_space<vmem>>
      %dma_wait3A_133 = tpu.memref_squeeze %dma_wait3A_132 : memref<1x1x128xi32, #tpu.memory_space<vmem>> -> memref<128xi32, #tpu.memory_space<vmem>>
      %dma_wait3A_134 = tpu.memref_slice %arg3[%add3A_125] : memref<327680xi32, #tpu.memory_space<hbm>> -> memref<128xi32, #tpu.memory_space<hbm>>
      tpu.wait_dma2 semaphore(%arg8 : memref<!tpu.dma_semaphore, #tpu.memory_space<semaphore_mem>>) src(%dma_wait3A_134 : memref<128xi32, #tpu.memory_space<hbm>>) dst(%dma_wait3A_133 : memref<128xi32, #tpu.memory_space<vmem>>)
      %rem3A_135 = arith.constant 2 : i32
      %rem3A_136 = arith.remsi %scan3A_102, %rem3A_135 : i32
      %mul3A_137 = arith.constant 256 : i32
      %mul3A_138 = arith.muli %scan3A_102, %mul3A_137 : i32
      %add3A_139 = arith.addi %mul3A_0, %mul3A_138 : i32
      %add3A_140 = arith.constant 128 : i32
      %add3A_141 = arith.addi %add3A_139, %add3A_140 : i32
      %dma_wait3A_142 = arith.constant 1 : i32
      %dma_wait3A_143 = arith.constant 0 : i32
      %dma_wait3A_144 = tpu.memref_slice %arg5[%rem3A_136, %dma_wait3A_142, %dma_wait3A_143] : memref<2x2x128xi32, #tpu.memory_space<vmem>> -> memref<1x1x128xi32, #tpu.memory_space<vmem>>
      %dma_wait3A_145 = tpu.memref_squeeze %dma_wait3A_144 : memref<1x1x128xi32, #tpu.memory_space<vmem>> -> memref<128xi32, #tpu.memory_space<vmem>>
      %dma_wait3A_146 = tpu.memref_slice %arg3[%add3A_141] : memref<327680xi32, #tpu.memory_space<hbm>> -> memref<128xi32, #tpu.memory_space<hbm>>
      %dma_wait3A_147 = arith.constant 0 : i32
      %dma_wait3A_148 = tpu.memref_slice %arg5[%rem3A_136, %dma_wait3A_142, %dma_wait3A_147] : memref<2x2x128xi32, #tpu.memory_space<vmem>> -> memref<1x1x128xi32, #tpu.memory_space<vmem>>
      %dma_wait3A_149 = tpu.memref_squeeze %dma_wait3A_148 : memref<1x1x128xi32, #tpu.memory_space<vmem>> -> memref<128xi32, #tpu.memory_space<vmem>>
      %dma_wait3A_150 = tpu.memref_slice %arg3[%add3A_141] : memref<327680xi32, #tpu.memory_space<hbm>> -> memref<128xi32, #tpu.memory_space<hbm>>
      tpu.wait_dma2 semaphore(%arg8 : memref<!tpu.dma_semaphore, #tpu.memory_space<semaphore_mem>>) src(%dma_wait3A_150 : memref<128xi32, #tpu.memory_space<hbm>>) dst(%dma_wait3A_149 : memref<128xi32, #tpu.memory_space<vmem>>)
      %add3A_151 = arith.constant 1 : i32
      %add3A_152 = arith.addi %scan3A_102, %add3A_151 : i32
      %lt3A = arith.constant 80 : i32
      %lt3A_153 = arith.cmpi slt, %add3A_152, %lt3A : i32
      %convert_element_type3A = arith.extui %lt3A_153 : i1 to i32
      %cond3A = arith.constant 0 : i32
      %cond3A_154 = arith.cmpi ne, %convert_element_type3A, %cond3A : i32
      scf.if %cond3A_154 {
        %add3A_161 = arith.constant 1 : i32
        %add3A_162 = arith.addi %scan3A_102, %add3A_161 : i32
        %rem3A_163 = arith.constant 2 : i32
        %rem3A_164 = arith.remsi %add3A_162, %rem3A_163 : i32
        %mul3A_165 = arith.constant 256 : i32
        %mul3A_166 = arith.muli %add3A_162, %mul3A_165 : i32
        %add3A_167 = arith.addi %mul3A_0, %mul3A_166 : i32
        %dma_start3A_168 = arith.constant 0 : i32
        %dma_start3A_169 = arith.constant 0 : i32
        %dma_start3A_170 = tpu.memref_slice %arg6[%rem3A_164, %dma_start3A_168, %dma_start3A_169] : memref<2x256x64xf32, #tpu.memory_space<vmem>> -> memref<1x256x64xf32, #tpu.memory_space<vmem>>
        %dma_start3A_171 = tpu.memref_squeeze %dma_start3A_170 : memref<1x256x64xf32, #tpu.memory_space<vmem>> -> memref<256x64xf32, #tpu.memory_space<vmem>>
        %dma_start3A_172 = arith.constant 0 : i32
        %dma_start3A_173 = tpu.memref_slice %arg2[%add3A_167, %dma_start3A_172] : memref<327680x64xf32, #tpu.memory_space<hbm>> -> memref<256x64xf32, #tpu.memory_space<hbm>>
        %dma_start3A_174 = arith.constant 0 : i32
        %dma_start3A_175 = arith.constant 0 : i32
        %dma_start3A_176 = tpu.memref_slice %arg6[%rem3A_164, %dma_start3A_174, %dma_start3A_175] : memref<2x256x64xf32, #tpu.memory_space<vmem>> -> memref<1x256x64xf32, #tpu.memory_space<vmem>>
        %dma_start3A_177 = tpu.memref_squeeze %dma_start3A_176 : memref<1x256x64xf32, #tpu.memory_space<vmem>> -> memref<256x64xf32, #tpu.memory_space<vmem>>
        %dma_start3A_178 = arith.constant 0 : i32
        %dma_start3A_179 = tpu.memref_slice %arg2[%add3A_167, %dma_start3A_178] : memref<327680x64xf32, #tpu.memory_space<hbm>> -> memref<256x64xf32, #tpu.memory_space<hbm>>
        tpu.enqueue_dma source(%dma_start3A_179 : memref<256x64xf32, #tpu.memory_space<hbm>>) target(%dma_start3A_177 : memref<256x64xf32, #tpu.memory_space<vmem>>) target_semaphore(%arg8 : memref<!tpu.dma_semaphore, #tpu.memory_space<semaphore_mem>>)
        %rem3A_180 = arith.constant 2 : i32
        %rem3A_181 = arith.remsi %add3A_162, %rem3A_180 : i32
        %mul3A_182 = arith.constant 256 : i32
        %mul3A_183 = arith.muli %add3A_162, %mul3A_182 : i32
        %add3A_184 = arith.addi %mul3A_0, %mul3A_183 : i32
        %add3A_185 = arith.constant 0 : i32
        %add3A_186 = arith.addi %add3A_184, %add3A_185 : i32
        %dma_start3A_187 = arith.constant 0 : i32
        %dma_start3A_188 = arith.constant 0 : i32
        %dma_start3A_189 = tpu.memref_slice %arg5[%rem3A_181, %dma_start3A_187, %dma_start3A_188] : memref<2x2x128xi32, #tpu.memory_space<vmem>> -> memref<1x1x128xi32, #tpu.memory_space<vmem>>
        %dma_start3A_190 = tpu.memref_squeeze %dma_start3A_189 : memref<1x1x128xi32, #tpu.memory_space<vmem>> -> memref<128xi32, #tpu.memory_space<vmem>>
        %dma_start3A_191 = tpu.memref_slice %arg3[%add3A_186] : memref<327680xi32, #tpu.memory_space<hbm>> -> memref<128xi32, #tpu.memory_space<hbm>>
        %dma_start3A_192 = arith.constant 0 : i32
        %dma_start3A_193 = tpu.memref_slice %arg5[%rem3A_181, %dma_start3A_187, %dma_start3A_192] : memref<2x2x128xi32, #tpu.memory_space<vmem>> -> memref<1x1x128xi32, #tpu.memory_space<vmem>>
        %dma_start3A_194 = tpu.memref_squeeze %dma_start3A_193 : memref<1x1x128xi32, #tpu.memory_space<vmem>> -> memref<128xi32, #tpu.memory_space<vmem>>
        %dma_start3A_195 = tpu.memref_slice %arg3[%add3A_186] : memref<327680xi32, #tpu.memory_space<hbm>> -> memref<128xi32, #tpu.memory_space<hbm>>
        tpu.enqueue_dma source(%dma_start3A_195 : memref<128xi32, #tpu.memory_space<hbm>>) target(%dma_start3A_194 : memref<128xi32, #tpu.memory_space<vmem>>) target_semaphore(%arg8 : memref<!tpu.dma_semaphore, #tpu.memory_space<semaphore_mem>>)
        %rem3A_196 = arith.constant 2 : i32
        %rem3A_197 = arith.remsi %add3A_162, %rem3A_196 : i32
        %mul3A_198 = arith.constant 256 : i32
        %mul3A_199 = arith.muli %add3A_162, %mul3A_198 : i32
        %add3A_200 = arith.addi %mul3A_0, %mul3A_199 : i32
        %add3A_201 = arith.constant 128 : i32
        %add3A_202 = arith.addi %add3A_200, %add3A_201 : i32
        %dma_start3A_203 = arith.constant 1 : i32
        %dma_start3A_204 = arith.constant 0 : i32
        %dma_start3A_205 = tpu.memref_slice %arg5[%rem3A_197, %dma_start3A_203, %dma_start3A_204] : memref<2x2x128xi32, #tpu.memory_space<vmem>> -> memref<1x1x128xi32, #tpu.memory_space<vmem>>
        %dma_start3A_206 = tpu.memref_squeeze %dma_start3A_205 : memref<1x1x128xi32, #tpu.memory_space<vmem>> -> memref<128xi32, #tpu.memory_space<vmem>>
        %dma_start3A_207 = tpu.memref_slice %arg3[%add3A_202] : memref<327680xi32, #tpu.memory_space<hbm>> -> memref<128xi32, #tpu.memory_space<hbm>>
        %dma_start3A_208 = arith.constant 0 : i32
        %dma_start3A_209 = tpu.memref_slice %arg5[%rem3A_197, %dma_start3A_203, %dma_start3A_208] : memref<2x2x128xi32, #tpu.memory_space<vmem>> -> memref<1x1x128xi32, #tpu.memory_space<vmem>>
        %dma_start3A_210 = tpu.memref_squeeze %dma_start3A_209 : memref<1x1x128xi32, #tpu.memory_space<vmem>> -> memref<128xi32, #tpu.memory_space<vmem>>
        %dma_start3A_211 = tpu.memref_slice %arg3[%add3A_202] : memref<327680xi32, #tpu.memory_space<hbm>> -> memref<128xi32, #tpu.memory_space<hbm>>
        tpu.enqueue_dma source(%dma_start3A_211 : memref<128xi32, #tpu.memory_space<hbm>>) target(%dma_start3A_210 : memref<128xi32, #tpu.memory_space<vmem>>) target_semaphore(%arg8 : memref<!tpu.dma_semaphore, #tpu.memory_space<semaphore_mem>>)
      } else {
      }
      %rem3A_155 = arith.constant 2 : i32
      %rem3A_156 = arith.remsi %scan3A_102, %rem3A_155 : i32
      %run_scoped3A_157 = arith.constant 0 : i32
      "tpu.region"() ({
        %run_scoped3A_161 = tpu.sem_alloc : memref<!tpu.dma_semaphore, #tpu.memory_space<semaphore_mem>>
        %dma_start3A_162 = arith.constant 0 : i32
        %dma_start3A_163 = arith.constant 0 : i32
        %dma_start3A_164 = tpu.memref_slice %arg6[%rem3A_156, %dma_start3A_162, %dma_start3A_163] : memref<2x256x64xf32, #tpu.memory_space<vmem>> -> memref<1x128x64xf32, #tpu.memory_space<vmem>>
        %dma_start3A_165 = tpu.memref_squeeze %dma_start3A_164 : memref<1x128x64xf32, #tpu.memory_space<vmem>> -> memref<128x64xf32, #tpu.memory_space<vmem>>
        %dma_start3A_166 = arith.constant 0 : i32
        %dma_start3A_167 = tpu.memref_slice %arg5[%rem3A_156, %run_scoped3A_157, %dma_start3A_166] : memref<2x2x128xi32, #tpu.memory_space<vmem>> -> memref<1x1x128xi32, #tpu.memory_space<vmem>>
        %dma_start3A_168 = tpu.memref_squeeze %dma_start3A_167 : memref<1x1x128xi32, #tpu.memory_space<vmem>> -> memref<128xi32, #tpu.memory_space<vmem>>
        %dma_start3A_169 = arith.constant 0 : i32
        %dma_start3A_170 = arith.constant 0 : i32
        %dma_start3A_171 = tpu.memref_slice %arg7[%dma_start3A_169, %dma_start3A_170] : memref<16384x64xf32, #tpu.memory_space<vmem_shared>> -> memref<16384x64xf32, #tpu.memory_space<vmem_shared>>
        tpu.enqueue_indirect_dma source(%dma_start3A_165 : memref<128x64xf32, #tpu.memory_space<vmem>>) target(%dma_start3A_171 : memref<16384x64xf32, #tpu.memory_space<vmem_shared>>) offsets(%dma_start3A_168 : memref<128xi32, #tpu.memory_space<vmem>>) semaphore(%run_scoped3A_161 : memref<!tpu.dma_semaphore, #tpu.memory_space<semaphore_mem>>) {add = true}
        %dma_wait3A_172 = arith.constant 0 : i32
        %dma_wait3A_173 = arith.constant 0 : i32
        %dma_wait3A_174 = tpu.memref_slice %arg6[%rem3A_156, %dma_wait3A_172, %dma_wait3A_173] : memref<2x256x64xf32, #tpu.memory_space<vmem>> -> memref<1x128x64xf32, #tpu.memory_space<vmem>>
        %dma_wait3A_175 = tpu.memref_squeeze %dma_wait3A_174 : memref<1x128x64xf32, #tpu.memory_space<vmem>> -> memref<128x64xf32, #tpu.memory_space<vmem>>
        %dma_wait3A_176 = arith.constant 0 : i32
        %dma_wait3A_177 = tpu.memref_slice %arg5[%rem3A_156, %run_scoped3A_157, %dma_wait3A_176] : memref<2x2x128xi32, #tpu.memory_space<vmem>> -> memref<1x1x128xi32, #tpu.memory_space<vmem>>
        %dma_wait3A_178 = tpu.memref_squeeze %dma_wait3A_177 : memref<1x1x128xi32, #tpu.memory_space<vmem>> -> memref<128xi32, #tpu.memory_space<vmem>>
        %dma_wait3A_179 = arith.constant 0 : i32
        %dma_wait3A_180 = arith.constant 0 : i32
        %dma_wait3A_181 = tpu.memref_slice %arg7[%dma_wait3A_179, %dma_wait3A_180] : memref<16384x64xf32, #tpu.memory_space<vmem_shared>> -> memref<16384x64xf32, #tpu.memory_space<vmem_shared>>
        tpu.wait_indirect_dma semaphore(%run_scoped3A_161 : memref<!tpu.dma_semaphore, #tpu.memory_space<semaphore_mem>>) src(%dma_wait3A_175 : memref<128x64xf32, #tpu.memory_space<vmem>>) dst(%dma_wait3A_181 : memref<16384x64xf32, #tpu.memory_space<vmem_shared>>)
        tpu.yield
      }) : () -> ()
      %rem3A_158 = arith.constant 2 : i32
      %rem3A_159 = arith.remsi %scan3A_102, %rem3A_158 : i32
      %run_scoped3A_160 = arith.constant 1 : i32
      "tpu.region"() ({
        %run_scoped3A_161 = tpu.sem_alloc : memref<!tpu.dma_semaphore, #tpu.memory_space<semaphore_mem>>
        %dma_start3A_162 = arith.constant 128 : i32
        %dma_start3A_163 = arith.constant 0 : i32
        %dma_start3A_164 = tpu.memref_slice %arg6[%rem3A_159, %dma_start3A_162, %dma_start3A_163] : memref<2x256x64xf32, #tpu.memory_space<vmem>> -> memref<1x128x64xf32, #tpu.memory_space<vmem>>
        %dma_start3A_165 = tpu.memref_squeeze %dma_start3A_164 : memref<1x128x64xf32, #tpu.memory_space<vmem>> -> memref<128x64xf32, #tpu.memory_space<vmem>>
        %dma_start3A_166 = arith.constant 0 : i32
        %dma_start3A_167 = tpu.memref_slice %arg5[%rem3A_159, %run_scoped3A_160, %dma_start3A_166] : memref<2x2x128xi32, #tpu.memory_space<vmem>> -> memref<1x1x128xi32, #tpu.memory_space<vmem>>
        %dma_start3A_168 = tpu.memref_squeeze %dma_start3A_167 : memref<1x1x128xi32, #tpu.memory_space<vmem>> -> memref<128xi32, #tpu.memory_space<vmem>>
        %dma_start3A_169 = arith.constant 0 : i32
        %dma_start3A_170 = arith.constant 0 : i32
        %dma_start3A_171 = tpu.memref_slice %arg7[%dma_start3A_169, %dma_start3A_170] : memref<16384x64xf32, #tpu.memory_space<vmem_shared>> -> memref<16384x64xf32, #tpu.memory_space<vmem_shared>>
        tpu.enqueue_indirect_dma source(%dma_start3A_165 : memref<128x64xf32, #tpu.memory_space<vmem>>) target(%dma_start3A_171 : memref<16384x64xf32, #tpu.memory_space<vmem_shared>>) offsets(%dma_start3A_168 : memref<128xi32, #tpu.memory_space<vmem>>) semaphore(%run_scoped3A_161 : memref<!tpu.dma_semaphore, #tpu.memory_space<semaphore_mem>>) {add = true}
        %dma_wait3A_172 = arith.constant 128 : i32
        %dma_wait3A_173 = arith.constant 0 : i32
        %dma_wait3A_174 = tpu.memref_slice %arg6[%rem3A_159, %dma_wait3A_172, %dma_wait3A_173] : memref<2x256x64xf32, #tpu.memory_space<vmem>> -> memref<1x128x64xf32, #tpu.memory_space<vmem>>
        %dma_wait3A_175 = tpu.memref_squeeze %dma_wait3A_174 : memref<1x128x64xf32, #tpu.memory_space<vmem>> -> memref<128x64xf32, #tpu.memory_space<vmem>>
        %dma_wait3A_176 = arith.constant 0 : i32
        %dma_wait3A_177 = tpu.memref_slice %arg5[%rem3A_159, %run_scoped3A_160, %dma_wait3A_176] : memref<2x2x128xi32, #tpu.memory_space<vmem>> -> memref<1x1x128xi32, #tpu.memory_space<vmem>>
        %dma_wait3A_178 = tpu.memref_squeeze %dma_wait3A_177 : memref<1x1x128xi32, #tpu.memory_space<vmem>> -> memref<128xi32, #tpu.memory_space<vmem>>
        %dma_wait3A_179 = arith.constant 0 : i32
        %dma_wait3A_180 = arith.constant 0 : i32
        %dma_wait3A_181 = tpu.memref_slice %arg7[%dma_wait3A_179, %dma_wait3A_180] : memref<16384x64xf32, #tpu.memory_space<vmem_shared>> -> memref<16384x64xf32, #tpu.memory_space<vmem_shared>>
        tpu.wait_indirect_dma semaphore(%run_scoped3A_161 : memref<!tpu.dma_semaphore, #tpu.memory_space<semaphore_mem>>) src(%dma_wait3A_175 : memref<128x64xf32, #tpu.memory_space<vmem>>) dst(%dma_wait3A_181 : memref<16384x64xf32, #tpu.memory_space<vmem_shared>>)
        tpu.yield
      }) : () -> ()
    }
    %scan3A_76 = arith.constant 80 : i32
    %barrier3A_77 = arith.constant 0 : index
    tpu.barrier barrier_id(%barrier3A_77)
    %mul3A_78 = arith.constant 1024 : i32
    %mul3A_79 = arith.muli %arg1, %mul3A_78 : i32
    %add3A_80 = arith.constant 0 : i32
    %add3A_81 = arith.addi %mul3A_79, %add3A_80 : i32
    %run_scoped3A_82 = arith.constant 0 : i32
    "tpu.region"() ({
      %run_scoped3A_102 = tpu.sem_alloc : memref<!tpu.dma_semaphore, #tpu.memory_space<semaphore_mem>>
      %dma_start3A_103 = arith.constant 0 : i32
      %dma_start3A_104 = arith.constant 0 : i32
      %dma_start3A_105 = tpu.memref_slice %arg6[%run_scoped3A_82, %dma_start3A_103, %dma_start3A_104] : memref<2x256x64xf32, #tpu.memory_space<vmem>> -> memref<1x256x64xf32, #tpu.memory_space<vmem>>
      %dma_start3A_106 = tpu.memref_squeeze %dma_start3A_105 : memref<1x256x64xf32, #tpu.memory_space<vmem>> -> memref<256x64xf32, #tpu.memory_space<vmem>>
      %dma_start3A_107 = arith.constant 0 : i32
      %dma_start3A_108 = tpu.memref_slice %arg7[%add3A_81, %dma_start3A_107] : memref<16384x64xf32, #tpu.memory_space<vmem_shared>> -> memref<256x64xf32, #tpu.memory_space<vmem_shared>>
      %dma_start3A_109 = arith.constant 0 : i32
      %dma_start3A_110 = arith.constant 0 : i32
      %dma_start3A_111 = tpu.memref_slice %arg6[%run_scoped3A_82, %dma_start3A_109, %dma_start3A_110] : memref<2x256x64xf32, #tpu.memory_space<vmem>> -> memref<1x256x64xf32, #tpu.memory_space<vmem>>
      %dma_start3A_112 = tpu.memref_squeeze %dma_start3A_111 : memref<1x256x64xf32, #tpu.memory_space<vmem>> -> memref<256x64xf32, #tpu.memory_space<vmem>>
      %dma_start3A_113 = arith.constant 0 : i32
      %dma_start3A_114 = tpu.memref_slice %arg7[%add3A_81, %dma_start3A_113] : memref<16384x64xf32, #tpu.memory_space<vmem_shared>> -> memref<256x64xf32, #tpu.memory_space<vmem_shared>>
      tpu.enqueue_dma source(%dma_start3A_114 : memref<256x64xf32, #tpu.memory_space<vmem_shared>>) target(%dma_start3A_112 : memref<256x64xf32, #tpu.memory_space<vmem>>) target_semaphore(%run_scoped3A_102 : memref<!tpu.dma_semaphore, #tpu.memory_space<semaphore_mem>>)
      %dma_wait3A = arith.constant 0 : i32
      %dma_wait3A_115 = arith.constant 0 : i32
      %dma_wait3A_116 = tpu.memref_slice %arg6[%run_scoped3A_82, %dma_wait3A, %dma_wait3A_115] : memref<2x256x64xf32, #tpu.memory_space<vmem>> -> memref<1x256x64xf32, #tpu.memory_space<vmem>>
      %dma_wait3A_117 = tpu.memref_squeeze %dma_wait3A_116 : memref<1x256x64xf32, #tpu.memory_space<vmem>> -> memref<256x64xf32, #tpu.memory_space<vmem>>
      %dma_wait3A_118 = arith.constant 0 : i32
      %dma_wait3A_119 = tpu.memref_slice %arg7[%add3A_81, %dma_wait3A_118] : memref<16384x64xf32, #tpu.memory_space<vmem_shared>> -> memref<256x64xf32, #tpu.memory_space<vmem_shared>>
      %dma_wait3A_120 = arith.constant 0 : i32
      %dma_wait3A_121 = arith.constant 0 : i32
      %dma_wait3A_122 = tpu.memref_slice %arg6[%run_scoped3A_82, %dma_wait3A_120, %dma_wait3A_121] : memref<2x256x64xf32, #tpu.memory_space<vmem>> -> memref<1x256x64xf32, #tpu.memory_space<vmem>>
      %dma_wait3A_123 = tpu.memref_squeeze %dma_wait3A_122 : memref<1x256x64xf32, #tpu.memory_space<vmem>> -> memref<256x64xf32, #tpu.memory_space<vmem>>
      %dma_wait3A_124 = arith.constant 0 : i32
      %dma_wait3A_125 = tpu.memref_slice %arg7[%add3A_81, %dma_wait3A_124] : memref<16384x64xf32, #tpu.memory_space<vmem_shared>> -> memref<256x64xf32, #tpu.memory_space<vmem_shared>>
      tpu.wait_dma2 semaphore(%run_scoped3A_102 : memref<!tpu.dma_semaphore, #tpu.memory_space<semaphore_mem>>) src(%dma_wait3A_125 : memref<256x64xf32, #tpu.memory_space<vmem_shared>>) dst(%dma_wait3A_123 : memref<256x64xf32, #tpu.memory_space<vmem>>)
      tpu.yield
    }) : () -> ()
    %run_scoped3A_83 = arith.constant 0 : i32
    "tpu.region"() ({
      %run_scoped3A_102 = tpu.sem_alloc : memref<!tpu.dma_semaphore, #tpu.memory_space<semaphore_mem>>
      %dma_start3A_103 = arith.constant 0 : i32
      %dma_start3A_104 = arith.constant 0 : i32
      %dma_start3A_105 = tpu.memref_slice %arg6[%run_scoped3A_83, %dma_start3A_103, %dma_start3A_104] : memref<2x256x64xf32, #tpu.memory_space<vmem>> -> memref<1x256x64xf32, #tpu.memory_space<vmem>>
      %dma_start3A_106 = tpu.memref_squeeze %dma_start3A_105 : memref<1x256x64xf32, #tpu.memory_space<vmem>> -> memref<256x64xf32, #tpu.memory_space<vmem>>
      %dma_start3A_107 = arith.constant 0 : i32
      %dma_start3A_108 = tpu.memref_slice %arg4[%add3A_81, %dma_start3A_107] : memref<16384x64xf32, #tpu.memory_space<hbm>> -> memref<256x64xf32, #tpu.memory_space<hbm>>
      %dma_start3A_109 = arith.constant 0 : i32
      %dma_start3A_110 = tpu.memref_slice %arg4[%add3A_81, %dma_start3A_109] : memref<16384x64xf32, #tpu.memory_space<hbm>> -> memref<256x64xf32, #tpu.memory_space<hbm>>
      %dma_start3A_111 = arith.constant 0 : i32
      %dma_start3A_112 = arith.constant 0 : i32
      %dma_start3A_113 = tpu.memref_slice %arg6[%run_scoped3A_83, %dma_start3A_111, %dma_start3A_112] : memref<2x256x64xf32, #tpu.memory_space<vmem>> -> memref<1x256x64xf32, #tpu.memory_space<vmem>>
      %dma_start3A_114 = tpu.memref_squeeze %dma_start3A_113 : memref<1x256x64xf32, #tpu.memory_space<vmem>> -> memref<256x64xf32, #tpu.memory_space<vmem>>
      tpu.enqueue_dma source(%dma_start3A_114 : memref<256x64xf32, #tpu.memory_space<vmem>>) target(%dma_start3A_110 : memref<256x64xf32, #tpu.memory_space<hbm>>) target_semaphore(%run_scoped3A_102 : memref<!tpu.dma_semaphore, #tpu.memory_space<semaphore_mem>>)
      %dma_wait3A = arith.constant 0 : i32
      %dma_wait3A_115 = arith.constant 0 : i32
      %dma_wait3A_116 = tpu.memref_slice %arg6[%run_scoped3A_83, %dma_wait3A, %dma_wait3A_115] : memref<2x256x64xf32, #tpu.memory_space<vmem>> -> memref<1x256x64xf32, #tpu.memory_space<vmem>>
      %dma_wait3A_117 = tpu.memref_squeeze %dma_wait3A_116 : memref<1x256x64xf32, #tpu.memory_space<vmem>> -> memref<256x64xf32, #tpu.memory_space<vmem>>
      %dma_wait3A_118 = arith.constant 0 : i32
      %dma_wait3A_119 = tpu.memref_slice %arg4[%add3A_81, %dma_wait3A_118] : memref<16384x64xf32, #tpu.memory_space<hbm>> -> memref<256x64xf32, #tpu.memory_space<hbm>>
      %dma_wait3A_120 = arith.constant 0 : i32
      %dma_wait3A_121 = tpu.memref_slice %arg4[%add3A_81, %dma_wait3A_120] : memref<16384x64xf32, #tpu.memory_space<hbm>> -> memref<256x64xf32, #tpu.memory_space<hbm>>
      %dma_wait3A_122 = arith.constant 0 : i32
      %dma_wait3A_123 = arith.constant 0 : i32
      %dma_wait3A_124 = tpu.memref_slice %arg6[%run_scoped3A_83, %dma_wait3A_122, %dma_wait3A_123] : memref<2x256x64xf32, #tpu.memory_space<vmem>> -> memref<1x256x64xf32, #tpu.memory_space<vmem>>
      %dma_wait3A_125 = tpu.memref_squeeze %dma_wait3A_124 : memref<1x256x64xf32, #tpu.memory_space<vmem>> -> memref<256x64xf32, #tpu.memory_space<vmem>>
      tpu.wait_dma2 semaphore(%run_scoped3A_102 : memref<!tpu.dma_semaphore, #tpu.memory_space<semaphore_mem>>) src(%dma_wait3A_125 : memref<256x64xf32, #tpu.memory_space<vmem>>) dst(%dma_wait3A_121 : memref<256x64xf32, #tpu.memory_space<hbm>>)
      tpu.yield
    }) : () -> ()
    %mul3A_84 = arith.constant 1024 : i32
    %mul3A_85 = arith.muli %arg1, %mul3A_84 : i32
    %add3A_86 = arith.constant 256 : i32
    %add3A_87 = arith.addi %mul3A_85, %add3A_86 : i32
    %run_scoped3A_88 = arith.constant 0 : i32
    "tpu.region"() ({
      %run_scoped3A_102 = tpu.sem_alloc : memref<!tpu.dma_semaphore, #tpu.memory_space<semaphore_mem>>
      %dma_start3A_103 = arith.constant 0 : i32
      %dma_start3A_104 = arith.constant 0 : i32
      %dma_start3A_105 = tpu.memref_slice %arg6[%run_scoped3A_88, %dma_start3A_103, %dma_start3A_104] : memref<2x256x64xf32, #tpu.memory_space<vmem>> -> memref<1x256x64xf32, #tpu.memory_space<vmem>>
      %dma_start3A_106 = tpu.memref_squeeze %dma_start3A_105 : memref<1x256x64xf32, #tpu.memory_space<vmem>> -> memref<256x64xf32, #tpu.memory_space<vmem>>
      %dma_start3A_107 = arith.constant 0 : i32
      %dma_start3A_108 = tpu.memref_slice %arg7[%add3A_87, %dma_start3A_107] : memref<16384x64xf32, #tpu.memory_space<vmem_shared>> -> memref<256x64xf32, #tpu.memory_space<vmem_shared>>
      %dma_start3A_109 = arith.constant 0 : i32
      %dma_start3A_110 = arith.constant 0 : i32
      %dma_start3A_111 = tpu.memref_slice %arg6[%run_scoped3A_88, %dma_start3A_109, %dma_start3A_110] : memref<2x256x64xf32, #tpu.memory_space<vmem>> -> memref<1x256x64xf32, #tpu.memory_space<vmem>>
      %dma_start3A_112 = tpu.memref_squeeze %dma_start3A_111 : memref<1x256x64xf32, #tpu.memory_space<vmem>> -> memref<256x64xf32, #tpu.memory_space<vmem>>
      %dma_start3A_113 = arith.constant 0 : i32
      %dma_start3A_114 = tpu.memref_slice %arg7[%add3A_87, %dma_start3A_113] : memref<16384x64xf32, #tpu.memory_space<vmem_shared>> -> memref<256x64xf32, #tpu.memory_space<vmem_shared>>
      tpu.enqueue_dma source(%dma_start3A_114 : memref<256x64xf32, #tpu.memory_space<vmem_shared>>) target(%dma_start3A_112 : memref<256x64xf32, #tpu.memory_space<vmem>>) target_semaphore(%run_scoped3A_102 : memref<!tpu.dma_semaphore, #tpu.memory_space<semaphore_mem>>)
      %dma_wait3A = arith.constant 0 : i32
      %dma_wait3A_115 = arith.constant 0 : i32
      %dma_wait3A_116 = tpu.memref_slice %arg6[%run_scoped3A_88, %dma_wait3A, %dma_wait3A_115] : memref<2x256x64xf32, #tpu.memory_space<vmem>> -> memref<1x256x64xf32, #tpu.memory_space<vmem>>
      %dma_wait3A_117 = tpu.memref_squeeze %dma_wait3A_116 : memref<1x256x64xf32, #tpu.memory_space<vmem>> -> memref<256x64xf32, #tpu.memory_space<vmem>>
      %dma_wait3A_118 = arith.constant 0 : i32
      %dma_wait3A_119 = tpu.memref_slice %arg7[%add3A_87, %dma_wait3A_118] : memref<16384x64xf32, #tpu.memory_space<vmem_shared>> -> memref<256x64xf32, #tpu.memory_space<vmem_shared>>
      %dma_wait3A_120 = arith.constant 0 : i32
      %dma_wait3A_121 = arith.constant 0 : i32
      %dma_wait3A_122 = tpu.memref_slice %arg6[%run_scoped3A_88, %dma_wait3A_120, %dma_wait3A_121] : memref<2x256x64xf32, #tpu.memory_space<vmem>> -> memref<1x256x64xf32, #tpu.memory_space<vmem>>
      %dma_wait3A_123 = tpu.memref_squeeze %dma_wait3A_122 : memref<1x256x64xf32, #tpu.memory_space<vmem>> -> memref<256x64xf32, #tpu.memory_space<vmem>>
      %dma_wait3A_124 = arith.constant 0 : i32
      %dma_wait3A_125 = tpu.memref_slice %arg7[%add3A_87, %dma_wait3A_124] : memref<16384x64xf32, #tpu.memory_space<vmem_shared>> -> memref<256x64xf32, #tpu.memory_space<vmem_shared>>
      tpu.wait_dma2 semaphore(%run_scoped3A_102 : memref<!tpu.dma_semaphore, #tpu.memory_space<semaphore_mem>>) src(%dma_wait3A_125 : memref<256x64xf32, #tpu.memory_space<vmem_shared>>) dst(%dma_wait3A_123 : memref<256x64xf32, #tpu.memory_space<vmem>>)
      tpu.yield
    }) : () -> ()
    %run_scoped3A_89 = arith.constant 0 : i32
    "tpu.region"() ({
      %run_scoped3A_102 = tpu.sem_alloc : memref<!tpu.dma_semaphore, #tpu.memory_space<semaphore_mem>>
      %dma_start3A_103 = arith.constant 0 : i32
      %dma_start3A_104 = arith.constant 0 : i32
      %dma_start3A_105 = tpu.memref_slice %arg6[%run_scoped3A_89, %dma_start3A_103, %dma_start3A_104] : memref<2x256x64xf32, #tpu.memory_space<vmem>> -> memref<1x256x64xf32, #tpu.memory_space<vmem>>
      %dma_start3A_106 = tpu.memref_squeeze %dma_start3A_105 : memref<1x256x64xf32, #tpu.memory_space<vmem>> -> memref<256x64xf32, #tpu.memory_space<vmem>>
      %dma_start3A_107 = arith.constant 0 : i32
      %dma_start3A_108 = tpu.memref_slice %arg4[%add3A_87, %dma_start3A_107] : memref<16384x64xf32, #tpu.memory_space<hbm>> -> memref<256x64xf32, #tpu.memory_space<hbm>>
      %dma_start3A_109 = arith.constant 0 : i32
      %dma_start3A_110 = tpu.memref_slice %arg4[%add3A_87, %dma_start3A_109] : memref<16384x64xf32, #tpu.memory_space<hbm>> -> memref<256x64xf32, #tpu.memory_space<hbm>>
      %dma_start3A_111 = arith.constant 0 : i32
      %dma_start3A_112 = arith.constant 0 : i32
      %dma_start3A_113 = tpu.memref_slice %arg6[%run_scoped3A_89, %dma_start3A_111, %dma_start3A_112] : memref<2x256x64xf32, #tpu.memory_space<vmem>> -> memref<1x256x64xf32, #tpu.memory_space<vmem>>
      %dma_start3A_114 = tpu.memref_squeeze %dma_start3A_113 : memref<1x256x64xf32, #tpu.memory_space<vmem>> -> memref<256x64xf32, #tpu.memory_space<vmem>>
      tpu.enqueue_dma source(%dma_start3A_114 : memref<256x64xf32, #tpu.memory_space<vmem>>) target(%dma_start3A_110 : memref<256x64xf32, #tpu.memory_space<hbm>>) target_semaphore(%run_scoped3A_102 : memref<!tpu.dma_semaphore, #tpu.memory_space<semaphore_mem>>)
      %dma_wait3A = arith.constant 0 : i32
      %dma_wait3A_115 = arith.constant 0 : i32
      %dma_wait3A_116 = tpu.memref_slice %arg6[%run_scoped3A_89, %dma_wait3A, %dma_wait3A_115] : memref<2x256x64xf32, #tpu.memory_space<vmem>> -> memref<1x256x64xf32, #tpu.memory_space<vmem>>
      %dma_wait3A_117 = tpu.memref_squeeze %dma_wait3A_116 : memref<1x256x64xf32, #tpu.memory_space<vmem>> -> memref<256x64xf32, #tpu.memory_space<vmem>>
      %dma_wait3A_118 = arith.constant 0 : i32
      %dma_wait3A_119 = tpu.memref_slice %arg4[%add3A_87, %dma_wait3A_118] : memref<16384x64xf32, #tpu.memory_space<hbm>> -> memref<256x64xf32, #tpu.memory_space<hbm>>
      %dma_wait3A_120 = arith.constant 0 : i32
      %dma_wait3A_121 = tpu.memref_slice %arg4[%add3A_87, %dma_wait3A_120] : memref<16384x64xf32, #tpu.memory_space<hbm>> -> memref<256x64xf32, #tpu.memory_space<hbm>>
      %dma_wait3A_122 = arith.constant 0 : i32
      %dma_wait3A_123 = arith.constant 0 : i32
      %dma_wait3A_124 = tpu.memref_slice %arg6[%run_scoped3A_89, %dma_wait3A_122, %dma_wait3A_123] : memref<2x256x64xf32, #tpu.memory_space<vmem>> -> memref<1x256x64xf32, #tpu.memory_space<vmem>>
      %dma_wait3A_125 = tpu.memref_squeeze %dma_wait3A_124 : memref<1x256x64xf32, #tpu.memory_space<vmem>> -> memref<256x64xf32, #tpu.memory_space<vmem>>
      tpu.wait_dma2 semaphore(%run_scoped3A_102 : memref<!tpu.dma_semaphore, #tpu.memory_space<semaphore_mem>>) src(%dma_wait3A_125 : memref<256x64xf32, #tpu.memory_space<vmem>>) dst(%dma_wait3A_121 : memref<256x64xf32, #tpu.memory_space<hbm>>)
      tpu.yield
    }) : () -> ()
    %mul3A_90 = arith.constant 1024 : i32
    %mul3A_91 = arith.muli %arg1, %mul3A_90 : i32
    %add3A_92 = arith.constant 512 : i32
    %add3A_93 = arith.addi %mul3A_91, %add3A_92 : i32
    %run_scoped3A_94 = arith.constant 0 : i32
    "tpu.region"() ({
      %run_scoped3A_102 = tpu.sem_alloc : memref<!tpu.dma_semaphore, #tpu.memory_space<semaphore_mem>>
      %dma_start3A_103 = arith.constant 0 : i32
      %dma_start3A_104 = arith.constant 0 : i32
      %dma_start3A_105 = tpu.memref_slice %arg6[%run_scoped3A_94, %dma_start3A_103, %dma_start3A_104] : memref<2x256x64xf32, #tpu.memory_space<vmem>> -> memref<1x256x64xf32, #tpu.memory_space<vmem>>
      %dma_start3A_106 = tpu.memref_squeeze %dma_start3A_105 : memref<1x256x64xf32, #tpu.memory_space<vmem>> -> memref<256x64xf32, #tpu.memory_space<vmem>>
      %dma_start3A_107 = arith.constant 0 : i32
      %dma_start3A_108 = tpu.memref_slice %arg7[%add3A_93, %dma_start3A_107] : memref<16384x64xf32, #tpu.memory_space<vmem_shared>> -> memref<256x64xf32, #tpu.memory_space<vmem_shared>>
      %dma_start3A_109 = arith.constant 0 : i32
      %dma_start3A_110 = arith.constant 0 : i32
      %dma_start3A_111 = tpu.memref_slice %arg6[%run_scoped3A_94, %dma_start3A_109, %dma_start3A_110] : memref<2x256x64xf32, #tpu.memory_space<vmem>> -> memref<1x256x64xf32, #tpu.memory_space<vmem>>
      %dma_start3A_112 = tpu.memref_squeeze %dma_start3A_111 : memref<1x256x64xf32, #tpu.memory_space<vmem>> -> memref<256x64xf32, #tpu.memory_space<vmem>>
      %dma_start3A_113 = arith.constant 0 : i32
      %dma_start3A_114 = tpu.memref_slice %arg7[%add3A_93, %dma_start3A_113] : memref<16384x64xf32, #tpu.memory_space<vmem_shared>> -> memref<256x64xf32, #tpu.memory_space<vmem_shared>>
      tpu.enqueue_dma source(%dma_start3A_114 : memref<256x64xf32, #tpu.memory_space<vmem_shared>>) target(%dma_start3A_112 : memref<256x64xf32, #tpu.memory_space<vmem>>) target_semaphore(%run_scoped3A_102 : memref<!tpu.dma_semaphore, #tpu.memory_space<semaphore_mem>>)
      %dma_wait3A = arith.constant 0 : i32
      %dma_wait3A_115 = arith.constant 0 : i32
      %dma_wait3A_116 = tpu.memref_slice %arg6[%run_scoped3A_94, %dma_wait3A, %dma_wait3A_115] : memref<2x256x64xf32, #tpu.memory_space<vmem>> -> memref<1x256x64xf32, #tpu.memory_space<vmem>>
      %dma_wait3A_117 = tpu.memref_squeeze %dma_wait3A_116 : memref<1x256x64xf32, #tpu.memory_space<vmem>> -> memref<256x64xf32, #tpu.memory_space<vmem>>
      %dma_wait3A_118 = arith.constant 0 : i32
      %dma_wait3A_119 = tpu.memref_slice %arg7[%add3A_93, %dma_wait3A_118] : memref<16384x64xf32, #tpu.memory_space<vmem_shared>> -> memref<256x64xf32, #tpu.memory_space<vmem_shared>>
      %dma_wait3A_120 = arith.constant 0 : i32
      %dma_wait3A_121 = arith.constant 0 : i32
      %dma_wait3A_122 = tpu.memref_slice %arg6[%run_scoped3A_94, %dma_wait3A_120, %dma_wait3A_121] : memref<2x256x64xf32, #tpu.memory_space<vmem>> -> memref<1x256x64xf32, #tpu.memory_space<vmem>>
      %dma_wait3A_123 = tpu.memref_squeeze %dma_wait3A_122 : memref<1x256x64xf32, #tpu.memory_space<vmem>> -> memref<256x64xf32, #tpu.memory_space<vmem>>
      %dma_wait3A_124 = arith.constant 0 : i32
      %dma_wait3A_125 = tpu.memref_slice %arg7[%add3A_93, %dma_wait3A_124] : memref<16384x64xf32, #tpu.memory_space<vmem_shared>> -> memref<256x64xf32, #tpu.memory_space<vmem_shared>>
      tpu.wait_dma2 semaphore(%run_scoped3A_102 : memref<!tpu.dma_semaphore, #tpu.memory_space<semaphore_mem>>) src(%dma_wait3A_125 : memref<256x64xf32, #tpu.memory_space<vmem_shared>>) dst(%dma_wait3A_123 : memref<256x64xf32, #tpu.memory_space<vmem>>)
      tpu.yield
    }) : () -> ()
    %run_scoped3A_95 = arith.constant 0 : i32
    "tpu.region"() ({
      %run_scoped3A_102 = tpu.sem_alloc : memref<!tpu.dma_semaphore, #tpu.memory_space<semaphore_mem>>
      %dma_start3A_103 = arith.constant 0 : i32
      %dma_start3A_104 = arith.constant 0 : i32
      %dma_start3A_105 = tpu.memref_slice %arg6[%run_scoped3A_95, %dma_start3A_103, %dma_start3A_104] : memref<2x256x64xf32, #tpu.memory_space<vmem>> -> memref<1x256x64xf32, #tpu.memory_space<vmem>>
      %dma_start3A_106 = tpu.memref_squeeze %dma_start3A_105 : memref<1x256x64xf32, #tpu.memory_space<vmem>> -> memref<256x64xf32, #tpu.memory_space<vmem>>
      %dma_start3A_107 = arith.constant 0 : i32
      %dma_start3A_108 = tpu.memref_slice %arg4[%add3A_93, %dma_start3A_107] : memref<16384x64xf32, #tpu.memory_space<hbm>> -> memref<256x64xf32, #tpu.memory_space<hbm>>
      %dma_start3A_109 = arith.constant 0 : i32
      %dma_start3A_110 = tpu.memref_slice %arg4[%add3A_93, %dma_start3A_109] : memref<16384x64xf32, #tpu.memory_space<hbm>> -> memref<256x64xf32, #tpu.memory_space<hbm>>
      %dma_start3A_111 = arith.constant 0 : i32
      %dma_start3A_112 = arith.constant 0 : i32
      %dma_start3A_113 = tpu.memref_slice %arg6[%run_scoped3A_95, %dma_start3A_111, %dma_start3A_112] : memref<2x256x64xf32, #tpu.memory_space<vmem>> -> memref<1x256x64xf32, #tpu.memory_space<vmem>>
      %dma_start3A_114 = tpu.memref_squeeze %dma_start3A_113 : memref<1x256x64xf32, #tpu.memory_space<vmem>> -> memref<256x64xf32, #tpu.memory_space<vmem>>
      tpu.enqueue_dma source(%dma_start3A_114 : memref<256x64xf32, #tpu.memory_space<vmem>>) target(%dma_start3A_110 : memref<256x64xf32, #tpu.memory_space<hbm>>) target_semaphore(%run_scoped3A_102 : memref<!tpu.dma_semaphore, #tpu.memory_space<semaphore_mem>>)
      %dma_wait3A = arith.constant 0 : i32
      %dma_wait3A_115 = arith.constant 0 : i32
      %dma_wait3A_116 = tpu.memref_slice %arg6[%run_scoped3A_95, %dma_wait3A, %dma_wait3A_115] : memref<2x256x64xf32, #tpu.memory_space<vmem>> -> memref<1x256x64xf32, #tpu.memory_space<vmem>>
      %dma_wait3A_117 = tpu.memref_squeeze %dma_wait3A_116 : memref<1x256x64xf32, #tpu.memory_space<vmem>> -> memref<256x64xf32, #tpu.memory_space<vmem>>
      %dma_wait3A_118 = arith.constant 0 : i32
      %dma_wait3A_119 = tpu.memref_slice %arg4[%add3A_93, %dma_wait3A_118] : memref<16384x64xf32, #tpu.memory_space<hbm>> -> memref<256x64xf32, #tpu.memory_space<hbm>>
      %dma_wait3A_120 = arith.constant 0 : i32
      %dma_wait3A_121 = tpu.memref_slice %arg4[%add3A_93, %dma_wait3A_120] : memref<16384x64xf32, #tpu.memory_space<hbm>> -> memref<256x64xf32, #tpu.memory_space<hbm>>
      %dma_wait3A_122 = arith.constant 0 : i32
      %dma_wait3A_123 = arith.constant 0 : i32
      %dma_wait3A_124 = tpu.memref_slice %arg6[%run_scoped3A_95, %dma_wait3A_122, %dma_wait3A_123] : memref<2x256x64xf32, #tpu.memory_space<vmem>> -> memref<1x256x64xf32, #tpu.memory_space<vmem>>
      %dma_wait3A_125 = tpu.memref_squeeze %dma_wait3A_124 : memref<1x256x64xf32, #tpu.memory_space<vmem>> -> memref<256x64xf32, #tpu.memory_space<vmem>>
      tpu.wait_dma2 semaphore(%run_scoped3A_102 : memref<!tpu.dma_semaphore, #tpu.memory_space<semaphore_mem>>) src(%dma_wait3A_125 : memref<256x64xf32, #tpu.memory_space<vmem>>) dst(%dma_wait3A_121 : memref<256x64xf32, #tpu.memory_space<hbm>>)
      tpu.yield
    }) : () -> ()
    %mul3A_96 = arith.constant 1024 : i32
    %mul3A_97 = arith.muli %arg1, %mul3A_96 : i32
    %add3A_98 = arith.constant 768 : i32
    %add3A_99 = arith.addi %mul3A_97, %add3A_98 : i32
    %run_scoped3A_100 = arith.constant 0 : i32
    "tpu.region"() ({
      %run_scoped3A_102 = tpu.sem_alloc : memref<!tpu.dma_semaphore, #tpu.memory_space<semaphore_mem>>
      %dma_start3A_103 = arith.constant 0 : i32
      %dma_start3A_104 = arith.constant 0 : i32
      %dma_start3A_105 = tpu.memref_slice %arg6[%run_scoped3A_100, %dma_start3A_103, %dma_start3A_104] : memref<2x256x64xf32, #tpu.memory_space<vmem>> -> memref<1x256x64xf32, #tpu.memory_space<vmem>>
      %dma_start3A_106 = tpu.memref_squeeze %dma_start3A_105 : memref<1x256x64xf32, #tpu.memory_space<vmem>> -> memref<256x64xf32, #tpu.memory_space<vmem>>
      %dma_start3A_107 = arith.constant 0 : i32
      %dma_start3A_108 = tpu.memref_slice %arg7[%add3A_99, %dma_start3A_107] : memref<16384x64xf32, #tpu.memory_space<vmem_shared>> -> memref<256x64xf32, #tpu.memory_space<vmem_shared>>
      %dma_start3A_109 = arith.constant 0 : i32
      %dma_start3A_110 = arith.constant 0 : i32
      %dma_start3A_111 = tpu.memref_slice %arg6[%run_scoped3A_100, %dma_start3A_109, %dma_start3A_110] : memref<2x256x64xf32, #tpu.memory_space<vmem>> -> memref<1x256x64xf32, #tpu.memory_space<vmem>>
      %dma_start3A_112 = tpu.memref_squeeze %dma_start3A_111 : memref<1x256x64xf32, #tpu.memory_space<vmem>> -> memref<256x64xf32, #tpu.memory_space<vmem>>
      %dma_start3A_113 = arith.constant 0 : i32
      %dma_start3A_114 = tpu.memref_slice %arg7[%add3A_99, %dma_start3A_113] : memref<16384x64xf32, #tpu.memory_space<vmem_shared>> -> memref<256x64xf32, #tpu.memory_space<vmem_shared>>
      tpu.enqueue_dma source(%dma_start3A_114 : memref<256x64xf32, #tpu.memory_space<vmem_shared>>) target(%dma_start3A_112 : memref<256x64xf32, #tpu.memory_space<vmem>>) target_semaphore(%run_scoped3A_102 : memref<!tpu.dma_semaphore, #tpu.memory_space<semaphore_mem>>)
      %dma_wait3A = arith.constant 0 : i32
      %dma_wait3A_115 = arith.constant 0 : i32
      %dma_wait3A_116 = tpu.memref_slice %arg6[%run_scoped3A_100, %dma_wait3A, %dma_wait3A_115] : memref<2x256x64xf32, #tpu.memory_space<vmem>> -> memref<1x256x64xf32, #tpu.memory_space<vmem>>
      %dma_wait3A_117 = tpu.memref_squeeze %dma_wait3A_116 : memref<1x256x64xf32, #tpu.memory_space<vmem>> -> memref<256x64xf32, #tpu.memory_space<vmem>>
      %dma_wait3A_118 = arith.constant 0 : i32
      %dma_wait3A_119 = tpu.memref_slice %arg7[%add3A_99, %dma_wait3A_118] : memref<16384x64xf32, #tpu.memory_space<vmem_shared>> -> memref<256x64xf32, #tpu.memory_space<vmem_shared>>
      %dma_wait3A_120 = arith.constant 0 : i32
      %dma_wait3A_121 = arith.constant 0 : i32
      %dma_wait3A_122 = tpu.memref_slice %arg6[%run_scoped3A_100, %dma_wait3A_120, %dma_wait3A_121] : memref<2x256x64xf32, #tpu.memory_space<vmem>> -> memref<1x256x64xf32, #tpu.memory_space<vmem>>
      %dma_wait3A_123 = tpu.memref_squeeze %dma_wait3A_122 : memref<1x256x64xf32, #tpu.memory_space<vmem>> -> memref<256x64xf32, #tpu.memory_space<vmem>>
      %dma_wait3A_124 = arith.constant 0 : i32
      %dma_wait3A_125 = tpu.memref_slice %arg7[%add3A_99, %dma_wait3A_124] : memref<16384x64xf32, #tpu.memory_space<vmem_shared>> -> memref<256x64xf32, #tpu.memory_space<vmem_shared>>
      tpu.wait_dma2 semaphore(%run_scoped3A_102 : memref<!tpu.dma_semaphore, #tpu.memory_space<semaphore_mem>>) src(%dma_wait3A_125 : memref<256x64xf32, #tpu.memory_space<vmem_shared>>) dst(%dma_wait3A_123 : memref<256x64xf32, #tpu.memory_space<vmem>>)
      tpu.yield
    }) : () -> ()
    %run_scoped3A_101 = arith.constant 0 : i32
    "tpu.region"() ({
      %run_scoped3A_102 = tpu.sem_alloc : memref<!tpu.dma_semaphore, #tpu.memory_space<semaphore_mem>>
      %dma_start3A_103 = arith.constant 0 : i32
      %dma_start3A_104 = arith.constant 0 : i32
      %dma_start3A_105 = tpu.memref_slice %arg6[%run_scoped3A_101, %dma_start3A_103, %dma_start3A_104] : memref<2x256x64xf32, #tpu.memory_space<vmem>> -> memref<1x256x64xf32, #tpu.memory_space<vmem>>
      %dma_start3A_106 = tpu.memref_squeeze %dma_start3A_105 : memref<1x256x64xf32, #tpu.memory_space<vmem>> -> memref<256x64xf32, #tpu.memory_space<vmem>>
      %dma_start3A_107 = arith.constant 0 : i32
      %dma_start3A_108 = tpu.memref_slice %arg4[%add3A_99, %dma_start3A_107] : memref<16384x64xf32, #tpu.memory_space<hbm>> -> memref<256x64xf32, #tpu.memory_space<hbm>>
      %dma_start3A_109 = arith.constant 0 : i32
      %dma_start3A_110 = tpu.memref_slice %arg4[%add3A_99, %dma_start3A_109] : memref<16384x64xf32, #tpu.memory_space<hbm>> -> memref<256x64xf32, #tpu.memory_space<hbm>>
      %dma_start3A_111 = arith.constant 0 : i32
      %dma_start3A_112 = arith.constant 0 : i32
      %dma_start3A_113 = tpu.memref_slice %arg6[%run_scoped3A_101, %dma_start3A_111, %dma_start3A_112] : memref<2x256x64xf32, #tpu.memory_space<vmem>> -> memref<1x256x64xf32, #tpu.memory_space<vmem>>
      %dma_start3A_114 = tpu.memref_squeeze %dma_start3A_113 : memref<1x256x64xf32, #tpu.memory_space<vmem>> -> memref<256x64xf32, #tpu.memory_space<vmem>>
      tpu.enqueue_dma source(%dma_start3A_114 : memref<256x64xf32, #tpu.memory_space<vmem>>) target(%dma_start3A_110 : memref<256x64xf32, #tpu.memory_space<hbm>>) target_semaphore(%run_scoped3A_102 : memref<!tpu.dma_semaphore, #tpu.memory_space<semaphore_mem>>)
      %dma_wait3A = arith.constant 0 : i32
      %dma_wait3A_115 = arith.constant 0 : i32
      %dma_wait3A_116 = tpu.memref_slice %arg6[%run_scoped3A_101, %dma_wait3A, %dma_wait3A_115] : memref<2x256x64xf32, #tpu.memory_space<vmem>> -> memref<1x256x64xf32, #tpu.memory_space<vmem>>
      %dma_wait3A_117 = tpu.memref_squeeze %dma_wait3A_116 : memref<1x256x64xf32, #tpu.memory_space<vmem>> -> memref<256x64xf32, #tpu.memory_space<vmem>>
      %dma_wait3A_118 = arith.constant 0 : i32
      %dma_wait3A_119 = tpu.memref_slice %arg4[%add3A_99, %dma_wait3A_118] : memref<16384x64xf32, #tpu.memory_space<hbm>> -> memref<256x64xf32, #tpu.memory_space<hbm>>
      %dma_wait3A_120 = arith.constant 0 : i32
      %dma_wait3A_121 = tpu.memref_slice %arg4[%add3A_99, %dma_wait3A_120] : memref<16384x64xf32, #tpu.memory_space<hbm>> -> memref<256x64xf32, #tpu.memory_space<hbm>>
      %dma_wait3A_122 = arith.constant 0 : i32
      %dma_wait3A_123 = arith.constant 0 : i32
      %dma_wait3A_124 = tpu.memref_slice %arg6[%run_scoped3A_101, %dma_wait3A_122, %dma_wait3A_123] : memref<2x256x64xf32, #tpu.memory_space<vmem>> -> memref<1x256x64xf32, #tpu.memory_space<vmem>>
      %dma_wait3A_125 = tpu.memref_squeeze %dma_wait3A_124 : memref<1x256x64xf32, #tpu.memory_space<vmem>> -> memref<256x64xf32, #tpu.memory_space<vmem>>
      tpu.wait_dma2 semaphore(%run_scoped3A_102 : memref<!tpu.dma_semaphore, #tpu.memory_space<semaphore_mem>>) src(%dma_wait3A_125 : memref<256x64xf32, #tpu.memory_space<vmem>>) dst(%dma_wait3A_121 : memref<256x64xf32, #tpu.memory_space<hbm>>)
      tpu.yield
    }) : () -> ()
    return
  }
}

#map = affine_map<(d0, d1) -> (0)>
#map1 = affine_map<(d0, d1) -> (0, 0)>
module attributes {stable_mosaic.version = 14 : i64} {
  func.func @_gather_body(%arg0: i32, %arg1: i32, %arg2: memref<327680xi32, #tpu.memory_space<hbm>>, %arg3: memref<1000000x64xf32, #tpu.memory_space<hbm>>, %arg4: memref<327680x64xf32, #tpu.memory_space<hbm>>, %arg5: memref<2x512xi32, #tpu.memory_space<vmem>>, %arg6: memref<2x512x64xf32, #tpu.memory_space<vmem>>, %arg7: memref<!tpu.dma_semaphore, #tpu.memory_space<semaphore_mem>>, %arg8: memref<!tpu.dma_semaphore, #tpu.memory_space<semaphore_mem>>, %arg9: memref<!tpu.dma_semaphore, #tpu.memory_space<semaphore_mem>>) attributes {dimension_semantics = [#tpu.dimension_semantics<core_parallel>, #tpu.dimension_semantics<subcore_parallel>], iteration_bounds = array<i64: 2, 16>, scalar_prefetch = 0 : i64, scratch_operands = 5 : i64, tpu.core_type = #tpu.core_type<sc_vector_subcore>, window_params = [{transform_indices = #map}, {transform_indices = #map1}, {transform_indices = #map1}]} {
    %mul3A = arith.constant 2 : i32
    %mul3A_0 = arith.muli %arg1, %mul3A : i32
    %add3A = arith.addi %mul3A_0, %arg0 : i32
    %mul3A_1 = arith.constant 10240 : i32
    %mul3A_2 = arith.muli %add3A, %mul3A_1 : i32
    %rem3A = arith.constant 0 : i32
    %rem3A_3 = arith.constant 2 : i32
    %rem3A_4 = arith.remsi %rem3A, %rem3A_3 : i32
    %add3A_5 = arith.constant 0 : i32
    %add3A_6 = arith.addi %mul3A_2, %add3A_5 : i32
    %dma_start3A = arith.constant 0 : i32
    %dma_start3A_7 = tpu.memref_slice %arg5[%rem3A_4, %dma_start3A] : memref<2x512xi32, #tpu.memory_space<vmem>> -> memref<1x512xi32, #tpu.memory_space<vmem>>
    %dma_start3A_8 = tpu.memref_squeeze %dma_start3A_7 : memref<1x512xi32, #tpu.memory_space<vmem>> -> memref<512xi32, #tpu.memory_space<vmem>>
    %dma_start3A_9 = tpu.memref_slice %arg2[%add3A_6] : memref<327680xi32, #tpu.memory_space<hbm>> -> memref<512xi32, #tpu.memory_space<hbm>>
    %dma_start3A_10 = arith.constant 0 : i32
    %dma_start3A_11 = tpu.memref_slice %arg5[%rem3A_4, %dma_start3A_10] : memref<2x512xi32, #tpu.memory_space<vmem>> -> memref<1x512xi32, #tpu.memory_space<vmem>>
    %dma_start3A_12 = tpu.memref_squeeze %dma_start3A_11 : memref<1x512xi32, #tpu.memory_space<vmem>> -> memref<512xi32, #tpu.memory_space<vmem>>
    %dma_start3A_13 = tpu.memref_slice %arg2[%add3A_6] : memref<327680xi32, #tpu.memory_space<hbm>> -> memref<512xi32, #tpu.memory_space<hbm>>
    tpu.enqueue_dma source(%dma_start3A_13 : memref<512xi32, #tpu.memory_space<hbm>>) target(%dma_start3A_12 : memref<512xi32, #tpu.memory_space<vmem>>) target_semaphore(%arg7 : memref<!tpu.dma_semaphore, #tpu.memory_space<semaphore_mem>>)
    %scan3A = arith.constant 0 : i32
    %scan3A_14 = arith.constant 0 : i32
    %scan3A_15 = arith.constant 20 : i32
    %scan3A_16 = arith.addi %scan3A_14, %scan3A_15 : i32
    %scan3A_17 = arith.constant 1 : i32
    scf.for %scan3A_52 = %scan3A_14 to %scan3A_16 step %scan3A_17  : i32 {
      %rem3A_53 = arith.constant 2 : i32
      %rem3A_54 = arith.remsi %scan3A_52, %rem3A_53 : i32
      %rem3A_55 = arith.constant 2 : i32
      %rem3A_56 = arith.remsi %scan3A_52, %rem3A_55 : i32
      %mul3A_57 = arith.constant 512 : i32
      %mul3A_58 = arith.muli %scan3A_52, %mul3A_57 : i32
      %add3A_59 = arith.addi %mul3A_2, %mul3A_58 : i32
      %dma_wait3A_60 = arith.constant 0 : i32
      %dma_wait3A_61 = tpu.memref_slice %arg5[%rem3A_56, %dma_wait3A_60] : memref<2x512xi32, #tpu.memory_space<vmem>> -> memref<1x512xi32, #tpu.memory_space<vmem>>
      %dma_wait3A_62 = tpu.memref_squeeze %dma_wait3A_61 : memref<1x512xi32, #tpu.memory_space<vmem>> -> memref<512xi32, #tpu.memory_space<vmem>>
      %dma_wait3A_63 = tpu.memref_slice %arg2[%add3A_59] : memref<327680xi32, #tpu.memory_space<hbm>> -> memref<512xi32, #tpu.memory_space<hbm>>
      %dma_wait3A_64 = arith.constant 0 : i32
      %dma_wait3A_65 = tpu.memref_slice %arg5[%rem3A_56, %dma_wait3A_64] : memref<2x512xi32, #tpu.memory_space<vmem>> -> memref<1x512xi32, #tpu.memory_space<vmem>>
      %dma_wait3A_66 = tpu.memref_squeeze %dma_wait3A_65 : memref<1x512xi32, #tpu.memory_space<vmem>> -> memref<512xi32, #tpu.memory_space<vmem>>
      %dma_wait3A_67 = tpu.memref_slice %arg2[%add3A_59] : memref<327680xi32, #tpu.memory_space<hbm>> -> memref<512xi32, #tpu.memory_space<hbm>>
      tpu.wait_dma2 semaphore(%arg7 : memref<!tpu.dma_semaphore, #tpu.memory_space<semaphore_mem>>) src(%dma_wait3A_67 : memref<512xi32, #tpu.memory_space<hbm>>) dst(%dma_wait3A_66 : memref<512xi32, #tpu.memory_space<vmem>>)
      %add3A_68 = arith.constant 1 : i32
      %add3A_69 = arith.addi %scan3A_52, %add3A_68 : i32
      %lt3A = arith.constant 20 : i32
      %lt3A_70 = arith.cmpi slt, %add3A_69, %lt3A : i32
      %convert_element_type3A = arith.extui %lt3A_70 : i1 to i32
      %cond3A = arith.constant 0 : i32
      %cond3A_71 = arith.cmpi ne, %convert_element_type3A, %cond3A : i32
      scf.if %cond3A_71 {
        %add3A_173 = arith.constant 1 : i32
        %add3A_174 = arith.addi %scan3A_52, %add3A_173 : i32
        %rem3A_175 = arith.constant 2 : i32
        %rem3A_176 = arith.remsi %add3A_174, %rem3A_175 : i32
        %mul3A_177 = arith.constant 512 : i32
        %mul3A_178 = arith.muli %add3A_174, %mul3A_177 : i32
        %add3A_179 = arith.addi %mul3A_2, %mul3A_178 : i32
        %dma_start3A_180 = arith.constant 0 : i32
        %dma_start3A_181 = tpu.memref_slice %arg5[%rem3A_176, %dma_start3A_180] : memref<2x512xi32, #tpu.memory_space<vmem>> -> memref<1x512xi32, #tpu.memory_space<vmem>>
        %dma_start3A_182 = tpu.memref_squeeze %dma_start3A_181 : memref<1x512xi32, #tpu.memory_space<vmem>> -> memref<512xi32, #tpu.memory_space<vmem>>
        %dma_start3A_183 = tpu.memref_slice %arg2[%add3A_179] : memref<327680xi32, #tpu.memory_space<hbm>> -> memref<512xi32, #tpu.memory_space<hbm>>
        %dma_start3A_184 = arith.constant 0 : i32
        %dma_start3A_185 = tpu.memref_slice %arg5[%rem3A_176, %dma_start3A_184] : memref<2x512xi32, #tpu.memory_space<vmem>> -> memref<1x512xi32, #tpu.memory_space<vmem>>
        %dma_start3A_186 = tpu.memref_squeeze %dma_start3A_185 : memref<1x512xi32, #tpu.memory_space<vmem>> -> memref<512xi32, #tpu.memory_space<vmem>>
        %dma_start3A_187 = tpu.memref_slice %arg2[%add3A_179] : memref<327680xi32, #tpu.memory_space<hbm>> -> memref<512xi32, #tpu.memory_space<hbm>>
        tpu.enqueue_dma source(%dma_start3A_187 : memref<512xi32, #tpu.memory_space<hbm>>) target(%dma_start3A_186 : memref<512xi32, #tpu.memory_space<vmem>>) target_semaphore(%arg7 : memref<!tpu.dma_semaphore, #tpu.memory_space<semaphore_mem>>)
      } else {
      }
      %ge3A = arith.constant 2 : i32
      %ge3A_72 = arith.cmpi sge, %scan3A_52, %ge3A : i32
      %convert_element_type3A_73 = arith.extui %ge3A_72 : i1 to i32
      %cond3A_74 = arith.constant 0 : i32
      %cond3A_75 = arith.cmpi ne, %convert_element_type3A_73, %cond3A_74 : i32
      scf.if %cond3A_75 {
        %sub3A = arith.constant 2 : i32
        %sub3A_173 = arith.subi %scan3A_52, %sub3A : i32
        %rem3A_174 = arith.constant 2 : i32
        %rem3A_175 = arith.remsi %sub3A_173, %rem3A_174 : i32
        %mul3A_176 = arith.constant 512 : i32
        %mul3A_177 = arith.muli %sub3A_173, %mul3A_176 : i32
        %add3A_178 = arith.addi %mul3A_2, %mul3A_177 : i32
        %dma_wait3A_179 = arith.constant 0 : i32
        %dma_wait3A_180 = arith.constant 0 : i32
        %dma_wait3A_181 = tpu.memref_slice %arg6[%rem3A_175, %dma_wait3A_179, %dma_wait3A_180] : memref<2x512x64xf32, #tpu.memory_space<vmem>> -> memref<1x512x64xf32, #tpu.memory_space<vmem>>
        %dma_wait3A_182 = tpu.memref_squeeze %dma_wait3A_181 : memref<1x512x64xf32, #tpu.memory_space<vmem>> -> memref<512x64xf32, #tpu.memory_space<vmem>>
        %dma_wait3A_183 = arith.constant 0 : i32
        %dma_wait3A_184 = tpu.memref_slice %arg4[%add3A_178, %dma_wait3A_183] : memref<327680x64xf32, #tpu.memory_space<hbm>> -> memref<512x64xf32, #tpu.memory_space<hbm>>
        %dma_wait3A_185 = arith.constant 0 : i32
        %dma_wait3A_186 = tpu.memref_slice %arg4[%add3A_178, %dma_wait3A_185] : memref<327680x64xf32, #tpu.memory_space<hbm>> -> memref<512x64xf32, #tpu.memory_space<hbm>>
        %dma_wait3A_187 = arith.constant 0 : i32
        %dma_wait3A_188 = arith.constant 0 : i32
        %dma_wait3A_189 = tpu.memref_slice %arg6[%rem3A_175, %dma_wait3A_187, %dma_wait3A_188] : memref<2x512x64xf32, #tpu.memory_space<vmem>> -> memref<1x512x64xf32, #tpu.memory_space<vmem>>
        %dma_wait3A_190 = tpu.memref_squeeze %dma_wait3A_189 : memref<1x512x64xf32, #tpu.memory_space<vmem>> -> memref<512x64xf32, #tpu.memory_space<vmem>>
        tpu.wait_dma2 semaphore(%arg9 : memref<!tpu.dma_semaphore, #tpu.memory_space<semaphore_mem>>) src(%dma_wait3A_190 : memref<512x64xf32, #tpu.memory_space<vmem>>) dst(%dma_wait3A_186 : memref<512x64xf32, #tpu.memory_space<hbm>>)
      } else {
      }
      %dma_start3A_76 = arith.constant 0 : i32
      %dma_start3A_77 = arith.constant 0 : i32
      %dma_start3A_78 = tpu.memref_slice %arg6[%rem3A_54, %dma_start3A_76, %dma_start3A_77] : memref<2x512x64xf32, #tpu.memory_space<vmem>> -> memref<1x128x64xf32, #tpu.memory_space<vmem>>
      %dma_start3A_79 = tpu.memref_squeeze %dma_start3A_78 : memref<1x128x64xf32, #tpu.memory_space<vmem>> -> memref<128x64xf32, #tpu.memory_space<vmem>>
      %dma_start3A_80 = arith.constant 0 : i32
      %dma_start3A_81 = tpu.memref_slice %arg5[%rem3A_54, %dma_start3A_80] : memref<2x512xi32, #tpu.memory_space<vmem>> -> memref<1x128xi32, #tpu.memory_space<vmem>>
      %dma_start3A_82 = tpu.memref_squeeze %dma_start3A_81 : memref<1x128xi32, #tpu.memory_space<vmem>> -> memref<128xi32, #tpu.memory_space<vmem>>
      %dma_start3A_83 = arith.constant 0 : i32
      %dma_start3A_84 = arith.constant 0 : i32
      %dma_start3A_85 = tpu.memref_slice %arg3[%dma_start3A_83, %dma_start3A_84] : memref<1000000x64xf32, #tpu.memory_space<hbm>> -> memref<1000000x64xf32, #tpu.memory_space<hbm>>
      tpu.enqueue_indirect_dma source(%dma_start3A_85 : memref<1000000x64xf32, #tpu.memory_space<hbm>>) target(%dma_start3A_79 : memref<128x64xf32, #tpu.memory_space<vmem>>) offsets(%dma_start3A_82 : memref<128xi32, #tpu.memory_space<vmem>>) semaphore(%arg8 : memref<!tpu.dma_semaphore, #tpu.memory_space<semaphore_mem>>)
      %dma_start3A_86 = arith.constant 128 : i32
      %dma_start3A_87 = arith.constant 0 : i32
      %dma_start3A_88 = tpu.memref_slice %arg6[%rem3A_54, %dma_start3A_86, %dma_start3A_87] : memref<2x512x64xf32, #tpu.memory_space<vmem>> -> memref<1x128x64xf32, #tpu.memory_space<vmem>>
      %dma_start3A_89 = tpu.memref_squeeze %dma_start3A_88 : memref<1x128x64xf32, #tpu.memory_space<vmem>> -> memref<128x64xf32, #tpu.memory_space<vmem>>
      %dma_start3A_90 = arith.constant 128 : i32
      %dma_start3A_91 = tpu.memref_slice %arg5[%rem3A_54, %dma_start3A_90] : memref<2x512xi32, #tpu.memory_space<vmem>> -> memref<1x128xi32, #tpu.memory_space<vmem>>
      %dma_start3A_92 = tpu.memref_squeeze %dma_start3A_91 : memref<1x128xi32, #tpu.memory_space<vmem>> -> memref<128xi32, #tpu.memory_space<vmem>>
      %dma_start3A_93 = arith.constant 0 : i32
      %dma_start3A_94 = arith.constant 0 : i32
      %dma_start3A_95 = tpu.memref_slice %arg3[%dma_start3A_93, %dma_start3A_94] : memref<1000000x64xf32, #tpu.memory_space<hbm>> -> memref<1000000x64xf32, #tpu.memory_space<hbm>>
      tpu.enqueue_indirect_dma source(%dma_start3A_95 : memref<1000000x64xf32, #tpu.memory_space<hbm>>) target(%dma_start3A_89 : memref<128x64xf32, #tpu.memory_space<vmem>>) offsets(%dma_start3A_92 : memref<128xi32, #tpu.memory_space<vmem>>) semaphore(%arg8 : memref<!tpu.dma_semaphore, #tpu.memory_space<semaphore_mem>>)
      %dma_start3A_96 = arith.constant 256 : i32
      %dma_start3A_97 = arith.constant 0 : i32
      %dma_start3A_98 = tpu.memref_slice %arg6[%rem3A_54, %dma_start3A_96, %dma_start3A_97] : memref<2x512x64xf32, #tpu.memory_space<vmem>> -> memref<1x128x64xf32, #tpu.memory_space<vmem>>
      %dma_start3A_99 = tpu.memref_squeeze %dma_start3A_98 : memref<1x128x64xf32, #tpu.memory_space<vmem>> -> memref<128x64xf32, #tpu.memory_space<vmem>>
      %dma_start3A_100 = arith.constant 256 : i32
      %dma_start3A_101 = tpu.memref_slice %arg5[%rem3A_54, %dma_start3A_100] : memref<2x512xi32, #tpu.memory_space<vmem>> -> memref<1x128xi32, #tpu.memory_space<vmem>>
      %dma_start3A_102 = tpu.memref_squeeze %dma_start3A_101 : memref<1x128xi32, #tpu.memory_space<vmem>> -> memref<128xi32, #tpu.memory_space<vmem>>
      %dma_start3A_103 = arith.constant 0 : i32
      %dma_start3A_104 = arith.constant 0 : i32
      %dma_start3A_105 = tpu.memref_slice %arg3[%dma_start3A_103, %dma_start3A_104] : memref<1000000x64xf32, #tpu.memory_space<hbm>> -> memref<1000000x64xf32, #tpu.memory_space<hbm>>
      tpu.enqueue_indirect_dma source(%dma_start3A_105 : memref<1000000x64xf32, #tpu.memory_space<hbm>>) target(%dma_start3A_99 : memref<128x64xf32, #tpu.memory_space<vmem>>) offsets(%dma_start3A_102 : memref<128xi32, #tpu.memory_space<vmem>>) semaphore(%arg8 : memref<!tpu.dma_semaphore, #tpu.memory_space<semaphore_mem>>)
      %dma_start3A_106 = arith.constant 384 : i32
      %dma_start3A_107 = arith.constant 0 : i32
      %dma_start3A_108 = tpu.memref_slice %arg6[%rem3A_54, %dma_start3A_106, %dma_start3A_107] : memref<2x512x64xf32, #tpu.memory_space<vmem>> -> memref<1x128x64xf32, #tpu.memory_space<vmem>>
      %dma_start3A_109 = tpu.memref_squeeze %dma_start3A_108 : memref<1x128x64xf32, #tpu.memory_space<vmem>> -> memref<128x64xf32, #tpu.memory_space<vmem>>
      %dma_start3A_110 = arith.constant 384 : i32
      %dma_start3A_111 = tpu.memref_slice %arg5[%rem3A_54, %dma_start3A_110] : memref<2x512xi32, #tpu.memory_space<vmem>> -> memref<1x128xi32, #tpu.memory_space<vmem>>
      %dma_start3A_112 = tpu.memref_squeeze %dma_start3A_111 : memref<1x128xi32, #tpu.memory_space<vmem>> -> memref<128xi32, #tpu.memory_space<vmem>>
      %dma_start3A_113 = arith.constant 0 : i32
      %dma_start3A_114 = arith.constant 0 : i32
      %dma_start3A_115 = tpu.memref_slice %arg3[%dma_start3A_113, %dma_start3A_114] : memref<1000000x64xf32, #tpu.memory_space<hbm>> -> memref<1000000x64xf32, #tpu.memory_space<hbm>>
      tpu.enqueue_indirect_dma source(%dma_start3A_115 : memref<1000000x64xf32, #tpu.memory_space<hbm>>) target(%dma_start3A_109 : memref<128x64xf32, #tpu.memory_space<vmem>>) offsets(%dma_start3A_112 : memref<128xi32, #tpu.memory_space<vmem>>) semaphore(%arg8 : memref<!tpu.dma_semaphore, #tpu.memory_space<semaphore_mem>>)
      %dma_wait3A_116 = arith.constant 0 : i32
      %dma_wait3A_117 = arith.constant 0 : i32
      %dma_wait3A_118 = tpu.memref_slice %arg6[%rem3A_54, %dma_wait3A_116, %dma_wait3A_117] : memref<2x512x64xf32, #tpu.memory_space<vmem>> -> memref<1x128x64xf32, #tpu.memory_space<vmem>>
      %dma_wait3A_119 = tpu.memref_squeeze %dma_wait3A_118 : memref<1x128x64xf32, #tpu.memory_space<vmem>> -> memref<128x64xf32, #tpu.memory_space<vmem>>
      %dma_wait3A_120 = arith.constant 0 : i32
      %dma_wait3A_121 = tpu.memref_slice %arg5[%rem3A_54, %dma_wait3A_120] : memref<2x512xi32, #tpu.memory_space<vmem>> -> memref<1x128xi32, #tpu.memory_space<vmem>>
      %dma_wait3A_122 = tpu.memref_squeeze %dma_wait3A_121 : memref<1x128xi32, #tpu.memory_space<vmem>> -> memref<128xi32, #tpu.memory_space<vmem>>
      %dma_wait3A_123 = arith.constant 0 : i32
      %dma_wait3A_124 = arith.constant 0 : i32
      %dma_wait3A_125 = tpu.memref_slice %arg3[%dma_wait3A_123, %dma_wait3A_124] : memref<1000000x64xf32, #tpu.memory_space<hbm>> -> memref<1000000x64xf32, #tpu.memory_space<hbm>>
      tpu.wait_indirect_dma semaphore(%arg8 : memref<!tpu.dma_semaphore, #tpu.memory_space<semaphore_mem>>) src(%dma_wait3A_125 : memref<1000000x64xf32, #tpu.memory_space<hbm>>) dst(%dma_wait3A_119 : memref<128x64xf32, #tpu.memory_space<vmem>>)
      %dma_wait3A_126 = arith.constant 128 : i32
      %dma_wait3A_127 = arith.constant 0 : i32
      %dma_wait3A_128 = tpu.memref_slice %arg6[%rem3A_54, %dma_wait3A_126, %dma_wait3A_127] : memref<2x512x64xf32, #tpu.memory_space<vmem>> -> memref<1x128x64xf32, #tpu.memory_space<vmem>>
      %dma_wait3A_129 = tpu.memref_squeeze %dma_wait3A_128 : memref<1x128x64xf32, #tpu.memory_space<vmem>> -> memref<128x64xf32, #tpu.memory_space<vmem>>
      %dma_wait3A_130 = arith.constant 128 : i32
      %dma_wait3A_131 = tpu.memref_slice %arg5[%rem3A_54, %dma_wait3A_130] : memref<2x512xi32, #tpu.memory_space<vmem>> -> memref<1x128xi32, #tpu.memory_space<vmem>>
      %dma_wait3A_132 = tpu.memref_squeeze %dma_wait3A_131 : memref<1x128xi32, #tpu.memory_space<vmem>> -> memref<128xi32, #tpu.memory_space<vmem>>
      %dma_wait3A_133 = arith.constant 0 : i32
      %dma_wait3A_134 = arith.constant 0 : i32
      %dma_wait3A_135 = tpu.memref_slice %arg3[%dma_wait3A_133, %dma_wait3A_134] : memref<1000000x64xf32, #tpu.memory_space<hbm>> -> memref<1000000x64xf32, #tpu.memory_space<hbm>>
      tpu.wait_indirect_dma semaphore(%arg8 : memref<!tpu.dma_semaphore, #tpu.memory_space<semaphore_mem>>) src(%dma_wait3A_135 : memref<1000000x64xf32, #tpu.memory_space<hbm>>) dst(%dma_wait3A_129 : memref<128x64xf32, #tpu.memory_space<vmem>>)
      %dma_wait3A_136 = arith.constant 256 : i32
      %dma_wait3A_137 = arith.constant 0 : i32
      %dma_wait3A_138 = tpu.memref_slice %arg6[%rem3A_54, %dma_wait3A_136, %dma_wait3A_137] : memref<2x512x64xf32, #tpu.memory_space<vmem>> -> memref<1x128x64xf32, #tpu.memory_space<vmem>>
      %dma_wait3A_139 = tpu.memref_squeeze %dma_wait3A_138 : memref<1x128x64xf32, #tpu.memory_space<vmem>> -> memref<128x64xf32, #tpu.memory_space<vmem>>
      %dma_wait3A_140 = arith.constant 256 : i32
      %dma_wait3A_141 = tpu.memref_slice %arg5[%rem3A_54, %dma_wait3A_140] : memref<2x512xi32, #tpu.memory_space<vmem>> -> memref<1x128xi32, #tpu.memory_space<vmem>>
      %dma_wait3A_142 = tpu.memref_squeeze %dma_wait3A_141 : memref<1x128xi32, #tpu.memory_space<vmem>> -> memref<128xi32, #tpu.memory_space<vmem>>
      %dma_wait3A_143 = arith.constant 0 : i32
      %dma_wait3A_144 = arith.constant 0 : i32
      %dma_wait3A_145 = tpu.memref_slice %arg3[%dma_wait3A_143, %dma_wait3A_144] : memref<1000000x64xf32, #tpu.memory_space<hbm>> -> memref<1000000x64xf32, #tpu.memory_space<hbm>>
      tpu.wait_indirect_dma semaphore(%arg8 : memref<!tpu.dma_semaphore, #tpu.memory_space<semaphore_mem>>) src(%dma_wait3A_145 : memref<1000000x64xf32, #tpu.memory_space<hbm>>) dst(%dma_wait3A_139 : memref<128x64xf32, #tpu.memory_space<vmem>>)
      %dma_wait3A_146 = arith.constant 384 : i32
      %dma_wait3A_147 = arith.constant 0 : i32
      %dma_wait3A_148 = tpu.memref_slice %arg6[%rem3A_54, %dma_wait3A_146, %dma_wait3A_147] : memref<2x512x64xf32, #tpu.memory_space<vmem>> -> memref<1x128x64xf32, #tpu.memory_space<vmem>>
      %dma_wait3A_149 = tpu.memref_squeeze %dma_wait3A_148 : memref<1x128x64xf32, #tpu.memory_space<vmem>> -> memref<128x64xf32, #tpu.memory_space<vmem>>
      %dma_wait3A_150 = arith.constant 384 : i32
      %dma_wait3A_151 = tpu.memref_slice %arg5[%rem3A_54, %dma_wait3A_150] : memref<2x512xi32, #tpu.memory_space<vmem>> -> memref<1x128xi32, #tpu.memory_space<vmem>>
      %dma_wait3A_152 = tpu.memref_squeeze %dma_wait3A_151 : memref<1x128xi32, #tpu.memory_space<vmem>> -> memref<128xi32, #tpu.memory_space<vmem>>
      %dma_wait3A_153 = arith.constant 0 : i32
      %dma_wait3A_154 = arith.constant 0 : i32
      %dma_wait3A_155 = tpu.memref_slice %arg3[%dma_wait3A_153, %dma_wait3A_154] : memref<1000000x64xf32, #tpu.memory_space<hbm>> -> memref<1000000x64xf32, #tpu.memory_space<hbm>>
      tpu.wait_indirect_dma semaphore(%arg8 : memref<!tpu.dma_semaphore, #tpu.memory_space<semaphore_mem>>) src(%dma_wait3A_155 : memref<1000000x64xf32, #tpu.memory_space<hbm>>) dst(%dma_wait3A_149 : memref<128x64xf32, #tpu.memory_space<vmem>>)
      %rem3A_156 = arith.constant 2 : i32
      %rem3A_157 = arith.remsi %scan3A_52, %rem3A_156 : i32
      %mul3A_158 = arith.constant 512 : i32
      %mul3A_159 = arith.muli %scan3A_52, %mul3A_158 : i32
      %add3A_160 = arith.addi %mul3A_2, %mul3A_159 : i32
      %dma_start3A_161 = arith.constant 0 : i32
      %dma_start3A_162 = arith.constant 0 : i32
      %dma_start3A_163 = tpu.memref_slice %arg6[%rem3A_157, %dma_start3A_161, %dma_start3A_162] : memref<2x512x64xf32, #tpu.memory_space<vmem>> -> memref<1x512x64xf32, #tpu.memory_space<vmem>>
      %dma_start3A_164 = tpu.memref_squeeze %dma_start3A_163 : memref<1x512x64xf32, #tpu.memory_space<vmem>> -> memref<512x64xf32, #tpu.memory_space<vmem>>
      %dma_start3A_165 = arith.constant 0 : i32
      %dma_start3A_166 = tpu.memref_slice %arg4[%add3A_160, %dma_start3A_165] : memref<327680x64xf32, #tpu.memory_space<hbm>> -> memref<512x64xf32, #tpu.memory_space<hbm>>
      %dma_start3A_167 = arith.constant 0 : i32
      %dma_start3A_168 = tpu.memref_slice %arg4[%add3A_160, %dma_start3A_167] : memref<327680x64xf32, #tpu.memory_space<hbm>> -> memref<512x64xf32, #tpu.memory_space<hbm>>
      %dma_start3A_169 = arith.constant 0 : i32
      %dma_start3A_170 = arith.constant 0 : i32
      %dma_start3A_171 = tpu.memref_slice %arg6[%rem3A_157, %dma_start3A_169, %dma_start3A_170] : memref<2x512x64xf32, #tpu.memory_space<vmem>> -> memref<1x512x64xf32, #tpu.memory_space<vmem>>
      %dma_start3A_172 = tpu.memref_squeeze %dma_start3A_171 : memref<1x512x64xf32, #tpu.memory_space<vmem>> -> memref<512x64xf32, #tpu.memory_space<vmem>>
      tpu.enqueue_dma source(%dma_start3A_172 : memref<512x64xf32, #tpu.memory_space<vmem>>) target(%dma_start3A_168 : memref<512x64xf32, #tpu.memory_space<hbm>>) target_semaphore(%arg9 : memref<!tpu.dma_semaphore, #tpu.memory_space<semaphore_mem>>)
    }
    %scan3A_18 = arith.constant 20 : i32
    %rem3A_19 = arith.constant 18 : i32
    %rem3A_20 = arith.constant 2 : i32
    %rem3A_21 = arith.remsi %rem3A_19, %rem3A_20 : i32
    %add3A_22 = arith.constant 9216 : i32
    %add3A_23 = arith.addi %mul3A_2, %add3A_22 : i32
    %dma_wait3A = arith.constant 0 : i32
    %dma_wait3A_24 = arith.constant 0 : i32
    %dma_wait3A_25 = tpu.memref_slice %arg6[%rem3A_21, %dma_wait3A, %dma_wait3A_24] : memref<2x512x64xf32, #tpu.memory_space<vmem>> -> memref<1x512x64xf32, #tpu.memory_space<vmem>>
    %dma_wait3A_26 = tpu.memref_squeeze %dma_wait3A_25 : memref<1x512x64xf32, #tpu.memory_space<vmem>> -> memref<512x64xf32, #tpu.memory_space<vmem>>
    %dma_wait3A_27 = arith.constant 0 : i32
    %dma_wait3A_28 = tpu.memref_slice %arg4[%add3A_23, %dma_wait3A_27] : memref<327680x64xf32, #tpu.memory_space<hbm>> -> memref<512x64xf32, #tpu.memory_space<hbm>>
    %dma_wait3A_29 = arith.constant 0 : i32
    %dma_wait3A_30 = tpu.memref_slice %arg4[%add3A_23, %dma_wait3A_29] : memref<327680x64xf32, #tpu.memory_space<hbm>> -> memref<512x64xf32, #tpu.memory_space<hbm>>
    %dma_wait3A_31 = arith.constant 0 : i32
    %dma_wait3A_32 = arith.constant 0 : i32
    %dma_wait3A_33 = tpu.memref_slice %arg6[%rem3A_21, %dma_wait3A_31, %dma_wait3A_32] : memref<2x512x64xf32, #tpu.memory_space<vmem>> -> memref<1x512x64xf32, #tpu.memory_space<vmem>>
    %dma_wait3A_34 = tpu.memref_squeeze %dma_wait3A_33 : memref<1x512x64xf32, #tpu.memory_space<vmem>> -> memref<512x64xf32, #tpu.memory_space<vmem>>
    tpu.wait_dma2 semaphore(%arg9 : memref<!tpu.dma_semaphore, #tpu.memory_space<semaphore_mem>>) src(%dma_wait3A_34 : memref<512x64xf32, #tpu.memory_space<vmem>>) dst(%dma_wait3A_30 : memref<512x64xf32, #tpu.memory_space<hbm>>)
    %rem3A_35 = arith.constant 19 : i32
    %rem3A_36 = arith.constant 2 : i32
    %rem3A_37 = arith.remsi %rem3A_35, %rem3A_36 : i32
    %add3A_38 = arith.constant 9728 : i32
    %add3A_39 = arith.addi %mul3A_2, %add3A_38 : i32
    %dma_wait3A_40 = arith.constant 0 : i32
    %dma_wait3A_41 = arith.constant 0 : i32
    %dma_wait3A_42 = tpu.memref_slice %arg6[%rem3A_37, %dma_wait3A_40, %dma_wait3A_41] : memref<2x512x64xf32, #tpu.memory_space<vmem>> -> memref<1x512x64xf32, #tpu.memory_space<vmem>>
    %dma_wait3A_43 = tpu.memref_squeeze %dma_wait3A_42 : memref<1x512x64xf32, #tpu.memory_space<vmem>> -> memref<512x64xf32, #tpu.memory_space<vmem>>
    %dma_wait3A_44 = arith.constant 0 : i32
    %dma_wait3A_45 = tpu.memref_slice %arg4[%add3A_39, %dma_wait3A_44] : memref<327680x64xf32, #tpu.memory_space<hbm>> -> memref<512x64xf32, #tpu.memory_space<hbm>>
    %dma_wait3A_46 = arith.constant 0 : i32
    %dma_wait3A_47 = tpu.memref_slice %arg4[%add3A_39, %dma_wait3A_46] : memref<327680x64xf32, #tpu.memory_space<hbm>> -> memref<512x64xf32, #tpu.memory_space<hbm>>
    %dma_wait3A_48 = arith.constant 0 : i32
    %dma_wait3A_49 = arith.constant 0 : i32
    %dma_wait3A_50 = tpu.memref_slice %arg6[%rem3A_37, %dma_wait3A_48, %dma_wait3A_49] : memref<2x512x64xf32, #tpu.memory_space<vmem>> -> memref<1x512x64xf32, #tpu.memory_space<vmem>>
    %dma_wait3A_51 = tpu.memref_squeeze %dma_wait3A_50 : memref<1x512x64xf32, #tpu.memory_space<vmem>> -> memref<512x64xf32, #tpu.memory_space<vmem>>
    tpu.wait_dma2 semaphore(%arg9 : memref<!tpu.dma_semaphore, #tpu.memory_space<semaphore_mem>>) src(%dma_wait3A_51 : memref<512x64xf32, #tpu.memory_space<vmem>>) dst(%dma_wait3A_47 : memref<512x64xf32, #tpu.memory_space<hbm>>)
    return
  }
}

#map = affine_map<(d0, d1) -> (0)>
#map1 = affine_map<(d0, d1) -> (0, 0)>
module attributes {stable_mosaic.version = 14 : i64} {
  func.func @_gather_body(%arg0: i32, %arg1: i32, %arg2: memref<327680xi32, #tpu.memory_space<hbm>>, %arg3: memref<1000000x64xf32, #tpu.memory_space<hbm>>, %arg4: memref<327680x64xf32, #tpu.memory_space<hbm>>, %arg5: memref<2x512xi32, #tpu.memory_space<vmem>>, %arg6: memref<2x512x64xf32, #tpu.memory_space<vmem>>, %arg7: memref<!tpu.dma_semaphore, #tpu.memory_space<semaphore_mem>>, %arg8: memref<!tpu.dma_semaphore, #tpu.memory_space<semaphore_mem>>, %arg9: memref<!tpu.dma_semaphore, #tpu.memory_space<semaphore_mem>>) attributes {dimension_semantics = [#tpu.dimension_semantics<core_parallel>, #tpu.dimension_semantics<subcore_parallel>], iteration_bounds = array<i64: 2, 16>, scalar_prefetch = 0 : i64, scratch_operands = 5 : i64, tpu.core_type = #tpu.core_type<sc_vector_subcore>, window_params = [{transform_indices = #map}, {transform_indices = #map1}, {transform_indices = #map1}]} {
    %mul3A = arith.constant 2 : i32
    %mul3A_0 = arith.muli %arg1, %mul3A : i32
    %add3A = arith.addi %mul3A_0, %arg0 : i32
    %mul3A_1 = arith.constant 10240 : i32
    %mul3A_2 = arith.muli %add3A, %mul3A_1 : i32
    %rem3A = arith.constant 0 : i32
    %rem3A_3 = arith.constant 2 : i32
    %rem3A_4 = arith.remsi %rem3A, %rem3A_3 : i32
    %add3A_5 = arith.constant 0 : i32
    %add3A_6 = arith.addi %mul3A_2, %add3A_5 : i32
    %dma_start3A = arith.constant 0 : i32
    %dma_start3A_7 = tpu.memref_slice %arg5[%rem3A_4, %dma_start3A] : memref<2x512xi32, #tpu.memory_space<vmem>> -> memref<1x512xi32, #tpu.memory_space<vmem>>
    %dma_start3A_8 = tpu.memref_squeeze %dma_start3A_7 : memref<1x512xi32, #tpu.memory_space<vmem>> -> memref<512xi32, #tpu.memory_space<vmem>>
    %dma_start3A_9 = tpu.memref_slice %arg2[%add3A_6] : memref<327680xi32, #tpu.memory_space<hbm>> -> memref<512xi32, #tpu.memory_space<hbm>>
    %dma_start3A_10 = arith.constant 0 : i32
    %dma_start3A_11 = tpu.memref_slice %arg5[%rem3A_4, %dma_start3A_10] : memref<2x512xi32, #tpu.memory_space<vmem>> -> memref<1x512xi32, #tpu.memory_space<vmem>>
    %dma_start3A_12 = tpu.memref_squeeze %dma_start3A_11 : memref<1x512xi32, #tpu.memory_space<vmem>> -> memref<512xi32, #tpu.memory_space<vmem>>
    %dma_start3A_13 = tpu.memref_slice %arg2[%add3A_6] : memref<327680xi32, #tpu.memory_space<hbm>> -> memref<512xi32, #tpu.memory_space<hbm>>
    tpu.enqueue_dma source(%dma_start3A_13 : memref<512xi32, #tpu.memory_space<hbm>>) target(%dma_start3A_12 : memref<512xi32, #tpu.memory_space<vmem>>) target_semaphore(%arg7 : memref<!tpu.dma_semaphore, #tpu.memory_space<semaphore_mem>>)
    %scan3A = arith.constant 0 : i32
    %scan3A_14 = arith.constant 0 : i32
    %scan3A_15 = arith.constant 20 : i32
    %scan3A_16 = arith.addi %scan3A_14, %scan3A_15 : i32
    %scan3A_17 = arith.constant 1 : i32
    scf.for %scan3A_52 = %scan3A_14 to %scan3A_16 step %scan3A_17  : i32 {
      %rem3A_53 = arith.constant 2 : i32
      %rem3A_54 = arith.remsi %scan3A_52, %rem3A_53 : i32
      %rem3A_55 = arith.constant 2 : i32
      %rem3A_56 = arith.remsi %scan3A_52, %rem3A_55 : i32
      %mul3A_57 = arith.constant 512 : i32
      %mul3A_58 = arith.muli %scan3A_52, %mul3A_57 : i32
      %add3A_59 = arith.addi %mul3A_2, %mul3A_58 : i32
      %dma_wait3A_60 = arith.constant 0 : i32
      %dma_wait3A_61 = tpu.memref_slice %arg5[%rem3A_56, %dma_wait3A_60] : memref<2x512xi32, #tpu.memory_space<vmem>> -> memref<1x512xi32, #tpu.memory_space<vmem>>
      %dma_wait3A_62 = tpu.memref_squeeze %dma_wait3A_61 : memref<1x512xi32, #tpu.memory_space<vmem>> -> memref<512xi32, #tpu.memory_space<vmem>>
      %dma_wait3A_63 = tpu.memref_slice %arg2[%add3A_59] : memref<327680xi32, #tpu.memory_space<hbm>> -> memref<512xi32, #tpu.memory_space<hbm>>
      %dma_wait3A_64 = arith.constant 0 : i32
      %dma_wait3A_65 = tpu.memref_slice %arg5[%rem3A_56, %dma_wait3A_64] : memref<2x512xi32, #tpu.memory_space<vmem>> -> memref<1x512xi32, #tpu.memory_space<vmem>>
      %dma_wait3A_66 = tpu.memref_squeeze %dma_wait3A_65 : memref<1x512xi32, #tpu.memory_space<vmem>> -> memref<512xi32, #tpu.memory_space<vmem>>
      %dma_wait3A_67 = tpu.memref_slice %arg2[%add3A_59] : memref<327680xi32, #tpu.memory_space<hbm>> -> memref<512xi32, #tpu.memory_space<hbm>>
      tpu.wait_dma2 semaphore(%arg7 : memref<!tpu.dma_semaphore, #tpu.memory_space<semaphore_mem>>) src(%dma_wait3A_67 : memref<512xi32, #tpu.memory_space<hbm>>) dst(%dma_wait3A_66 : memref<512xi32, #tpu.memory_space<vmem>>)
      %add3A_68 = arith.constant 1 : i32
      %add3A_69 = arith.addi %scan3A_52, %add3A_68 : i32
      %lt3A = arith.constant 20 : i32
      %lt3A_70 = arith.cmpi slt, %add3A_69, %lt3A : i32
      %convert_element_type3A = arith.extui %lt3A_70 : i1 to i32
      %cond3A = arith.constant 0 : i32
      %cond3A_71 = arith.cmpi ne, %convert_element_type3A, %cond3A : i32
      scf.if %cond3A_71 {
        %add3A_173 = arith.constant 1 : i32
        %add3A_174 = arith.addi %scan3A_52, %add3A_173 : i32
        %rem3A_175 = arith.constant 2 : i32
        %rem3A_176 = arith.remsi %add3A_174, %rem3A_175 : i32
        %mul3A_177 = arith.constant 512 : i32
        %mul3A_178 = arith.muli %add3A_174, %mul3A_177 : i32
        %add3A_179 = arith.addi %mul3A_2, %mul3A_178 : i32
        %dma_start3A_180 = arith.constant 0 : i32
        %dma_start3A_181 = tpu.memref_slice %arg5[%rem3A_176, %dma_start3A_180] : memref<2x512xi32, #tpu.memory_space<vmem>> -> memref<1x512xi32, #tpu.memory_space<vmem>>
        %dma_start3A_182 = tpu.memref_squeeze %dma_start3A_181 : memref<1x512xi32, #tpu.memory_space<vmem>> -> memref<512xi32, #tpu.memory_space<vmem>>
        %dma_start3A_183 = tpu.memref_slice %arg2[%add3A_179] : memref<327680xi32, #tpu.memory_space<hbm>> -> memref<512xi32, #tpu.memory_space<hbm>>
        %dma_start3A_184 = arith.constant 0 : i32
        %dma_start3A_185 = tpu.memref_slice %arg5[%rem3A_176, %dma_start3A_184] : memref<2x512xi32, #tpu.memory_space<vmem>> -> memref<1x512xi32, #tpu.memory_space<vmem>>
        %dma_start3A_186 = tpu.memref_squeeze %dma_start3A_185 : memref<1x512xi32, #tpu.memory_space<vmem>> -> memref<512xi32, #tpu.memory_space<vmem>>
        %dma_start3A_187 = tpu.memref_slice %arg2[%add3A_179] : memref<327680xi32, #tpu.memory_space<hbm>> -> memref<512xi32, #tpu.memory_space<hbm>>
        tpu.enqueue_dma source(%dma_start3A_187 : memref<512xi32, #tpu.memory_space<hbm>>) target(%dma_start3A_186 : memref<512xi32, #tpu.memory_space<vmem>>) target_semaphore(%arg7 : memref<!tpu.dma_semaphore, #tpu.memory_space<semaphore_mem>>)
      } else {
      }
      %ge3A = arith.constant 2 : i32
      %ge3A_72 = arith.cmpi sge, %scan3A_52, %ge3A : i32
      %convert_element_type3A_73 = arith.extui %ge3A_72 : i1 to i32
      %cond3A_74 = arith.constant 0 : i32
      %cond3A_75 = arith.cmpi ne, %convert_element_type3A_73, %cond3A_74 : i32
      scf.if %cond3A_75 {
        %sub3A = arith.constant 2 : i32
        %sub3A_173 = arith.subi %scan3A_52, %sub3A : i32
        %rem3A_174 = arith.constant 2 : i32
        %rem3A_175 = arith.remsi %sub3A_173, %rem3A_174 : i32
        %mul3A_176 = arith.constant 512 : i32
        %mul3A_177 = arith.muli %sub3A_173, %mul3A_176 : i32
        %add3A_178 = arith.addi %mul3A_2, %mul3A_177 : i32
        %dma_wait3A_179 = arith.constant 0 : i32
        %dma_wait3A_180 = arith.constant 0 : i32
        %dma_wait3A_181 = tpu.memref_slice %arg6[%rem3A_175, %dma_wait3A_179, %dma_wait3A_180] : memref<2x512x64xf32, #tpu.memory_space<vmem>> -> memref<1x512x64xf32, #tpu.memory_space<vmem>>
        %dma_wait3A_182 = tpu.memref_squeeze %dma_wait3A_181 : memref<1x512x64xf32, #tpu.memory_space<vmem>> -> memref<512x64xf32, #tpu.memory_space<vmem>>
        %dma_wait3A_183 = arith.constant 0 : i32
        %dma_wait3A_184 = tpu.memref_slice %arg4[%add3A_178, %dma_wait3A_183] : memref<327680x64xf32, #tpu.memory_space<hbm>> -> memref<512x64xf32, #tpu.memory_space<hbm>>
        %dma_wait3A_185 = arith.constant 0 : i32
        %dma_wait3A_186 = tpu.memref_slice %arg4[%add3A_178, %dma_wait3A_185] : memref<327680x64xf32, #tpu.memory_space<hbm>> -> memref<512x64xf32, #tpu.memory_space<hbm>>
        %dma_wait3A_187 = arith.constant 0 : i32
        %dma_wait3A_188 = arith.constant 0 : i32
        %dma_wait3A_189 = tpu.memref_slice %arg6[%rem3A_175, %dma_wait3A_187, %dma_wait3A_188] : memref<2x512x64xf32, #tpu.memory_space<vmem>> -> memref<1x512x64xf32, #tpu.memory_space<vmem>>
        %dma_wait3A_190 = tpu.memref_squeeze %dma_wait3A_189 : memref<1x512x64xf32, #tpu.memory_space<vmem>> -> memref<512x64xf32, #tpu.memory_space<vmem>>
        tpu.wait_dma2 semaphore(%arg9 : memref<!tpu.dma_semaphore, #tpu.memory_space<semaphore_mem>>) src(%dma_wait3A_190 : memref<512x64xf32, #tpu.memory_space<vmem>>) dst(%dma_wait3A_186 : memref<512x64xf32, #tpu.memory_space<hbm>>)
      } else {
      }
      %dma_start3A_76 = arith.constant 0 : i32
      %dma_start3A_77 = arith.constant 0 : i32
      %dma_start3A_78 = tpu.memref_slice %arg6[%rem3A_54, %dma_start3A_76, %dma_start3A_77] : memref<2x512x64xf32, #tpu.memory_space<vmem>> -> memref<1x128x64xf32, #tpu.memory_space<vmem>>
      %dma_start3A_79 = tpu.memref_squeeze %dma_start3A_78 : memref<1x128x64xf32, #tpu.memory_space<vmem>> -> memref<128x64xf32, #tpu.memory_space<vmem>>
      %dma_start3A_80 = arith.constant 0 : i32
      %dma_start3A_81 = tpu.memref_slice %arg5[%rem3A_54, %dma_start3A_80] : memref<2x512xi32, #tpu.memory_space<vmem>> -> memref<1x128xi32, #tpu.memory_space<vmem>>
      %dma_start3A_82 = tpu.memref_squeeze %dma_start3A_81 : memref<1x128xi32, #tpu.memory_space<vmem>> -> memref<128xi32, #tpu.memory_space<vmem>>
      %dma_start3A_83 = arith.constant 0 : i32
      %dma_start3A_84 = arith.constant 0 : i32
      %dma_start3A_85 = tpu.memref_slice %arg3[%dma_start3A_83, %dma_start3A_84] : memref<1000000x64xf32, #tpu.memory_space<hbm>> -> memref<1000000x64xf32, #tpu.memory_space<hbm>>
      tpu.enqueue_indirect_dma source(%dma_start3A_85 : memref<1000000x64xf32, #tpu.memory_space<hbm>>) target(%dma_start3A_79 : memref<128x64xf32, #tpu.memory_space<vmem>>) offsets(%dma_start3A_82 : memref<128xi32, #tpu.memory_space<vmem>>) semaphore(%arg8 : memref<!tpu.dma_semaphore, #tpu.memory_space<semaphore_mem>>)
      %dma_start3A_86 = arith.constant 128 : i32
      %dma_start3A_87 = arith.constant 0 : i32
      %dma_start3A_88 = tpu.memref_slice %arg6[%rem3A_54, %dma_start3A_86, %dma_start3A_87] : memref<2x512x64xf32, #tpu.memory_space<vmem>> -> memref<1x128x64xf32, #tpu.memory_space<vmem>>
      %dma_start3A_89 = tpu.memref_squeeze %dma_start3A_88 : memref<1x128x64xf32, #tpu.memory_space<vmem>> -> memref<128x64xf32, #tpu.memory_space<vmem>>
      %dma_start3A_90 = arith.constant 128 : i32
      %dma_start3A_91 = tpu.memref_slice %arg5[%rem3A_54, %dma_start3A_90] : memref<2x512xi32, #tpu.memory_space<vmem>> -> memref<1x128xi32, #tpu.memory_space<vmem>>
      %dma_start3A_92 = tpu.memref_squeeze %dma_start3A_91 : memref<1x128xi32, #tpu.memory_space<vmem>> -> memref<128xi32, #tpu.memory_space<vmem>>
      %dma_start3A_93 = arith.constant 0 : i32
      %dma_start3A_94 = arith.constant 0 : i32
      %dma_start3A_95 = tpu.memref_slice %arg3[%dma_start3A_93, %dma_start3A_94] : memref<1000000x64xf32, #tpu.memory_space<hbm>> -> memref<1000000x64xf32, #tpu.memory_space<hbm>>
      tpu.enqueue_indirect_dma source(%dma_start3A_95 : memref<1000000x64xf32, #tpu.memory_space<hbm>>) target(%dma_start3A_89 : memref<128x64xf32, #tpu.memory_space<vmem>>) offsets(%dma_start3A_92 : memref<128xi32, #tpu.memory_space<vmem>>) semaphore(%arg8 : memref<!tpu.dma_semaphore, #tpu.memory_space<semaphore_mem>>)
      %dma_start3A_96 = arith.constant 256 : i32
      %dma_start3A_97 = arith.constant 0 : i32
      %dma_start3A_98 = tpu.memref_slice %arg6[%rem3A_54, %dma_start3A_96, %dma_start3A_97] : memref<2x512x64xf32, #tpu.memory_space<vmem>> -> memref<1x128x64xf32, #tpu.memory_space<vmem>>
      %dma_start3A_99 = tpu.memref_squeeze %dma_start3A_98 : memref<1x128x64xf32, #tpu.memory_space<vmem>> -> memref<128x64xf32, #tpu.memory_space<vmem>>
      %dma_start3A_100 = arith.constant 256 : i32
      %dma_start3A_101 = tpu.memref_slice %arg5[%rem3A_54, %dma_start3A_100] : memref<2x512xi32, #tpu.memory_space<vmem>> -> memref<1x128xi32, #tpu.memory_space<vmem>>
      %dma_start3A_102 = tpu.memref_squeeze %dma_start3A_101 : memref<1x128xi32, #tpu.memory_space<vmem>> -> memref<128xi32, #tpu.memory_space<vmem>>
      %dma_start3A_103 = arith.constant 0 : i32
      %dma_start3A_104 = arith.constant 0 : i32
      %dma_start3A_105 = tpu.memref_slice %arg3[%dma_start3A_103, %dma_start3A_104] : memref<1000000x64xf32, #tpu.memory_space<hbm>> -> memref<1000000x64xf32, #tpu.memory_space<hbm>>
      tpu.enqueue_indirect_dma source(%dma_start3A_105 : memref<1000000x64xf32, #tpu.memory_space<hbm>>) target(%dma_start3A_99 : memref<128x64xf32, #tpu.memory_space<vmem>>) offsets(%dma_start3A_102 : memref<128xi32, #tpu.memory_space<vmem>>) semaphore(%arg8 : memref<!tpu.dma_semaphore, #tpu.memory_space<semaphore_mem>>)
      %dma_start3A_106 = arith.constant 384 : i32
      %dma_start3A_107 = arith.constant 0 : i32
      %dma_start3A_108 = tpu.memref_slice %arg6[%rem3A_54, %dma_start3A_106, %dma_start3A_107] : memref<2x512x64xf32, #tpu.memory_space<vmem>> -> memref<1x128x64xf32, #tpu.memory_space<vmem>>
      %dma_start3A_109 = tpu.memref_squeeze %dma_start3A_108 : memref<1x128x64xf32, #tpu.memory_space<vmem>> -> memref<128x64xf32, #tpu.memory_space<vmem>>
      %dma_start3A_110 = arith.constant 384 : i32
      %dma_start3A_111 = tpu.memref_slice %arg5[%rem3A_54, %dma_start3A_110] : memref<2x512xi32, #tpu.memory_space<vmem>> -> memref<1x128xi32, #tpu.memory_space<vmem>>
      %dma_start3A_112 = tpu.memref_squeeze %dma_start3A_111 : memref<1x128xi32, #tpu.memory_space<vmem>> -> memref<128xi32, #tpu.memory_space<vmem>>
      %dma_start3A_113 = arith.constant 0 : i32
      %dma_start3A_114 = arith.constant 0 : i32
      %dma_start3A_115 = tpu.memref_slice %arg3[%dma_start3A_113, %dma_start3A_114] : memref<1000000x64xf32, #tpu.memory_space<hbm>> -> memref<1000000x64xf32, #tpu.memory_space<hbm>>
      tpu.enqueue_indirect_dma source(%dma_start3A_115 : memref<1000000x64xf32, #tpu.memory_space<hbm>>) target(%dma_start3A_109 : memref<128x64xf32, #tpu.memory_space<vmem>>) offsets(%dma_start3A_112 : memref<128xi32, #tpu.memory_space<vmem>>) semaphore(%arg8 : memref<!tpu.dma_semaphore, #tpu.memory_space<semaphore_mem>>)
      %dma_wait3A_116 = arith.constant 0 : i32
      %dma_wait3A_117 = arith.constant 0 : i32
      %dma_wait3A_118 = tpu.memref_slice %arg6[%rem3A_54, %dma_wait3A_116, %dma_wait3A_117] : memref<2x512x64xf32, #tpu.memory_space<vmem>> -> memref<1x128x64xf32, #tpu.memory_space<vmem>>
      %dma_wait3A_119 = tpu.memref_squeeze %dma_wait3A_118 : memref<1x128x64xf32, #tpu.memory_space<vmem>> -> memref<128x64xf32, #tpu.memory_space<vmem>>
      %dma_wait3A_120 = arith.constant 0 : i32
      %dma_wait3A_121 = tpu.memref_slice %arg5[%rem3A_54, %dma_wait3A_120] : memref<2x512xi32, #tpu.memory_space<vmem>> -> memref<1x128xi32, #tpu.memory_space<vmem>>
      %dma_wait3A_122 = tpu.memref_squeeze %dma_wait3A_121 : memref<1x128xi32, #tpu.memory_space<vmem>> -> memref<128xi32, #tpu.memory_space<vmem>>
      %dma_wait3A_123 = arith.constant 0 : i32
      %dma_wait3A_124 = arith.constant 0 : i32
      %dma_wait3A_125 = tpu.memref_slice %arg3[%dma_wait3A_123, %dma_wait3A_124] : memref<1000000x64xf32, #tpu.memory_space<hbm>> -> memref<1000000x64xf32, #tpu.memory_space<hbm>>
      tpu.wait_indirect_dma semaphore(%arg8 : memref<!tpu.dma_semaphore, #tpu.memory_space<semaphore_mem>>) src(%dma_wait3A_125 : memref<1000000x64xf32, #tpu.memory_space<hbm>>) dst(%dma_wait3A_119 : memref<128x64xf32, #tpu.memory_space<vmem>>)
      %dma_wait3A_126 = arith.constant 128 : i32
      %dma_wait3A_127 = arith.constant 0 : i32
      %dma_wait3A_128 = tpu.memref_slice %arg6[%rem3A_54, %dma_wait3A_126, %dma_wait3A_127] : memref<2x512x64xf32, #tpu.memory_space<vmem>> -> memref<1x128x64xf32, #tpu.memory_space<vmem>>
      %dma_wait3A_129 = tpu.memref_squeeze %dma_wait3A_128 : memref<1x128x64xf32, #tpu.memory_space<vmem>> -> memref<128x64xf32, #tpu.memory_space<vmem>>
      %dma_wait3A_130 = arith.constant 128 : i32
      %dma_wait3A_131 = tpu.memref_slice %arg5[%rem3A_54, %dma_wait3A_130] : memref<2x512xi32, #tpu.memory_space<vmem>> -> memref<1x128xi32, #tpu.memory_space<vmem>>
      %dma_wait3A_132 = tpu.memref_squeeze %dma_wait3A_131 : memref<1x128xi32, #tpu.memory_space<vmem>> -> memref<128xi32, #tpu.memory_space<vmem>>
      %dma_wait3A_133 = arith.constant 0 : i32
      %dma_wait3A_134 = arith.constant 0 : i32
      %dma_wait3A_135 = tpu.memref_slice %arg3[%dma_wait3A_133, %dma_wait3A_134] : memref<1000000x64xf32, #tpu.memory_space<hbm>> -> memref<1000000x64xf32, #tpu.memory_space<hbm>>
      tpu.wait_indirect_dma semaphore(%arg8 : memref<!tpu.dma_semaphore, #tpu.memory_space<semaphore_mem>>) src(%dma_wait3A_135 : memref<1000000x64xf32, #tpu.memory_space<hbm>>) dst(%dma_wait3A_129 : memref<128x64xf32, #tpu.memory_space<vmem>>)
      %dma_wait3A_136 = arith.constant 256 : i32
      %dma_wait3A_137 = arith.constant 0 : i32
      %dma_wait3A_138 = tpu.memref_slice %arg6[%rem3A_54, %dma_wait3A_136, %dma_wait3A_137] : memref<2x512x64xf32, #tpu.memory_space<vmem>> -> memref<1x128x64xf32, #tpu.memory_space<vmem>>
      %dma_wait3A_139 = tpu.memref_squeeze %dma_wait3A_138 : memref<1x128x64xf32, #tpu.memory_space<vmem>> -> memref<128x64xf32, #tpu.memory_space<vmem>>
      %dma_wait3A_140 = arith.constant 256 : i32
      %dma_wait3A_141 = tpu.memref_slice %arg5[%rem3A_54, %dma_wait3A_140] : memref<2x512xi32, #tpu.memory_space<vmem>> -> memref<1x128xi32, #tpu.memory_space<vmem>>
      %dma_wait3A_142 = tpu.memref_squeeze %dma_wait3A_141 : memref<1x128xi32, #tpu.memory_space<vmem>> -> memref<128xi32, #tpu.memory_space<vmem>>
      %dma_wait3A_143 = arith.constant 0 : i32
      %dma_wait3A_144 = arith.constant 0 : i32
      %dma_wait3A_145 = tpu.memref_slice %arg3[%dma_wait3A_143, %dma_wait3A_144] : memref<1000000x64xf32, #tpu.memory_space<hbm>> -> memref<1000000x64xf32, #tpu.memory_space<hbm>>
      tpu.wait_indirect_dma semaphore(%arg8 : memref<!tpu.dma_semaphore, #tpu.memory_space<semaphore_mem>>) src(%dma_wait3A_145 : memref<1000000x64xf32, #tpu.memory_space<hbm>>) dst(%dma_wait3A_139 : memref<128x64xf32, #tpu.memory_space<vmem>>)
      %dma_wait3A_146 = arith.constant 384 : i32
      %dma_wait3A_147 = arith.constant 0 : i32
      %dma_wait3A_148 = tpu.memref_slice %arg6[%rem3A_54, %dma_wait3A_146, %dma_wait3A_147] : memref<2x512x64xf32, #tpu.memory_space<vmem>> -> memref<1x128x64xf32, #tpu.memory_space<vmem>>
      %dma_wait3A_149 = tpu.memref_squeeze %dma_wait3A_148 : memref<1x128x64xf32, #tpu.memory_space<vmem>> -> memref<128x64xf32, #tpu.memory_space<vmem>>
      %dma_wait3A_150 = arith.constant 384 : i32
      %dma_wait3A_151 = tpu.memref_slice %arg5[%rem3A_54, %dma_wait3A_150] : memref<2x512xi32, #tpu.memory_space<vmem>> -> memref<1x128xi32, #tpu.memory_space<vmem>>
      %dma_wait3A_152 = tpu.memref_squeeze %dma_wait3A_151 : memref<1x128xi32, #tpu.memory_space<vmem>> -> memref<128xi32, #tpu.memory_space<vmem>>
      %dma_wait3A_153 = arith.constant 0 : i32
      %dma_wait3A_154 = arith.constant 0 : i32
      %dma_wait3A_155 = tpu.memref_slice %arg3[%dma_wait3A_153, %dma_wait3A_154] : memref<1000000x64xf32, #tpu.memory_space<hbm>> -> memref<1000000x64xf32, #tpu.memory_space<hbm>>
      tpu.wait_indirect_dma semaphore(%arg8 : memref<!tpu.dma_semaphore, #tpu.memory_space<semaphore_mem>>) src(%dma_wait3A_155 : memref<1000000x64xf32, #tpu.memory_space<hbm>>) dst(%dma_wait3A_149 : memref<128x64xf32, #tpu.memory_space<vmem>>)
      %rem3A_156 = arith.constant 2 : i32
      %rem3A_157 = arith.remsi %scan3A_52, %rem3A_156 : i32
      %mul3A_158 = arith.constant 512 : i32
      %mul3A_159 = arith.muli %scan3A_52, %mul3A_158 : i32
      %add3A_160 = arith.addi %mul3A_2, %mul3A_159 : i32
      %dma_start3A_161 = arith.constant 0 : i32
      %dma_start3A_162 = arith.constant 0 : i32
      %dma_start3A_163 = tpu.memref_slice %arg6[%rem3A_157, %dma_start3A_161, %dma_start3A_162] : memref<2x512x64xf32, #tpu.memory_space<vmem>> -> memref<1x512x64xf32, #tpu.memory_space<vmem>>
      %dma_start3A_164 = tpu.memref_squeeze %dma_start3A_163 : memref<1x512x64xf32, #tpu.memory_space<vmem>> -> memref<512x64xf32, #tpu.memory_space<vmem>>
      %dma_start3A_165 = arith.constant 0 : i32
      %dma_start3A_166 = tpu.memref_slice %arg4[%add3A_160, %dma_start3A_165] : memref<327680x64xf32, #tpu.memory_space<hbm>> -> memref<512x64xf32, #tpu.memory_space<hbm>>
      %dma_start3A_167 = arith.constant 0 : i32
      %dma_start3A_168 = tpu.memref_slice %arg4[%add3A_160, %dma_start3A_167] : memref<327680x64xf32, #tpu.memory_space<hbm>> -> memref<512x64xf32, #tpu.memory_space<hbm>>
      %dma_start3A_169 = arith.constant 0 : i32
      %dma_start3A_170 = arith.constant 0 : i32
      %dma_start3A_171 = tpu.memref_slice %arg6[%rem3A_157, %dma_start3A_169, %dma_start3A_170] : memref<2x512x64xf32, #tpu.memory_space<vmem>> -> memref<1x512x64xf32, #tpu.memory_space<vmem>>
      %dma_start3A_172 = tpu.memref_squeeze %dma_start3A_171 : memref<1x512x64xf32, #tpu.memory_space<vmem>> -> memref<512x64xf32, #tpu.memory_space<vmem>>
      tpu.enqueue_dma source(%dma_start3A_172 : memref<512x64xf32, #tpu.memory_space<vmem>>) target(%dma_start3A_168 : memref<512x64xf32, #tpu.memory_space<hbm>>) target_semaphore(%arg9 : memref<!tpu.dma_semaphore, #tpu.memory_space<semaphore_mem>>)
    }
    %scan3A_18 = arith.constant 20 : i32
    %rem3A_19 = arith.constant 18 : i32
    %rem3A_20 = arith.constant 2 : i32
    %rem3A_21 = arith.remsi %rem3A_19, %rem3A_20 : i32
    %add3A_22 = arith.constant 9216 : i32
    %add3A_23 = arith.addi %mul3A_2, %add3A_22 : i32
    %dma_wait3A = arith.constant 0 : i32
    %dma_wait3A_24 = arith.constant 0 : i32
    %dma_wait3A_25 = tpu.memref_slice %arg6[%rem3A_21, %dma_wait3A, %dma_wait3A_24] : memref<2x512x64xf32, #tpu.memory_space<vmem>> -> memref<1x512x64xf32, #tpu.memory_space<vmem>>
    %dma_wait3A_26 = tpu.memref_squeeze %dma_wait3A_25 : memref<1x512x64xf32, #tpu.memory_space<vmem>> -> memref<512x64xf32, #tpu.memory_space<vmem>>
    %dma_wait3A_27 = arith.constant 0 : i32
    %dma_wait3A_28 = tpu.memref_slice %arg4[%add3A_23, %dma_wait3A_27] : memref<327680x64xf32, #tpu.memory_space<hbm>> -> memref<512x64xf32, #tpu.memory_space<hbm>>
    %dma_wait3A_29 = arith.constant 0 : i32
    %dma_wait3A_30 = tpu.memref_slice %arg4[%add3A_23, %dma_wait3A_29] : memref<327680x64xf32, #tpu.memory_space<hbm>> -> memref<512x64xf32, #tpu.memory_space<hbm>>
    %dma_wait3A_31 = arith.constant 0 : i32
    %dma_wait3A_32 = arith.constant 0 : i32
    %dma_wait3A_33 = tpu.memref_slice %arg6[%rem3A_21, %dma_wait3A_31, %dma_wait3A_32] : memref<2x512x64xf32, #tpu.memory_space<vmem>> -> memref<1x512x64xf32, #tpu.memory_space<vmem>>
    %dma_wait3A_34 = tpu.memref_squeeze %dma_wait3A_33 : memref<1x512x64xf32, #tpu.memory_space<vmem>> -> memref<512x64xf32, #tpu.memory_space<vmem>>
    tpu.wait_dma2 semaphore(%arg9 : memref<!tpu.dma_semaphore, #tpu.memory_space<semaphore_mem>>) src(%dma_wait3A_34 : memref<512x64xf32, #tpu.memory_space<vmem>>) dst(%dma_wait3A_30 : memref<512x64xf32, #tpu.memory_space<hbm>>)
    %rem3A_35 = arith.constant 19 : i32
    %rem3A_36 = arith.constant 2 : i32
    %rem3A_37 = arith.remsi %rem3A_35, %rem3A_36 : i32
    %add3A_38 = arith.constant 9728 : i32
    %add3A_39 = arith.addi %mul3A_2, %add3A_38 : i32
    %dma_wait3A_40 = arith.constant 0 : i32
    %dma_wait3A_41 = arith.constant 0 : i32
    %dma_wait3A_42 = tpu.memref_slice %arg6[%rem3A_37, %dma_wait3A_40, %dma_wait3A_41] : memref<2x512x64xf32, #tpu.memory_space<vmem>> -> memref<1x512x64xf32, #tpu.memory_space<vmem>>
    %dma_wait3A_43 = tpu.memref_squeeze %dma_wait3A_42 : memref<1x512x64xf32, #tpu.memory_space<vmem>> -> memref<512x64xf32, #tpu.memory_space<vmem>>
    %dma_wait3A_44 = arith.constant 0 : i32
    %dma_wait3A_45 = tpu.memref_slice %arg4[%add3A_39, %dma_wait3A_44] : memref<327680x64xf32, #tpu.memory_space<hbm>> -> memref<512x64xf32, #tpu.memory_space<hbm>>
    %dma_wait3A_46 = arith.constant 0 : i32
    %dma_wait3A_47 = tpu.memref_slice %arg4[%add3A_39, %dma_wait3A_46] : memref<327680x64xf32, #tpu.memory_space<hbm>> -> memref<512x64xf32, #tpu.memory_space<hbm>>
    %dma_wait3A_48 = arith.constant 0 : i32
    %dma_wait3A_49 = arith.constant 0 : i32
    %dma_wait3A_50 = tpu.memref_slice %arg6[%rem3A_37, %dma_wait3A_48, %dma_wait3A_49] : memref<2x512x64xf32, #tpu.memory_space<vmem>> -> memref<1x512x64xf32, #tpu.memory_space<vmem>>
    %dma_wait3A_51 = tpu.memref_squeeze %dma_wait3A_50 : memref<1x512x64xf32, #tpu.memory_space<vmem>> -> memref<512x64xf32, #tpu.memory_space<vmem>>
    tpu.wait_dma2 semaphore(%arg9 : memref<!tpu.dma_semaphore, #tpu.memory_space<semaphore_mem>>) src(%dma_wait3A_51 : memref<512x64xf32, #tpu.memory_space<vmem>>) dst(%dma_wait3A_47 : memref<512x64xf32, #tpu.memory_space<hbm>>)
    return
  }
}

#map = affine_map<(d0, d1) -> (0, 0)>
#map1 = affine_map<(d0, d1) -> (0)>
module attributes {stable_mosaic.version = 14 : i64} {
  func.func @_pool_body(%arg0: i32, %arg1: i32, %arg2: memref<327680x64xf32, #tpu.memory_space<hbm>>, %arg3: memref<327680xi32, #tpu.memory_space<hbm>>, %arg4: memref<16384x64xf32, #tpu.memory_space<hbm>>, %arg5: memref<2x2x128xi32, #tpu.memory_space<vmem>>, %arg6: memref<2x256x64xf32, #tpu.memory_space<vmem>>, %arg7: memref<16384x64xf32, #tpu.memory_space<vmem_shared>>, %arg8: memref<!tpu.dma_semaphore, #tpu.memory_space<semaphore_mem>>) attributes {dimension_semantics = [#tpu.dimension_semantics<core_parallel>, #tpu.dimension_semantics<subcore_parallel>], iteration_bounds = array<i64: 1, 16>, scalar_prefetch = 0 : i64, scratch_operands = 4 : i64, tpu.core_type = #tpu.core_type<sc_vector_subcore>, window_params = [{transform_indices = #map}, {transform_indices = #map1}, {transform_indices = #map}]} {
    %mul3A = arith.constant 20480 : i32
    %mul3A_0 = arith.muli %arg1, %mul3A : i32
    %scan3A = arith.constant 0 : i32
    %scan3A_1 = arith.constant 0 : i32
    %scan3A_2 = arith.constant 256 : i32
    %scan3A_3 = arith.addi %scan3A_1, %scan3A_2 : i32
    %scan3A_4 = arith.constant 1 : i32
    scf.for %scan3A_102 = %scan3A_1 to %scan3A_3 step %scan3A_4  : i32 {
      %broadcast_in_dim3A = arith.constant 0.000000e+00 : f32
      %broadcast_in_dim3A_103 = vector.broadcast %broadcast_in_dim3A : f32 to vector<16xf32>
      %swap3A = arith.constant 0 : i32
      %swap3A_104 = arith.index_cast %swap3A : i32 to index
      %swap3A_105 = arith.index_cast %scan3A_102 : i32 to index
      %swap3A_106 = arith.constant 0 : index
      %swap3A_107 = tpu.vector_load %arg6[%swap3A_104, %swap3A_105, %swap3A_106] {strides = array<i32>} : memref<2x256x64xf32, #tpu.memory_space<vmem>>, vector<1x1x16xf32>,
      %swap3A_108 = vector.shape_cast %swap3A_107 : vector<1x1x16xf32> to vector<16xf32>
      %swap3A_109 = vector.shape_cast %broadcast_in_dim3A_103 : vector<16xf32> to vector<1x1x16xf32>
      tpu.vector_store %arg6[%swap3A_104, %swap3A_105, %swap3A_106], %swap3A_109 {strides = array<i32>} : memref<2x256x64xf32, #tpu.memory_space<vmem>>, vector<1x1x16xf32>,
      %broadcast_in_dim3A_110 = arith.constant 0.000000e+00 : f32
      %broadcast_in_dim3A_111 = vector.broadcast %broadcast_in_dim3A_110 : f32 to vector<16xf32>
      %swap3A_112 = arith.constant 0 : i32
      %swap3A_113 = arith.index_cast %swap3A_112 : i32 to index
      %swap3A_114 = arith.index_cast %scan3A_102 : i32 to index
      %swap3A_115 = arith.constant 16 : index
      %swap3A_116 = tpu.vector_load %arg6[%swap3A_113, %swap3A_114, %swap3A_115] {strides = array<i32>} : memref<2x256x64xf32, #tpu.memory_space<vmem>>, vector<1x1x16xf32>,
      %swap3A_117 = vector.shape_cast %swap3A_116 : vector<1x1x16xf32> to vector<16xf32>
      %swap3A_118 = vector.shape_cast %broadcast_in_dim3A_111 : vector<16xf32> to vector<1x1x16xf32>
      tpu.vector_store %arg6[%swap3A_113, %swap3A_114, %swap3A_115], %swap3A_118 {strides = array<i32>} : memref<2x256x64xf32, #tpu.memory_space<vmem>>, vector<1x1x16xf32>,
      %broadcast_in_dim3A_119 = arith.constant 0.000000e+00 : f32
      %broadcast_in_dim3A_120 = vector.broadcast %broadcast_in_dim3A_119 : f32 to vector<16xf32>
      %swap3A_121 = arith.constant 0 : i32
      %swap3A_122 = arith.index_cast %swap3A_121 : i32 to index
      %swap3A_123 = arith.index_cast %scan3A_102 : i32 to index
      %swap3A_124 = arith.constant 32 : index
      %swap3A_125 = tpu.vector_load %arg6[%swap3A_122, %swap3A_123, %swap3A_124] {strides = array<i32>} : memref<2x256x64xf32, #tpu.memory_space<vmem>>, vector<1x1x16xf32>,
      %swap3A_126 = vector.shape_cast %swap3A_125 : vector<1x1x16xf32> to vector<16xf32>
      %swap3A_127 = vector.shape_cast %broadcast_in_dim3A_120 : vector<16xf32> to vector<1x1x16xf32>
      tpu.vector_store %arg6[%swap3A_122, %swap3A_123, %swap3A_124], %swap3A_127 {strides = array<i32>} : memref<2x256x64xf32, #tpu.memory_space<vmem>>, vector<1x1x16xf32>,
      %broadcast_in_dim3A_128 = arith.constant 0.000000e+00 : f32
      %broadcast_in_dim3A_129 = vector.broadcast %broadcast_in_dim3A_128 : f32 to vector<16xf32>
      %swap3A_130 = arith.constant 0 : i32
      %swap3A_131 = arith.index_cast %swap3A_130 : i32 to index
      %swap3A_132 = arith.index_cast %scan3A_102 : i32 to index
      %swap3A_133 = arith.constant 48 : index
      %swap3A_134 = tpu.vector_load %arg6[%swap3A_131, %swap3A_132, %swap3A_133] {strides = array<i32>} : memref<2x256x64xf32, #tpu.memory_space<vmem>>, vector<1x1x16xf32>,
      %swap3A_135 = vector.shape_cast %swap3A_134 : vector<1x1x16xf32> to vector<16xf32>
      %swap3A_136 = vector.shape_cast %broadcast_in_dim3A_129 : vector<16xf32> to vector<1x1x16xf32>
      tpu.vector_store %arg6[%swap3A_131, %swap3A_132, %swap3A_133], %swap3A_136 {strides = array<i32>} : memref<2x256x64xf32, #tpu.memory_space<vmem>>, vector<1x1x16xf32>,
    }
    %scan3A_5 = arith.constant 256 : i32
    %mul3A_6 = arith.constant 1024 : i32
    %mul3A_7 = arith.muli %arg1, %mul3A_6 : i32
    %add3A = arith.constant 0 : i32
    %add3A_8 = arith.addi %mul3A_7, %add3A : i32
    %run_scoped3A = arith.constant 0 : i32
    "tpu.region"() ({
      %run_scoped3A_102 = tpu.sem_alloc : memref<!tpu.dma_semaphore, #tpu.memory_space<semaphore_mem>>
      %dma_start3A_103 = arith.constant 0 : i32
      %dma_start3A_104 = arith.constant 0 : i32
      %dma_start3A_105 = tpu.memref_slice %arg6[%run_scoped3A, %dma_start3A_103, %dma_start3A_104] : memref<2x256x64xf32, #tpu.memory_space<vmem>> -> memref<1x256x64xf32, #tpu.memory_space<vmem>>
      %dma_start3A_106 = tpu.memref_squeeze %dma_start3A_105 : memref<1x256x64xf32, #tpu.memory_space<vmem>> -> memref<256x64xf32, #tpu.memory_space<vmem>>
      %dma_start3A_107 = arith.constant 0 : i32
      %dma_start3A_108 = tpu.memref_slice %arg7[%add3A_8, %dma_start3A_107] : memref<16384x64xf32, #tpu.memory_space<vmem_shared>> -> memref<256x64xf32, #tpu.memory_space<vmem_shared>>
      %dma_start3A_109 = arith.constant 0 : i32
      %dma_start3A_110 = tpu.memref_slice %arg7[%add3A_8, %dma_start3A_109] : memref<16384x64xf32, #tpu.memory_space<vmem_shared>> -> memref<256x64xf32, #tpu.memory_space<vmem_shared>>
      %dma_start3A_111 = arith.constant 0 : i32
      %dma_start3A_112 = arith.constant 0 : i32
      %dma_start3A_113 = tpu.memref_slice %arg6[%run_scoped3A, %dma_start3A_111, %dma_start3A_112] : memref<2x256x64xf32, #tpu.memory_space<vmem>> -> memref<1x256x64xf32, #tpu.memory_space<vmem>>
      %dma_start3A_114 = tpu.memref_squeeze %dma_start3A_113 : memref<1x256x64xf32, #tpu.memory_space<vmem>> -> memref<256x64xf32, #tpu.memory_space<vmem>>
      tpu.enqueue_dma source(%dma_start3A_114 : memref<256x64xf32, #tpu.memory_space<vmem>>) target(%dma_start3A_110 : memref<256x64xf32, #tpu.memory_space<vmem_shared>>) target_semaphore(%run_scoped3A_102 : memref<!tpu.dma_semaphore, #tpu.memory_space<semaphore_mem>>)
      %dma_wait3A = arith.constant 0 : i32
      %dma_wait3A_115 = arith.constant 0 : i32
      %dma_wait3A_116 = tpu.memref_slice %arg6[%run_scoped3A, %dma_wait3A, %dma_wait3A_115] : memref<2x256x64xf32, #tpu.memory_space<vmem>> -> memref<1x256x64xf32, #tpu.memory_space<vmem>>
      %dma_wait3A_117 = tpu.memref_squeeze %dma_wait3A_116 : memref<1x256x64xf32, #tpu.memory_space<vmem>> -> memref<256x64xf32, #tpu.memory_space<vmem>>
      %dma_wait3A_118 = arith.constant 0 : i32
      %dma_wait3A_119 = tpu.memref_slice %arg7[%add3A_8, %dma_wait3A_118] : memref<16384x64xf32, #tpu.memory_space<vmem_shared>> -> memref<256x64xf32, #tpu.memory_space<vmem_shared>>
      %dma_wait3A_120 = arith.constant 0 : i32
      %dma_wait3A_121 = tpu.memref_slice %arg7[%add3A_8, %dma_wait3A_120] : memref<16384x64xf32, #tpu.memory_space<vmem_shared>> -> memref<256x64xf32, #tpu.memory_space<vmem_shared>>
      %dma_wait3A_122 = arith.constant 0 : i32
      %dma_wait3A_123 = arith.constant 0 : i32
      %dma_wait3A_124 = tpu.memref_slice %arg6[%run_scoped3A, %dma_wait3A_122, %dma_wait3A_123] : memref<2x256x64xf32, #tpu.memory_space<vmem>> -> memref<1x256x64xf32, #tpu.memory_space<vmem>>
      %dma_wait3A_125 = tpu.memref_squeeze %dma_wait3A_124 : memref<1x256x64xf32, #tpu.memory_space<vmem>> -> memref<256x64xf32, #tpu.memory_space<vmem>>
      tpu.wait_dma2 semaphore(%run_scoped3A_102 : memref<!tpu.dma_semaphore, #tpu.memory_space<semaphore_mem>>) src(%dma_wait3A_125 : memref<256x64xf32, #tpu.memory_space<vmem>>) dst(%dma_wait3A_121 : memref<256x64xf32, #tpu.memory_space<vmem_shared>>)
      tpu.yield
    }) : () -> ()
    %mul3A_9 = arith.constant 1024 : i32
    %mul3A_10 = arith.muli %arg1, %mul3A_9 : i32
    %add3A_11 = arith.constant 256 : i32
    %add3A_12 = arith.addi %mul3A_10, %add3A_11 : i32
    %run_scoped3A_13 = arith.constant 0 : i32
    "tpu.region"() ({
      %run_scoped3A_102 = tpu.sem_alloc : memref<!tpu.dma_semaphore, #tpu.memory_space<semaphore_mem>>
      %dma_start3A_103 = arith.constant 0 : i32
      %dma_start3A_104 = arith.constant 0 : i32
      %dma_start3A_105 = tpu.memref_slice %arg6[%run_scoped3A_13, %dma_start3A_103, %dma_start3A_104] : memref<2x256x64xf32, #tpu.memory_space<vmem>> -> memref<1x256x64xf32, #tpu.memory_space<vmem>>
      %dma_start3A_106 = tpu.memref_squeeze %dma_start3A_105 : memref<1x256x64xf32, #tpu.memory_space<vmem>> -> memref<256x64xf32, #tpu.memory_space<vmem>>
      %dma_start3A_107 = arith.constant 0 : i32
      %dma_start3A_108 = tpu.memref_slice %arg7[%add3A_12, %dma_start3A_107] : memref<16384x64xf32, #tpu.memory_space<vmem_shared>> -> memref<256x64xf32, #tpu.memory_space<vmem_shared>>
      %dma_start3A_109 = arith.constant 0 : i32
      %dma_start3A_110 = tpu.memref_slice %arg7[%add3A_12, %dma_start3A_109] : memref<16384x64xf32, #tpu.memory_space<vmem_shared>> -> memref<256x64xf32, #tpu.memory_space<vmem_shared>>
      %dma_start3A_111 = arith.constant 0 : i32
      %dma_start3A_112 = arith.constant 0 : i32
      %dma_start3A_113 = tpu.memref_slice %arg6[%run_scoped3A_13, %dma_start3A_111, %dma_start3A_112] : memref<2x256x64xf32, #tpu.memory_space<vmem>> -> memref<1x256x64xf32, #tpu.memory_space<vmem>>
      %dma_start3A_114 = tpu.memref_squeeze %dma_start3A_113 : memref<1x256x64xf32, #tpu.memory_space<vmem>> -> memref<256x64xf32, #tpu.memory_space<vmem>>
      tpu.enqueue_dma source(%dma_start3A_114 : memref<256x64xf32, #tpu.memory_space<vmem>>) target(%dma_start3A_110 : memref<256x64xf32, #tpu.memory_space<vmem_shared>>) target_semaphore(%run_scoped3A_102 : memref<!tpu.dma_semaphore, #tpu.memory_space<semaphore_mem>>)
      %dma_wait3A = arith.constant 0 : i32
      %dma_wait3A_115 = arith.constant 0 : i32
      %dma_wait3A_116 = tpu.memref_slice %arg6[%run_scoped3A_13, %dma_wait3A, %dma_wait3A_115] : memref<2x256x64xf32, #tpu.memory_space<vmem>> -> memref<1x256x64xf32, #tpu.memory_space<vmem>>
      %dma_wait3A_117 = tpu.memref_squeeze %dma_wait3A_116 : memref<1x256x64xf32, #tpu.memory_space<vmem>> -> memref<256x64xf32, #tpu.memory_space<vmem>>
      %dma_wait3A_118 = arith.constant 0 : i32
      %dma_wait3A_119 = tpu.memref_slice %arg7[%add3A_12, %dma_wait3A_118] : memref<16384x64xf32, #tpu.memory_space<vmem_shared>> -> memref<256x64xf32, #tpu.memory_space<vmem_shared>>
      %dma_wait3A_120 = arith.constant 0 : i32
      %dma_wait3A_121 = tpu.memref_slice %arg7[%add3A_12, %dma_wait3A_120] : memref<16384x64xf32, #tpu.memory_space<vmem_shared>> -> memref<256x64xf32, #tpu.memory_space<vmem_shared>>
      %dma_wait3A_122 = arith.constant 0 : i32
      %dma_wait3A_123 = arith.constant 0 : i32
      %dma_wait3A_124 = tpu.memref_slice %arg6[%run_scoped3A_13, %dma_wait3A_122, %dma_wait3A_123] : memref<2x256x64xf32, #tpu.memory_space<vmem>> -> memref<1x256x64xf32, #tpu.memory_space<vmem>>
      %dma_wait3A_125 = tpu.memref_squeeze %dma_wait3A_124 : memref<1x256x64xf32, #tpu.memory_space<vmem>> -> memref<256x64xf32, #tpu.memory_space<vmem>>
      tpu.wait_dma2 semaphore(%run_scoped3A_102 : memref<!tpu.dma_semaphore, #tpu.memory_space<semaphore_mem>>) src(%dma_wait3A_125 : memref<256x64xf32, #tpu.memory_space<vmem>>) dst(%dma_wait3A_121 : memref<256x64xf32, #tpu.memory_space<vmem_shared>>)
      tpu.yield
    }) : () -> ()
    %mul3A_14 = arith.constant 1024 : i32
    %mul3A_15 = arith.muli %arg1, %mul3A_14 : i32
    %add3A_16 = arith.constant 512 : i32
    %add3A_17 = arith.addi %mul3A_15, %add3A_16 : i32
    %run_scoped3A_18 = arith.constant 0 : i32
    "tpu.region"() ({
      %run_scoped3A_102 = tpu.sem_alloc : memref<!tpu.dma_semaphore, #tpu.memory_space<semaphore_mem>>
      %dma_start3A_103 = arith.constant 0 : i32
      %dma_start3A_104 = arith.constant 0 : i32
      %dma_start3A_105 = tpu.memref_slice %arg6[%run_scoped3A_18, %dma_start3A_103, %dma_start3A_104] : memref<2x256x64xf32, #tpu.memory_space<vmem>> -> memref<1x256x64xf32, #tpu.memory_space<vmem>>
      %dma_start3A_106 = tpu.memref_squeeze %dma_start3A_105 : memref<1x256x64xf32, #tpu.memory_space<vmem>> -> memref<256x64xf32, #tpu.memory_space<vmem>>
      %dma_start3A_107 = arith.constant 0 : i32
      %dma_start3A_108 = tpu.memref_slice %arg7[%add3A_17, %dma_start3A_107] : memref<16384x64xf32, #tpu.memory_space<vmem_shared>> -> memref<256x64xf32, #tpu.memory_space<vmem_shared>>
      %dma_start3A_109 = arith.constant 0 : i32
      %dma_start3A_110 = tpu.memref_slice %arg7[%add3A_17, %dma_start3A_109] : memref<16384x64xf32, #tpu.memory_space<vmem_shared>> -> memref<256x64xf32, #tpu.memory_space<vmem_shared>>
      %dma_start3A_111 = arith.constant 0 : i32
      %dma_start3A_112 = arith.constant 0 : i32
      %dma_start3A_113 = tpu.memref_slice %arg6[%run_scoped3A_18, %dma_start3A_111, %dma_start3A_112] : memref<2x256x64xf32, #tpu.memory_space<vmem>> -> memref<1x256x64xf32, #tpu.memory_space<vmem>>
      %dma_start3A_114 = tpu.memref_squeeze %dma_start3A_113 : memref<1x256x64xf32, #tpu.memory_space<vmem>> -> memref<256x64xf32, #tpu.memory_space<vmem>>
      tpu.enqueue_dma source(%dma_start3A_114 : memref<256x64xf32, #tpu.memory_space<vmem>>) target(%dma_start3A_110 : memref<256x64xf32, #tpu.memory_space<vmem_shared>>) target_semaphore(%run_scoped3A_102 : memref<!tpu.dma_semaphore, #tpu.memory_space<semaphore_mem>>)
      %dma_wait3A = arith.constant 0 : i32
      %dma_wait3A_115 = arith.constant 0 : i32
      %dma_wait3A_116 = tpu.memref_slice %arg6[%run_scoped3A_18, %dma_wait3A, %dma_wait3A_115] : memref<2x256x64xf32, #tpu.memory_space<vmem>> -> memref<1x256x64xf32, #tpu.memory_space<vmem>>
      %dma_wait3A_117 = tpu.memref_squeeze %dma_wait3A_116 : memref<1x256x64xf32, #tpu.memory_space<vmem>> -> memref<256x64xf32, #tpu.memory_space<vmem>>
      %dma_wait3A_118 = arith.constant 0 : i32
      %dma_wait3A_119 = tpu.memref_slice %arg7[%add3A_17, %dma_wait3A_118] : memref<16384x64xf32, #tpu.memory_space<vmem_shared>> -> memref<256x64xf32, #tpu.memory_space<vmem_shared>>
      %dma_wait3A_120 = arith.constant 0 : i32
      %dma_wait3A_121 = tpu.memref_slice %arg7[%add3A_17, %dma_wait3A_120] : memref<16384x64xf32, #tpu.memory_space<vmem_shared>> -> memref<256x64xf32, #tpu.memory_space<vmem_shared>>
      %dma_wait3A_122 = arith.constant 0 : i32
      %dma_wait3A_123 = arith.constant 0 : i32
      %dma_wait3A_124 = tpu.memref_slice %arg6[%run_scoped3A_18, %dma_wait3A_122, %dma_wait3A_123] : memref<2x256x64xf32, #tpu.memory_space<vmem>> -> memref<1x256x64xf32, #tpu.memory_space<vmem>>
      %dma_wait3A_125 = tpu.memref_squeeze %dma_wait3A_124 : memref<1x256x64xf32, #tpu.memory_space<vmem>> -> memref<256x64xf32, #tpu.memory_space<vmem>>
      tpu.wait_dma2 semaphore(%run_scoped3A_102 : memref<!tpu.dma_semaphore, #tpu.memory_space<semaphore_mem>>) src(%dma_wait3A_125 : memref<256x64xf32, #tpu.memory_space<vmem>>) dst(%dma_wait3A_121 : memref<256x64xf32, #tpu.memory_space<vmem_shared>>)
      tpu.yield
    }) : () -> ()
    %mul3A_19 = arith.constant 1024 : i32
    %mul3A_20 = arith.muli %arg1, %mul3A_19 : i32
    %add3A_21 = arith.constant 768 : i32
    %add3A_22 = arith.addi %mul3A_20, %add3A_21 : i32
    %run_scoped3A_23 = arith.constant 0 : i32
    "tpu.region"() ({
      %run_scoped3A_102 = tpu.sem_alloc : memref<!tpu.dma_semaphore, #tpu.memory_space<semaphore_mem>>
      %dma_start3A_103 = arith.constant 0 : i32
      %dma_start3A_104 = arith.constant 0 : i32
      %dma_start3A_105 = tpu.memref_slice %arg6[%run_scoped3A_23, %dma_start3A_103, %dma_start3A_104] : memref<2x256x64xf32, #tpu.memory_space<vmem>> -> memref<1x256x64xf32, #tpu.memory_space<vmem>>
      %dma_start3A_106 = tpu.memref_squeeze %dma_start3A_105 : memref<1x256x64xf32, #tpu.memory_space<vmem>> -> memref<256x64xf32, #tpu.memory_space<vmem>>
      %dma_start3A_107 = arith.constant 0 : i32
      %dma_start3A_108 = tpu.memref_slice %arg7[%add3A_22, %dma_start3A_107] : memref<16384x64xf32, #tpu.memory_space<vmem_shared>> -> memref<256x64xf32, #tpu.memory_space<vmem_shared>>
      %dma_start3A_109 = arith.constant 0 : i32
      %dma_start3A_110 = tpu.memref_slice %arg7[%add3A_22, %dma_start3A_109] : memref<16384x64xf32, #tpu.memory_space<vmem_shared>> -> memref<256x64xf32, #tpu.memory_space<vmem_shared>>
      %dma_start3A_111 = arith.constant 0 : i32
      %dma_start3A_112 = arith.constant 0 : i32
      %dma_start3A_113 = tpu.memref_slice %arg6[%run_scoped3A_23, %dma_start3A_111, %dma_start3A_112] : memref<2x256x64xf32, #tpu.memory_space<vmem>> -> memref<1x256x64xf32, #tpu.memory_space<vmem>>
      %dma_start3A_114 = tpu.memref_squeeze %dma_start3A_113 : memref<1x256x64xf32, #tpu.memory_space<vmem>> -> memref<256x64xf32, #tpu.memory_space<vmem>>
      tpu.enqueue_dma source(%dma_start3A_114 : memref<256x64xf32, #tpu.memory_space<vmem>>) target(%dma_start3A_110 : memref<256x64xf32, #tpu.memory_space<vmem_shared>>) target_semaphore(%run_scoped3A_102 : memref<!tpu.dma_semaphore, #tpu.memory_space<semaphore_mem>>)
      %dma_wait3A = arith.constant 0 : i32
      %dma_wait3A_115 = arith.constant 0 : i32
      %dma_wait3A_116 = tpu.memref_slice %arg6[%run_scoped3A_23, %dma_wait3A, %dma_wait3A_115] : memref<2x256x64xf32, #tpu.memory_space<vmem>> -> memref<1x256x64xf32, #tpu.memory_space<vmem>>
      %dma_wait3A_117 = tpu.memref_squeeze %dma_wait3A_116 : memref<1x256x64xf32, #tpu.memory_space<vmem>> -> memref<256x64xf32, #tpu.memory_space<vmem>>
      %dma_wait3A_118 = arith.constant 0 : i32
      %dma_wait3A_119 = tpu.memref_slice %arg7[%add3A_22, %dma_wait3A_118] : memref<16384x64xf32, #tpu.memory_space<vmem_shared>> -> memref<256x64xf32, #tpu.memory_space<vmem_shared>>
      %dma_wait3A_120 = arith.constant 0 : i32
      %dma_wait3A_121 = tpu.memref_slice %arg7[%add3A_22, %dma_wait3A_120] : memref<16384x64xf32, #tpu.memory_space<vmem_shared>> -> memref<256x64xf32, #tpu.memory_space<vmem_shared>>
      %dma_wait3A_122 = arith.constant 0 : i32
      %dma_wait3A_123 = arith.constant 0 : i32
      %dma_wait3A_124 = tpu.memref_slice %arg6[%run_scoped3A_23, %dma_wait3A_122, %dma_wait3A_123] : memref<2x256x64xf32, #tpu.memory_space<vmem>> -> memref<1x256x64xf32, #tpu.memory_space<vmem>>
      %dma_wait3A_125 = tpu.memref_squeeze %dma_wait3A_124 : memref<1x256x64xf32, #tpu.memory_space<vmem>> -> memref<256x64xf32, #tpu.memory_space<vmem>>
      tpu.wait_dma2 semaphore(%run_scoped3A_102 : memref<!tpu.dma_semaphore, #tpu.memory_space<semaphore_mem>>) src(%dma_wait3A_125 : memref<256x64xf32, #tpu.memory_space<vmem>>) dst(%dma_wait3A_121 : memref<256x64xf32, #tpu.memory_space<vmem_shared>>)
      tpu.yield
    }) : () -> ()
    %barrier3A = arith.constant 0 : index
    tpu.barrier barrier_id(%barrier3A)
    %rem3A = arith.constant 0 : i32
    %rem3A_24 = arith.constant 2 : i32
    %rem3A_25 = arith.remsi %rem3A, %rem3A_24 : i32
    %add3A_26 = arith.constant 0 : i32
    %add3A_27 = arith.addi %mul3A_0, %add3A_26 : i32
    %dma_start3A = arith.constant 0 : i32
    %dma_start3A_28 = arith.constant 0 : i32
    %dma_start3A_29 = tpu.memref_slice %arg6[%rem3A_25, %dma_start3A, %dma_start3A_28] : memref<2x256x64xf32, #tpu.memory_space<vmem>> -> memref<1x256x64xf32, #tpu.memory_space<vmem>>
    %dma_start3A_30 = tpu.memref_squeeze %dma_start3A_29 : memref<1x256x64xf32, #tpu.memory_space<vmem>> -> memref<256x64xf32, #tpu.memory_space<vmem>>
    %dma_start3A_31 = arith.constant 0 : i32
    %dma_start3A_32 = tpu.memref_slice %arg2[%add3A_27, %dma_start3A_31] : memref<327680x64xf32, #tpu.memory_space<hbm>> -> memref<256x64xf32, #tpu.memory_space<hbm>>
    %dma_start3A_33 = arith.constant 0 : i32
    %dma_start3A_34 = arith.constant 0 : i32
    %dma_start3A_35 = tpu.memref_slice %arg6[%rem3A_25, %dma_start3A_33, %dma_start3A_34] : memref<2x256x64xf32, #tpu.memory_space<vmem>> -> memref<1x256x64xf32, #tpu.memory_space<vmem>>
    %dma_start3A_36 = tpu.memref_squeeze %dma_start3A_35 : memref<1x256x64xf32, #tpu.memory_space<vmem>> -> memref<256x64xf32, #tpu.memory_space<vmem>>
    %dma_start3A_37 = arith.constant 0 : i32
    %dma_start3A_38 = tpu.memref_slice %arg2[%add3A_27, %dma_start3A_37] : memref<327680x64xf32, #tpu.memory_space<hbm>> -> memref<256x64xf32, #tpu.memory_space<hbm>>
    tpu.enqueue_dma source(%dma_start3A_38 : memref<256x64xf32, #tpu.memory_space<hbm>>) target(%dma_start3A_36 : memref<256x64xf32, #tpu.memory_space<vmem>>) target_semaphore(%arg8 : memref<!tpu.dma_semaphore, #tpu.memory_space<semaphore_mem>>)
    %rem3A_39 = arith.constant 0 : i32
    %rem3A_40 = arith.constant 2 : i32
    %rem3A_41 = arith.remsi %rem3A_39, %rem3A_40 : i32
    %add3A_42 = arith.constant 0 : i32
    %add3A_43 = arith.addi %mul3A_0, %add3A_42 : i32
    %add3A_44 = arith.constant 0 : i32
    %add3A_45 = arith.addi %add3A_43, %add3A_44 : i32
    %dma_start3A_46 = arith.constant 0 : i32
    %dma_start3A_47 = arith.constant 0 : i32
    %dma_start3A_48 = tpu.memref_slice %arg5[%rem3A_41, %dma_start3A_46, %dma_start3A_47] : memref<2x2x128xi32, #tpu.memory_space<vmem>> -> memref<1x1x128xi32, #tpu.memory_space<vmem>>
    %dma_start3A_49 = tpu.memref_squeeze %dma_start3A_48 : memref<1x1x128xi32, #tpu.memory_space<vmem>> -> memref<128xi32, #tpu.memory_space<vmem>>
    %dma_start3A_50 = tpu.memref_slice %arg3[%add3A_45] : memref<327680xi32, #tpu.memory_space<hbm>> -> memref<128xi32, #tpu.memory_space<hbm>>
    %dma_start3A_51 = arith.constant 0 : i32
    %dma_start3A_52 = tpu.memref_slice %arg5[%rem3A_41, %dma_start3A_46, %dma_start3A_51] : memref<2x2x128xi32, #tpu.memory_space<vmem>> -> memref<1x1x128xi32, #tpu.memory_space<vmem>>
    %dma_start3A_53 = tpu.memref_squeeze %dma_start3A_52 : memref<1x1x128xi32, #tpu.memory_space<vmem>> -> memref<128xi32, #tpu.memory_space<vmem>>
    %dma_start3A_54 = tpu.memref_slice %arg3[%add3A_45] : memref<327680xi32, #tpu.memory_space<hbm>> -> memref<128xi32, #tpu.memory_space<hbm>>
    tpu.enqueue_dma source(%dma_start3A_54 : memref<128xi32, #tpu.memory_space<hbm>>) target(%dma_start3A_53 : memref<128xi32, #tpu.memory_space<vmem>>) target_semaphore(%arg8 : memref<!tpu.dma_semaphore, #tpu.memory_space<semaphore_mem>>)
    %rem3A_55 = arith.constant 0 : i32
    %rem3A_56 = arith.constant 2 : i32
    %rem3A_57 = arith.remsi %rem3A_55, %rem3A_56 : i32
    %add3A_58 = arith.constant 0 : i32
    %add3A_59 = arith.addi %mul3A_0, %add3A_58 : i32
    %add3A_60 = arith.constant 128 : i32
    %add3A_61 = arith.addi %add3A_59, %add3A_60 : i32
    %dma_start3A_62 = arith.constant 1 : i32
    %dma_start3A_63 = arith.constant 0 : i32
    %dma_start3A_64 = tpu.memref_slice %arg5[%rem3A_57, %dma_start3A_62, %dma_start3A_63] : memref<2x2x128xi32, #tpu.memory_space<vmem>> -> memref<1x1x128xi32, #tpu.memory_space<vmem>>
    %dma_start3A_65 = tpu.memref_squeeze %dma_start3A_64 : memref<1x1x128xi32, #tpu.memory_space<vmem>> -> memref<128xi32, #tpu.memory_space<vmem>>
    %dma_start3A_66 = tpu.memref_slice %arg3[%add3A_61] : memref<327680xi32, #tpu.memory_space<hbm>> -> memref<128xi32, #tpu.memory_space<hbm>>
    %dma_start3A_67 = arith.constant 0 : i32
    %dma_start3A_68 = tpu.memref_slice %arg5[%rem3A_57, %dma_start3A_62, %dma_start3A_67] : memref<2x2x128xi32, #tpu.memory_space<vmem>> -> memref<1x1x128xi32, #tpu.memory_space<vmem>>
    %dma_start3A_69 = tpu.memref_squeeze %dma_start3A_68 : memref<1x1x128xi32, #tpu.memory_space<vmem>> -> memref<128xi32, #tpu.memory_space<vmem>>
    %dma_start3A_70 = tpu.memref_slice %arg3[%add3A_61] : memref<327680xi32, #tpu.memory_space<hbm>> -> memref<128xi32, #tpu.memory_space<hbm>>
    tpu.enqueue_dma source(%dma_start3A_70 : memref<128xi32, #tpu.memory_space<hbm>>) target(%dma_start3A_69 : memref<128xi32, #tpu.memory_space<vmem>>) target_semaphore(%arg8 : memref<!tpu.dma_semaphore, #tpu.memory_space<semaphore_mem>>)
    %scan3A_71 = arith.constant 0 : i32
    %scan3A_72 = arith.constant 0 : i32
    %scan3A_73 = arith.constant 80 : i32
    %scan3A_74 = arith.addi %scan3A_72, %scan3A_73 : i32
    %scan3A_75 = arith.constant 1 : i32
    scf.for %scan3A_102 = %scan3A_72 to %scan3A_74 step %scan3A_75  : i32 {
      %rem3A_103 = arith.constant 2 : i32
      %rem3A_104 = arith.remsi %scan3A_102, %rem3A_103 : i32
      %mul3A_105 = arith.constant 256 : i32
      %mul3A_106 = arith.muli %scan3A_102, %mul3A_105 : i32
      %add3A_107 = arith.addi %mul3A_0, %mul3A_106 : i32
      %dma_wait3A = arith.constant 0 : i32
      %dma_wait3A_108 = arith.constant 0 : i32
      %dma_wait3A_109 = tpu.memref_slice %arg6[%rem3A_104, %dma_wait3A, %dma_wait3A_108] : memref<2x256x64xf32, #tpu.memory_space<vmem>> -> memref<1x256x64xf32, #tpu.memory_space<vmem>>
      %dma_wait3A_110 = tpu.memref_squeeze %dma_wait3A_109 : memref<1x256x64xf32, #tpu.memory_space<vmem>> -> memref<256x64xf32, #tpu.memory_space<vmem>>
      %dma_wait3A_111 = arith.constant 0 : i32
      %dma_wait3A_112 = tpu.memref_slice %arg2[%add3A_107, %dma_wait3A_111] : memref<327680x64xf32, #tpu.memory_space<hbm>> -> memref<256x64xf32, #tpu.memory_space<hbm>>
      %dma_wait3A_113 = arith.constant 0 : i32
      %dma_wait3A_114 = arith.constant 0 : i32
      %dma_wait3A_115 = tpu.memref_slice %arg6[%rem3A_104, %dma_wait3A_113, %dma_wait3A_114] : memref<2x256x64xf32, #tpu.memory_space<vmem>> -> memref<1x256x64xf32, #tpu.memory_space<vmem>>
      %dma_wait3A_116 = tpu.memref_squeeze %dma_wait3A_115 : memref<1x256x64xf32, #tpu.memory_space<vmem>> -> memref<256x64xf32, #tpu.memory_space<vmem>>
      %dma_wait3A_117 = arith.constant 0 : i32
      %dma_wait3A_118 = tpu.memref_slice %arg2[%add3A_107, %dma_wait3A_117] : memref<327680x64xf32, #tpu.memory_space<hbm>> -> memref<256x64xf32, #tpu.memory_space<hbm>>
      tpu.wait_dma2 semaphore(%arg8 : memref<!tpu.dma_semaphore, #tpu.memory_space<semaphore_mem>>) src(%dma_wait3A_118 : memref<256x64xf32, #tpu.memory_space<hbm>>) dst(%dma_wait3A_116 : memref<256x64xf32, #tpu.memory_space<vmem>>)
      %rem3A_119 = arith.constant 2 : i32
      %rem3A_120 = arith.remsi %scan3A_102, %rem3A_119 : i32
      %mul3A_121 = arith.constant 256 : i32
      %mul3A_122 = arith.muli %scan3A_102, %mul3A_121 : i32
      %add3A_123 = arith.addi %mul3A_0, %mul3A_122 : i32
      %add3A_124 = arith.constant 0 : i32
      %add3A_125 = arith.addi %add3A_123, %add3A_124 : i32
      %dma_wait3A_126 = arith.constant 0 : i32
      %dma_wait3A_127 = arith.constant 0 : i32
      %dma_wait3A_128 = tpu.memref_slice %arg5[%rem3A_120, %dma_wait3A_126, %dma_wait3A_127] : memref<2x2x128xi32, #tpu.memory_space<vmem>> -> memref<1x1x128xi32, #tpu.memory_space<vmem>>
      %dma_wait3A_129 = tpu.memref_squeeze %dma_wait3A_128 : memref<1x1x128xi32, #tpu.memory_space<vmem>> -> memref<128xi32, #tpu.memory_space<vmem>>
      %dma_wait3A_130 = tpu.memref_slice %arg3[%add3A_125] : memref<327680xi32, #tpu.memory_space<hbm>> -> memref<128xi32, #tpu.memory_space<hbm>>
      %dma_wait3A_131 = arith.constant 0 : i32
      %dma_wait3A_132 = tpu.memref_slice %arg5[%rem3A_120, %dma_wait3A_126, %dma_wait3A_131] : memref<2x2x128xi32, #tpu.memory_space<vmem>> -> memref<1x1x128xi32, #tpu.memory_space<vmem>>
      %dma_wait3A_133 = tpu.memref_squeeze %dma_wait3A_132 : memref<1x1x128xi32, #tpu.memory_space<vmem>> -> memref<128xi32, #tpu.memory_space<vmem>>
      %dma_wait3A_134 = tpu.memref_slice %arg3[%add3A_125] : memref<327680xi32, #tpu.memory_space<hbm>> -> memref<128xi32, #tpu.memory_space<hbm>>
      tpu.wait_dma2 semaphore(%arg8 : memref<!tpu.dma_semaphore, #tpu.memory_space<semaphore_mem>>) src(%dma_wait3A_134 : memref<128xi32, #tpu.memory_space<hbm>>) dst(%dma_wait3A_133 : memref<128xi32, #tpu.memory_space<vmem>>)
      %rem3A_135 = arith.constant 2 : i32
      %rem3A_136 = arith.remsi %scan3A_102, %rem3A_135 : i32
      %mul3A_137 = arith.constant 256 : i32
      %mul3A_138 = arith.muli %scan3A_102, %mul3A_137 : i32
      %add3A_139 = arith.addi %mul3A_0, %mul3A_138 : i32
      %add3A_140 = arith.constant 128 : i32
      %add3A_141 = arith.addi %add3A_139, %add3A_140 : i32
      %dma_wait3A_142 = arith.constant 1 : i32
      %dma_wait3A_143 = arith.constant 0 : i32
      %dma_wait3A_144 = tpu.memref_slice %arg5[%rem3A_136, %dma_wait3A_142, %dma_wait3A_143] : memref<2x2x128xi32, #tpu.memory_space<vmem>> -> memref<1x1x128xi32, #tpu.memory_space<vmem>>
      %dma_wait3A_145 = tpu.memref_squeeze %dma_wait3A_144 : memref<1x1x128xi32, #tpu.memory_space<vmem>> -> memref<128xi32, #tpu.memory_space<vmem>>
      %dma_wait3A_146 = tpu.memref_slice %arg3[%add3A_141] : memref<327680xi32, #tpu.memory_space<hbm>> -> memref<128xi32, #tpu.memory_space<hbm>>
      %dma_wait3A_147 = arith.constant 0 : i32
      %dma_wait3A_148 = tpu.memref_slice %arg5[%rem3A_136, %dma_wait3A_142, %dma_wait3A_147] : memref<2x2x128xi32, #tpu.memory_space<vmem>> -> memref<1x1x128xi32, #tpu.memory_space<vmem>>
      %dma_wait3A_149 = tpu.memref_squeeze %dma_wait3A_148 : memref<1x1x128xi32, #tpu.memory_space<vmem>> -> memref<128xi32, #tpu.memory_space<vmem>>
      %dma_wait3A_150 = tpu.memref_slice %arg3[%add3A_141] : memref<327680xi32, #tpu.memory_space<hbm>> -> memref<128xi32, #tpu.memory_space<hbm>>
      tpu.wait_dma2 semaphore(%arg8 : memref<!tpu.dma_semaphore, #tpu.memory_space<semaphore_mem>>) src(%dma_wait3A_150 : memref<128xi32, #tpu.memory_space<hbm>>) dst(%dma_wait3A_149 : memref<128xi32, #tpu.memory_space<vmem>>)
      %add3A_151 = arith.constant 1 : i32
      %add3A_152 = arith.addi %scan3A_102, %add3A_151 : i32
      %lt3A = arith.constant 80 : i32
      %lt3A_153 = arith.cmpi slt, %add3A_152, %lt3A : i32
      %convert_element_type3A = arith.extui %lt3A_153 : i1 to i32
      %cond3A = arith.constant 0 : i32
      %cond3A_154 = arith.cmpi ne, %convert_element_type3A, %cond3A : i32
      scf.if %cond3A_154 {
        %add3A_161 = arith.constant 1 : i32
        %add3A_162 = arith.addi %scan3A_102, %add3A_161 : i32
        %rem3A_163 = arith.constant 2 : i32
        %rem3A_164 = arith.remsi %add3A_162, %rem3A_163 : i32
        %mul3A_165 = arith.constant 256 : i32
        %mul3A_166 = arith.muli %add3A_162, %mul3A_165 : i32
        %add3A_167 = arith.addi %mul3A_0, %mul3A_166 : i32
        %dma_start3A_168 = arith.constant 0 : i32
        %dma_start3A_169 = arith.constant 0 : i32
        %dma_start3A_170 = tpu.memref_slice %arg6[%rem3A_164, %dma_start3A_168, %dma_start3A_169] : memref<2x256x64xf32, #tpu.memory_space<vmem>> -> memref<1x256x64xf32, #tpu.memory_space<vmem>>
        %dma_start3A_171 = tpu.memref_squeeze %dma_start3A_170 : memref<1x256x64xf32, #tpu.memory_space<vmem>> -> memref<256x64xf32, #tpu.memory_space<vmem>>
        %dma_start3A_172 = arith.constant 0 : i32
        %dma_start3A_173 = tpu.memref_slice %arg2[%add3A_167, %dma_start3A_172] : memref<327680x64xf32, #tpu.memory_space<hbm>> -> memref<256x64xf32, #tpu.memory_space<hbm>>
        %dma_start3A_174 = arith.constant 0 : i32
        %dma_start3A_175 = arith.constant 0 : i32
        %dma_start3A_176 = tpu.memref_slice %arg6[%rem3A_164, %dma_start3A_174, %dma_start3A_175] : memref<2x256x64xf32, #tpu.memory_space<vmem>> -> memref<1x256x64xf32, #tpu.memory_space<vmem>>
        %dma_start3A_177 = tpu.memref_squeeze %dma_start3A_176 : memref<1x256x64xf32, #tpu.memory_space<vmem>> -> memref<256x64xf32, #tpu.memory_space<vmem>>
        %dma_start3A_178 = arith.constant 0 : i32
        %dma_start3A_179 = tpu.memref_slice %arg2[%add3A_167, %dma_start3A_178] : memref<327680x64xf32, #tpu.memory_space<hbm>> -> memref<256x64xf32, #tpu.memory_space<hbm>>
        tpu.enqueue_dma source(%dma_start3A_179 : memref<256x64xf32, #tpu.memory_space<hbm>>) target(%dma_start3A_177 : memref<256x64xf32, #tpu.memory_space<vmem>>) target_semaphore(%arg8 : memref<!tpu.dma_semaphore, #tpu.memory_space<semaphore_mem>>)
        %rem3A_180 = arith.constant 2 : i32
        %rem3A_181 = arith.remsi %add3A_162, %rem3A_180 : i32
        %mul3A_182 = arith.constant 256 : i32
        %mul3A_183 = arith.muli %add3A_162, %mul3A_182 : i32
        %add3A_184 = arith.addi %mul3A_0, %mul3A_183 : i32
        %add3A_185 = arith.constant 0 : i32
        %add3A_186 = arith.addi %add3A_184, %add3A_185 : i32
        %dma_start3A_187 = arith.constant 0 : i32
        %dma_start3A_188 = arith.constant 0 : i32
        %dma_start3A_189 = tpu.memref_slice %arg5[%rem3A_181, %dma_start3A_187, %dma_start3A_188] : memref<2x2x128xi32, #tpu.memory_space<vmem>> -> memref<1x1x128xi32, #tpu.memory_space<vmem>>
        %dma_start3A_190 = tpu.memref_squeeze %dma_start3A_189 : memref<1x1x128xi32, #tpu.memory_space<vmem>> -> memref<128xi32, #tpu.memory_space<vmem>>
        %dma_start3A_191 = tpu.memref_slice %arg3[%add3A_186] : memref<327680xi32, #tpu.memory_space<hbm>> -> memref<128xi32, #tpu.memory_space<hbm>>
        %dma_start3A_192 = arith.constant 0 : i32
        %dma_start3A_193 = tpu.memref_slice %arg5[%rem3A_181, %dma_start3A_187, %dma_start3A_192] : memref<2x2x128xi32, #tpu.memory_space<vmem>> -> memref<1x1x128xi32, #tpu.memory_space<vmem>>
        %dma_start3A_194 = tpu.memref_squeeze %dma_start3A_193 : memref<1x1x128xi32, #tpu.memory_space<vmem>> -> memref<128xi32, #tpu.memory_space<vmem>>
        %dma_start3A_195 = tpu.memref_slice %arg3[%add3A_186] : memref<327680xi32, #tpu.memory_space<hbm>> -> memref<128xi32, #tpu.memory_space<hbm>>
        tpu.enqueue_dma source(%dma_start3A_195 : memref<128xi32, #tpu.memory_space<hbm>>) target(%dma_start3A_194 : memref<128xi32, #tpu.memory_space<vmem>>) target_semaphore(%arg8 : memref<!tpu.dma_semaphore, #tpu.memory_space<semaphore_mem>>)
        %rem3A_196 = arith.constant 2 : i32
        %rem3A_197 = arith.remsi %add3A_162, %rem3A_196 : i32
        %mul3A_198 = arith.constant 256 : i32
        %mul3A_199 = arith.muli %add3A_162, %mul3A_198 : i32
        %add3A_200 = arith.addi %mul3A_0, %mul3A_199 : i32
        %add3A_201 = arith.constant 128 : i32
        %add3A_202 = arith.addi %add3A_200, %add3A_201 : i32
        %dma_start3A_203 = arith.constant 1 : i32
        %dma_start3A_204 = arith.constant 0 : i32
        %dma_start3A_205 = tpu.memref_slice %arg5[%rem3A_197, %dma_start3A_203, %dma_start3A_204] : memref<2x2x128xi32, #tpu.memory_space<vmem>> -> memref<1x1x128xi32, #tpu.memory_space<vmem>>
        %dma_start3A_206 = tpu.memref_squeeze %dma_start3A_205 : memref<1x1x128xi32, #tpu.memory_space<vmem>> -> memref<128xi32, #tpu.memory_space<vmem>>
        %dma_start3A_207 = tpu.memref_slice %arg3[%add3A_202] : memref<327680xi32, #tpu.memory_space<hbm>> -> memref<128xi32, #tpu.memory_space<hbm>>
        %dma_start3A_208 = arith.constant 0 : i32
        %dma_start3A_209 = tpu.memref_slice %arg5[%rem3A_197, %dma_start3A_203, %dma_start3A_208] : memref<2x2x128xi32, #tpu.memory_space<vmem>> -> memref<1x1x128xi32, #tpu.memory_space<vmem>>
        %dma_start3A_210 = tpu.memref_squeeze %dma_start3A_209 : memref<1x1x128xi32, #tpu.memory_space<vmem>> -> memref<128xi32, #tpu.memory_space<vmem>>
        %dma_start3A_211 = tpu.memref_slice %arg3[%add3A_202] : memref<327680xi32, #tpu.memory_space<hbm>> -> memref<128xi32, #tpu.memory_space<hbm>>
        tpu.enqueue_dma source(%dma_start3A_211 : memref<128xi32, #tpu.memory_space<hbm>>) target(%dma_start3A_210 : memref<128xi32, #tpu.memory_space<vmem>>) target_semaphore(%arg8 : memref<!tpu.dma_semaphore, #tpu.memory_space<semaphore_mem>>)
      } else {
      }
      %rem3A_155 = arith.constant 2 : i32
      %rem3A_156 = arith.remsi %scan3A_102, %rem3A_155 : i32
      %run_scoped3A_157 = arith.constant 0 : i32
      "tpu.region"() ({
        %run_scoped3A_161 = tpu.sem_alloc : memref<!tpu.dma_semaphore, #tpu.memory_space<semaphore_mem>>
        %dma_start3A_162 = arith.constant 0 : i32
        %dma_start3A_163 = arith.constant 0 : i32
        %dma_start3A_164 = tpu.memref_slice %arg6[%rem3A_156, %dma_start3A_162, %dma_start3A_163] : memref<2x256x64xf32, #tpu.memory_space<vmem>> -> memref<1x128x64xf32, #tpu.memory_space<vmem>>
        %dma_start3A_165 = tpu.memref_squeeze %dma_start3A_164 : memref<1x128x64xf32, #tpu.memory_space<vmem>> -> memref<128x64xf32, #tpu.memory_space<vmem>>
        %dma_start3A_166 = arith.constant 0 : i32
        %dma_start3A_167 = tpu.memref_slice %arg5[%rem3A_156, %run_scoped3A_157, %dma_start3A_166] : memref<2x2x128xi32, #tpu.memory_space<vmem>> -> memref<1x1x128xi32, #tpu.memory_space<vmem>>
        %dma_start3A_168 = tpu.memref_squeeze %dma_start3A_167 : memref<1x1x128xi32, #tpu.memory_space<vmem>> -> memref<128xi32, #tpu.memory_space<vmem>>
        %dma_start3A_169 = arith.constant 0 : i32
        %dma_start3A_170 = arith.constant 0 : i32
        %dma_start3A_171 = tpu.memref_slice %arg7[%dma_start3A_169, %dma_start3A_170] : memref<16384x64xf32, #tpu.memory_space<vmem_shared>> -> memref<16384x64xf32, #tpu.memory_space<vmem_shared>>
        tpu.enqueue_indirect_dma source(%dma_start3A_165 : memref<128x64xf32, #tpu.memory_space<vmem>>) target(%dma_start3A_171 : memref<16384x64xf32, #tpu.memory_space<vmem_shared>>) offsets(%dma_start3A_168 : memref<128xi32, #tpu.memory_space<vmem>>) semaphore(%run_scoped3A_161 : memref<!tpu.dma_semaphore, #tpu.memory_space<semaphore_mem>>) {add = true}
        %dma_wait3A_172 = arith.constant 0 : i32
        %dma_wait3A_173 = arith.constant 0 : i32
        %dma_wait3A_174 = tpu.memref_slice %arg6[%rem3A_156, %dma_wait3A_172, %dma_wait3A_173] : memref<2x256x64xf32, #tpu.memory_space<vmem>> -> memref<1x128x64xf32, #tpu.memory_space<vmem>>
        %dma_wait3A_175 = tpu.memref_squeeze %dma_wait3A_174 : memref<1x128x64xf32, #tpu.memory_space<vmem>> -> memref<128x64xf32, #tpu.memory_space<vmem>>
        %dma_wait3A_176 = arith.constant 0 : i32
        %dma_wait3A_177 = tpu.memref_slice %arg5[%rem3A_156, %run_scoped3A_157, %dma_wait3A_176] : memref<2x2x128xi32, #tpu.memory_space<vmem>> -> memref<1x1x128xi32, #tpu.memory_space<vmem>>
        %dma_wait3A_178 = tpu.memref_squeeze %dma_wait3A_177 : memref<1x1x128xi32, #tpu.memory_space<vmem>> -> memref<128xi32, #tpu.memory_space<vmem>>
        %dma_wait3A_179 = arith.constant 0 : i32
        %dma_wait3A_180 = arith.constant 0 : i32
        %dma_wait3A_181 = tpu.memref_slice %arg7[%dma_wait3A_179, %dma_wait3A_180] : memref<16384x64xf32, #tpu.memory_space<vmem_shared>> -> memref<16384x64xf32, #tpu.memory_space<vmem_shared>>
        tpu.wait_indirect_dma semaphore(%run_scoped3A_161 : memref<!tpu.dma_semaphore, #tpu.memory_space<semaphore_mem>>) src(%dma_wait3A_175 : memref<128x64xf32, #tpu.memory_space<vmem>>) dst(%dma_wait3A_181 : memref<16384x64xf32, #tpu.memory_space<vmem_shared>>)
        tpu.yield
      }) : () -> ()
      %rem3A_158 = arith.constant 2 : i32
      %rem3A_159 = arith.remsi %scan3A_102, %rem3A_158 : i32
      %run_scoped3A_160 = arith.constant 1 : i32
      "tpu.region"() ({
        %run_scoped3A_161 = tpu.sem_alloc : memref<!tpu.dma_semaphore, #tpu.memory_space<semaphore_mem>>
        %dma_start3A_162 = arith.constant 128 : i32
        %dma_start3A_163 = arith.constant 0 : i32
        %dma_start3A_164 = tpu.memref_slice %arg6[%rem3A_159, %dma_start3A_162, %dma_start3A_163] : memref<2x256x64xf32, #tpu.memory_space<vmem>> -> memref<1x128x64xf32, #tpu.memory_space<vmem>>
        %dma_start3A_165 = tpu.memref_squeeze %dma_start3A_164 : memref<1x128x64xf32, #tpu.memory_space<vmem>> -> memref<128x64xf32, #tpu.memory_space<vmem>>
        %dma_start3A_166 = arith.constant 0 : i32
        %dma_start3A_167 = tpu.memref_slice %arg5[%rem3A_159, %run_scoped3A_160, %dma_start3A_166] : memref<2x2x128xi32, #tpu.memory_space<vmem>> -> memref<1x1x128xi32, #tpu.memory_space<vmem>>
        %dma_start3A_168 = tpu.memref_squeeze %dma_start3A_167 : memref<1x1x128xi32, #tpu.memory_space<vmem>> -> memref<128xi32, #tpu.memory_space<vmem>>
        %dma_start3A_169 = arith.constant 0 : i32
        %dma_start3A_170 = arith.constant 0 : i32
        %dma_start3A_171 = tpu.memref_slice %arg7[%dma_start3A_169, %dma_start3A_170] : memref<16384x64xf32, #tpu.memory_space<vmem_shared>> -> memref<16384x64xf32, #tpu.memory_space<vmem_shared>>
        tpu.enqueue_indirect_dma source(%dma_start3A_165 : memref<128x64xf32, #tpu.memory_space<vmem>>) target(%dma_start3A_171 : memref<16384x64xf32, #tpu.memory_space<vmem_shared>>) offsets(%dma_start3A_168 : memref<128xi32, #tpu.memory_space<vmem>>) semaphore(%run_scoped3A_161 : memref<!tpu.dma_semaphore, #tpu.memory_space<semaphore_mem>>) {add = true}
        %dma_wait3A_172 = arith.constant 128 : i32
        %dma_wait3A_173 = arith.constant 0 : i32
        %dma_wait3A_174 = tpu.memref_slice %arg6[%rem3A_159, %dma_wait3A_172, %dma_wait3A_173] : memref<2x256x64xf32, #tpu.memory_space<vmem>> -> memref<1x128x64xf32, #tpu.memory_space<vmem>>
        %dma_wait3A_175 = tpu.memref_squeeze %dma_wait3A_174 : memref<1x128x64xf32, #tpu.memory_space<vmem>> -> memref<128x64xf32, #tpu.memory_space<vmem>>
        %dma_wait3A_176 = arith.constant 0 : i32
        %dma_wait3A_177 = tpu.memref_slice %arg5[%rem3A_159, %run_scoped3A_160, %dma_wait3A_176] : memref<2x2x128xi32, #tpu.memory_space<vmem>> -> memref<1x1x128xi32, #tpu.memory_space<vmem>>
        %dma_wait3A_178 = tpu.memref_squeeze %dma_wait3A_177 : memref<1x1x128xi32, #tpu.memory_space<vmem>> -> memref<128xi32, #tpu.memory_space<vmem>>
        %dma_wait3A_179 = arith.constant 0 : i32
        %dma_wait3A_180 = arith.constant 0 : i32
        %dma_wait3A_181 = tpu.memref_slice %arg7[%dma_wait3A_179, %dma_wait3A_180] : memref<16384x64xf32, #tpu.memory_space<vmem_shared>> -> memref<16384x64xf32, #tpu.memory_space<vmem_shared>>
        tpu.wait_indirect_dma semaphore(%run_scoped3A_161 : memref<!tpu.dma_semaphore, #tpu.memory_space<semaphore_mem>>) src(%dma_wait3A_175 : memref<128x64xf32, #tpu.memory_space<vmem>>) dst(%dma_wait3A_181 : memref<16384x64xf32, #tpu.memory_space<vmem_shared>>)
        tpu.yield
      }) : () -> ()
    }
    %scan3A_76 = arith.constant 80 : i32
    %barrier3A_77 = arith.constant 0 : index
    tpu.barrier barrier_id(%barrier3A_77)
    %mul3A_78 = arith.constant 1024 : i32
    %mul3A_79 = arith.muli %arg1, %mul3A_78 : i32
    %add3A_80 = arith.constant 0 : i32
    %add3A_81 = arith.addi %mul3A_79, %add3A_80 : i32
    %run_scoped3A_82 = arith.constant 0 : i32
    "tpu.region"() ({
      %run_scoped3A_102 = tpu.sem_alloc : memref<!tpu.dma_semaphore, #tpu.memory_space<semaphore_mem>>
      %dma_start3A_103 = arith.constant 0 : i32
      %dma_start3A_104 = arith.constant 0 : i32
      %dma_start3A_105 = tpu.memref_slice %arg6[%run_scoped3A_82, %dma_start3A_103, %dma_start3A_104] : memref<2x256x64xf32, #tpu.memory_space<vmem>> -> memref<1x256x64xf32, #tpu.memory_space<vmem>>
      %dma_start3A_106 = tpu.memref_squeeze %dma_start3A_105 : memref<1x256x64xf32, #tpu.memory_space<vmem>> -> memref<256x64xf32, #tpu.memory_space<vmem>>
      %dma_start3A_107 = arith.constant 0 : i32
      %dma_start3A_108 = tpu.memref_slice %arg7[%add3A_81, %dma_start3A_107] : memref<16384x64xf32, #tpu.memory_space<vmem_shared>> -> memref<256x64xf32, #tpu.memory_space<vmem_shared>>
      %dma_start3A_109 = arith.constant 0 : i32
      %dma_start3A_110 = arith.constant 0 : i32
      %dma_start3A_111 = tpu.memref_slice %arg6[%run_scoped3A_82, %dma_start3A_109, %dma_start3A_110] : memref<2x256x64xf32, #tpu.memory_space<vmem>> -> memref<1x256x64xf32, #tpu.memory_space<vmem>>
      %dma_start3A_112 = tpu.memref_squeeze %dma_start3A_111 : memref<1x256x64xf32, #tpu.memory_space<vmem>> -> memref<256x64xf32, #tpu.memory_space<vmem>>
      %dma_start3A_113 = arith.constant 0 : i32
      %dma_start3A_114 = tpu.memref_slice %arg7[%add3A_81, %dma_start3A_113] : memref<16384x64xf32, #tpu.memory_space<vmem_shared>> -> memref<256x64xf32, #tpu.memory_space<vmem_shared>>
      tpu.enqueue_dma source(%dma_start3A_114 : memref<256x64xf32, #tpu.memory_space<vmem_shared>>) target(%dma_start3A_112 : memref<256x64xf32, #tpu.memory_space<vmem>>) target_semaphore(%run_scoped3A_102 : memref<!tpu.dma_semaphore, #tpu.memory_space<semaphore_mem>>)
      %dma_wait3A = arith.constant 0 : i32
      %dma_wait3A_115 = arith.constant 0 : i32
      %dma_wait3A_116 = tpu.memref_slice %arg6[%run_scoped3A_82, %dma_wait3A, %dma_wait3A_115] : memref<2x256x64xf32, #tpu.memory_space<vmem>> -> memref<1x256x64xf32, #tpu.memory_space<vmem>>
      %dma_wait3A_117 = tpu.memref_squeeze %dma_wait3A_116 : memref<1x256x64xf32, #tpu.memory_space<vmem>> -> memref<256x64xf32, #tpu.memory_space<vmem>>
      %dma_wait3A_118 = arith.constant 0 : i32
      %dma_wait3A_119 = tpu.memref_slice %arg7[%add3A_81, %dma_wait3A_118] : memref<16384x64xf32, #tpu.memory_space<vmem_shared>> -> memref<256x64xf32, #tpu.memory_space<vmem_shared>>
      %dma_wait3A_120 = arith.constant 0 : i32
      %dma_wait3A_121 = arith.constant 0 : i32
      %dma_wait3A_122 = tpu.memref_slice %arg6[%run_scoped3A_82, %dma_wait3A_120, %dma_wait3A_121] : memref<2x256x64xf32, #tpu.memory_space<vmem>> -> memref<1x256x64xf32, #tpu.memory_space<vmem>>
      %dma_wait3A_123 = tpu.memref_squeeze %dma_wait3A_122 : memref<1x256x64xf32, #tpu.memory_space<vmem>> -> memref<256x64xf32, #tpu.memory_space<vmem>>
      %dma_wait3A_124 = arith.constant 0 : i32
      %dma_wait3A_125 = tpu.memref_slice %arg7[%add3A_81, %dma_wait3A_124] : memref<16384x64xf32, #tpu.memory_space<vmem_shared>> -> memref<256x64xf32, #tpu.memory_space<vmem_shared>>
      tpu.wait_dma2 semaphore(%run_scoped3A_102 : memref<!tpu.dma_semaphore, #tpu.memory_space<semaphore_mem>>) src(%dma_wait3A_125 : memref<256x64xf32, #tpu.memory_space<vmem_shared>>) dst(%dma_wait3A_123 : memref<256x64xf32, #tpu.memory_space<vmem>>)
      tpu.yield
    }) : () -> ()
    %run_scoped3A_83 = arith.constant 0 : i32
    "tpu.region"() ({
      %run_scoped3A_102 = tpu.sem_alloc : memref<!tpu.dma_semaphore, #tpu.memory_space<semaphore_mem>>
      %dma_start3A_103 = arith.constant 0 : i32
      %dma_start3A_104 = arith.constant 0 : i32
      %dma_start3A_105 = tpu.memref_slice %arg6[%run_scoped3A_83, %dma_start3A_103, %dma_start3A_104] : memref<2x256x64xf32, #tpu.memory_space<vmem>> -> memref<1x256x64xf32, #tpu.memory_space<vmem>>
      %dma_start3A_106 = tpu.memref_squeeze %dma_start3A_105 : memref<1x256x64xf32, #tpu.memory_space<vmem>> -> memref<256x64xf32, #tpu.memory_space<vmem>>
      %dma_start3A_107 = arith.constant 0 : i32
      %dma_start3A_108 = tpu.memref_slice %arg4[%add3A_81, %dma_start3A_107] : memref<16384x64xf32, #tpu.memory_space<hbm>> -> memref<256x64xf32, #tpu.memory_space<hbm>>
      %dma_start3A_109 = arith.constant 0 : i32
      %dma_start3A_110 = tpu.memref_slice %arg4[%add3A_81, %dma_start3A_109] : memref<16384x64xf32, #tpu.memory_space<hbm>> -> memref<256x64xf32, #tpu.memory_space<hbm>>
      %dma_start3A_111 = arith.constant 0 : i32
      %dma_start3A_112 = arith.constant 0 : i32
      %dma_start3A_113 = tpu.memref_slice %arg6[%run_scoped3A_83, %dma_start3A_111, %dma_start3A_112] : memref<2x256x64xf32, #tpu.memory_space<vmem>> -> memref<1x256x64xf32, #tpu.memory_space<vmem>>
      %dma_start3A_114 = tpu.memref_squeeze %dma_start3A_113 : memref<1x256x64xf32, #tpu.memory_space<vmem>> -> memref<256x64xf32, #tpu.memory_space<vmem>>
      tpu.enqueue_dma source(%dma_start3A_114 : memref<256x64xf32, #tpu.memory_space<vmem>>) target(%dma_start3A_110 : memref<256x64xf32, #tpu.memory_space<hbm>>) target_semaphore(%run_scoped3A_102 : memref<!tpu.dma_semaphore, #tpu.memory_space<semaphore_mem>>)
      %dma_wait3A = arith.constant 0 : i32
      %dma_wait3A_115 = arith.constant 0 : i32
      %dma_wait3A_116 = tpu.memref_slice %arg6[%run_scoped3A_83, %dma_wait3A, %dma_wait3A_115] : memref<2x256x64xf32, #tpu.memory_space<vmem>> -> memref<1x256x64xf32, #tpu.memory_space<vmem>>
      %dma_wait3A_117 = tpu.memref_squeeze %dma_wait3A_116 : memref<1x256x64xf32, #tpu.memory_space<vmem>> -> memref<256x64xf32, #tpu.memory_space<vmem>>
      %dma_wait3A_118 = arith.constant 0 : i32
      %dma_wait3A_119 = tpu.memref_slice %arg4[%add3A_81, %dma_wait3A_118] : memref<16384x64xf32, #tpu.memory_space<hbm>> -> memref<256x64xf32, #tpu.memory_space<hbm>>
      %dma_wait3A_120 = arith.constant 0 : i32
      %dma_wait3A_121 = tpu.memref_slice %arg4[%add3A_81, %dma_wait3A_120] : memref<16384x64xf32, #tpu.memory_space<hbm>> -> memref<256x64xf32, #tpu.memory_space<hbm>>
      %dma_wait3A_122 = arith.constant 0 : i32
      %dma_wait3A_123 = arith.constant 0 : i32
      %dma_wait3A_124 = tpu.memref_slice %arg6[%run_scoped3A_83, %dma_wait3A_122, %dma_wait3A_123] : memref<2x256x64xf32, #tpu.memory_space<vmem>> -> memref<1x256x64xf32, #tpu.memory_space<vmem>>
      %dma_wait3A_125 = tpu.memref_squeeze %dma_wait3A_124 : memref<1x256x64xf32, #tpu.memory_space<vmem>> -> memref<256x64xf32, #tpu.memory_space<vmem>>
      tpu.wait_dma2 semaphore(%run_scoped3A_102 : memref<!tpu.dma_semaphore, #tpu.memory_space<semaphore_mem>>) src(%dma_wait3A_125 : memref<256x64xf32, #tpu.memory_space<vmem>>) dst(%dma_wait3A_121 : memref<256x64xf32, #tpu.memory_space<hbm>>)
      tpu.yield
    }) : () -> ()
    %mul3A_84 = arith.constant 1024 : i32
    %mul3A_85 = arith.muli %arg1, %mul3A_84 : i32
    %add3A_86 = arith.constant 256 : i32
    %add3A_87 = arith.addi %mul3A_85, %add3A_86 : i32
    %run_scoped3A_88 = arith.constant 0 : i32
    "tpu.region"() ({
      %run_scoped3A_102 = tpu.sem_alloc : memref<!tpu.dma_semaphore, #tpu.memory_space<semaphore_mem>>
      %dma_start3A_103 = arith.constant 0 : i32
      %dma_start3A_104 = arith.constant 0 : i32
      %dma_start3A_105 = tpu.memref_slice %arg6[%run_scoped3A_88, %dma_start3A_103, %dma_start3A_104] : memref<2x256x64xf32, #tpu.memory_space<vmem>> -> memref<1x256x64xf32, #tpu.memory_space<vmem>>
      %dma_start3A_106 = tpu.memref_squeeze %dma_start3A_105 : memref<1x256x64xf32, #tpu.memory_space<vmem>> -> memref<256x64xf32, #tpu.memory_space<vmem>>
      %dma_start3A_107 = arith.constant 0 : i32
      %dma_start3A_108 = tpu.memref_slice %arg7[%add3A_87, %dma_start3A_107] : memref<16384x64xf32, #tpu.memory_space<vmem_shared>> -> memref<256x64xf32, #tpu.memory_space<vmem_shared>>
      %dma_start3A_109 = arith.constant 0 : i32
      %dma_start3A_110 = arith.constant 0 : i32
      %dma_start3A_111 = tpu.memref_slice %arg6[%run_scoped3A_88, %dma_start3A_109, %dma_start3A_110] : memref<2x256x64xf32, #tpu.memory_space<vmem>> -> memref<1x256x64xf32, #tpu.memory_space<vmem>>
      %dma_start3A_112 = tpu.memref_squeeze %dma_start3A_111 : memref<1x256x64xf32, #tpu.memory_space<vmem>> -> memref<256x64xf32, #tpu.memory_space<vmem>>
      %dma_start3A_113 = arith.constant 0 : i32
      %dma_start3A_114 = tpu.memref_slice %arg7[%add3A_87, %dma_start3A_113] : memref<16384x64xf32, #tpu.memory_space<vmem_shared>> -> memref<256x64xf32, #tpu.memory_space<vmem_shared>>
      tpu.enqueue_dma source(%dma_start3A_114 : memref<256x64xf32, #tpu.memory_space<vmem_shared>>) target(%dma_start3A_112 : memref<256x64xf32, #tpu.memory_space<vmem>>) target_semaphore(%run_scoped3A_102 : memref<!tpu.dma_semaphore, #tpu.memory_space<semaphore_mem>>)
      %dma_wait3A = arith.constant 0 : i32
      %dma_wait3A_115 = arith.constant 0 : i32
      %dma_wait3A_116 = tpu.memref_slice %arg6[%run_scoped3A_88, %dma_wait3A, %dma_wait3A_115] : memref<2x256x64xf32, #tpu.memory_space<vmem>> -> memref<1x256x64xf32, #tpu.memory_space<vmem>>
      %dma_wait3A_117 = tpu.memref_squeeze %dma_wait3A_116 : memref<1x256x64xf32, #tpu.memory_space<vmem>> -> memref<256x64xf32, #tpu.memory_space<vmem>>
      %dma_wait3A_118 = arith.constant 0 : i32
      %dma_wait3A_119 = tpu.memref_slice %arg7[%add3A_87, %dma_wait3A_118] : memref<16384x64xf32, #tpu.memory_space<vmem_shared>> -> memref<256x64xf32, #tpu.memory_space<vmem_shared>>
      %dma_wait3A_120 = arith.constant 0 : i32
      %dma_wait3A_121 = arith.constant 0 : i32
      %dma_wait3A_122 = tpu.memref_slice %arg6[%run_scoped3A_88, %dma_wait3A_120, %dma_wait3A_121] : memref<2x256x64xf32, #tpu.memory_space<vmem>> -> memref<1x256x64xf32, #tpu.memory_space<vmem>>
      %dma_wait3A_123 = tpu.memref_squeeze %dma_wait3A_122 : memref<1x256x64xf32, #tpu.memory_space<vmem>> -> memref<256x64xf32, #tpu.memory_space<vmem>>
      %dma_wait3A_124 = arith.constant 0 : i32
      %dma_wait3A_125 = tpu.memref_slice %arg7[%add3A_87, %dma_wait3A_124] : memref<16384x64xf32, #tpu.memory_space<vmem_shared>> -> memref<256x64xf32, #tpu.memory_space<vmem_shared>>
      tpu.wait_dma2 semaphore(%run_scoped3A_102 : memref<!tpu.dma_semaphore, #tpu.memory_space<semaphore_mem>>) src(%dma_wait3A_125 : memref<256x64xf32, #tpu.memory_space<vmem_shared>>) dst(%dma_wait3A_123 : memref<256x64xf32, #tpu.memory_space<vmem>>)
      tpu.yield
    }) : () -> ()
    %run_scoped3A_89 = arith.constant 0 : i32
    "tpu.region"() ({
      %run_scoped3A_102 = tpu.sem_alloc : memref<!tpu.dma_semaphore, #tpu.memory_space<semaphore_mem>>
      %dma_start3A_103 = arith.constant 0 : i32
      %dma_start3A_104 = arith.constant 0 : i32
      %dma_start3A_105 = tpu.memref_slice %arg6[%run_scoped3A_89, %dma_start3A_103, %dma_start3A_104] : memref<2x256x64xf32, #tpu.memory_space<vmem>> -> memref<1x256x64xf32, #tpu.memory_space<vmem>>
      %dma_start3A_106 = tpu.memref_squeeze %dma_start3A_105 : memref<1x256x64xf32, #tpu.memory_space<vmem>> -> memref<256x64xf32, #tpu.memory_space<vmem>>
      %dma_start3A_107 = arith.constant 0 : i32
      %dma_start3A_108 = tpu.memref_slice %arg4[%add3A_87, %dma_start3A_107] : memref<16384x64xf32, #tpu.memory_space<hbm>> -> memref<256x64xf32, #tpu.memory_space<hbm>>
      %dma_start3A_109 = arith.constant 0 : i32
      %dma_start3A_110 = tpu.memref_slice %arg4[%add3A_87, %dma_start3A_109] : memref<16384x64xf32, #tpu.memory_space<hbm>> -> memref<256x64xf32, #tpu.memory_space<hbm>>
      %dma_start3A_111 = arith.constant 0 : i32
      %dma_start3A_112 = arith.constant 0 : i32
      %dma_start3A_113 = tpu.memref_slice %arg6[%run_scoped3A_89, %dma_start3A_111, %dma_start3A_112] : memref<2x256x64xf32, #tpu.memory_space<vmem>> -> memref<1x256x64xf32, #tpu.memory_space<vmem>>
      %dma_start3A_114 = tpu.memref_squeeze %dma_start3A_113 : memref<1x256x64xf32, #tpu.memory_space<vmem>> -> memref<256x64xf32, #tpu.memory_space<vmem>>
      tpu.enqueue_dma source(%dma_start3A_114 : memref<256x64xf32, #tpu.memory_space<vmem>>) target(%dma_start3A_110 : memref<256x64xf32, #tpu.memory_space<hbm>>) target_semaphore(%run_scoped3A_102 : memref<!tpu.dma_semaphore, #tpu.memory_space<semaphore_mem>>)
      %dma_wait3A = arith.constant 0 : i32
      %dma_wait3A_115 = arith.constant 0 : i32
      %dma_wait3A_116 = tpu.memref_slice %arg6[%run_scoped3A_89, %dma_wait3A, %dma_wait3A_115] : memref<2x256x64xf32, #tpu.memory_space<vmem>> -> memref<1x256x64xf32, #tpu.memory_space<vmem>>
      %dma_wait3A_117 = tpu.memref_squeeze %dma_wait3A_116 : memref<1x256x64xf32, #tpu.memory_space<vmem>> -> memref<256x64xf32, #tpu.memory_space<vmem>>
      %dma_wait3A_118 = arith.constant 0 : i32
      %dma_wait3A_119 = tpu.memref_slice %arg4[%add3A_87, %dma_wait3A_118] : memref<16384x64xf32, #tpu.memory_space<hbm>> -> memref<256x64xf32, #tpu.memory_space<hbm>>
      %dma_wait3A_120 = arith.constant 0 : i32
      %dma_wait3A_121 = tpu.memref_slice %arg4[%add3A_87, %dma_wait3A_120] : memref<16384x64xf32, #tpu.memory_space<hbm>> -> memref<256x64xf32, #tpu.memory_space<hbm>>
      %dma_wait3A_122 = arith.constant 0 : i32
      %dma_wait3A_123 = arith.constant 0 : i32
      %dma_wait3A_124 = tpu.memref_slice %arg6[%run_scoped3A_89, %dma_wait3A_122, %dma_wait3A_123] : memref<2x256x64xf32, #tpu.memory_space<vmem>> -> memref<1x256x64xf32, #tpu.memory_space<vmem>>
      %dma_wait3A_125 = tpu.memref_squeeze %dma_wait3A_124 : memref<1x256x64xf32, #tpu.memory_space<vmem>> -> memref<256x64xf32, #tpu.memory_space<vmem>>
      tpu.wait_dma2 semaphore(%run_scoped3A_102 : memref<!tpu.dma_semaphore, #tpu.memory_space<semaphore_mem>>) src(%dma_wait3A_125 : memref<256x64xf32, #tpu.memory_space<vmem>>) dst(%dma_wait3A_121 : memref<256x64xf32, #tpu.memory_space<hbm>>)
      tpu.yield
    }) : () -> ()
    %mul3A_90 = arith.constant 1024 : i32
    %mul3A_91 = arith.muli %arg1, %mul3A_90 : i32
    %add3A_92 = arith.constant 512 : i32
    %add3A_93 = arith.addi %mul3A_91, %add3A_92 : i32
    %run_scoped3A_94 = arith.constant 0 : i32
    "tpu.region"() ({
      %run_scoped3A_102 = tpu.sem_alloc : memref<!tpu.dma_semaphore, #tpu.memory_space<semaphore_mem>>
      %dma_start3A_103 = arith.constant 0 : i32
      %dma_start3A_104 = arith.constant 0 : i32
      %dma_start3A_105 = tpu.memref_slice %arg6[%run_scoped3A_94, %dma_start3A_103, %dma_start3A_104] : memref<2x256x64xf32, #tpu.memory_space<vmem>> -> memref<1x256x64xf32, #tpu.memory_space<vmem>>
      %dma_start3A_106 = tpu.memref_squeeze %dma_start3A_105 : memref<1x256x64xf32, #tpu.memory_space<vmem>> -> memref<256x64xf32, #tpu.memory_space<vmem>>
      %dma_start3A_107 = arith.constant 0 : i32
      %dma_start3A_108 = tpu.memref_slice %arg7[%add3A_93, %dma_start3A_107] : memref<16384x64xf32, #tpu.memory_space<vmem_shared>> -> memref<256x64xf32, #tpu.memory_space<vmem_shared>>
      %dma_start3A_109 = arith.constant 0 : i32
      %dma_start3A_110 = arith.constant 0 : i32
      %dma_start3A_111 = tpu.memref_slice %arg6[%run_scoped3A_94, %dma_start3A_109, %dma_start3A_110] : memref<2x256x64xf32, #tpu.memory_space<vmem>> -> memref<1x256x64xf32, #tpu.memory_space<vmem>>
      %dma_start3A_112 = tpu.memref_squeeze %dma_start3A_111 : memref<1x256x64xf32, #tpu.memory_space<vmem>> -> memref<256x64xf32, #tpu.memory_space<vmem>>
      %dma_start3A_113 = arith.constant 0 : i32
      %dma_start3A_114 = tpu.memref_slice %arg7[%add3A_93, %dma_start3A_113] : memref<16384x64xf32, #tpu.memory_space<vmem_shared>> -> memref<256x64xf32, #tpu.memory_space<vmem_shared>>
      tpu.enqueue_dma source(%dma_start3A_114 : memref<256x64xf32, #tpu.memory_space<vmem_shared>>) target(%dma_start3A_112 : memref<256x64xf32, #tpu.memory_space<vmem>>) target_semaphore(%run_scoped3A_102 : memref<!tpu.dma_semaphore, #tpu.memory_space<semaphore_mem>>)
      %dma_wait3A = arith.constant 0 : i32
      %dma_wait3A_115 = arith.constant 0 : i32
      %dma_wait3A_116 = tpu.memref_slice %arg6[%run_scoped3A_94, %dma_wait3A, %dma_wait3A_115] : memref<2x256x64xf32, #tpu.memory_space<vmem>> -> memref<1x256x64xf32, #tpu.memory_space<vmem>>
      %dma_wait3A_117 = tpu.memref_squeeze %dma_wait3A_116 : memref<1x256x64xf32, #tpu.memory_space<vmem>> -> memref<256x64xf32, #tpu.memory_space<vmem>>
      %dma_wait3A_118 = arith.constant 0 : i32
      %dma_wait3A_119 = tpu.memref_slice %arg7[%add3A_93, %dma_wait3A_118] : memref<16384x64xf32, #tpu.memory_space<vmem_shared>> -> memref<256x64xf32, #tpu.memory_space<vmem_shared>>
      %dma_wait3A_120 = arith.constant 0 : i32
      %dma_wait3A_121 = arith.constant 0 : i32
      %dma_wait3A_122 = tpu.memref_slice %arg6[%run_scoped3A_94, %dma_wait3A_120, %dma_wait3A_121] : memref<2x256x64xf32, #tpu.memory_space<vmem>> -> memref<1x256x64xf32, #tpu.memory_space<vmem>>
      %dma_wait3A_123 = tpu.memref_squeeze %dma_wait3A_122 : memref<1x256x64xf32, #tpu.memory_space<vmem>> -> memref<256x64xf32, #tpu.memory_space<vmem>>
      %dma_wait3A_124 = arith.constant 0 : i32
      %dma_wait3A_125 = tpu.memref_slice %arg7[%add3A_93, %dma_wait3A_124] : memref<16384x64xf32, #tpu.memory_space<vmem_shared>> -> memref<256x64xf32, #tpu.memory_space<vmem_shared>>
      tpu.wait_dma2 semaphore(%run_scoped3A_102 : memref<!tpu.dma_semaphore, #tpu.memory_space<semaphore_mem>>) src(%dma_wait3A_125 : memref<256x64xf32, #tpu.memory_space<vmem_shared>>) dst(%dma_wait3A_123 : memref<256x64xf32, #tpu.memory_space<vmem>>)
      tpu.yield
    }) : () -> ()
    %run_scoped3A_95 = arith.constant 0 : i32
    "tpu.region"() ({
      %run_scoped3A_102 = tpu.sem_alloc : memref<!tpu.dma_semaphore, #tpu.memory_space<semaphore_mem>>
      %dma_start3A_103 = arith.constant 0 : i32
      %dma_start3A_104 = arith.constant 0 : i32
      %dma_start3A_105 = tpu.memref_slice %arg6[%run_scoped3A_95, %dma_start3A_103, %dma_start3A_104] : memref<2x256x64xf32, #tpu.memory_space<vmem>> -> memref<1x256x64xf32, #tpu.memory_space<vmem>>
      %dma_start3A_106 = tpu.memref_squeeze %dma_start3A_105 : memref<1x256x64xf32, #tpu.memory_space<vmem>> -> memref<256x64xf32, #tpu.memory_space<vmem>>
      %dma_start3A_107 = arith.constant 0 : i32
      %dma_start3A_108 = tpu.memref_slice %arg4[%add3A_93, %dma_start3A_107] : memref<16384x64xf32, #tpu.memory_space<hbm>> -> memref<256x64xf32, #tpu.memory_space<hbm>>
      %dma_start3A_109 = arith.constant 0 : i32
      %dma_start3A_110 = tpu.memref_slice %arg4[%add3A_93, %dma_start3A_109] : memref<16384x64xf32, #tpu.memory_space<hbm>> -> memref<256x64xf32, #tpu.memory_space<hbm>>
      %dma_start3A_111 = arith.constant 0 : i32
      %dma_start3A_112 = arith.constant 0 : i32
      %dma_start3A_113 = tpu.memref_slice %arg6[%run_scoped3A_95, %dma_start3A_111, %dma_start3A_112] : memref<2x256x64xf32, #tpu.memory_space<vmem>> -> memref<1x256x64xf32, #tpu.memory_space<vmem>>
      %dma_start3A_114 = tpu.memref_squeeze %dma_start3A_113 : memref<1x256x64xf32, #tpu.memory_space<vmem>> -> memref<256x64xf32, #tpu.memory_space<vmem>>
      tpu.enqueue_dma source(%dma_start3A_114 : memref<256x64xf32, #tpu.memory_space<vmem>>) target(%dma_start3A_110 : memref<256x64xf32, #tpu.memory_space<hbm>>) target_semaphore(%run_scoped3A_102 : memref<!tpu.dma_semaphore, #tpu.memory_space<semaphore_mem>>)
      %dma_wait3A = arith.constant 0 : i32
      %dma_wait3A_115 = arith.constant 0 : i32
      %dma_wait3A_116 = tpu.memref_slice %arg6[%run_scoped3A_95, %dma_wait3A, %dma_wait3A_115] : memref<2x256x64xf32, #tpu.memory_space<vmem>> -> memref<1x256x64xf32, #tpu.memory_space<vmem>>
      %dma_wait3A_117 = tpu.memref_squeeze %dma_wait3A_116 : memref<1x256x64xf32, #tpu.memory_space<vmem>> -> memref<256x64xf32, #tpu.memory_space<vmem>>
      %dma_wait3A_118 = arith.constant 0 : i32
      %dma_wait3A_119 = tpu.memref_slice %arg4[%add3A_93, %dma_wait3A_118] : memref<16384x64xf32, #tpu.memory_space<hbm>> -> memref<256x64xf32, #tpu.memory_space<hbm>>
      %dma_wait3A_120 = arith.constant 0 : i32
      %dma_wait3A_121 = tpu.memref_slice %arg4[%add3A_93, %dma_wait3A_120] : memref<16384x64xf32, #tpu.memory_space<hbm>> -> memref<256x64xf32, #tpu.memory_space<hbm>>
      %dma_wait3A_122 = arith.constant 0 : i32
      %dma_wait3A_123 = arith.constant 0 : i32
      %dma_wait3A_124 = tpu.memref_slice %arg6[%run_scoped3A_95, %dma_wait3A_122, %dma_wait3A_123] : memref<2x256x64xf32, #tpu.memory_space<vmem>> -> memref<1x256x64xf32, #tpu.memory_space<vmem>>
      %dma_wait3A_125 = tpu.memref_squeeze %dma_wait3A_124 : memref<1x256x64xf32, #tpu.memory_space<vmem>> -> memref<256x64xf32, #tpu.memory_space<vmem>>
      tpu.wait_dma2 semaphore(%run_scoped3A_102 : memref<!tpu.dma_semaphore, #tpu.memory_space<semaphore_mem>>) src(%dma_wait3A_125 : memref<256x64xf32, #tpu.memory_space<vmem>>) dst(%dma_wait3A_121 : memref<256x64xf32, #tpu.memory_space<hbm>>)
      tpu.yield
    }) : () -> ()
    %mul3A_96 = arith.constant 1024 : i32
    %mul3A_97 = arith.muli %arg1, %mul3A_96 : i32
    %add3A_98 = arith.constant 768 : i32
    %add3A_99 = arith.addi %mul3A_97, %add3A_98 : i32
    %run_scoped3A_100 = arith.constant 0 : i32
    "tpu.region"() ({
      %run_scoped3A_102 = tpu.sem_alloc : memref<!tpu.dma_semaphore, #tpu.memory_space<semaphore_mem>>
      %dma_start3A_103 = arith.constant 0 : i32
      %dma_start3A_104 = arith.constant 0 : i32
      %dma_start3A_105 = tpu.memref_slice %arg6[%run_scoped3A_100, %dma_start3A_103, %dma_start3A_104] : memref<2x256x64xf32, #tpu.memory_space<vmem>> -> memref<1x256x64xf32, #tpu.memory_space<vmem>>
      %dma_start3A_106 = tpu.memref_squeeze %dma_start3A_105 : memref<1x256x64xf32, #tpu.memory_space<vmem>> -> memref<256x64xf32, #tpu.memory_space<vmem>>
      %dma_start3A_107 = arith.constant 0 : i32
      %dma_start3A_108 = tpu.memref_slice %arg7[%add3A_99, %dma_start3A_107] : memref<16384x64xf32, #tpu.memory_space<vmem_shared>> -> memref<256x64xf32, #tpu.memory_space<vmem_shared>>
      %dma_start3A_109 = arith.constant 0 : i32
      %dma_start3A_110 = arith.constant 0 : i32
      %dma_start3A_111 = tpu.memref_slice %arg6[%run_scoped3A_100, %dma_start3A_109, %dma_start3A_110] : memref<2x256x64xf32, #tpu.memory_space<vmem>> -> memref<1x256x64xf32, #tpu.memory_space<vmem>>
      %dma_start3A_112 = tpu.memref_squeeze %dma_start3A_111 : memref<1x256x64xf32, #tpu.memory_space<vmem>> -> memref<256x64xf32, #tpu.memory_space<vmem>>
      %dma_start3A_113 = arith.constant 0 : i32
      %dma_start3A_114 = tpu.memref_slice %arg7[%add3A_99, %dma_start3A_113] : memref<16384x64xf32, #tpu.memory_space<vmem_shared>> -> memref<256x64xf32, #tpu.memory_space<vmem_shared>>
      tpu.enqueue_dma source(%dma_start3A_114 : memref<256x64xf32, #tpu.memory_space<vmem_shared>>) target(%dma_start3A_112 : memref<256x64xf32, #tpu.memory_space<vmem>>) target_semaphore(%run_scoped3A_102 : memref<!tpu.dma_semaphore, #tpu.memory_space<semaphore_mem>>)
      %dma_wait3A = arith.constant 0 : i32
      %dma_wait3A_115 = arith.constant 0 : i32
      %dma_wait3A_116 = tpu.memref_slice %arg6[%run_scoped3A_100, %dma_wait3A, %dma_wait3A_115] : memref<2x256x64xf32, #tpu.memory_space<vmem>> -> memref<1x256x64xf32, #tpu.memory_space<vmem>>
      %dma_wait3A_117 = tpu.memref_squeeze %dma_wait3A_116 : memref<1x256x64xf32, #tpu.memory_space<vmem>> -> memref<256x64xf32, #tpu.memory_space<vmem>>
      %dma_wait3A_118 = arith.constant 0 : i32
      %dma_wait3A_119 = tpu.memref_slice %arg7[%add3A_99, %dma_wait3A_118] : memref<16384x64xf32, #tpu.memory_space<vmem_shared>> -> memref<256x64xf32, #tpu.memory_space<vmem_shared>>
      %dma_wait3A_120 = arith.constant 0 : i32
      %dma_wait3A_121 = arith.constant 0 : i32
      %dma_wait3A_122 = tpu.memref_slice %arg6[%run_scoped3A_100, %dma_wait3A_120, %dma_wait3A_121] : memref<2x256x64xf32, #tpu.memory_space<vmem>> -> memref<1x256x64xf32, #tpu.memory_space<vmem>>
      %dma_wait3A_123 = tpu.memref_squeeze %dma_wait3A_122 : memref<1x256x64xf32, #tpu.memory_space<vmem>> -> memref<256x64xf32, #tpu.memory_space<vmem>>
      %dma_wait3A_124 = arith.constant 0 : i32
      %dma_wait3A_125 = tpu.memref_slice %arg7[%add3A_99, %dma_wait3A_124] : memref<16384x64xf32, #tpu.memory_space<vmem_shared>> -> memref<256x64xf32, #tpu.memory_space<vmem_shared>>
      tpu.wait_dma2 semaphore(%run_scoped3A_102 : memref<!tpu.dma_semaphore, #tpu.memory_space<semaphore_mem>>) src(%dma_wait3A_125 : memref<256x64xf32, #tpu.memory_space<vmem_shared>>) dst(%dma_wait3A_123 : memref<256x64xf32, #tpu.memory_space<vmem>>)
      tpu.yield
    }) : () -> ()
    %run_scoped3A_101 = arith.constant 0 : i32
    "tpu.region"() ({
      %run_scoped3A_102 = tpu.sem_alloc : memref<!tpu.dma_semaphore, #tpu.memory_space<semaphore_mem>>
      %dma_start3A_103 = arith.constant 0 : i32
      %dma_start3A_104 = arith.constant 0 : i32
      %dma_start3A_105 = tpu.memref_slice %arg6[%run_scoped3A_101, %dma_start3A_103, %dma_start3A_104] : memref<2x256x64xf32, #tpu.memory_space<vmem>> -> memref<1x256x64xf32, #tpu.memory_space<vmem>>
      %dma_start3A_106 = tpu.memref_squeeze %dma_start3A_105 : memref<1x256x64xf32, #tpu.memory_space<vmem>> -> memref<256x64xf32, #tpu.memory_space<vmem>>
      %dma_start3A_107 = arith.constant 0 : i32
      %dma_start3A_108 = tpu.memref_slice %arg4[%add3A_99, %dma_start3A_107] : memref<16384x64xf32, #tpu.memory_space<hbm>> -> memref<256x64xf32, #tpu.memory_space<hbm>>
      %dma_start3A_109 = arith.constant 0 : i32
      %dma_start3A_110 = tpu.memref_slice %arg4[%add3A_99, %dma_start3A_109] : memref<16384x64xf32, #tpu.memory_space<hbm>> -> memref<256x64xf32, #tpu.memory_space<hbm>>
      %dma_start3A_111 = arith.constant 0 : i32
      %dma_start3A_112 = arith.constant 0 : i32
      %dma_start3A_113 = tpu.memref_slice %arg6[%run_scoped3A_101, %dma_start3A_111, %dma_start3A_112] : memref<2x256x64xf32, #tpu.memory_space<vmem>> -> memref<1x256x64xf32, #tpu.memory_space<vmem>>
      %dma_start3A_114 = tpu.memref_squeeze %dma_start3A_113 : memref<1x256x64xf32, #tpu.memory_space<vmem>> -> memref<256x64xf32, #tpu.memory_space<vmem>>
      tpu.enqueue_dma source(%dma_start3A_114 : memref<256x64xf32, #tpu.memory_space<vmem>>) target(%dma_start3A_110 : memref<256x64xf32, #tpu.memory_space<hbm>>) target_semaphore(%run_scoped3A_102 : memref<!tpu.dma_semaphore, #tpu.memory_space<semaphore_mem>>)
      %dma_wait3A = arith.constant 0 : i32
      %dma_wait3A_115 = arith.constant 0 : i32
      %dma_wait3A_116 = tpu.memref_slice %arg6[%run_scoped3A_101, %dma_wait3A, %dma_wait3A_115] : memref<2x256x64xf32, #tpu.memory_space<vmem>> -> memref<1x256x64xf32, #tpu.memory_space<vmem>>
      %dma_wait3A_117 = tpu.memref_squeeze %dma_wait3A_116 : memref<1x256x64xf32, #tpu.memory_space<vmem>> -> memref<256x64xf32, #tpu.memory_space<vmem>>
      %dma_wait3A_118 = arith.constant 0 : i32
      %dma_wait3A_119 = tpu.memref_slice %arg4[%add3A_99, %dma_wait3A_118] : memref<16384x64xf32, #tpu.memory_space<hbm>> -> memref<256x64xf32, #tpu.memory_space<hbm>>
      %dma_wait3A_120 = arith.constant 0 : i32
      %dma_wait3A_121 = tpu.memref_slice %arg4[%add3A_99, %dma_wait3A_120] : memref<16384x64xf32, #tpu.memory_space<hbm>> -> memref<256x64xf32, #tpu.memory_space<hbm>>
      %dma_wait3A_122 = arith.constant 0 : i32
      %dma_wait3A_123 = arith.constant 0 : i32
      %dma_wait3A_124 = tpu.memref_slice %arg6[%run_scoped3A_101, %dma_wait3A_122, %dma_wait3A_123] : memref<2x256x64xf32, #tpu.memory_space<vmem>> -> memref<1x256x64xf32, #tpu.memory_space<vmem>>
      %dma_wait3A_125 = tpu.memref_squeeze %dma_wait3A_124 : memref<1x256x64xf32, #tpu.memory_space<vmem>> -> memref<256x64xf32, #tpu.memory_space<vmem>>
      tpu.wait_dma2 semaphore(%run_scoped3A_102 : memref<!tpu.dma_semaphore, #tpu.memory_space<semaphore_mem>>) src(%dma_wait3A_125 : memref<256x64xf32, #tpu.memory_space<vmem>>) dst(%dma_wait3A_121 : memref<256x64xf32, #tpu.memory_space<hbm>>)
      tpu.yield
    }) : () -> ()
    return
  }
}

module attributes {stable_mosaic.version = 14 : i64} {
  func.func @_phi_body(%arg0: i32, %arg1: memref<1024x128xf32, #tpu.memory_space<vmem>>, %arg2: memref<128x128xf32, #tpu.memory_space<vmem>>, %arg3: memref<1x128xf32, #tpu.memory_space<vmem>>, %arg4: memref<128x128xf32, #tpu.memory_space<vmem>>, %arg5: memref<1x128xf32, #tpu.memory_space<vmem>>, %arg6: memref<1024x128xf32, #tpu.memory_space<vmem>>) attributes {dimension_semantics = [#tpu.dimension_semantics<arbitrary>], iteration_bounds = array<i64: 160>, scalar_prefetch = 0 : i64, scratch_operands = 0 : i64, tpu.core_type = #tpu.core_type<tc>, window_params = [{transform_indices = @transform_0, window_bounds = array<i64: 1024, 128>}, {pipeline_mode = #tpu.pipeline_mode<synchronous>, transform_indices = @transform_1, window_bounds = array<i64: 128, 128>}, {pipeline_mode = #tpu.pipeline_mode<synchronous>, transform_indices = @transform_2, window_bounds = array<i64: 1, 128>}, {pipeline_mode = #tpu.pipeline_mode<synchronous>, transform_indices = @transform_3, window_bounds = array<i64: 128, 128>}, {pipeline_mode = #tpu.pipeline_mode<synchronous>, transform_indices = @transform_4, window_bounds = array<i64: 1, 128>}, {transform_indices = @transform_5, window_bounds = array<i64: 1024, 128>}]} {
    %get3A = arith.constant 0 : index
    %get3A_0 = arith.constant 0 : index
    %get3A_1 = vector.load %arg1[%get3A, %get3A_0] : memref<1024x128xf32, #tpu.memory_space<vmem>>, vector<1024x128xf32>
    %get3A_2 = arith.constant 0 : index
    %get3A_3 = arith.constant 0 : index
    %get3A_4 = vector.load %arg2[%get3A_2, %get3A_3] : memref<128x128xf32, #tpu.memory_space<vmem>>, vector<128x128xf32>
    %dot_general3A = arith.constant dense<0.000000e+00> : vector<1024x128xf32>
    %dot_general3A_5 = tpu.matmul %get3A_1, %get3A_4, %dot_general3A {dimension_numbers = #tpu.dot_dimension_numbers<[1], [0], [0], [1], [0, 0, 1, 1], [], []>, transpose_lhs_hint = false} : vector<1024x128xf32>, vector<128x128xf32>, vector<1024x128xf32> -> vector<1024x128xf32>
    %get3A_6 = arith.constant 0 : index
    %get3A_7 = arith.constant 0 : index
    %get3A_8 = vector.load %arg3[%get3A_6, %get3A_7] : memref<1x128xf32, #tpu.memory_space<vmem>>, vector<1x128xf32>
    %add3A = vector.broadcast %get3A_8 : vector<1x128xf32> to vector<1024x128xf32>
    %add3A_9 = arith.addf %dot_general3A_5, %add3A : vector<1024x128xf32>
    %max3A = arith.constant 0.000000e+00 : f32
    %max3A_10 = vector.broadcast %max3A : f32 to vector<1024x128xf32>
    %max3A_11 = arith.maximumf %add3A_9, %max3A_10 : vector<1024x128xf32>
    %get3A_12 = arith.constant 0 : index
    %get3A_13 = arith.constant 0 : index
    %get3A_14 = vector.load %arg4[%get3A_12, %get3A_13] : memref<128x128xf32, #tpu.memory_space<vmem>>, vector<128x128xf32>
    %dot_general3A_15 = arith.constant dense<0.000000e+00> : vector<1024x128xf32>
    %dot_general3A_16 = tpu.matmul %max3A_11, %get3A_14, %dot_general3A_15 {dimension_numbers = #tpu.dot_dimension_numbers<[1], [0], [0], [1], [0, 0, 1, 1], [], []>, transpose_lhs_hint = false} : vector<1024x128xf32>, vector<128x128xf32>, vector<1024x128xf32> -> vector<1024x128xf32>
    %get3A_17 = arith.constant 0 : index
    %get3A_18 = arith.constant 0 : index
    %get3A_19 = vector.load %arg5[%get3A_17, %get3A_18] : memref<1x128xf32, #tpu.memory_space<vmem>>, vector<1x128xf32>
    %add3A_20 = vector.broadcast %get3A_19 : vector<1x128xf32> to vector<1024x128xf32>
    %add3A_21 = arith.addf %dot_general3A_16, %add3A_20 : vector<1024x128xf32>
    %swap3A = arith.constant 0 : index
    %swap3A_22 = arith.constant 0 : index
    %swap3A_23 = vector.load %arg6[%swap3A, %swap3A_22] : memref<1024x128xf32, #tpu.memory_space<vmem>>, vector<1024x128xf32>
    tpu.vector_store %arg6[%swap3A, %swap3A_22], %add3A_21 {strides = array<i32>} : memref<1024x128xf32, #tpu.memory_space<vmem>>, vector<1024x128xf32>,
    return
  }
  func.func @transform_0(%arg0: i32) -> (i32, i32) {
    %c0_i32 = arith.constant 0 : i32
    %c0_i32_0 = arith.constant 0 : i32
    return %arg0, %c0_i32 : i32, i32
  }
  func.func @transform_1(%arg0: i32) -> (i32, i32) {
    %c0_i32 = arith.constant 0 : i32
    %c0_i32_0 = arith.constant 0 : i32
    %c0_i32_1 = arith.constant 0 : i32
    return %c0_i32, %c0_i32_0 : i32, i32
  }
  func.func @transform_2(%arg0: i32) -> (i32, i32) {
    %c0_i32 = arith.constant 0 : i32
    %c0_i32_0 = arith.constant 0 : i32
    %c0_i32_1 = arith.constant 0 : i32
    return %c0_i32, %c0_i32_0 : i32, i32
  }
  func.func @transform_3(%arg0: i32) -> (i32, i32) {
    %c0_i32 = arith.constant 0 : i32
    %c0_i32_0 = arith.constant 0 : i32
    %c0_i32_1 = arith.constant 0 : i32
    return %c0_i32, %c0_i32_0 : i32, i32
  }
  func.func @transform_4(%arg0: i32) -> (i32, i32) {
    %c0_i32 = arith.constant 0 : i32
    %c0_i32_0 = arith.constant 0 : i32
    %c0_i32_1 = arith.constant 0 : i32
    return %c0_i32, %c0_i32_0 : i32, i32
  }
  func.func @transform_5(%arg0: i32) -> (i32, i32) {
    %c0_i32 = arith.constant 0 : i32
    %c0_i32_0 = arith.constant 0 : i32
    return %arg0, %c0_i32 : i32, i32
  }
}

module attributes {stable_mosaic.version = 14 : i64} {
  func.func @_head_body(%arg0: i32, %arg1: memref<512x128xf32, #tpu.memory_space<vmem>>, %arg2: memref<512x128xf32, #tpu.memory_space<vmem>>, %arg3: memref<128x128xf32, #tpu.memory_space<vmem>>, %arg4: memref<1x128xf32, #tpu.memory_space<vmem>>, %arg5: memref<128x128xf32, #tpu.memory_space<vmem>>, %arg6: memref<1x128xf32, #tpu.memory_space<vmem>>, %arg7: memref<128x128xf32, #tpu.memory_space<vmem>>, %arg8: memref<1x128xf32, #tpu.memory_space<vmem>>, %arg9: memref<128x128xf32, #tpu.memory_space<vmem>>, %arg10: memref<1x128xf32, #tpu.memory_space<vmem>>, %arg11: memref<128x128xf32, #tpu.memory_space<vmem>>, %arg12: memref<128x128xf32, #tpu.memory_space<vmem>>, %arg13: memref<1x128xf32, #tpu.memory_space<vmem>>, %arg14: memref<128x8xf32, #tpu.memory_space<vmem>>, %arg15: memref<512x8xf32, #tpu.memory_space<vmem>>) attributes {dimension_semantics = [#tpu.dimension_semantics<arbitrary>], iteration_bounds = array<i64: 16>, scalar_prefetch = 0 : i64, scratch_operands = 0 : i64, tpu.core_type = #tpu.core_type<tc>, window_params = [{transform_indices = @transform_0, window_bounds = array<i64: 512, 128>}, {transform_indices = @transform_1, window_bounds = array<i64: 512, 128>}, {pipeline_mode = #tpu.pipeline_mode<synchronous>, transform_indices = @transform_2, window_bounds = array<i64: 128, 128>}, {pipeline_mode = #tpu.pipeline_mode<synchronous>, transform_indices = @transform_3, window_bounds = array<i64: 1, 128>}, {pipeline_mode = #tpu.pipeline_mode<synchronous>, transform_indices = @transform_4, window_bounds = array<i64: 128, 128>}, {pipeline_mode = #tpu.pipeline_mode<synchronous>, transform_indices = @transform_5, window_bounds = array<i64: 1, 128>}, {pipeline_mode = #tpu.pipeline_mode<synchronous>, transform_indices = @transform_6, window_bounds = array<i64: 128, 128>}, {pipeline_mode = #tpu.pipeline_mode<synchronous>, transform_indices = @transform_7, window_bounds = array<i64: 1, 128>}, {pipeline_mode = #tpu.pipeline_mode<synchronous>, transform_indices = @transform_8, window_bounds = array<i64: 128, 128>}, {pipeline_mode = #tpu.pipeline_mode<synchronous>, transform_indices = @transform_9, window_bounds = array<i64: 1, 128>}, {pipeline_mode = #tpu.pipeline_mode<synchronous>, transform_indices = @transform_10, window_bounds = array<i64: 128, 128>}, {pipeline_mode = #tpu.pipeline_mode<synchronous>, transform_indices = @transform_11, window_bounds = array<i64: 128, 128>}, {pipeline_mode = #tpu.pipeline_mode<synchronous>, transform_indices = @transform_12, window_bounds = array<i64: 1, 128>}, {pipeline_mode = #tpu.pipeline_mode<synchronous>, transform_indices = @transform_13, window_bounds = array<i64: 128, 8>}, {transform_indices = @transform_14, window_bounds = array<i64: 512, 8>}]} {
    %get3A = arith.constant 0 : index
    %get3A_0 = arith.constant 0 : index
    %get3A_1 = vector.load %arg1[%get3A, %get3A_0] : memref<512x128xf32, #tpu.memory_space<vmem>>, vector<512x128xf32>
    %get3A_2 = arith.constant 0 : index
    %get3A_3 = arith.constant 0 : index
    %get3A_4 = vector.load %arg3[%get3A_2, %get3A_3] : memref<128x128xf32, #tpu.memory_space<vmem>>, vector<128x128xf32>
    %dot_general3A = arith.constant dense<0.000000e+00> : vector<512x128xf32>
    %dot_general3A_5 = tpu.matmul %get3A_1, %get3A_4, %dot_general3A {dimension_numbers = #tpu.dot_dimension_numbers<[1], [0], [0], [1], [0, 0, 1, 1], [], []>, transpose_lhs_hint = false} : vector<512x128xf32>, vector<128x128xf32>, vector<512x128xf32> -> vector<512x128xf32>
    %get3A_6 = arith.constant 0 : index
    %get3A_7 = arith.constant 0 : index
    %get3A_8 = vector.load %arg4[%get3A_6, %get3A_7] : memref<1x128xf32, #tpu.memory_space<vmem>>, vector<1x128xf32>
    %add3A = vector.broadcast %get3A_8 : vector<1x128xf32> to vector<512x128xf32>
    %add3A_9 = arith.addf %dot_general3A_5, %add3A : vector<512x128xf32>
    %max3A = arith.constant 0.000000e+00 : f32
    %max3A_10 = vector.broadcast %max3A : f32 to vector<512x128xf32>
    %max3A_11 = arith.maximumf %add3A_9, %max3A_10 : vector<512x128xf32>
    %get3A_12 = arith.constant 0 : index
    %get3A_13 = arith.constant 0 : index
    %get3A_14 = vector.load %arg5[%get3A_12, %get3A_13] : memref<128x128xf32, #tpu.memory_space<vmem>>, vector<128x128xf32>
    %dot_general3A_15 = arith.constant dense<0.000000e+00> : vector<512x128xf32>
    %dot_general3A_16 = tpu.matmul %max3A_11, %get3A_14, %dot_general3A_15 {dimension_numbers = #tpu.dot_dimension_numbers<[1], [0], [0], [1], [0, 0, 1, 1], [], []>, transpose_lhs_hint = false} : vector<512x128xf32>, vector<128x128xf32>, vector<512x128xf32> -> vector<512x128xf32>
    %get3A_17 = arith.constant 0 : index
    %get3A_18 = arith.constant 0 : index
    %get3A_19 = vector.load %arg6[%get3A_17, %get3A_18] : memref<1x128xf32, #tpu.memory_space<vmem>>, vector<1x128xf32>
    %add3A_20 = vector.broadcast %get3A_19 : vector<1x128xf32> to vector<512x128xf32>
    %add3A_21 = arith.addf %dot_general3A_16, %add3A_20 : vector<512x128xf32>
    %get3A_22 = arith.constant 0 : index
    %get3A_23 = arith.constant 0 : index
    %get3A_24 = vector.load %arg2[%get3A_22, %get3A_23] : memref<512x128xf32, #tpu.memory_space<vmem>>, vector<512x128xf32>
    %get3A_25 = arith.constant 0 : index
    %get3A_26 = arith.constant 0 : index
    %get3A_27 = vector.load %arg7[%get3A_25, %get3A_26] : memref<128x128xf32, #tpu.memory_space<vmem>>, vector<128x128xf32>
    %dot_general3A_28 = arith.constant dense<0.000000e+00> : vector<512x128xf32>
    %dot_general3A_29 = tpu.matmul %get3A_24, %get3A_27, %dot_general3A_28 {dimension_numbers = #tpu.dot_dimension_numbers<[1], [0], [0], [1], [0, 0, 1, 1], [], []>, transpose_lhs_hint = false} : vector<512x128xf32>, vector<128x128xf32>, vector<512x128xf32> -> vector<512x128xf32>
    %get3A_30 = arith.constant 0 : index
    %get3A_31 = arith.constant 0 : index
    %get3A_32 = vector.load %arg8[%get3A_30, %get3A_31] : memref<1x128xf32, #tpu.memory_space<vmem>>, vector<1x128xf32>
    %add3A_33 = vector.broadcast %get3A_32 : vector<1x128xf32> to vector<512x128xf32>
    %add3A_34 = arith.addf %dot_general3A_29, %add3A_33 : vector<512x128xf32>
    %max3A_35 = arith.constant 0.000000e+00 : f32
    %max3A_36 = vector.broadcast %max3A_35 : f32 to vector<512x128xf32>
    %max3A_37 = arith.maximumf %add3A_34, %max3A_36 : vector<512x128xf32>
    %get3A_38 = arith.constant 0 : index
    %get3A_39 = arith.constant 0 : index
    %get3A_40 = vector.load %arg9[%get3A_38, %get3A_39] : memref<128x128xf32, #tpu.memory_space<vmem>>, vector<128x128xf32>
    %dot_general3A_41 = arith.constant dense<0.000000e+00> : vector<512x128xf32>
    %dot_general3A_42 = tpu.matmul %max3A_37, %get3A_40, %dot_general3A_41 {dimension_numbers = #tpu.dot_dimension_numbers<[1], [0], [0], [1], [0, 0, 1, 1], [], []>, transpose_lhs_hint = false} : vector<512x128xf32>, vector<128x128xf32>, vector<512x128xf32> -> vector<512x128xf32>
    %get3A_43 = arith.constant 0 : index
    %get3A_44 = arith.constant 0 : index
    %get3A_45 = vector.load %arg10[%get3A_43, %get3A_44] : memref<1x128xf32, #tpu.memory_space<vmem>>, vector<1x128xf32>
    %add3A_46 = vector.broadcast %get3A_45 : vector<1x128xf32> to vector<512x128xf32>
    %add3A_47 = arith.addf %dot_general3A_42, %add3A_46 : vector<512x128xf32>
    %get3A_48 = arith.constant 0 : index
    %get3A_49 = arith.constant 0 : index
    %get3A_50 = vector.load %arg11[%get3A_48, %get3A_49] : memref<128x128xf32, #tpu.memory_space<vmem>>, vector<128x128xf32>
    %dot_general3A_51 = arith.constant dense<0.000000e+00> : vector<512x128xf32>
    %dot_general3A_52 = tpu.matmul %add3A_21, %get3A_50, %dot_general3A_51 {dimension_numbers = #tpu.dot_dimension_numbers<[1], [0], [0], [1], [0, 0, 1, 1], [], []>, transpose_lhs_hint = false} : vector<512x128xf32>, vector<128x128xf32>, vector<512x128xf32> -> vector<512x128xf32>
    %get3A_53 = arith.constant 0 : index
    %get3A_54 = arith.constant 0 : index
    %get3A_55 = vector.load %arg12[%get3A_53, %get3A_54] : memref<128x128xf32, #tpu.memory_space<vmem>>, vector<128x128xf32>
    %dot_general3A_56 = arith.constant dense<0.000000e+00> : vector<512x128xf32>
    %dot_general3A_57 = tpu.matmul %add3A_47, %get3A_55, %dot_general3A_56 {dimension_numbers = #tpu.dot_dimension_numbers<[1], [0], [0], [1], [0, 0, 1, 1], [], []>, transpose_lhs_hint = false} : vector<512x128xf32>, vector<128x128xf32>, vector<512x128xf32> -> vector<512x128xf32>
    %add3A_58 = arith.addf %dot_general3A_52, %dot_general3A_57 : vector<512x128xf32>
    %get3A_59 = arith.constant 0 : index
    %get3A_60 = arith.constant 0 : index
    %get3A_61 = vector.load %arg13[%get3A_59, %get3A_60] : memref<1x128xf32, #tpu.memory_space<vmem>>, vector<1x128xf32>
    %add3A_62 = vector.broadcast %get3A_61 : vector<1x128xf32> to vector<512x128xf32>
    %add3A_63 = arith.addf %add3A_58, %add3A_62 : vector<512x128xf32>
    %max3A_64 = arith.constant 0.000000e+00 : f32
    %max3A_65 = vector.broadcast %max3A_64 : f32 to vector<512x128xf32>
    %max3A_66 = arith.maximumf %add3A_63, %max3A_65 : vector<512x128xf32>
    %get3A_67 = arith.constant 0 : index
    %get3A_68 = arith.constant 0 : index
    %get3A_69 = vector.load %arg14[%get3A_67, %get3A_68] : memref<128x8xf32, #tpu.memory_space<vmem>>, vector<128x8xf32>
    %dot_general3A_70 = arith.constant dense<0.000000e+00> : vector<512x8xf32>
    %dot_general3A_71 = tpu.matmul %max3A_66, %get3A_69, %dot_general3A_70 {dimension_numbers = #tpu.dot_dimension_numbers<[1], [0], [0], [1], [0, 0, 1, 1], [], []>, transpose_lhs_hint = false} : vector<512x128xf32>, vector<128x8xf32>, vector<512x8xf32> -> vector<512x8xf32>
    %swap3A = arith.constant 0 : index
    %swap3A_72 = arith.constant 0 : index
    %swap3A_73 = vector.load %arg15[%swap3A, %swap3A_72] : memref<512x8xf32, #tpu.memory_space<vmem>>, vector<512x8xf32>
    tpu.vector_store %arg15[%swap3A, %swap3A_72], %dot_general3A_71 {strides = array<i32>} : memref<512x8xf32, #tpu.memory_space<vmem>>, vector<512x8xf32>,
    return
  }
  func.func @transform_0(%arg0: i32) -> (i32, i32) {
    %c0_i32 = arith.constant 0 : i32
    %c0_i32_0 = arith.constant 0 : i32
    return %arg0, %c0_i32 : i32, i32
  }
  func.func @transform_1(%arg0: i32) -> (i32, i32) {
    %c0_i32 = arith.constant 0 : i32
    %c0_i32_0 = arith.constant 0 : i32
    return %arg0, %c0_i32 : i32, i32
  }
  func.func @transform_2(%arg0: i32) -> (i32, i32) {
    %c0_i32 = arith.constant 0 : i32
    %c0_i32_0 = arith.constant 0 : i32
    %c0_i32_1 = arith.constant 0 : i32
    return %c0_i32, %c0_i32_0 : i32, i32
  }
  func.func @transform_3(%arg0: i32) -> (i32, i32) {
    %c0_i32 = arith.constant 0 : i32
    %c0_i32_0 = arith.constant 0 : i32
    %c0_i32_1 = arith.constant 0 : i32
    return %c0_i32, %c0_i32_0 : i32, i32
  }
  func.func @transform_4(%arg0: i32) -> (i32, i32) {
    %c0_i32 = arith.constant 0 : i32
    %c0_i32_0 = arith.constant 0 : i32
    %c0_i32_1 = arith.constant 0 : i32
    return %c0_i32, %c0_i32_0 : i32, i32
  }
  func.func @transform_5(%arg0: i32) -> (i32, i32) {
    %c0_i32 = arith.constant 0 : i32
    %c0_i32_0 = arith.constant 0 : i32
    %c0_i32_1 = arith.constant 0 : i32
    return %c0_i32, %c0_i32_0 : i32, i32
  }
  func.func @transform_6(%arg0: i32) -> (i32, i32) {
    %c0_i32 = arith.constant 0 : i32
    %c0_i32_0 = arith.constant 0 : i32
    %c0_i32_1 = arith.constant 0 : i32
    return %c0_i32, %c0_i32_0 : i32, i32
  }
  func.func @transform_7(%arg0: i32) -> (i32, i32) {
    %c0_i32 = arith.constant 0 : i32
    %c0_i32_0 = arith.constant 0 : i32
    %c0_i32_1 = arith.constant 0 : i32
    return %c0_i32, %c0_i32_0 : i32, i32
  }
  func.func @transform_8(%arg0: i32) -> (i32, i32) {
    %c0_i32 = arith.constant 0 : i32
    %c0_i32_0 = arith.constant 0 : i32
    %c0_i32_1 = arith.constant 0 : i32
    return %c0_i32, %c0_i32_0 : i32, i32
  }
  func.func @transform_9(%arg0: i32) -> (i32, i32) {
    %c0_i32 = arith.constant 0 : i32
    %c0_i32_0 = arith.constant 0 : i32
    %c0_i32_1 = arith.constant 0 : i32
    return %c0_i32, %c0_i32_0 : i32, i32
  }
  func.func @transform_10(%arg0: i32) -> (i32, i32) {
    %c0_i32 = arith.constant 0 : i32
    %c0_i32_0 = arith.constant 0 : i32
    %c0_i32_1 = arith.constant 0 : i32
    return %c0_i32, %c0_i32_0 : i32, i32
  }
  func.func @transform_11(%arg0: i32) -> (i32, i32) {
    %c0_i32 = arith.constant 0 : i32
    %c0_i32_0 = arith.constant 0 : i32
    %c0_i32_1 = arith.constant 0 : i32
    return %c0_i32, %c0_i32_0 : i32, i32
  }
  func.func @transform_12(%arg0: i32) -> (i32, i32) {
    %c0_i32 = arith.constant 0 : i32
    %c0_i32_0 = arith.constant 0 : i32
    %c0_i32_1 = arith.constant 0 : i32
    return %c0_i32, %c0_i32_0 : i32, i32
  }
  func.func @transform_13(%arg0: i32) -> (i32, i32) {
    %c0_i32 = arith.constant 0 : i32
    %c0_i32_0 = arith.constant 0 : i32
    %c0_i32_1 = arith.constant 0 : i32
    return %c0_i32, %c0_i32_0 : i32, i32
  }
  func.func @transform_14(%arg0: i32) -> (i32, i32) {
    %c0_i32 = arith.constant 0 : i32
    %c0_i32_0 = arith.constant 0 : i32
    return %arg0, %c0_i32 : i32, i32
  }
}

</mosaic_0001>

<sc_bundles>
// kernel: kernel.12.cloned.1.call-start
scs
__scs_entry_jumppad:
0x0: {  	(pc) =	sbr.rel $0x88, $3  }
0x1: {  	(tag) =	ssettag $0x0;
	lr =	simm.s32 $0x1  }
0x2: {  	[smem:$0x3F88] =	sst lr;
	_ =	strace $0xD0000000  }
0x3: {  	_ = 	snop  }
0x4: {  	_ = 	snop  }
0x5: {  	_ = 	snop  }
0x6: {  	_ = 	snop  }
0x7: {  	_ = 	snop  }
__scs_overlays_trampoline_lowered:
0x8: {  	[smem:$0x3F97] =	sst s0  }
0x9: {  	[smem:$0x3F98] =	sst s1  }
0xa: {  	[smem:$0x3F99] =	sst s2  }
0xb: {  	[smem:$0x3F9A] =	sst s3  }
0xc: {  	[smem:$0x3F9B] =	sst s4  }
0xd: {  	[smem:$0x3F9C] =	sst s5  }
0xe: {  	[smem:$0x3F9D] =	sst s6  }
0xf: {  	[smem:$0x3F9E] =	sst s7  }
0x10: {  	[smem:$0x3F9F] =	sst s8  }
0x11: {  	[smem:$0x3FA0] =	sst s9;
	s0 =	simm.s32 @!p0 $0x0  }
0x12: {  	s1 =	sld [smem:$0x3F86];
	s0 =	simm.s32 @p0 $0x1  }
0x13: {  	[smem:$0x3FA1] =	sst s0;
	s0 =	simm.s32 @!p1 $0x0  }
0x14: {  	s2 =	sld [smem:$0x3F85];
	s0 =	simm.s32 @p1 $0x1  }
0x15: {  	[smem:$0x3FA2] =	sst s0;
	s0 =	simm.s32 @!p2 $0x0  }
0x16: {  	s3 =	sld [smem:$0x3FDB];
	s0 =	simm.s32 @p2 $0x1  }
0x17: {  	s4 =	simm.s32 $0x1BF5;
	[smem:$0x3FA4] =	sst s0  }
0x18: {  	s0 =	sld [smem:$0x3F87];
	_ =	swait.ge [sflag:s4], $0x0  }
0x19: {  	s7 =	sld [smem:$0x3F88]  }
0x1a: {  	s8 =	sadd.s32 $0xFFFFE003, lr  }
0x1b: {  	s9 =	sadd.s32 $0xFFFFFEF7, lr;
	s5 =	simm.s32 $0xFFFFFFFF;
	p2 =	slt.u32 s8, $0xFFFFF086  }
0x1c: {  	p1 =	slt.u32 s9, $0xF7A;
	s5 =	simm.s32 @!p2 $0x0  }
0x1d: {  	s5 =	simm.s32 @p1 $0x1;
	p0 =	seq.s32 s7, s2  }
0x1e: {  	s7 =	smul.u32 @!p0 $0xF7A, s2;
	p2 =	seq.s32 @!p0 s5, $0x0  }
0x1f: {  	s9 =	smul.u32 $0xF7A, s1;
	s8 =	simm.s32 @!p0 $0x1BF5;
	p2 =	por !p2, p0  }
0x20: {  	[sflag:s8] =	ssyncset.s32 @!p0 $0xFFFFF086;
	s6 =	sadd.s32 @!p0 s3, s7;
	s7 =	simm.s32 @!p0 $0x108  }
0x21: {  	s3 =	sadd.s32 s3, s9;
	s6 =	sadd.s32 @!p0 $0x88, s6;
	s7 =	simm.s32 @p2 $0x1082  }
0x22: {  	[simem:s7], [sflag:s8] =	dma.local @!p0 [hbm:s6], $0xF7A  }
0x23: {  	s9 =	sor.u32 $0xD0000000, s2;
	s6 =	simm.s32 $0x108;
	_ =	swait.ge @!p0 [sflag:s8], $0x0  }
0x24: {  	s3 =	sadd.s32 $0x88, s3;
	s6 =	simm.s32 @!p1 $0x1082;
	[sflag:s4] =	ssyncset.s32 $0xFFFFF086  }
0x25: {  	[simem:s6], [sflag:s4] =	dma.local [hbm:s3], $0xF7A  }
0x26: {  	[smem:$0x3F88] =	sst s1;
	(tag) =	ssettag s2;
	_ =	strace s9  }
0x27: {  	s1 =	sld [smem:$0x3F98]  }
0x28: {  	s2 =	sld [smem:$0x3F99]  }
0x29: {  	s4 =	sld [smem:$0x3F9B]  }
0x2a: {  	p0 =	seq.s32 s5, $0x0;
	s5 =	sld [smem:$0x3F9C]  }
0x2b: {  	s6 =	sld [smem:$0x3F9D]  }
0x2c: {  	s7 =	sld [smem:$0x3F9E]  }
0x2d: {  	s3 =	simm.s32 $0x108;
	s8 =	sld [smem:$0x3F9F]  }
0x2e: {  	s3 =	simm.s32 @!p0 $0x1082;
	s9 =	sld [smem:$0x3FA0]  }
0x2f: {  	lr =	sadd.s32 s0, s3;
	s0 =	sld [smem:$0x3F97]  }
0x30: {  	s3 =	sld [smem:$0x3F9A]  }
0x31: {  	[smem:$0x3FA3] =	sst s10  }
0x32: {  	s10 =	sld [smem:$0x3FA1];
	_ =	sdelay $0x3  }
0x33: {  	p0 =	seq.s32 s10, $0x1;
	s10 =	sld [smem:$0x3FA3];
	_ =	sdelay $0x3  }
0x34: {  	[smem:$0x3FA3] =	sst s10  }
0x35: {  	s10 =	sld [smem:$0x3FA2];
	_ =	sdelay $0x3  }
0x36: {  	p1 =	seq.s32 s10, $0x1;
	s10 =	sld [smem:$0x3FA3];
	_ =	sdelay $0x3  }
0x37: {  	[smem:$0x3FA3] =	sst s10  }
0x38: {  	s10 =	sld [smem:$0x3FA4]  }
0x39: {  	_ = 	snop;
	(pc) =	sbr.ind lr, $3  }
0x3a: {  	_ = 	snop  }
0x3b: {  	_ = 	snop  }
0x3c: {  	p2 =	seq.s32 s10, $0x1;
	s10 =	sld [smem:$0x3FA3]  }
0x3d: {  	_ =	shalt  }
0x3e: {  	_ =	shalt  }
0x3f: {  	_ =	shalt  }
0x40: {  	_ =	shalt  }
0x41: {  	_ =	shalt  }
0x42: {  	_ =	shalt  }
0x43: {  	_ =	shalt  }
0x44: {  	_ =	shalt  }
0x45: {  	_ =	shalt  }
0x46: {  	_ =	shalt  }
0x47: {  	_ =	shalt  }
0x48: {  	_ =	shalt  }
0x49: {  	_ =	shalt  }
0x4a: {  	_ =	shalt  }
0x4b: {  	_ =	shalt  }
0x4c: {  	_ =	shalt  }
0x4d: {  	_ =	shalt  }
0x4e: {  	_ =	shalt  }
0x4f: {  	_ =	shalt  }
0x50: {  	_ =	shalt  }
0x51: {  	_ =	shalt  }
0x52: {  	_ =	shalt  }
0x53: {  	_ =	shalt  }
0x54: {  	_ =	shalt  }
0x55: {  	_ =	shalt  }
0x56: {  	_ =	shalt  }
0x57: {  	_ =	shalt  }
0x58: {  	_ =	shalt  }
0x59: {  	_ =	shalt  }
0x5a: {  	_ =	shalt  }
0x5b: {  	_ =	shalt  }
0x5c: {  	_ =	shalt  }
0x5d: {  	_ =	shalt  }
0x5e: {  	_ =	shalt  }
0x5f: {  	_ =	shalt  }
0x60: {  	_ =	shalt  }
0x61: {  	_ =	shalt  }
0x62: {  	_ =	shalt  }
0x63: {  	_ =	shalt  }
0x64: {  	_ =	shalt  }
0x65: {  	_ =	shalt  }
0x66: {  	_ =	shalt  }
0x67: {  	_ =	shalt  }
0x68: {  	_ =	shalt  }
0x69: {  	_ =	shalt  }
0x6a: {  	_ =	shalt  }
0x6b: {  	_ =	shalt  }
0x6c: {  	_ =	shalt  }
0x6d: {  	_ =	shalt  }
0x6e: {  	_ =	shalt  }
0x6f: {  	_ =	shalt  }
0x70: {  	_ =	shalt  }
0x71: {  	_ =	shalt  }
0x72: {  	_ =	shalt  }
0x73: {  	_ =	shalt  }
0x74: {  	_ =	shalt  }
0x75: {  	_ =	shalt  }
0x76: {  	_ =	shalt  }
0x77: {  	_ =	shalt  }
0x78: {  	_ =	shalt  }
0x79: {  	_ =	shalt  }
0x7a: {  	_ =	shalt  }
0x7b: {  	_ =	shalt  }
0x7c: {  	_ =	shalt  }
0x7d: {  	_ =	shalt  }
0x7e: {  	_ =	shalt  }
0x7f: {  	_ =	shalt  }
0x80: {  	_ =	shalt  }
0x81: {  	_ =	shalt  }
0x82: {  	_ =	shalt  }
0x83: {  	_ =	shalt  }
0x84: {  	_ =	shalt  }
0x85: {  	_ =	shalt  }
0x86: {  	_ =	shalt  }
0x87: {  	_ =	shalt  }
.Lfunc_end0:
.L_simem_size_0:
called_computation.2_lowered:
.L_overlay_start_0:
0x88: {  	s2 =	sld [smem:$0x3FD9]  }
0x89: {  	s3 =	sld [smem:$0x3FFE];
	_ =	sdelay $0x1  }
0x8a: {  	s1 =	srdreg.scid  }
0x8b: {  	s0 =	sand.u32 $0x1, s1  }
0x8c: {  	s17 =	sshll.u32 s0, $0xA;
	s2 =	sadd.s32 s3, s2  }
0x8d: {  	s2 =	sadd.s32 s2, s17  }
0x8e: {  	[smem:$0x3FAF] =	sst s2  }
0x8f: {  	_ = 	snop  }
0x90: {  	s18 =	sld [smem:$0x3FC8];
	(tm) =	ssettm $0x1  }
0x91: {  	s19 =	sld [smem:$0x3FFB];
	_ =	sdelay $0x3  }
0x92: {  	_ =	strace s19  }
0x93: {  	s2 =	sld [smem:$0x3FFC];
	_ =	sdelay $0x3  }
0x94: {  	_ =	strace s2  }
0x95: {  	s2 =	sld [smem:$0x3FFD];
	_ =	sdelay $0x3  }
0x96: {  	_ =	strace s2  }
0x97: {  	_ =	strace $0x8FFFFFFF  }
0x98: {  	s20 =	sld [smem:$0x3FDB];
	_ =	sdelay $0x1  }
0x99: {  	s4 =	simm.s32 $_scs_section_size  }
0x9a: {  	s5 =	simm.s32 $_size__tile_overlayer_lowered;
	s6 =	simm.s32 $_tile_overlayer_lowered  }
0x9b: {  	s7 =	simm.s32 $0x1BFF;
	s21 =	sshll.u32 s6, $0x1;
	s4 =	sadd.s32 s4, s20  }
0x9c: {  	s22 =	simm.s32 $0x0;
	s5 =	sshll.u32 s5, $0x1;
	s6 =	sadd.s32 s21, s4  }
0x9d: {  	[timem:s22], [sflag:s7] =	dma.local [hbm:s6], s5  }
0x9e: {  	_ =	swait.ge [sflag:s7], s5  }
0x9f: {  	s5 =	ssub.s32 $0x0, s5;
	[sflag:s7] =	ssyncset.done $0x0  }
0xa0: {  	[sflag:s7] =	ssyncadd.s32 s5;
	_ =	sdelay $0x1  }
0xa1: {  	s23 =	simm.s32 $0x1B8B  }
0xa2: {  	_ =	swait.ge [sflag:s23], $0x1  }
0xa3: {  	[sflag:s23] =	ssyncset.done $0x0  }
0xa4: {  	[sflag:s23] =	ssyncadd.s32 $0xFFFFFFFF  }
0xa5: {  	s5 =	sld [smem:$0x0]  }
0xa6: {  	s6 =	sand.u32 $0xFFFFFFFE, s1  }
0xa7: {  	p0 =	sne.s32 s1, s6  }
0xa8: {  	s6 =	sshll.u32 @p0 s6, $0xE  }
0xa9: {  	s6 =	sadd.s32 @p0 $0x11B8D, s6;
	s7 =	sshll.u32 @p0 s5, $0x11  }
0xaa: {  	s6 =	sor.u32 @p0 s7, s6  }
0xab: {  	[sflag:s6] =	ssyncadd.remote.s32 @p0 $0x1;
	_ =	sdelay $0x1  }
0xac: {  	s6 =	simm.s32 @p0 $0x1B8D  }
0xad: {  	_ =	swait.eq @p0 [sflag:s6], $0x1  }
0xae: {  	[sflag:s6] =	ssyncadd.s32 @p0 $0xFFFFFFFF  }
0xaf: {  	s7 =	sshll.u32 @!p0 s1, $0xE  }
0xb0: {  	s7 =	sor.u32 @!p0 $0x4000, s7;
	s6 =	simm.s32 @!p0 $0x1B8D  }
0xb1: {  	s5 =	sshll.u32 @!p0 s5, $0x11;
	s7 =	sadd.s32 @!p0 $0x11B8D, s7;
	_ =	swait.eq @!p0 [sflag:s6], $0x1  }
0xb2: {  	s5 =	sor.u32 @!p0 s5, s7;
	[sflag:s6] =	ssyncadd.s32 @!p0 $0xFFFFFFFF  }
0xb3: {  	s25 =	simm.s32 $0x1B8E;
	s24 =	sld [smem:$0x3FFE];
	[sflag:s5] =	ssyncadd.remote.s32 @!p0 $0x1  }
0xb4: {  	s26 =	simm.s32 $execute0_lowered;
	[smem:$0x3FD2] =	sst s25  }
0xb5: {  	s6 =	sshll.u32 s26, $0x1;
	_ =	strace $0x8000004C;
	[dreg:$0x1] =	wrdreg $0xFFFFFFFF  }
0xb6: {  	s28 =	simm.s32 $_size_execute0_lowered;
	s4 =	sadd.s32 s4, s6;
	[dreg:$0x0] =	wrdreg $0x0  }
0xb7: {  	s6 =	sshll.u32 s28, $0x1;
	[dreg:$0x2] =	wrdreg s4  }
0xb8: {  	[dreg:$0x3] =	wrdreg s6  }
0xb9: {  	[dreg:$0x4] =	wrdreg $0xC0  }
0xba: {  	_ =	task [dreg:s22], $0x5FFFF  }
0xbb: {  	[dreg:$0x1] =	wrdreg $0xFFFFFFFF  }
0xbc: {  	[dreg:$0x0] =	wrdreg $0x60  }
0xbd: {  	[dreg:$0x2] =	wrdreg s18  }
0xbe: {  	[dreg:$0x3] =	wrdreg s24  }
0xbf: {  	[dreg:$0x4] =	wrdreg $0x9  }
0xc0: {  	_ =	task.clear_ibuf [dreg:s22], $0x5FFFF;
	_ =	strace $0x9000004C  }
0xc1: {  	s29 =	simm.s32 $0x9;
	_ =	strace $0x8000004E  }
0xc2: {  	_ =	swait.ge [sflag:s29], $0x1  }
0xc3: {  	[sflag:s29] =	ssyncadd.s32 $0xFFFFFFFF  }
0xc4: {  	_ =	strace $0x9000004E  }
0xc5: {  	_ =	sfence  }
0xc6: {  	s30 =	sld [smem:$0x0];
	_ =	sdelay $0x2  }
0xc7: {  	s31 =	sshll.u32 s1, $0xD;
	s1 =	sshrl.u32 s1, $0x2  }
0xc8: {  	s4 =	sand.u32 $0x4000, s31;
	s1 =	sadd.s32 s1, s30  }
0xc9: {  	s0 =	sor.u32 s4, s0;
	s1 =	sshll.u32 s1, $0x11  }
0xca: {  	s0 =	sor.u32 s1, s0  }
0xcb: {  	s0 =	sadd.s32 $0x8F2B, s0  }
0xcc: {  	[sflag:s0] =	ssyncadd.remote.s32 $0x1  }
0xcd: {  	_ =	sfence.sel $0xFFFF  }
0xce: {  	[dreg:$0x0] =	wrdreg $0xFFFFFFFF;
	(pc) =	sbr.abs _section_cstart, $3  }
0xcf: {  	[dreg:$0x1] =	wrdreg $0xFFFFFFFF  }
0xd0: {  	_ =	task.clear_ibuf [dreg:s22], $0x2FFFF;
	_ =	strace $0x9FFFFFFF  }
0xd1: {  	(tm) =	ssettm $0x7FFFFFFF  }
tec
execute0_lowered:
.L_overlay_start_1:
0x0: {  	(tag) =	ssettag $0x1  }
0x1: {  	s8 =	rddreg [dreg:$0x0];
	s1 =	srdreg.scid  }
0x2: {  	s0 =	stileid.u32;
	s4 =	rddreg [dreg:$0x1]  }
0x3: {  	s2 =	simm.s32 $0x0;
	s14 =	simm.s32 $0x8400;
	s15 =	simm.s32 $0x280  }
0x4: {  	s16 =	simm.s32 $0xA400;
	s17 =	simm.s32 $0x300;
	s18 =	simm.s32 $0xC400  }
0x5: {  	s19 =	simm.s32 $0x380;
	s20 =	simm.s32 $0xE400;
	s9 =	smul.u32 $0x140000, s0  }
0x6: {  	s21 =	simm.s32 $0x0;
	s5 =	sand.u32 $0x1, s1;
	s11 =	smul.u32 $0x5000, s0  }
0x7: {  	s3 =	sshll.u32 s0, $0x1;
	[smem:$0x7FF] =	sst s2;
	s13 =	smul.u32 $0x2800, s5  }
0x8: {  	s10 =	sadd.s32 $0x284E00, s4;
	s3 =	sor.u32 s5, s3;
	s29 =	smul.u32 $0xA0000, s5  }
0x9: {  	_ =	strace $0x8000004D;
	s28 =	ssub.s32 $0x2, s5;
	s6 =	smul.u32 $0x2800, s3  }
0xa: {  	s7 =	smul.u32 $0xA0000, s3;
	s3 =	sadd.s32 $0xF47200, s4;
	s12 =	sshrl.u32 s28, $0x1  }
0xb: {  	s12 =	ssub.s32 s28, s12;
	s11 =	sadd.s32 s13, s11;
	s9 =	sadd.s32 s29, s9  }
0xc: {  	s6 =	sshrl.u32 s6, $0x3;
	s5 =	smax.u32 s12, $0x1;
	s7 =	sshrl.u32 s7, $0x3  }
0xd: {  	s11 =	sor.u32 $0x200, s11;
	s30 =	sshrl.u32 s9, $0x3;
	s9 =	simm.s32 $0x1  }
0xe: {  	s12 =	simm.s32 $0x3;
	s4 =	sadd.s32 s8, s6;
	s7 =	sadd.s32 s10, s7  }
0xf: {  	s31 =	sshrl.u32 s11, $0x3;
	s11 =	simm.s32 $0x2;
	s6 =	sadd.s32 $0x13000, s7  }
0x10: {  	s7 =	sadd.s32 s30, s10;
	s8 =	sadd.s32 s31, s8;
	s10 =	simm.s32 $0x80  }
.LBB2_1:
0x11: {  	[tilespmem:s2], [sflag:$0x1] =	stream.linear.gather [hbm4b:s4+s2], $0x200, $0x38;
	[tilespmem:$0x10400] =	vst v63  }
0x12: {  	s22 =	simm.s32 $0x800;
	_ =	swait.ge [sflag:s9], $0x200  }
0x13: {  	p0 =	por $0x1, $0x1;
	s22 =	sand.u32 $0x800, s22;
	[sflag:s9] =	ssyncset.done $0x0  }
0x14: {  	s23 =	simm.s32 @!p0 $0x3;
	s22 =	sshrl.u32 s22, $0x2;
	[sflag:s9] =	ssyncadd.s32 $0xFFFFFE00  }
0x15: {  	[tilespmem:s22], [sflag:$0x1] =	stream.linear.gather [hbm4b:s8+s2], $0x200, $0x38;
	[tilespmem:$0x10400] =	vst v63  }
0x16: {  	s24 =	sand.u32 $0x1, s2;
	_ =	swait.ge @!p0 [sflag:s23], $0x8000  }
0x17: {  	s25 =	sshll.u32 s24, $0xF;
	[sflag:s23] =	ssyncset.done @!p0 $0x0  }
0x18: {  	s24 =	sshll.u32 s24, $0x9;
	s22 =	sor.u32 $0x400, s25;
	[sflag:s23] =	ssyncadd.s32 @!p0 $0xFFFF8000  }
0x19: {  	[tilespmem:s22], [sflag:$0x2] =	stream.indirect.gather [hbm4b:s3+s10], $0x40, s24, s10, $0xb8;
	[tilespmem:$0x10400] =	vst v63  }
0x1a: {  	s13 =	sor.u32 $0x2400, s25;
	s26 =	sor.u32 $0x80, s24  }
0x1b: {  	[tilespmem:s13], [sflag:$0x2] =	stream.indirect.gather [hbm4b:s3+s10], $0x40, s26, s10, $0xb8;
	[tilespmem:$0x10400] =	vst v63  }
0x1c: {  	s29 =	sor.u32 $0x4400, s25;
	s30 =	sor.u32 $0x100, s24  }
0x1d: {  	[tilespmem:s29], [sflag:$0x2] =	stream.indirect.gather [hbm4b:s3+s10], $0x40, s30, s10, $0xb8;
	[tilespmem:$0x10400] =	vst v63  }
0x1e: {  	s31 =	sor.u32 $0x6400, s25;
	s24 =	sor.u32 $0x180, s24  }
0x1f: {  	[tilespmem:s31], [sflag:$0x2] =	stream.indirect.gather [hbm4b:s3+s10], $0x40, s24, s10, $0xb8;
	[tilespmem:$0x10400] =	vst v63  }
0x20: {  	_ =	swait.ge [sflag:s11], $0x2000  }
0x21: {  	[sflag:s11] =	ssyncset.done $0x0  }
0x22: {  	[sflag:s11] =	ssyncadd.s32 $0xFFFFE000  }
0x23: {  	_ =	swait.ge [sflag:s11], $0x2000  }
0x24: {  	[sflag:s11] =	ssyncset.done $0x0  }
0x25: {  	[sflag:s11] =	ssyncadd.s32 $0xFFFFE000  }
0x26: {  	_ =	swait.ge [sflag:s11], $0x2000  }
0x27: {  	[sflag:s11] =	ssyncset.done $0x0  }
0x28: {  	s28 =	smov.u32 s7;
	[sflag:s11] =	ssyncadd.s32 $0xFFFFE000  }
0x29: {  	s25 =	simm.s32 $0x1000;
	s23 =	simm.s32 $0x1;
	_ =	swait.ge [sflag:s11], $0x2000  }
0x2a: {  	s26 =	smov.u32 s7;
	s24 =	sadd.s32 $0x40, s8;
	[sflag:s11] =	ssyncset.done $0x0  }
.LBB2_2:
0x2b: {  	[sflag:s11] =	ssyncadd.s32 $0xFFFFE000  }
0x2c: {  	s26 =	sadd.s32 $0x1000, s26;
	s29 =	smov.u32 s23;
	s23 =	sadd.s32 $0x1, s23  }
0x2d: {  	[hbm4b:s28+s2] =	stream.linear.scatter [tilespmem:s22], [sflag:$0x3], $0x8000, $0x38;
	[tilespmem:$0x10400] =	vst v63  }
0x2e: {  	s22 =	sand.u32 $0x800, s25;
	p0 =	sne.s32 s23, $0x13;
	_ =	swait.ge [sflag:s9], $0x200  }
0x2f: {  	p1 =	slt.u32 s29, $0x2;
	s22 =	sshrl.u32 s22, $0x2;
	[sflag:s9] =	ssyncset.done $0x0  }
0x30: {  	s29 =	sand.u32 $0x1, s29;
	s30 =	simm.s32 @!p1 $0x3;
	[sflag:s9] =	ssyncadd.s32 $0xFFFFFE00  }
0x31: {  	[tilespmem:s22], [sflag:$0x1] =	stream.linear.gather [hbm4b:s24+s2], $0x200, $0x38;
	[tilespmem:$0x10400] =	vst v63  }
0x32: {  	s28 =	smov.u32 s26;
	s31 =	sshll.u32 s29, $0xF;
	_ =	swait.ge @!p1 [sflag:s30], $0x8000  }
0x33: {  	s29 =	sshll.u32 s29, $0x9;
	s22 =	sor.u32 $0x400, s31;
	[sflag:s30] =	ssyncset.done @!p1 $0x0  }
0x34: {  	s1 =	sor.u32 $0x80, s29;
	[sflag:s30] =	ssyncadd.s32 @!p1 $0xFFFF8000;
	s30 =	sor.u32 $0x2400, s31  }
0x35: {  	[tilespmem:s22], [sflag:$0x2] =	stream.indirect.gather [hbm4b:s3+s10], $0x40, s29, s10, $0xb8;
	[tilespmem:$0x10400] =	vst v63  }
0x36: {  	s0 =	sor.u32 $0x4400, s31;
	s13 =	sor.u32 $0x100, s29  }
0x37: {  	[tilespmem:s30], [sflag:$0x2] =	stream.indirect.gather [hbm4b:s3+s10], $0x40, s1, s10, $0xb8;
	[tilespmem:$0x10400] =	vst v63  }
0x38: {  	s29 =	sor.u32 $0x180, s29;
	s1 =	sor.u32 $0x6400, s31  }
0x39: {  	[tilespmem:s0], [sflag:$0x2] =	stream.indirect.gather [hbm4b:s3+s10], $0x40, s13, s10, $0xb8;
	[tilespmem:$0x10400] =	vst v63  }
0x3a: {  	_ = 	snop  }
0x3b: {  	[tilespmem:s1], [sflag:$0x2] =	stream.indirect.gather [hbm4b:s3+s10], $0x40, s29, s10, $0xb8;
	[tilespmem:$0x10400] =	vst v63  }
0x3c: {  	_ =	swait.ge [sflag:s11], $0x2000  }
0x3d: {  	[sflag:s11] =	ssyncset.done $0x0  }
0x3e: {  	[sflag:s11] =	ssyncadd.s32 $0xFFFFE000  }
0x3f: {  	_ =	swait.ge [sflag:s11], $0x2000  }
0x40: {  	[sflag:s11] =	ssyncset.done $0x0  }
0x41: {  	[sflag:s11] =	ssyncadd.s32 $0xFFFFE000  }
.Ltmp0:
0x42: {  	_ =	swait.ge [sflag:s11], $0x2000;
	(pc) =	sbr.rel @p0 .LBB2_2-.Ltmp0, $4  }
0x43: {  	[sflag:s11] =	ssyncset.done $0x0  }
0x44: {  	[sflag:s11] =	ssyncadd.s32 $0xFFFFE000  }
0x45: {  	_ =	swait.ge [sflag:s11], $0x2000  }
0x46: {  	s25 =	sadd.s32 $0x800, s25;
	s24 =	sadd.s32 $0x40, s24;
	[sflag:s11] =	ssyncset.done $0x0  }
0x47: {  	[sflag:s11] =	ssyncadd.s32 $0xFFFFE000  }
0x48: {  	[hbm4b:s28+s2] =	stream.linear.scatter [tilespmem:s22], [sflag:$0x3], $0x8000, $0x38;
	[tilespmem:$0x10400] =	vst v63  }
0x49: {  	_ =	swait.ge [sflag:s9], $0x200  }
0x4a: {  	[sflag:s9] =	ssyncset.done $0x0  }
0x4b: {  	[sflag:s9] =	ssyncadd.s32 $0xFFFFFE00  }
0x4c: {  	_ =	swait.ge [sflag:s12], $0x8000  }
0x4d: {  	[sflag:s12] =	ssyncset.done $0x0  }
0x4e: {  	s0 =	simm.s32 $0x200;
	[sflag:s12] =	ssyncadd.s32 $0xFFFF8000  }
0x4f: {  	[tilespmem:s14], [sflag:$0x2] =	stream.indirect.gather [hbm4b:s3+s10], $0x40, s0, s10, $0xb8;
	[tilespmem:$0x10400] =	vst v63  }
0x50: {  	_ = 	snop  }
0x51: {  	[tilespmem:s16], [sflag:$0x2] =	stream.indirect.gather [hbm4b:s3+s10], $0x40, s15, s10, $0xb8;
	[tilespmem:$0x10400] =	vst v63  }
0x52: {  	_ = 	snop  }
0x53: {  	[tilespmem:s18], [sflag:$0x2] =	stream.indirect.gather [hbm4b:s3+s10], $0x40, s17, s10, $0xb8;
	[tilespmem:$0x10400] =	vst v63  }
0x54: {  	_ = 	snop  }
0x55: {  	[tilespmem:s20], [sflag:$0x2] =	stream.indirect.gather [hbm4b:s3+s10], $0x40, s19, s10, $0xb8;
	[tilespmem:$0x10400] =	vst v63  }
0x56: {  	_ =	swait.ge [sflag:s11], $0x2000  }
0x57: {  	[sflag:s11] =	ssyncset.done $0x0  }
0x58: {  	[sflag:s11] =	ssyncadd.s32 $0xFFFFE000  }
0x59: {  	_ =	swait.ge [sflag:s11], $0x2000  }
0x5a: {  	[sflag:s11] =	ssyncset.done $0x0  }
0x5b: {  	[sflag:s11] =	ssyncadd.s32 $0xFFFFE000  }
0x5c: {  	_ =	swait.ge [sflag:s11], $0x2000  }
0x5d: {  	[sflag:s11] =	ssyncset.done $0x0  }
0x5e: {  	[sflag:s11] =	ssyncadd.s32 $0xFFFFE000  }
0x5f: {  	_ =	swait.ge [sflag:s11], $0x2000  }
0x60: {  	[sflag:s11] =	ssyncset.done $0x0  }
0x61: {  	s21 =	sadd.s32 $0x1, s21;
	[sflag:s11] =	ssyncadd.s32 $0xFFFFE000  }
0x62: {  	[hbm4b:s6+s2] =	stream.linear.scatter [tilespmem:s14], [sflag:$0x3], $0x8000, $0x38;
	[tilespmem:$0x10400] =	vst v63  }
0x63: {  	p0 =	sne.s32 s21, s5;
	_ =	swait.ge [sflag:s12], $0x8000  }
.Ltmp1:
0x64: {  	[sflag:s12] =	ssyncset.done $0x0;
	(pc) =	sbr.rel @p0 .LBB2_1-.Ltmp1, $4  }
0x65: {  	[sflag:s12] =	ssyncadd.s32 $0xFFFF8000  }
0x66: {  	_ =	swait.ge [sflag:s12], $0x8000  }
0x67: {  	[sflag:s12] =	ssyncset.done $0x0  }
0x68: {  	[sflag:s12] =	ssyncadd.s32 $0xFFFF8000  }
0x69: {  	_ =	sfence.sel $0x180000  }
0x6a: {  	[bflag:$0x0] =	sbarrier.arrive $0xFFFF  }
0x6b: {  	_ =	strace $0x9000004D  }
0x6c: {  	s0 =	stileid.u32;
	[bflag:$0x2] =	sbarrier.arrive $0xFFFF  }
0x6d: {  	p0 =	sne.s32 s0, $0x0;
	s0 =	rddreg [dreg:$0x2]  }
0x6e: {  	s0 =	sadd.s32 @!p0 $0x100000, s0  }
0x6f: {  	[sflag:s0] =	ssyncadd.tile.s32 @!p0 $0x1;
	_ =	shalt  }
.Lfunc_end2:
_tile_overlayer_lowered:
.L_overlay_start_2:
0x70: {  	(tag) =	ssettag $0x2  }
0x71: {  	s0 =	rddreg [dreg:$0x0];
	s2 =	stileid.u32  }
0x72: {  	s1 =	rddreg [dreg:$0x1];
	p0 =	sne.s32 s2, $0x0  }
0x73: {  	s3 =	rddreg [dreg:$0x2];
	[bflag:$0x3] =	sbarrier.arrive $0xFFFF;
	s2 =	simm.s32 @!p0 $0x1C04  }
0x74: {  	[timem:s3], [sflag:s2] =	dma.local @!p0 [hbm:s0], s1  }
0x75: {  	s0 =	simm.s32 @!p0 $0x4  }
0x76: {  	_ =	swait.ge @!p0 [sflag:s0], s1  }
0x77: {  	s1 =	ssub.s32 @!p0 $0x0, s1;
	[sflag:s0] =	ssyncset.done @!p0 $0x0  }
0x78: {  	[sflag:s0] =	ssyncadd.s32 @!p0 s1  }
0x79: {  	[bflag:$0x3] =	sbarrier.arrive $0xFFFF  }
0x7a: {  	_ =	shalt  }

// kernel: kernel.15.cloned.1.call-start
scs
__scs_entry_jumppad:
0x0: {  	(pc) =	sbr.rel $0x88, $3  }
0x1: {  	(tag) =	ssettag $0x0;
	lr =	simm.s32 $0x1  }
0x2: {  	[smem:$0x3F88] =	sst lr;
	_ =	strace $0xD0000000  }
0x3: {  	_ = 	snop  }
0x4: {  	_ = 	snop  }
0x5: {  	_ = 	snop  }
0x6: {  	_ = 	snop  }
0x7: {  	_ = 	snop  }
__scs_overlays_trampoline_lowered:
0x8: {  	[smem:$0x3F97] =	sst s0  }
0x9: {  	[smem:$0x3F98] =	sst s1  }
0xa: {  	[smem:$0x3F99] =	sst s2  }
0xb: {  	[smem:$0x3F9A] =	sst s3  }
0xc: {  	[smem:$0x3F9B] =	sst s4  }
0xd: {  	[smem:$0x3F9C] =	sst s5  }
0xe: {  	[smem:$0x3F9D] =	sst s6  }
0xf: {  	[smem:$0x3F9E] =	sst s7  }
0x10: {  	[smem:$0x3F9F] =	sst s8  }
0x11: {  	[smem:$0x3FA0] =	sst s9;
	s0 =	simm.s32 @!p0 $0x0  }
0x12: {  	s1 =	sld [smem:$0x3F86];
	s0 =	simm.s32 @p0 $0x1  }
0x13: {  	[smem:$0x3FA1] =	sst s0;
	s0 =	simm.s32 @!p1 $0x0  }
0x14: {  	s2 =	sld [smem:$0x3F85];
	s0 =	simm.s32 @p1 $0x1  }
0x15: {  	[smem:$0x3FA2] =	sst s0;
	s0 =	simm.s32 @!p2 $0x0  }
0x16: {  	s3 =	sld [smem:$0x3FDB];
	s0 =	simm.s32 @p2 $0x1  }
0x17: {  	s4 =	simm.s32 $0x1BF5;
	[smem:$0x3FA4] =	sst s0  }
0x18: {  	s0 =	sld [smem:$0x3F87];
	_ =	swait.ge [sflag:s4], $0x0  }
0x19: {  	s7 =	sld [smem:$0x3F88]  }
0x1a: {  	s8 =	sadd.s32 $0xFFFFE003, lr  }
0x1b: {  	s9 =	sadd.s32 $0xFFFFFEF7, lr;
	s5 =	simm.s32 $0xFFFFFFFF;
	p2 =	slt.u32 s8, $0xFFFFF086  }
0x1c: {  	p1 =	slt.u32 s9, $0xF7A;
	s5 =	simm.s32 @!p2 $0x0  }
0x1d: {  	s5 =	simm.s32 @p1 $0x1;
	p0 =	seq.s32 s7, s2  }
0x1e: {  	s7 =	smul.u32 @!p0 $0xF7A, s2;
	p2 =	seq.s32 @!p0 s5, $0x0  }
0x1f: {  	s9 =	smul.u32 $0xF7A, s1;
	s8 =	simm.s32 @!p0 $0x1BF5;
	p2 =	por !p2, p0  }
0x20: {  	[sflag:s8] =	ssyncset.s32 @!p0 $0xFFFFF086;
	s6 =	sadd.s32 @!p0 s3, s7;
	s7 =	simm.s32 @!p0 $0x108  }
0x21: {  	s3 =	sadd.s32 s3, s9;
	s6 =	sadd.s32 @!p0 $0x88, s6;
	s7 =	simm.s32 @p2 $0x1082  }
0x22: {  	[simem:s7], [sflag:s8] =	dma.local @!p0 [hbm:s6], $0xF7A  }
0x23: {  	s9 =	sor.u32 $0xD0000000, s2;
	s6 =	simm.s32 $0x108;
	_ =	swait.ge @!p0 [sflag:s8], $0x0  }
0x24: {  	s3 =	sadd.s32 $0x88, s3;
	s6 =	simm.s32 @!p1 $0x1082;
	[sflag:s4] =	ssyncset.s32 $0xFFFFF086  }
0x25: {  	[simem:s6], [sflag:s4] =	dma.local [hbm:s3], $0xF7A  }
0x26: {  	[smem:$0x3F88] =	sst s1;
	(tag) =	ssettag s2;
	_ =	strace s9  }
0x27: {  	s1 =	sld [smem:$0x3F98]  }
0x28: {  	s2 =	sld [smem:$0x3F99]  }
0x29: {  	s4 =	sld [smem:$0x3F9B]  }
0x2a: {  	p0 =	seq.s32 s5, $0x0;
	s5 =	sld [smem:$0x3F9C]  }
0x2b: {  	s6 =	sld [smem:$0x3F9D]  }
0x2c: {  	s7 =	sld [smem:$0x3F9E]  }
0x2d: {  	s3 =	simm.s32 $0x108;
	s8 =	sld [smem:$0x3F9F]  }
0x2e: {  	s3 =	simm.s32 @!p0 $0x1082;
	s9 =	sld [smem:$0x3FA0]  }
0x2f: {  	lr =	sadd.s32 s0, s3;
	s0 =	sld [smem:$0x3F97]  }
0x30: {  	s3 =	sld [smem:$0x3F9A]  }
0x31: {  	[smem:$0x3FA3] =	sst s10  }
0x32: {  	s10 =	sld [smem:$0x3FA1];
	_ =	sdelay $0x3  }
0x33: {  	p0 =	seq.s32 s10, $0x1;
	s10 =	sld [smem:$0x3FA3];
	_ =	sdelay $0x3  }
0x34: {  	[smem:$0x3FA3] =	sst s10  }
0x35: {  	s10 =	sld [smem:$0x3FA2];
	_ =	sdelay $0x3  }
0x36: {  	p1 =	seq.s32 s10, $0x1;
	s10 =	sld [smem:$0x3FA3];
	_ =	sdelay $0x3  }
0x37: {  	[smem:$0x3FA3] =	sst s10  }
0x38: {  	s10 =	sld [smem:$0x3FA4]  }
0x39: {  	_ = 	snop;
	(pc) =	sbr.ind lr, $3  }
0x3a: {  	_ = 	snop  }
0x3b: {  	_ = 	snop  }
0x3c: {  	p2 =	seq.s32 s10, $0x1;
	s10 =	sld [smem:$0x3FA3]  }
0x3d: {  	_ =	shalt  }
0x3e: {  	_ =	shalt  }
0x3f: {  	_ =	shalt  }
0x40: {  	_ =	shalt  }
0x41: {  	_ =	shalt  }
0x42: {  	_ =	shalt  }
0x43: {  	_ =	shalt  }
0x44: {  	_ =	shalt  }
0x45: {  	_ =	shalt  }
0x46: {  	_ =	shalt  }
0x47: {  	_ =	shalt  }
0x48: {  	_ =	shalt  }
0x49: {  	_ =	shalt  }
0x4a: {  	_ =	shalt  }
0x4b: {  	_ =	shalt  }
0x4c: {  	_ =	shalt  }
0x4d: {  	_ =	shalt  }
0x4e: {  	_ =	shalt  }
0x4f: {  	_ =	shalt  }
0x50: {  	_ =	shalt  }
0x51: {  	_ =	shalt  }
0x52: {  	_ =	shalt  }
0x53: {  	_ =	shalt  }
0x54: {  	_ =	shalt  }
0x55: {  	_ =	shalt  }
0x56: {  	_ =	shalt  }
0x57: {  	_ =	shalt  }
0x58: {  	_ =	shalt  }
0x59: {  	_ =	shalt  }
0x5a: {  	_ =	shalt  }
0x5b: {  	_ =	shalt  }
0x5c: {  	_ =	shalt  }
0x5d: {  	_ =	shalt  }
0x5e: {  	_ =	shalt  }
0x5f: {  	_ =	shalt  }
0x60: {  	_ =	shalt  }
0x61: {  	_ =	shalt  }
0x62: {  	_ =	shalt  }
0x63: {  	_ =	shalt  }
0x64: {  	_ =	shalt  }
0x65: {  	_ =	shalt  }
0x66: {  	_ =	shalt  }
0x67: {  	_ =	shalt  }
0x68: {  	_ =	shalt  }
0x69: {  	_ =	shalt  }
0x6a: {  	_ =	shalt  }
0x6b: {  	_ =	shalt  }
0x6c: {  	_ =	shalt  }
0x6d: {  	_ =	shalt  }
0x6e: {  	_ =	shalt  }
0x6f: {  	_ =	shalt  }
0x70: {  	_ =	shalt  }
0x71: {  	_ =	shalt  }
0x72: {  	_ =	shalt  }
0x73: {  	_ =	shalt  }
0x74: {  	_ =	shalt  }
0x75: {  	_ =	shalt  }
0x76: {  	_ =	shalt  }
0x77: {  	_ =	shalt  }
0x78: {  	_ =	shalt  }
0x79: {  	_ =	shalt  }
0x7a: {  	_ =	shalt  }
0x7b: {  	_ =	shalt  }
0x7c: {  	_ =	shalt  }
0x7d: {  	_ =	shalt  }
0x7e: {  	_ =	shalt  }
0x7f: {  	_ =	shalt  }
0x80: {  	_ =	shalt  }
0x81: {  	_ =	shalt  }
0x82: {  	_ =	shalt  }
0x83: {  	_ =	shalt  }
0x84: {  	_ =	shalt  }
0x85: {  	_ =	shalt  }
0x86: {  	_ =	shalt  }
0x87: {  	_ =	shalt  }
.Lfunc_end0:
.L_simem_size_0:
called_computation.3_lowered:
.L_overlay_start_0:
0x88: {  	s0 =	sld [smem:$0x3FD9]  }
0x89: {  	s1 =	sld [smem:$0x3FFE];
	_ =	sdelay $0x3  }
0x8a: {  	s0 =	sadd.s32 s1, s0  }
0x8b: {  	[smem:$0x3FAF] =	sst s0  }
0x8c: {  	_ = 	snop  }
0x8d: {  	s0 =	sld [smem:$0x3FC7];
	(tm) =	ssettm $0x1  }
0x8e: {  	s16 =	sld [smem:$0x3FFB];
	_ =	sdelay $0x3  }
0x8f: {  	_ =	strace s16  }
0x90: {  	s1 =	sld [smem:$0x3FFC];
	_ =	sdelay $0x3  }
0x91: {  	_ =	strace s1  }
0x92: {  	s1 =	sld [smem:$0x3FFD];
	_ =	sdelay $0x3  }
0x93: {  	_ =	strace s1  }
0x94: {  	_ =	strace $0x8FFFFFFF  }
0x95: {  	s17 =	sld [smem:$0x3FDB];
	_ =	sdelay $0x1  }
0x96: {  	s2 =	simm.s32 $_scs_section_size  }
0x97: {  	s3 =	simm.s32 $_size__tile_overlayer_lowered;
	s4 =	simm.s32 $_tile_overlayer_lowered  }
0x98: {  	s20 =	simm.s32 $0x1BFF;
	s19 =	sshll.u32 s4, $0x1;
	s1 =	sadd.s32 s2, s17  }
0x99: {  	s5 =	simm.s32 $0x0;
	s18 =	sshll.u32 s3, $0x1;
	s3 =	sadd.s32 s19, s1  }
0x9a: {  	[timem:s5], [sflag:s20] =	dma.local [hbm:s3], s18  }
0x9b: {  	_ =	swait.ge [sflag:s20], s18  }
0x9c: {  	s2 =	ssub.s32 $0x0, s18;
	[sflag:s20] =	ssyncset.done $0x0  }
0x9d: {  	[sflag:s20] =	ssyncadd.s32 s2;
	_ =	sdelay $0x1  }
0x9e: {  	s21 =	simm.s32 $0x1B8B  }
0x9f: {  	_ =	swait.ge [sflag:s21], $0x1  }
0xa0: {  	[sflag:s21] =	ssyncset.done $0x0  }
0xa1: {  	s23 =	simm.s32 $0x1B8E;
	s22 =	sld [smem:$0x3FFE];
	[sflag:s21] =	ssyncadd.s32 $0xFFFFFFFF  }
0xa2: {  	s24 =	simm.s32 $execute0_lowered;
	[smem:$0x3FD2] =	sst s23  }
0xa3: {  	s3 =	sshll.u32 s24, $0x1;
	_ =	strace $0x8000004F;
	[dreg:$0x1] =	wrdreg $0xFFFFFFFF  }
0xa4: {  	s25 =	simm.s32 $_size_execute0_lowered;
	s1 =	sadd.s32 s1, s3;
	[dreg:$0x0] =	wrdreg $0x0  }
0xa5: {  	s3 =	sshll.u32 s25, $0x1;
	[dreg:$0x2] =	wrdreg s1  }
0xa6: {  	[dreg:$0x3] =	wrdreg s3  }
0xa7: {  	[dreg:$0x4] =	wrdreg $0xC0  }
0xa8: {  	_ =	task [dreg:s5], $0x5FFFF  }
0xa9: {  	[dreg:$0x1] =	wrdreg $0xFFFFFFFF  }
0xaa: {  	[dreg:$0x0] =	wrdreg $0x60  }
0xab: {  	[dreg:$0x2] =	wrdreg s22  }
0xac: {  	[dreg:$0x3] =	wrdreg s0  }
0xad: {  	[dreg:$0x4] =	wrdreg $0x82000  }
0xae: {  	[dreg:$0x5] =	wrdreg $0xA  }
0xaf: {  	_ =	task.clear_ibuf [dreg:s5], $0x6FFFF;
	_ =	strace $0x9000004F  }
0xb0: {  	s26 =	simm.s32 $0xA;
	_ =	strace $0x80000051  }
0xb1: {  	_ =	swait.ge [sflag:s26], $0x1  }
0xb2: {  	[sflag:s26] =	ssyncadd.s32 $0xFFFFFFFF  }
0xb3: {  	_ =	strace $0x90000051  }
0xb4: {  	_ =	sfence  }
0xb5: {  	s28 =	sld [smem:$0x0];
	_ =	sdelay $0x1  }
0xb6: {  	s29 =	srdreg.scid  }
0xb7: {  	s30 =	sshll.u32 s29, $0xD;
	s31 =	sshrl.u32 s29, $0x2  }
0xb8: {  	s2 =	sand.u32 $0x4000, s30;
	s1 =	sand.u32 $0x1, s29;
	s0 =	sadd.s32 s31, s28  }
0xb9: {  	s1 =	sor.u32 s2, s1;
	s0 =	sshll.u32 s0, $0x11  }
0xba: {  	s0 =	sor.u32 s0, s1  }
0xbb: {  	s0 =	sadd.s32 $0x8F2B, s0  }
0xbc: {  	[sflag:s0] =	ssyncadd.remote.s32 $0x1  }
0xbd: {  	_ =	sfence.sel $0xFFFF  }
0xbe: {  	[dreg:$0x0] =	wrdreg $0xFFFFFFFF;
	(pc) =	sbr.abs _section_cstart, $3  }
0xbf: {  	[dreg:$0x1] =	wrdreg $0xFFFFFFFF  }
0xc0: {  	_ =	task.clear_ibuf [dreg:s5], $0x2FFFF;
	_ =	strace $0x9FFFFFFF  }
0xc1: {  	(tm) =	ssettm $0x7FFFFFFF  }
tec
execute0_lowered:
.L_overlay_start_1:
0x0: {  	(tag) =	ssettag $0x1  }
0x1: {  	s1 =	rddreg [dreg:$0x0]  }
0x2: {  	s16 =	rddreg [dreg:$0x1]  }
0x3: {  	s3 =	rddreg [dreg:$0x2]  }
0x4: {  	s0 =	rddreg [dreg:$0x3];
	s2 =	simm.s32 $0x0;
	s5 =	simm.s32 $0x100  }
0x5: {  	s4 =	simm.s32 $0x0;
	[smem:$0x7FF] =	sst s2;
	s12 =	sadd.s32 $0x50AE00, s1  }
0x6: {  	v0 =	vimm.f32 $0.0e+00;
	s2 =	sadd.s32 $0x4E00, s1;
	s1 =	stileid.u32;
	_ =	strace $0x80000050  }
.LBB2_1:
0x7: {  	p0 =	sne.s32 s5, $0xFF00;
	[tilespmem:s4+$0x230] =	vst v0;
	s6 =	smov.u32 s5;
	s5 =	sadd.s32 $0x100, s5  }
.Ltmp0:
0x8: {  	[tilespmem:s4+$0x220] =	vst v0;
	(pc) =	sbr.rel @p0 .LBB2_1-.Ltmp0, $3  }
0x9: {  	[tilespmem:s4+$0x200] =	vst v0  }
0xa: {  	[tilespmem:s4+$0x210] =	vst v0;
	_ =	sdelay $0x1  }
0xb: {  	s4 =	sshra.s32 s6, $0x2  }
0xc: {  	[tilespmem:s4+$0x230] =	vst v0  }
0xd: {  	[tilespmem:s4+$0x220] =	vst v0  }
0xe: {  	[tilespmem:s4+$0x200] =	vst v0;
	s6 =	sshll.u32 s1, $0x10  }
0xf: {  	[tilespmem:s4+$0x210] =	vst v0;
	s13 =	simm.s32 $0x200;
	s11 =	simm.s32 $0x2;
	s10 =	sadd.s32 s6, s3  }
0x10: {  	[spmem:s10] =	stream.linear.scatter [tilespmem:s13], [sflag:$0x2], $0x4000, $0x38;
	[tilespmem:$0x18200] =	vst v63  }
0x11: {  	_ =	swait.ge [sflag:s11], $0x4000  }
0x12: {  	s7 =	sor.u32 $0x4000, s6;
	[sflag:s11] =	ssyncset.done $0x0  }
0x13: {  	s9 =	sadd.s32 s7, s3;
	[sflag:s11] =	ssyncadd.s32 $0xFFFFC000  }
0x14: {  	[spmem:s9] =	stream.linear.scatter [tilespmem:s13], [sflag:$0x2], $0x4000, $0x38;
	[tilespmem:$0x18200] =	vst v63  }
0x15: {  	_ =	swait.ge [sflag:s11], $0x4000  }
0x16: {  	s5 =	sor.u32 $0x8000, s6;
	[sflag:s11] =	ssyncset.done $0x0  }
0x17: {  	s8 =	sadd.s32 s5, s3;
	[sflag:s11] =	ssyncadd.s32 $0xFFFFC000  }
0x18: {  	[spmem:s8] =	stream.linear.scatter [tilespmem:s13], [sflag:$0x2], $0x4000, $0x38;
	[tilespmem:$0x18200] =	vst v63  }
0x19: {  	_ =	swait.ge [sflag:s11], $0x4000  }
0x1a: {  	s4 =	sor.u32 $0xC000, s6;
	[sflag:s11] =	ssyncset.done $0x0  }
0x1b: {  	s6 =	sadd.s32 s4, s3;
	[sflag:s11] =	ssyncadd.s32 $0xFFFFC000  }
0x1c: {  	[spmem:s6] =	stream.linear.scatter [tilespmem:s13], [sflag:$0x2], $0x4000, $0x38;
	[tilespmem:$0x18200] =	vst v63  }
0x1d: {  	s14 =	smul.u32 $0x28000, s1;
	_ =	swait.ge [sflag:s11], $0x4000  }
0x1e: {  	s15 =	smul.u32 $0x5000, s1;
	[sflag:s11] =	ssyncset.done $0x0  }
0x1f: {  	s17 =	sadd.s32 s12, s14;
	[sflag:s11] =	ssyncadd.s32 $0xFFFFC000  }
0x20: {  	s23 =	sshrl.u32 s15, $0x3;
	s12 =	simm.s32 $0x0;
	[bflag:$0x0] =	sbarrier.arrive $0xFFFF  }
0x21: {  	[tilespmem:s13], [sflag:$0x1] =	stream.linear.gather [hbm4b:s17+s12], $0x4000, $0x38;
	[tilespmem:$0x18200] =	vst v63  }
0x22: {  	s24 =	sadd.s32 s16, s23  }
0x23: {  	[tilespmem:s12], [sflag:$0x1] =	stream.linear.gather [hbm4b:s24+s12], $0x80, $0x38;
	[tilespmem:$0x18200] =	vst v63  }
0x24: {  	s14 =	sadd.s32 $0x10, s24;
	s13 =	simm.s32 $0x80  }
0x25: {  	[tilespmem:s13], [sflag:$0x1] =	stream.linear.gather [hbm4b:s14+s12], $0x80, $0x38;
	[tilespmem:$0x18200] =	vst v63  }
0x26: {  	s14 =	simm.s32 $0x1  }
0x27: {  	_ =	swait.ge [sflag:s14], $0x4000  }
0x28: {  	[sflag:s14] =	ssyncset.done $0x0  }
0x29: {  	[sflag:s14] =	ssyncadd.s32 $0xFFFFC000  }
0x2a: {  	_ =	swait.ge [sflag:s14], $0x80  }
0x2b: {  	s18 =	smul.u32 $0xA00, s1;
	[sflag:s14] =	ssyncset.done $0x0  }
0x2c: {  	s29 =	simm.s32 $0x0;
	[sflag:s14] =	ssyncadd.s32 $0xFFFFFF80  }
0x2d: {  	s26 =	sadd.s32 s18, s16;
	s25 =	sand.u32 $0x1, s14;
	_ =	swait.ge [sflag:s14], $0x80  }
0x2e: {  	s15 =	sadd.s32 $0x800, s17;
	s28 =	sshll.u32 s25, $0xE;
	[sflag:s14] =	ssyncset.done $0x0  }
0x2f: {  	s16 =	sadd.s32 $0x30, s26;
	s18 =	sor.u32 $0x200, s28;
	[sflag:s14] =	ssyncadd.s32 $0xFFFFFF80  }
0x30: {  	[tilespmem:s18], [sflag:$0x1] =	stream.linear.gather [hbm4b:s15+s12], $0x4000, $0x38;
	[tilespmem:$0x18200] =	vst v63  }
0x31: {  	s19 =	sadd.s32 $0xFFFFFFF0, s16;
	s17 =	sshll.u32 s25, $0x8;
	s18 =	sand.u32 $0x1, s29  }
0x32: {  	[tilespmem:s17], [sflag:$0x1] =	stream.linear.gather [hbm4b:s19+s12], $0x80, $0x38;
	[tilespmem:$0x18200] =	vst v63  }
0x33: {  	s30 =	sshll.u32 s18, $0xE;
	s17 =	sor.u32 $0x80, s17  }
0x34: {  	[tilespmem:s17], [sflag:$0x1] =	stream.linear.gather [hbm4b:s16+s12], $0x80, $0x38;
	[tilespmem:$0x18200] =	vst v63  }
0x35: {  	s18 =	sshll.u32 s18, $0x8;
	s31 =	sor.u32 $0x200, s30  }
0x36: {  	[spmem:s3] =	stream.indirect.scatter.add.f32 [tilespmem:s31], [sflag:$0x2], $0x40, s18, s13, $0xb8;
	[tilespmem:$0x18200] =	vst v63  }
0x37: {  	_ =	swait.ge [sflag:s11], $0x2000  }
0x38: {  	[sflag:s11] =	ssyncset.done $0x0  }
0x39: {  	s17 =	sor.u32 $0x2200, s30;
	s18 =	sor.u32 $0x80, s18;
	[sflag:s11] =	ssyncadd.s32 $0xFFFFE000  }
0x3a: {  	[spmem:s3] =	stream.indirect.scatter.add.f32 [tilespmem:s17], [sflag:$0x2], $0x40, s18, s13, $0xb8;
	[tilespmem:$0x18200] =	vst v63  }
0x3b: {  	s17 =	simm.s32 $0x2;
	_ =	swait.ge [sflag:s11], $0x2000  }
.LBB2_3:
0x3c: {  	[sflag:s11] =	ssyncset.done $0x0  }
0x3d: {  	s15 =	sadd.s32 $0x800, s15;
	s16 =	sadd.s32 $0x20, s16;
	s18 =	smov.u32 s17  }
0x3e: {  	p0 =	sne.s32 s17, $0x4F;
	s17 =	sadd.s32 $0x1, s17;
	[sflag:s11] =	ssyncadd.s32 $0xFFFFE000  }
0x3f: {  	_ =	swait.ge [sflag:s14], $0x4000  }
0x40: {  	[sflag:s14] =	ssyncset.done $0x0  }
0x41: {  	[sflag:s14] =	ssyncadd.s32 $0xFFFFC000  }
0x42: {  	_ =	swait.ge [sflag:s14], $0x80  }
0x43: {  	[sflag:s14] =	ssyncset.done $0x0  }
0x44: {  	[sflag:s14] =	ssyncadd.s32 $0xFFFFFF80  }
0x45: {  	s19 =	sand.u32 $0x1, s18;
	_ =	swait.ge [sflag:s14], $0x80  }
0x46: {  	s20 =	sshll.u32 s19, $0xE;
	[sflag:s14] =	ssyncset.done $0x0  }
0x47: {  	s20 =	sor.u32 $0x200, s20;
	[sflag:s14] =	ssyncadd.s32 $0xFFFFFF80  }
0x48: {  	[tilespmem:s20], [sflag:$0x1] =	stream.linear.gather [hbm4b:s15+s12], $0x4000, $0x38;
	[tilespmem:$0x18200] =	vst v63  }
0x49: {  	s18 =	sadd.s32 $0xFFFFFFFF, s18;
	s19 =	sshll.u32 s19, $0x8;
	s20 =	sadd.s32 $0xFFFFFFF0, s16  }
0x4a: {  	[tilespmem:s19], [sflag:$0x1] =	stream.linear.gather [hbm4b:s20+s12], $0x80, $0x38;
	[tilespmem:$0x18200] =	vst v63  }
0x4b: {  	s18 =	sand.u32 $0x1, s18;
	s19 =	sor.u32 $0x80, s19  }
0x4c: {  	[tilespmem:s19], [sflag:$0x1] =	stream.linear.gather [hbm4b:s16+s12], $0x80, $0x38;
	[tilespmem:$0x18200] =	vst v63  }
0x4d: {  	s19 =	sshll.u32 s18, $0x8;
	s18 =	sshll.u32 s18, $0xE  }
0x4e: {  	s20 =	sor.u32 $0x200, s18  }
0x4f: {  	[spmem:s3] =	stream.indirect.scatter.add.f32 [tilespmem:s20], [sflag:$0x2], $0x40, s19, s13, $0xb8;
	[tilespmem:$0x18200] =	vst v63  }
.Ltmp1:
0x50: {  	_ =	swait.ge [sflag:s11], $0x2000;
	(pc) =	sbr.rel @p0 .LBB2_3-.Ltmp1, $4  }
0x51: {  	s18 =	sor.u32 $0x2200, s18;
	s19 =	sor.u32 $0x80, s19;
	[sflag:s11] =	ssyncset.done $0x0  }
0x52: {  	[sflag:s11] =	ssyncadd.s32 $0xFFFFE000  }
0x53: {  	[spmem:s3] =	stream.indirect.scatter.add.f32 [tilespmem:s18], [sflag:$0x2], $0x40, s19, s13, $0xb8;
	[tilespmem:$0x18200] =	vst v63  }
0x54: {  	_ =	swait.ge [sflag:s11], $0x2000  }
0x55: {  	[sflag:s11] =	ssyncset.done $0x0  }
0x56: {  	s23 =	simm.s32 $0x1;
	[sflag:s11] =	ssyncadd.s32 $0xFFFFE000  }
0x57: {  	_ =	swait.ge [sflag:s23], $0x4000  }
0x58: {  	[sflag:s23] =	ssyncset.done $0x0  }
0x59: {  	[sflag:s23] =	ssyncadd.s32 $0xFFFFC000  }
0x5a: {  	_ =	swait.ge [sflag:s23], $0x80  }
0x5b: {  	[sflag:s23] =	ssyncset.done $0x0  }
0x5c: {  	[sflag:s23] =	ssyncadd.s32 $0xFFFFFF80  }
0x5d: {  	_ =	swait.ge [sflag:s23], $0x80  }
0x5e: {  	s24 =	simm.s32 $0x80;
	s12 =	simm.s32 $0x100;
	[sflag:s23] =	ssyncset.done $0x0  }
0x5f: {  	s13 =	simm.s32 $0x4200;
	s25 =	simm.s32 $0x2;
	[sflag:s23] =	ssyncadd.s32 $0xFFFFFF80  }
0x60: {  	[spmem:s3] =	stream.indirect.scatter.add.f32 [tilespmem:s13], [sflag:$0x2], $0x40, s12, s24, $0xb8;
	[tilespmem:$0x18200] =	vst v63  }
0x61: {  	_ =	swait.ge [sflag:s25], $0x2000  }
0x62: {  	[sflag:s25] =	ssyncset.done $0x0  }
0x63: {  	s26 =	simm.s32 $0x180;
	s14 =	simm.s32 $0x6200;
	[sflag:s25] =	ssyncadd.s32 $0xFFFFE000  }
0x64: {  	[spmem:s3] =	stream.indirect.scatter.add.f32 [tilespmem:s14], [sflag:$0x2], $0x40, s26, s24, $0xb8;
	[tilespmem:$0x18200] =	vst v63  }
0x65: {  	_ =	swait.ge [sflag:s25], $0x2000  }
0x66: {  	[sflag:s25] =	ssyncset.done $0x0  }
0x67: {  	[sflag:s25] =	ssyncadd.s32 $0xFFFFE000  }
0x68: {  	s28 =	simm.s32 $0x200;
	[bflag:$0x0] =	sbarrier.arrive $0xFFFF  }
0x69: {  	[tilespmem:s28], [sflag:$0x2] =	stream.linear.gather [spmem:s10], $0x4000, $0x38;
	[tilespmem:$0x18200] =	vst v63  }
0x6a: {  	_ =	swait.ge [sflag:s25], $0x4000  }
0x6b: {  	s29 =	sshll.u32 s1, $0xD;
	[sflag:s25] =	ssyncset.done $0x0  }
0x6c: {  	s30 =	simm.s32 $0x0;
	s10 =	sadd.s32 s2, s29;
	[sflag:s25] =	ssyncadd.s32 $0xFFFFC000  }
0x6d: {  	[hbm4b:s10+s30] =	stream.linear.scatter [tilespmem:s28], [sflag:$0x2], $0x4000, $0x38;
	[tilespmem:$0x18200] =	vst v63  }
0x6e: {  	_ =	swait.ge [sflag:s25], $0x4000  }
0x6f: {  	[sflag:s25] =	ssyncset.done $0x0  }
0x70: {  	[sflag:s25] =	ssyncadd.s32 $0xFFFFC000  }
0x71: {  	[tilespmem:s28], [sflag:$0x2] =	stream.linear.gather [spmem:s9], $0x4000, $0x38;
	[tilespmem:$0x18200] =	vst v63  }
0x72: {  	_ =	swait.ge [sflag:s25], $0x4000  }
0x73: {  	s7 =	sshrl.u32 s7, $0x3;
	[sflag:s25] =	ssyncset.done $0x0  }
0x74: {  	s7 =	sadd.s32 s2, s7;
	[sflag:s25] =	ssyncadd.s32 $0xFFFFC000  }
0x75: {  	[hbm4b:s7+s30] =	stream.linear.scatter [tilespmem:s28], [sflag:$0x2], $0x4000, $0x38;
	[tilespmem:$0x18200] =	vst v63  }
0x76: {  	_ =	swait.ge [sflag:s25], $0x4000  }
0x77: {  	[sflag:s25] =	ssyncset.done $0x0  }
0x78: {  	[sflag:s25] =	ssyncadd.s32 $0xFFFFC000  }
0x79: {  	[tilespmem:s28], [sflag:$0x2] =	stream.linear.gather [spmem:s8], $0x4000, $0x38;
	[tilespmem:$0x18200] =	vst v63  }
0x7a: {  	_ =	swait.ge [sflag:s25], $0x4000  }
0x7b: {  	s5 =	sshrl.u32 s5, $0x3;
	[sflag:s25] =	ssyncset.done $0x0  }
0x7c: {  	s5 =	sadd.s32 s2, s5;
	[sflag:s25] =	ssyncadd.s32 $0xFFFFC000  }
0x7d: {  	[hbm4b:s5+s30] =	stream.linear.scatter [tilespmem:s28], [sflag:$0x2], $0x4000, $0x38;
	[tilespmem:$0x18200] =	vst v63  }
0x7e: {  	_ =	swait.ge [sflag:s25], $0x4000  }
0x7f: {  	[sflag:s25] =	ssyncset.done $0x0  }
0x80: {  	[sflag:s25] =	ssyncadd.s32 $0xFFFFC000  }
0x81: {  	[tilespmem:s28], [sflag:$0x2] =	stream.linear.gather [spmem:s6], $0x4000, $0x38;
	[tilespmem:$0x18200] =	vst v63  }
0x82: {  	_ =	swait.ge [sflag:s25], $0x4000  }
0x83: {  	s4 =	sshrl.u32 s4, $0x3;
	[sflag:s25] =	ssyncset.done $0x0  }
0x84: {  	s31 =	sadd.s32 s2, s4;
	[sflag:s25] =	ssyncadd.s32 $0xFFFFC000  }
0x85: {  	[hbm4b:s31+s30] =	stream.linear.scatter [tilespmem:s28], [sflag:$0x2], $0x4000, $0x38;
	[tilespmem:$0x18200] =	vst v63  }
0x86: {  	_ =	swait.ge [sflag:s25], $0x4000  }
0x87: {  	[sflag:s25] =	ssyncset.done $0x0  }
0x88: {  	[sflag:s25] =	ssyncadd.s32 $0xFFFFC000  }
0x89: {  	_ =	sfence.sel $0x180000  }
0x8a: {  	[bflag:$0x0] =	sbarrier.arrive $0xFFFF  }
0x8b: {  	p0 =	sne.s32 s1, $0x0;
	_ =	strace $0x90000050  }
0x8c: {  	s0 =	sadd.s32 @!p0 $0x100000, s0;
	[bflag:$0x2] =	sbarrier.arrive $0xFFFF  }
0x8d: {  	[sflag:s0] =	ssyncadd.tile.s32 @!p0 $0x1;
	_ =	shalt  }
.Lfunc_end2:
_tile_overlayer_lowered:
.L_overlay_start_2:
0x8e: {  	(tag) =	ssettag $0x2  }
0x8f: {  	s0 =	rddreg [dreg:$0x0];
	s2 =	stileid.u32  }
0x90: {  	s1 =	rddreg [dreg:$0x1];
	p0 =	sne.s32 s2, $0x0  }
0x91: {  	s3 =	rddreg [dreg:$0x2];
	[bflag:$0x3] =	sbarrier.arrive $0xFFFF;
	s2 =	simm.s32 @!p0 $0x1C02  }
0x92: {  	[timem:s3], [sflag:s2] =	dma.local @!p0 [hbm:s0], s1  }
0x93: {  	s0 =	simm.s32 @!p0 $0x2  }
0x94: {  	_ =	swait.ge @!p0 [sflag:s0], s1  }
0x95: {  	s1 =	ssub.s32 @!p0 $0x0, s1;
	[sflag:s0] =	ssyncset.done @!p0 $0x0  }
0x96: {  	[sflag:s0] =	ssyncadd.s32 @!p0 s1  }
0x97: {  	[bflag:$0x3] =	sbarrier.arrive $0xFFFF  }
0x98: {  	_ =	shalt  }

// kernel: kernel.18.cloned.1.call-start
scs
__scs_entry_jumppad:
0x0: {  	(pc) =	sbr.rel $0x88, $3  }
0x1: {  	(tag) =	ssettag $0x0;
	lr =	simm.s32 $0x1  }
0x2: {  	[smem:$0x3F88] =	sst lr;
	_ =	strace $0xD0000000  }
0x3: {  	_ = 	snop  }
0x4: {  	_ = 	snop  }
0x5: {  	_ = 	snop  }
0x6: {  	_ = 	snop  }
0x7: {  	_ = 	snop  }
__scs_overlays_trampoline_lowered:
0x8: {  	[smem:$0x3F97] =	sst s0  }
0x9: {  	[smem:$0x3F98] =	sst s1  }
0xa: {  	[smem:$0x3F99] =	sst s2  }
0xb: {  	[smem:$0x3F9A] =	sst s3  }
0xc: {  	[smem:$0x3F9B] =	sst s4  }
0xd: {  	[smem:$0x3F9C] =	sst s5  }
0xe: {  	[smem:$0x3F9D] =	sst s6  }
0xf: {  	[smem:$0x3F9E] =	sst s7  }
0x10: {  	[smem:$0x3F9F] =	sst s8  }
0x11: {  	[smem:$0x3FA0] =	sst s9;
	s0 =	simm.s32 @!p0 $0x0  }
0x12: {  	s1 =	sld [smem:$0x3F86];
	s0 =	simm.s32 @p0 $0x1  }
0x13: {  	[smem:$0x3FA1] =	sst s0;
	s0 =	simm.s32 @!p1 $0x0  }
0x14: {  	s2 =	sld [smem:$0x3F85];
	s0 =	simm.s32 @p1 $0x1  }
0x15: {  	[smem:$0x3FA2] =	sst s0;
	s0 =	simm.s32 @!p2 $0x0  }
0x16: {  	s3 =	sld [smem:$0x3FDB];
	s0 =	simm.s32 @p2 $0x1  }
0x17: {  	s4 =	simm.s32 $0x1BF5;
	[smem:$0x3FA4] =	sst s0  }
0x18: {  	s0 =	sld [smem:$0x3F87];
	_ =	swait.ge [sflag:s4], $0x0  }
0x19: {  	s7 =	sld [smem:$0x3F88]  }
0x1a: {  	s8 =	sadd.s32 $0xFFFFE003, lr  }
0x1b: {  	s9 =	sadd.s32 $0xFFFFFEF7, lr;
	s5 =	simm.s32 $0xFFFFFFFF;
	p2 =	slt.u32 s8, $0xFFFFF086  }
0x1c: {  	p1 =	slt.u32 s9, $0xF7A;
	s5 =	simm.s32 @!p2 $0x0  }
0x1d: {  	s5 =	simm.s32 @p1 $0x1;
	p0 =	seq.s32 s7, s2  }
0x1e: {  	s7 =	smul.u32 @!p0 $0xF7A, s2;
	p2 =	seq.s32 @!p0 s5, $0x0  }
0x1f: {  	s9 =	smul.u32 $0xF7A, s1;
	s8 =	simm.s32 @!p0 $0x1BF5;
	p2 =	por !p2, p0  }
0x20: {  	[sflag:s8] =	ssyncset.s32 @!p0 $0xFFFFF086;
	s6 =	sadd.s32 @!p0 s3, s7;
	s7 =	simm.s32 @!p0 $0x108  }
0x21: {  	s3 =	sadd.s32 s3, s9;
	s6 =	sadd.s32 @!p0 $0x88, s6;
	s7 =	simm.s32 @p2 $0x1082  }
0x22: {  	[simem:s7], [sflag:s8] =	dma.local @!p0 [hbm:s6], $0xF7A  }
0x23: {  	s9 =	sor.u32 $0xD0000000, s2;
	s6 =	simm.s32 $0x108;
	_ =	swait.ge @!p0 [sflag:s8], $0x0  }
0x24: {  	s3 =	sadd.s32 $0x88, s3;
	s6 =	simm.s32 @!p1 $0x1082;
	[sflag:s4] =	ssyncset.s32 $0xFFFFF086  }
0x25: {  	[simem:s6], [sflag:s4] =	dma.local [hbm:s3], $0xF7A  }
0x26: {  	[smem:$0x3F88] =	sst s1;
	(tag) =	ssettag s2;
	_ =	strace s9  }
0x27: {  	s1 =	sld [smem:$0x3F98]  }
0x28: {  	s2 =	sld [smem:$0x3F99]  }
0x29: {  	s4 =	sld [smem:$0x3F9B]  }
0x2a: {  	p0 =	seq.s32 s5, $0x0;
	s5 =	sld [smem:$0x3F9C]  }
0x2b: {  	s6 =	sld [smem:$0x3F9D]  }
0x2c: {  	s7 =	sld [smem:$0x3F9E]  }
0x2d: {  	s3 =	simm.s32 $0x108;
	s8 =	sld [smem:$0x3F9F]  }
0x2e: {  	s3 =	simm.s32 @!p0 $0x1082;
	s9 =	sld [smem:$0x3FA0]  }
0x2f: {  	lr =	sadd.s32 s0, s3;
	s0 =	sld [smem:$0x3F97]  }
0x30: {  	s3 =	sld [smem:$0x3F9A]  }
0x31: {  	[smem:$0x3FA3] =	sst s10  }
0x32: {  	s10 =	sld [smem:$0x3FA1];
	_ =	sdelay $0x3  }
0x33: {  	p0 =	seq.s32 s10, $0x1;
	s10 =	sld [smem:$0x3FA3];
	_ =	sdelay $0x3  }
0x34: {  	[smem:$0x3FA3] =	sst s10  }
0x35: {  	s10 =	sld [smem:$0x3FA2];
	_ =	sdelay $0x3  }
0x36: {  	p1 =	seq.s32 s10, $0x1;
	s10 =	sld [smem:$0x3FA3];
	_ =	sdelay $0x3  }
0x37: {  	[smem:$0x3FA3] =	sst s10  }
0x38: {  	s10 =	sld [smem:$0x3FA4]  }
0x39: {  	_ = 	snop;
	(pc) =	sbr.ind lr, $3  }
0x3a: {  	_ = 	snop  }
0x3b: {  	_ = 	snop  }
0x3c: {  	p2 =	seq.s32 s10, $0x1;
	s10 =	sld [smem:$0x3FA3]  }
0x3d: {  	_ =	shalt  }
0x3e: {  	_ =	shalt  }
0x3f: {  	_ =	shalt  }
0x40: {  	_ =	shalt  }
0x41: {  	_ =	shalt  }
0x42: {  	_ =	shalt  }
0x43: {  	_ =	shalt  }
0x44: {  	_ =	shalt  }
0x45: {  	_ =	shalt  }
0x46: {  	_ =	shalt  }
0x47: {  	_ =	shalt  }
0x48: {  	_ =	shalt  }
0x49: {  	_ =	shalt  }
0x4a: {  	_ =	shalt  }
0x4b: {  	_ =	shalt  }
0x4c: {  	_ =	shalt  }
0x4d: {  	_ =	shalt  }
0x4e: {  	_ =	shalt  }
0x4f: {  	_ =	shalt  }
0x50: {  	_ =	shalt  }
0x51: {  	_ =	shalt  }
0x52: {  	_ =	shalt  }
0x53: {  	_ =	shalt  }
0x54: {  	_ =	shalt  }
0x55: {  	_ =	shalt  }
0x56: {  	_ =	shalt  }
0x57: {  	_ =	shalt  }
0x58: {  	_ =	shalt  }
0x59: {  	_ =	shalt  }
0x5a: {  	_ =	shalt  }
0x5b: {  	_ =	shalt  }
0x5c: {  	_ =	shalt  }
0x5d: {  	_ =	shalt  }
0x5e: {  	_ =	shalt  }
0x5f: {  	_ =	shalt  }
0x60: {  	_ =	shalt  }
0x61: {  	_ =	shalt  }
0x62: {  	_ =	shalt  }
0x63: {  	_ =	shalt  }
0x64: {  	_ =	shalt  }
0x65: {  	_ =	shalt  }
0x66: {  	_ =	shalt  }
0x67: {  	_ =	shalt  }
0x68: {  	_ =	shalt  }
0x69: {  	_ =	shalt  }
0x6a: {  	_ =	shalt  }
0x6b: {  	_ =	shalt  }
0x6c: {  	_ =	shalt  }
0x6d: {  	_ =	shalt  }
0x6e: {  	_ =	shalt  }
0x6f: {  	_ =	shalt  }
0x70: {  	_ =	shalt  }
0x71: {  	_ =	shalt  }
0x72: {  	_ =	shalt  }
0x73: {  	_ =	shalt  }
0x74: {  	_ =	shalt  }
0x75: {  	_ =	shalt  }
0x76: {  	_ =	shalt  }
0x77: {  	_ =	shalt  }
0x78: {  	_ =	shalt  }
0x79: {  	_ =	shalt  }
0x7a: {  	_ =	shalt  }
0x7b: {  	_ =	shalt  }
0x7c: {  	_ =	shalt  }
0x7d: {  	_ =	shalt  }
0x7e: {  	_ =	shalt  }
0x7f: {  	_ =	shalt  }
0x80: {  	_ =	shalt  }
0x81: {  	_ =	shalt  }
0x82: {  	_ =	shalt  }
0x83: {  	_ =	shalt  }
0x84: {  	_ =	shalt  }
0x85: {  	_ =	shalt  }
0x86: {  	_ =	shalt  }
0x87: {  	_ =	shalt  }
.Lfunc_end0:
.L_simem_size_0:
called_computation.4_lowered:
.L_overlay_start_0:
0x88: {  	s0 =	sld [smem:$0x3FD9]  }
0x89: {  	s1 =	sld [smem:$0x3FFE];
	_ =	sdelay $0x3  }
0x8a: {  	s0 =	sadd.s32 s1, s0  }
0x8b: {  	[smem:$0x3FAF] =	sst s0  }
0x8c: {  	_ = 	snop  }
0x8d: {  	s0 =	sld [smem:$0x3FC6];
	(tm) =	ssettm $0x1  }
0x8e: {  	s16 =	sld [smem:$0x3FFB];
	_ =	sdelay $0x3  }
0x8f: {  	_ =	strace s16  }
0x90: {  	s1 =	sld [smem:$0x3FFC];
	_ =	sdelay $0x3  }
0x91: {  	_ =	strace s1  }
0x92: {  	s1 =	sld [smem:$0x3FFD];
	_ =	sdelay $0x3  }
0x93: {  	_ =	strace s1  }
0x94: {  	_ =	strace $0x8FFFFFFF  }
0x95: {  	s17 =	sld [smem:$0x3FDB];
	_ =	sdelay $0x1  }
0x96: {  	s2 =	simm.s32 $_scs_section_size  }
0x97: {  	s3 =	simm.s32 $_size__tile_overlayer_lowered;
	s4 =	simm.s32 $_tile_overlayer_lowered  }
0x98: {  	s20 =	simm.s32 $0x1BFF;
	s19 =	sshll.u32 s4, $0x1;
	s1 =	sadd.s32 s2, s17  }
0x99: {  	s5 =	simm.s32 $0x0;
	s18 =	sshll.u32 s3, $0x1;
	s3 =	sadd.s32 s19, s1  }
0x9a: {  	[timem:s5], [sflag:s20] =	dma.local [hbm:s3], s18  }
0x9b: {  	_ =	swait.ge [sflag:s20], s18  }
0x9c: {  	s2 =	ssub.s32 $0x0, s18;
	[sflag:s20] =	ssyncset.done $0x0  }
0x9d: {  	[sflag:s20] =	ssyncadd.s32 s2;
	_ =	sdelay $0x1  }
0x9e: {  	s21 =	simm.s32 $0x1B8B  }
0x9f: {  	_ =	swait.ge [sflag:s21], $0x1  }
0xa0: {  	[sflag:s21] =	ssyncset.done $0x0  }
0xa1: {  	s23 =	simm.s32 $0x1B8E;
	s22 =	sld [smem:$0x3FFE];
	[sflag:s21] =	ssyncadd.s32 $0xFFFFFFFF  }
0xa2: {  	s24 =	simm.s32 $execute0_lowered;
	[smem:$0x3FD2] =	sst s23  }
0xa3: {  	s3 =	sshll.u32 s24, $0x1;
	_ =	strace $0x80000052;
	[dreg:$0x1] =	wrdreg $0xFFFFFFFF  }
0xa4: {  	s25 =	simm.s32 $_size_execute0_lowered;
	s1 =	sadd.s32 s1, s3;
	[dreg:$0x0] =	wrdreg $0x0  }
0xa5: {  	s3 =	sshll.u32 s25, $0x1;
	[dreg:$0x2] =	wrdreg s1  }
0xa6: {  	[dreg:$0x3] =	wrdreg s3  }
0xa7: {  	[dreg:$0x4] =	wrdreg $0xC0  }
0xa8: {  	_ =	task [dreg:s5], $0x5FFFF  }
0xa9: {  	[dreg:$0x1] =	wrdreg $0xFFFFFFFF  }
0xaa: {  	[dreg:$0x0] =	wrdreg $0x60  }
0xab: {  	[dreg:$0x2] =	wrdreg s22  }
0xac: {  	[dreg:$0x3] =	wrdreg s0  }
0xad: {  	[dreg:$0x4] =	wrdreg $0x82000  }
0xae: {  	[dreg:$0x5] =	wrdreg $0x9  }
0xaf: {  	_ =	task.clear_ibuf [dreg:s5], $0x6FFFF;
	_ =	strace $0x90000052  }
0xb0: {  	s26 =	simm.s32 $0x9;
	_ =	strace $0x80000054  }
0xb1: {  	_ =	swait.ge [sflag:s26], $0x1  }
0xb2: {  	[sflag:s26] =	ssyncadd.s32 $0xFFFFFFFF  }
0xb3: {  	_ =	strace $0x90000054  }
0xb4: {  	_ =	sfence  }
0xb5: {  	s28 =	sld [smem:$0x0];
	_ =	sdelay $0x1  }
0xb6: {  	s29 =	srdreg.scid  }
0xb7: {  	s30 =	sshll.u32 s29, $0xD;
	s31 =	sshrl.u32 s29, $0x2  }
0xb8: {  	s2 =	sand.u32 $0x4000, s30;
	s1 =	sand.u32 $0x1, s29;
	s0 =	sadd.s32 s31, s28  }
0xb9: {  	s1 =	sor.u32 s2, s1;
	s0 =	sshll.u32 s0, $0x11  }
0xba: {  	s0 =	sor.u32 s0, s1  }
0xbb: {  	s0 =	sadd.s32 $0x8F2B, s0  }
0xbc: {  	[sflag:s0] =	ssyncadd.remote.s32 $0x1  }
0xbd: {  	_ =	sfence.sel $0xFFFF  }
0xbe: {  	[dreg:$0x0] =	wrdreg $0xFFFFFFFF;
	(pc) =	sbr.abs _section_cstart, $3  }
0xbf: {  	[dreg:$0x1] =	wrdreg $0xFFFFFFFF  }
0xc0: {  	_ =	task.clear_ibuf [dreg:s5], $0x2FFFF;
	_ =	strace $0x9FFFFFFF  }
0xc1: {  	(tm) =	ssettm $0x7FFFFFFF  }
tec
execute0_lowered:
.L_overlay_start_1:
0x0: {  	(tag) =	ssettag $0x1  }
0x1: {  	s1 =	rddreg [dreg:$0x0]  }
0x2: {  	s16 =	rddreg [dreg:$0x1]  }
0x3: {  	s3 =	rddreg [dreg:$0x2]  }
0x4: {  	s0 =	rddreg [dreg:$0x3];
	s2 =	simm.s32 $0x0;
	s5 =	simm.s32 $0x100  }
0x5: {  	s4 =	simm.s32 $0x0;
	[smem:$0x7FF] =	sst s2;
	s12 =	sadd.s32 $0x78AE00, s1  }
0x6: {  	v0 =	vimm.f32 $0.0e+00;
	s2 =	sadd.s32 $0x24E00, s1;
	s1 =	stileid.u32;
	_ =	strace $0x80000053  }
.LBB2_1:
0x7: {  	p0 =	sne.s32 s5, $0xFF00;
	[tilespmem:s4+$0x230] =	vst v0;
	s6 =	smov.u32 s5;
	s5 =	sadd.s32 $0x100, s5  }
.Ltmp0:
0x8: {  	[tilespmem:s4+$0x220] =	vst v0;
	(pc) =	sbr.rel @p0 .LBB2_1-.Ltmp0, $3  }
0x9: {  	[tilespmem:s4+$0x200] =	vst v0  }
0xa: {  	[tilespmem:s4+$0x210] =	vst v0;
	_ =	sdelay $0x1  }
0xb: {  	s4 =	sshra.s32 s6, $0x2  }
0xc: {  	[tilespmem:s4+$0x230] =	vst v0  }
0xd: {  	[tilespmem:s4+$0x220] =	vst v0  }
0xe: {  	[tilespmem:s4+$0x200] =	vst v0;
	s6 =	sshll.u32 s1, $0x10  }
0xf: {  	[tilespmem:s4+$0x210] =	vst v0;
	s13 =	simm.s32 $0x200;
	s11 =	simm.s32 $0x2;
	s10 =	sadd.s32 s6, s3  }
0x10: {  	[spmem:s10] =	stream.linear.scatter [tilespmem:s13], [sflag:$0x2], $0x4000, $0x38;
	[tilespmem:$0x18200] =	vst v63  }
0x11: {  	_ =	swait.ge [sflag:s11], $0x4000  }
0x12: {  	s7 =	sor.u32 $0x4000, s6;
	[sflag:s11] =	ssyncset.done $0x0  }
0x13: {  	s9 =	sadd.s32 s7, s3;
	[sflag:s11] =	ssyncadd.s32 $0xFFFFC000  }
0x14: {  	[spmem:s9] =	stream.linear.scatter [tilespmem:s13], [sflag:$0x2], $0x4000, $0x38;
	[tilespmem:$0x18200] =	vst v63  }
0x15: {  	_ =	swait.ge [sflag:s11], $0x4000  }
0x16: {  	s5 =	sor.u32 $0x8000, s6;
	[sflag:s11] =	ssyncset.done $0x0  }
0x17: {  	s8 =	sadd.s32 s5, s3;
	[sflag:s11] =	ssyncadd.s32 $0xFFFFC000  }
0x18: {  	[spmem:s8] =	stream.linear.scatter [tilespmem:s13], [sflag:$0x2], $0x4000, $0x38;
	[tilespmem:$0x18200] =	vst v63  }
0x19: {  	_ =	swait.ge [sflag:s11], $0x4000  }
0x1a: {  	s4 =	sor.u32 $0xC000, s6;
	[sflag:s11] =	ssyncset.done $0x0  }
0x1b: {  	s6 =	sadd.s32 s4, s3;
	[sflag:s11] =	ssyncadd.s32 $0xFFFFC000  }
0x1c: {  	[spmem:s6] =	stream.linear.scatter [tilespmem:s13], [sflag:$0x2], $0x4000, $0x38;
	[tilespmem:$0x18200] =	vst v63  }
0x1d: {  	s14 =	smul.u32 $0x28000, s1;
	_ =	swait.ge [sflag:s11], $0x4000  }
0x1e: {  	s15 =	smul.u32 $0x5000, s1;
	[sflag:s11] =	ssyncset.done $0x0  }
0x1f: {  	s17 =	sadd.s32 s12, s14;
	[sflag:s11] =	ssyncadd.s32 $0xFFFFC000  }
0x20: {  	s23 =	sshrl.u32 s15, $0x3;
	s12 =	simm.s32 $0x0;
	[bflag:$0x0] =	sbarrier.arrive $0xFFFF  }
0x21: {  	[tilespmem:s13], [sflag:$0x1] =	stream.linear.gather [hbm4b:s17+s12], $0x4000, $0x38;
	[tilespmem:$0x18200] =	vst v63  }
0x22: {  	s24 =	sadd.s32 s16, s23  }
0x23: {  	[tilespmem:s12], [sflag:$0x1] =	stream.linear.gather [hbm4b:s24+s12], $0x80, $0x38;
	[tilespmem:$0x18200] =	vst v63  }
0x24: {  	s14 =	sadd.s32 $0x10, s24;
	s13 =	simm.s32 $0x80  }
0x25: {  	[tilespmem:s13], [sflag:$0x1] =	stream.linear.gather [hbm4b:s14+s12], $0x80, $0x38;
	[tilespmem:$0x18200] =	vst v63  }
0x26: {  	s14 =	simm.s32 $0x1  }
0x27: {  	_ =	swait.ge [sflag:s14], $0x4000  }
0x28: {  	[sflag:s14] =	ssyncset.done $0x0  }
0x29: {  	[sflag:s14] =	ssyncadd.s32 $0xFFFFC000  }
0x2a: {  	_ =	swait.ge [sflag:s14], $0x80  }
0x2b: {  	s18 =	smul.u32 $0xA00, s1;
	[sflag:s14] =	ssyncset.done $0x0  }
0x2c: {  	s29 =	simm.s32 $0x0;
	[sflag:s14] =	ssyncadd.s32 $0xFFFFFF80  }
0x2d: {  	s26 =	sadd.s32 s18, s16;
	s25 =	sand.u32 $0x1, s14;
	_ =	swait.ge [sflag:s14], $0x80  }
0x2e: {  	s15 =	sadd.s32 $0x800, s17;
	s28 =	sshll.u32 s25, $0xE;
	[sflag:s14] =	ssyncset.done $0x0  }
0x2f: {  	s16 =	sadd.s32 $0x30, s26;
	s18 =	sor.u32 $0x200, s28;
	[sflag:s14] =	ssyncadd.s32 $0xFFFFFF80  }
0x30: {  	[tilespmem:s18], [sflag:$0x1] =	stream.linear.gather [hbm4b:s15+s12], $0x4000, $0x38;
	[tilespmem:$0x18200] =	vst v63  }
0x31: {  	s19 =	sadd.s32 $0xFFFFFFF0, s16;
	s17 =	sshll.u32 s25, $0x8;
	s18 =	sand.u32 $0x1, s29  }
0x32: {  	[tilespmem:s17], [sflag:$0x1] =	stream.linear.gather [hbm4b:s19+s12], $0x80, $0x38;
	[tilespmem:$0x18200] =	vst v63  }
0x33: {  	s30 =	sshll.u32 s18, $0xE;
	s17 =	sor.u32 $0x80, s17  }
0x34: {  	[tilespmem:s17], [sflag:$0x1] =	stream.linear.gather [hbm4b:s16+s12], $0x80, $0x38;
	[tilespmem:$0x18200] =	vst v63  }
0x35: {  	s18 =	sshll.u32 s18, $0x8;
	s31 =	sor.u32 $0x200, s30  }
0x36: {  	[spmem:s3] =	stream.indirect.scatter.add.f32 [tilespmem:s31], [sflag:$0x2], $0x40, s18, s13, $0xb8;
	[tilespmem:$0x18200] =	vst v63  }
0x37: {  	_ =	swait.ge [sflag:s11], $0x2000  }
0x38: {  	[sflag:s11] =	ssyncset.done $0x0  }
0x39: {  	s17 =	sor.u32 $0x2200, s30;
	s18 =	sor.u32 $0x80, s18;
	[sflag:s11] =	ssyncadd.s32 $0xFFFFE000  }
0x3a: {  	[spmem:s3] =	stream.indirect.scatter.add.f32 [tilespmem:s17], [sflag:$0x2], $0x40, s18, s13, $0xb8;
	[tilespmem:$0x18200] =	vst v63  }
0x3b: {  	s17 =	simm.s32 $0x2;
	_ =	swait.ge [sflag:s11], $0x2000  }
.LBB2_3:
0x3c: {  	[sflag:s11] =	ssyncset.done $0x0  }
0x3d: {  	s15 =	sadd.s32 $0x800, s15;
	s16 =	sadd.s32 $0x20, s16;
	s18 =	smov.u32 s17  }
0x3e: {  	p0 =	sne.s32 s17, $0x4F;
	s17 =	sadd.s32 $0x1, s17;
	[sflag:s11] =	ssyncadd.s32 $0xFFFFE000  }
0x3f: {  	_ =	swait.ge [sflag:s14], $0x4000  }
0x40: {  	[sflag:s14] =	ssyncset.done $0x0  }
0x41: {  	[sflag:s14] =	ssyncadd.s32 $0xFFFFC000  }
0x42: {  	_ =	swait.ge [sflag:s14], $0x80  }
0x43: {  	[sflag:s14] =	ssyncset.done $0x0  }
0x44: {  	[sflag:s14] =	ssyncadd.s32 $0xFFFFFF80  }
0x45: {  	s19 =	sand.u32 $0x1, s18;
	_ =	swait.ge [sflag:s14], $0x80  }
0x46: {  	s20 =	sshll.u32 s19, $0xE;
	[sflag:s14] =	ssyncset.done $0x0  }
0x47: {  	s20 =	sor.u32 $0x200, s20;
	[sflag:s14] =	ssyncadd.s32 $0xFFFFFF80  }
0x48: {  	[tilespmem:s20], [sflag:$0x1] =	stream.linear.gather [hbm4b:s15+s12], $0x4000, $0x38;
	[tilespmem:$0x18200] =	vst v63  }
0x49: {  	s18 =	sadd.s32 $0xFFFFFFFF, s18;
	s19 =	sshll.u32 s19, $0x8;
	s20 =	sadd.s32 $0xFFFFFFF0, s16  }
0x4a: {  	[tilespmem:s19], [sflag:$0x1] =	stream.linear.gather [hbm4b:s20+s12], $0x80, $0x38;
	[tilespmem:$0x18200] =	vst v63  }
0x4b: {  	s18 =	sand.u32 $0x1, s18;
	s19 =	sor.u32 $0x80, s19  }
0x4c: {  	[tilespmem:s19], [sflag:$0x1] =	stream.linear.gather [hbm4b:s16+s12], $0x80, $0x38;
	[tilespmem:$0x18200] =	vst v63  }
0x4d: {  	s19 =	sshll.u32 s18, $0x8;
	s18 =	sshll.u32 s18, $0xE  }
0x4e: {  	s20 =	sor.u32 $0x200, s18  }
0x4f: {  	[spmem:s3] =	stream.indirect.scatter.add.f32 [tilespmem:s20], [sflag:$0x2], $0x40, s19, s13, $0xb8;
	[tilespmem:$0x18200] =	vst v63  }
.Ltmp1:
0x50: {  	_ =	swait.ge [sflag:s11], $0x2000;
	(pc) =	sbr.rel @p0 .LBB2_3-.Ltmp1, $4  }
0x51: {  	s18 =	sor.u32 $0x2200, s18;
	s19 =	sor.u32 $0x80, s19;
	[sflag:s11] =	ssyncset.done $0x0  }
0x52: {  	[sflag:s11] =	ssyncadd.s32 $0xFFFFE000  }
0x53: {  	[spmem:s3] =	stream.indirect.scatter.add.f32 [tilespmem:s18], [sflag:$0x2], $0x40, s19, s13, $0xb8;
	[tilespmem:$0x18200] =	vst v63  }
0x54: {  	_ =	swait.ge [sflag:s11], $0x2000  }
0x55: {  	[sflag:s11] =	ssyncset.done $0x0  }
0x56: {  	s23 =	simm.s32 $0x1;
	[sflag:s11] =	ssyncadd.s32 $0xFFFFE000  }
0x57: {  	_ =	swait.ge [sflag:s23], $0x4000  }
0x58: {  	[sflag:s23] =	ssyncset.done $0x0  }
0x59: {  	[sflag:s23] =	ssyncadd.s32 $0xFFFFC000  }
0x5a: {  	_ =	swait.ge [sflag:s23], $0x80  }
0x5b: {  	[sflag:s23] =	ssyncset.done $0x0  }
0x5c: {  	[sflag:s23] =	ssyncadd.s32 $0xFFFFFF80  }
0x5d: {  	_ =	swait.ge [sflag:s23], $0x80  }
0x5e: {  	s24 =	simm.s32 $0x80;
	s12 =	simm.s32 $0x100;
	[sflag:s23] =	ssyncset.done $0x0  }
0x5f: {  	s13 =	simm.s32 $0x4200;
	s25 =	simm.s32 $0x2;
	[sflag:s23] =	ssyncadd.s32 $0xFFFFFF80  }
0x60: {  	[spmem:s3] =	stream.indirect.scatter.add.f32 [tilespmem:s13], [sflag:$0x2], $0x40, s12, s24, $0xb8;
	[tilespmem:$0x18200] =	vst v63  }
0x61: {  	_ =	swait.ge [sflag:s25], $0x2000  }
0x62: {  	[sflag:s25] =	ssyncset.done $0x0  }
0x63: {  	s26 =	simm.s32 $0x180;
	s14 =	simm.s32 $0x6200;
	[sflag:s25] =	ssyncadd.s32 $0xFFFFE000  }
0x64: {  	[spmem:s3] =	stream.indirect.scatter.add.f32 [tilespmem:s14], [sflag:$0x2], $0x40, s26, s24, $0xb8;
	[tilespmem:$0x18200] =	vst v63  }
0x65: {  	_ =	swait.ge [sflag:s25], $0x2000  }
0x66: {  	[sflag:s25] =	ssyncset.done $0x0  }
0x67: {  	[sflag:s25] =	ssyncadd.s32 $0xFFFFE000  }
0x68: {  	s28 =	simm.s32 $0x200;
	[bflag:$0x0] =	sbarrier.arrive $0xFFFF  }
0x69: {  	[tilespmem:s28], [sflag:$0x2] =	stream.linear.gather [spmem:s10], $0x4000, $0x38;
	[tilespmem:$0x18200] =	vst v63  }
0x6a: {  	_ =	swait.ge [sflag:s25], $0x4000  }
0x6b: {  	s29 =	sshll.u32 s1, $0xD;
	[sflag:s25] =	ssyncset.done $0x0  }
0x6c: {  	s30 =	simm.s32 $0x0;
	s10 =	sadd.s32 s2, s29;
	[sflag:s25] =	ssyncadd.s32 $0xFFFFC000  }
0x6d: {  	[hbm4b:s10+s30] =	stream.linear.scatter [tilespmem:s28], [sflag:$0x2], $0x4000, $0x38;
	[tilespmem:$0x18200] =	vst v63  }
0x6e: {  	_ =	swait.ge [sflag:s25], $0x4000  }
0x6f: {  	[sflag:s25] =	ssyncset.done $0x0  }
0x70: {  	[sflag:s25] =	ssyncadd.s32 $0xFFFFC000  }
0x71: {  	[tilespmem:s28], [sflag:$0x2] =	stream.linear.gather [spmem:s9], $0x4000, $0x38;
	[tilespmem:$0x18200] =	vst v63  }
0x72: {  	_ =	swait.ge [sflag:s25], $0x4000  }
0x73: {  	s7 =	sshrl.u32 s7, $0x3;
	[sflag:s25] =	ssyncset.done $0x0  }
0x74: {  	s7 =	sadd.s32 s2, s7;
	[sflag:s25] =	ssyncadd.s32 $0xFFFFC000  }
0x75: {  	[hbm4b:s7+s30] =	stream.linear.scatter [tilespmem:s28], [sflag:$0x2], $0x4000, $0x38;
	[tilespmem:$0x18200] =	vst v63  }
0x76: {  	_ =	swait.ge [sflag:s25], $0x4000  }
0x77: {  	[sflag:s25] =	ssyncset.done $0x0  }
0x78: {  	[sflag:s25] =	ssyncadd.s32 $0xFFFFC000  }
0x79: {  	[tilespmem:s28], [sflag:$0x2] =	stream.linear.gather [spmem:s8], $0x4000, $0x38;
	[tilespmem:$0x18200] =	vst v63  }
0x7a: {  	_ =	swait.ge [sflag:s25], $0x4000  }
0x7b: {  	s5 =	sshrl.u32 s5, $0x3;
	[sflag:s25] =	ssyncset.done $0x0  }
0x7c: {  	s5 =	sadd.s32 s2, s5;
	[sflag:s25] =	ssyncadd.s32 $0xFFFFC000  }
0x7d: {  	[hbm4b:s5+s30] =	stream.linear.scatter [tilespmem:s28], [sflag:$0x2], $0x4000, $0x38;
	[tilespmem:$0x18200] =	vst v63  }
0x7e: {  	_ =	swait.ge [sflag:s25], $0x4000  }
0x7f: {  	[sflag:s25] =	ssyncset.done $0x0  }
0x80: {  	[sflag:s25] =	ssyncadd.s32 $0xFFFFC000  }
0x81: {  	[tilespmem:s28], [sflag:$0x2] =	stream.linear.gather [spmem:s6], $0x4000, $0x38;
	[tilespmem:$0x18200] =	vst v63  }
0x82: {  	_ =	swait.ge [sflag:s25], $0x4000  }
0x83: {  	s4 =	sshrl.u32 s4, $0x3;
	[sflag:s25] =	ssyncset.done $0x0  }
0x84: {  	s31 =	sadd.s32 s2, s4;
	[sflag:s25] =	ssyncadd.s32 $0xFFFFC000  }
0x85: {  	[hbm4b:s31+s30] =	stream.linear.scatter [tilespmem:s28], [sflag:$0x2], $0x4000, $0x38;
	[tilespmem:$0x18200] =	vst v63  }
0x86: {  	_ =	swait.ge [sflag:s25], $0x4000  }
0x87: {  	[sflag:s25] =	ssyncset.done $0x0  }
0x88: {  	[sflag:s25] =	ssyncadd.s32 $0xFFFFC000  }
0x89: {  	_ =	sfence.sel $0x180000  }
0x8a: {  	[bflag:$0x0] =	sbarrier.arrive $0xFFFF  }
0x8b: {  	p0 =	sne.s32 s1, $0x0;
	_ =	strace $0x90000053  }
0x8c: {  	s0 =	sadd.s32 @!p0 $0x100000, s0;
	[bflag:$0x2] =	sbarrier.arrive $0xFFFF  }
0x8d: {  	[sflag:s0] =	ssyncadd.tile.s32 @!p0 $0x1;
	_ =	shalt  }
.Lfunc_end2:
_tile_overlayer_lowered:
.L_overlay_start_2:
0x8e: {  	(tag) =	ssettag $0x2  }
0x8f: {  	s0 =	rddreg [dreg:$0x0];
	s2 =	stileid.u32  }
0x90: {  	s1 =	rddreg [dreg:$0x1];
	p0 =	sne.s32 s2, $0x0  }
0x91: {  	s3 =	rddreg [dreg:$0x2];
	[bflag:$0x3] =	sbarrier.arrive $0xFFFF;
	s2 =	simm.s32 @!p0 $0x1C02  }
0x92: {  	[timem:s3], [sflag:s2] =	dma.local @!p0 [hbm:s0], s1  }
0x93: {  	s0 =	simm.s32 @!p0 $0x2  }
0x94: {  	_ =	swait.ge @!p0 [sflag:s0], s1  }
0x95: {  	s1 =	ssub.s32 @!p0 $0x0, s1;
	[sflag:s0] =	ssyncset.done @!p0 $0x0  }
0x96: {  	[sflag:s0] =	ssyncadd.s32 @!p0 s1  }
0x97: {  	[bflag:$0x3] =	sbarrier.arrive $0xFFFF  }
0x98: {  	_ =	shalt  }

// kernel: kernel.9.cloned.1.call-start
scs
__scs_entry_jumppad:
0x0: {  	(pc) =	sbr.rel $0x88, $3  }
0x1: {  	(tag) =	ssettag $0x0;
	lr =	simm.s32 $0x1  }
0x2: {  	[smem:$0x3F88] =	sst lr;
	_ =	strace $0xD0000000  }
0x3: {  	_ = 	snop  }
0x4: {  	_ = 	snop  }
0x5: {  	_ = 	snop  }
0x6: {  	_ = 	snop  }
0x7: {  	_ = 	snop  }
__scs_overlays_trampoline_lowered:
0x8: {  	[smem:$0x3F97] =	sst s0  }
0x9: {  	[smem:$0x3F98] =	sst s1  }
0xa: {  	[smem:$0x3F99] =	sst s2  }
0xb: {  	[smem:$0x3F9A] =	sst s3  }
0xc: {  	[smem:$0x3F9B] =	sst s4  }
0xd: {  	[smem:$0x3F9C] =	sst s5  }
0xe: {  	[smem:$0x3F9D] =	sst s6  }
0xf: {  	[smem:$0x3F9E] =	sst s7  }
0x10: {  	[smem:$0x3F9F] =	sst s8  }
0x11: {  	[smem:$0x3FA0] =	sst s9;
	s0 =	simm.s32 @!p0 $0x0  }
0x12: {  	s1 =	sld [smem:$0x3F86];
	s0 =	simm.s32 @p0 $0x1  }
0x13: {  	[smem:$0x3FA1] =	sst s0;
	s0 =	simm.s32 @!p1 $0x0  }
0x14: {  	s2 =	sld [smem:$0x3F85];
	s0 =	simm.s32 @p1 $0x1  }
0x15: {  	[smem:$0x3FA2] =	sst s0;
	s0 =	simm.s32 @!p2 $0x0  }
0x16: {  	s3 =	sld [smem:$0x3FDB];
	s0 =	simm.s32 @p2 $0x1  }
0x17: {  	s4 =	simm.s32 $0x1BF5;
	[smem:$0x3FA4] =	sst s0  }
0x18: {  	s0 =	sld [smem:$0x3F87];
	_ =	swait.ge [sflag:s4], $0x0  }
0x19: {  	s7 =	sld [smem:$0x3F88]  }
0x1a: {  	s8 =	sadd.s32 $0xFFFFE003, lr  }
0x1b: {  	s9 =	sadd.s32 $0xFFFFFEF7, lr;
	s5 =	simm.s32 $0xFFFFFFFF;
	p2 =	slt.u32 s8, $0xFFFFF086  }
0x1c: {  	p1 =	slt.u32 s9, $0xF7A;
	s5 =	simm.s32 @!p2 $0x0  }
0x1d: {  	s5 =	simm.s32 @p1 $0x1;
	p0 =	seq.s32 s7, s2  }
0x1e: {  	s7 =	smul.u32 @!p0 $0xF7A, s2;
	p2 =	seq.s32 @!p0 s5, $0x0  }
0x1f: {  	s9 =	smul.u32 $0xF7A, s1;
	s8 =	simm.s32 @!p0 $0x1BF5;
	p2 =	por !p2, p0  }
0x20: {  	[sflag:s8] =	ssyncset.s32 @!p0 $0xFFFFF086;
	s6 =	sadd.s32 @!p0 s3, s7;
	s7 =	simm.s32 @!p0 $0x108  }
0x21: {  	s3 =	sadd.s32 s3, s9;
	s6 =	sadd.s32 @!p0 $0x88, s6;
	s7 =	simm.s32 @p2 $0x1082  }
0x22: {  	[simem:s7], [sflag:s8] =	dma.local @!p0 [hbm:s6], $0xF7A  }
0x23: {  	s9 =	sor.u32 $0xD0000000, s2;
	s6 =	simm.s32 $0x108;
	_ =	swait.ge @!p0 [sflag:s8], $0x0  }
0x24: {  	s3 =	sadd.s32 $0x88, s3;
	s6 =	simm.s32 @!p1 $0x1082;
	[sflag:s4] =	ssyncset.s32 $0xFFFFF086  }
0x25: {  	[simem:s6], [sflag:s4] =	dma.local [hbm:s3], $0xF7A  }
0x26: {  	[smem:$0x3F88] =	sst s1;
	(tag) =	ssettag s2;
	_ =	strace s9  }
0x27: {  	s1 =	sld [smem:$0x3F98]  }
0x28: {  	s2 =	sld [smem:$0x3F99]  }
0x29: {  	s4 =	sld [smem:$0x3F9B]  }
0x2a: {  	p0 =	seq.s32 s5, $0x0;
	s5 =	sld [smem:$0x3F9C]  }
0x2b: {  	s6 =	sld [smem:$0x3F9D]  }
0x2c: {  	s7 =	sld [smem:$0x3F9E]  }
0x2d: {  	s3 =	simm.s32 $0x108;
	s8 =	sld [smem:$0x3F9F]  }
0x2e: {  	s3 =	simm.s32 @!p0 $0x1082;
	s9 =	sld [smem:$0x3FA0]  }
0x2f: {  	lr =	sadd.s32 s0, s3;
	s0 =	sld [smem:$0x3F97]  }
0x30: {  	s3 =	sld [smem:$0x3F9A]  }
0x31: {  	[smem:$0x3FA3] =	sst s10  }
0x32: {  	s10 =	sld [smem:$0x3FA1];
	_ =	sdelay $0x3  }
0x33: {  	p0 =	seq.s32 s10, $0x1;
	s10 =	sld [smem:$0x3FA3];
	_ =	sdelay $0x3  }
0x34: {  	[smem:$0x3FA3] =	sst s10  }
0x35: {  	s10 =	sld [smem:$0x3FA2];
	_ =	sdelay $0x3  }
0x36: {  	p1 =	seq.s32 s10, $0x1;
	s10 =	sld [smem:$0x3FA3];
	_ =	sdelay $0x3  }
0x37: {  	[smem:$0x3FA3] =	sst s10  }
0x38: {  	s10 =	sld [smem:$0x3FA4]  }
0x39: {  	_ = 	snop;
	(pc) =	sbr.ind lr, $3  }
0x3a: {  	_ = 	snop  }
0x3b: {  	_ = 	snop  }
0x3c: {  	p2 =	seq.s32 s10, $0x1;
	s10 =	sld [smem:$0x3FA3]  }
0x3d: {  	_ =	shalt  }
0x3e: {  	_ =	shalt  }
0x3f: {  	_ =	shalt  }
0x40: {  	_ =	shalt  }
0x41: {  	_ =	shalt  }
0x42: {  	_ =	shalt  }
0x43: {  	_ =	shalt  }
0x44: {  	_ =	shalt  }
0x45: {  	_ =	shalt  }
0x46: {  	_ =	shalt  }
0x47: {  	_ =	shalt  }
0x48: {  	_ =	shalt  }
0x49: {  	_ =	shalt  }
0x4a: {  	_ =	shalt  }
0x4b: {  	_ =	shalt  }
0x4c: {  	_ =	shalt  }
0x4d: {  	_ =	shalt  }
0x4e: {  	_ =	shalt  }
0x4f: {  	_ =	shalt  }
0x50: {  	_ =	shalt  }
0x51: {  	_ =	shalt  }
0x52: {  	_ =	shalt  }
0x53: {  	_ =	shalt  }
0x54: {  	_ =	shalt  }
0x55: {  	_ =	shalt  }
0x56: {  	_ =	shalt  }
0x57: {  	_ =	shalt  }
0x58: {  	_ =	shalt  }
0x59: {  	_ =	shalt  }
0x5a: {  	_ =	shalt  }
0x5b: {  	_ =	shalt  }
0x5c: {  	_ =	shalt  }
0x5d: {  	_ =	shalt  }
0x5e: {  	_ =	shalt  }
0x5f: {  	_ =	shalt  }
0x60: {  	_ =	shalt  }
0x61: {  	_ =	shalt  }
0x62: {  	_ =	shalt  }
0x63: {  	_ =	shalt  }
0x64: {  	_ =	shalt  }
0x65: {  	_ =	shalt  }
0x66: {  	_ =	shalt  }
0x67: {  	_ =	shalt  }
0x68: {  	_ =	shalt  }
0x69: {  	_ =	shalt  }
0x6a: {  	_ =	shalt  }
0x6b: {  	_ =	shalt  }
0x6c: {  	_ =	shalt  }
0x6d: {  	_ =	shalt  }
0x6e: {  	_ =	shalt  }
0x6f: {  	_ =	shalt  }
0x70: {  	_ =	shalt  }
0x71: {  	_ =	shalt  }
0x72: {  	_ =	shalt  }
0x73: {  	_ =	shalt  }
0x74: {  	_ =	shalt  }
0x75: {  	_ =	shalt  }
0x76: {  	_ =	shalt  }
0x77: {  	_ =	shalt  }
0x78: {  	_ =	shalt  }
0x79: {  	_ =	shalt  }
0x7a: {  	_ =	shalt  }
0x7b: {  	_ =	shalt  }
0x7c: {  	_ =	shalt  }
0x7d: {  	_ =	shalt  }
0x7e: {  	_ =	shalt  }
0x7f: {  	_ =	shalt  }
0x80: {  	_ =	shalt  }
0x81: {  	_ =	shalt  }
0x82: {  	_ =	shalt  }
0x83: {  	_ =	shalt  }
0x84: {  	_ =	shalt  }
0x85: {  	_ =	shalt  }
0x86: {  	_ =	shalt  }
0x87: {  	_ =	shalt  }
.Lfunc_end0:
.L_simem_size_0:
called_computation.1_lowered:
.L_overlay_start_0:
0x88: {  	s2 =	sld [smem:$0x3FD9]  }
0x89: {  	s3 =	sld [smem:$0x3FFE];
	_ =	sdelay $0x1  }
0x8a: {  	s1 =	srdreg.scid  }
0x8b: {  	s0 =	sand.u32 $0x1, s1  }
0x8c: {  	s17 =	sshll.u32 s0, $0xA;
	s2 =	sadd.s32 s3, s2  }
0x8d: {  	s2 =	sadd.s32 s2, s17  }
0x8e: {  	[smem:$0x3FAF] =	sst s2  }
0x8f: {  	_ = 	snop  }
0x90: {  	s2 =	sld [smem:$0x3FC9];
	(tm) =	ssettm $0x1  }
0x91: {  	s18 =	sld [smem:$0x3FFB];
	_ =	sdelay $0x3  }
0x92: {  	_ =	strace s18  }
0x93: {  	s3 =	sld [smem:$0x3FFC];
	_ =	sdelay $0x3  }
0x94: {  	_ =	strace s3  }
0x95: {  	s3 =	sld [smem:$0x3FFD];
	_ =	sdelay $0x3  }
0x96: {  	_ =	strace s3  }
0x97: {  	_ =	strace $0x8FFFFFFF  }
0x98: {  	s19 =	sld [smem:$0x3FDB];
	_ =	sdelay $0x1  }
0x99: {  	s4 =	simm.s32 $_scs_section_size  }
0x9a: {  	s5 =	simm.s32 $_size__tile_overlayer_lowered;
	s6 =	simm.s32 $_tile_overlayer_lowered  }
0x9b: {  	s22 =	simm.s32 $0x1BFF;
	s21 =	sshll.u32 s6, $0x1;
	s3 =	sadd.s32 s4, s19  }
0x9c: {  	s7 =	simm.s32 $0x0;
	s20 =	sshll.u32 s5, $0x1;
	s5 =	sadd.s32 s21, s3  }
0x9d: {  	[timem:s7], [sflag:s22] =	dma.local [hbm:s5], s20  }
0x9e: {  	_ =	swait.ge [sflag:s22], s20  }
0x9f: {  	s4 =	ssub.s32 $0x0, s20;
	[sflag:s22] =	ssyncset.done $0x0  }
0xa0: {  	[sflag:s22] =	ssyncadd.s32 s4;
	_ =	sdelay $0x1  }
0xa1: {  	s23 =	simm.s32 $0x1B8B  }
0xa2: {  	_ =	swait.ge [sflag:s23], $0x1  }
0xa3: {  	[sflag:s23] =	ssyncset.done $0x0  }
0xa4: {  	s25 =	simm.s32 $0x1B8E;
	s24 =	sld [smem:$0x3FFE];
	[sflag:s23] =	ssyncadd.s32 $0xFFFFFFFF  }
0xa5: {  	s26 =	simm.s32 $execute0_lowered;
	[smem:$0x3FD2] =	sst s25  }
0xa6: {  	s5 =	sshll.u32 s26, $0x1;
	_ =	strace $0x80000049;
	[dreg:$0x1] =	wrdreg $0xFFFFFFFF  }
0xa7: {  	s28 =	simm.s32 $_size_execute0_lowered;
	s3 =	sadd.s32 s3, s5;
	[dreg:$0x0] =	wrdreg $0x0  }
0xa8: {  	s5 =	sshll.u32 s28, $0x1;
	[dreg:$0x2] =	wrdreg s3  }
0xa9: {  	[dreg:$0x3] =	wrdreg s5  }
0xaa: {  	[dreg:$0x4] =	wrdreg $0xC0  }
0xab: {  	_ =	task [dreg:s7], $0x5FFFF  }
0xac: {  	[dreg:$0x1] =	wrdreg $0xFFFFFFFF  }
0xad: {  	[dreg:$0x0] =	wrdreg $0x60  }
0xae: {  	[dreg:$0x2] =	wrdreg s2  }
0xaf: {  	[dreg:$0x3] =	wrdreg s24  }
0xb0: {  	[dreg:$0x4] =	wrdreg $0xA  }
0xb1: {  	_ =	task.clear_ibuf [dreg:s7], $0x5FFFF;
	_ =	strace $0x90000049  }
0xb2: {  	s29 =	simm.s32 $0xA;
	_ =	strace $0x8000004B  }
0xb3: {  	_ =	swait.ge [sflag:s29], $0x1  }
0xb4: {  	[sflag:s29] =	ssyncadd.s32 $0xFFFFFFFF  }
0xb5: {  	_ =	strace $0x9000004B  }
0xb6: {  	_ =	sfence  }
0xb7: {  	s30 =	sld [smem:$0x0];
	_ =	sdelay $0x2  }
0xb8: {  	s31 =	sshll.u32 s1, $0xD;
	s1 =	sshrl.u32 s1, $0x2  }
0xb9: {  	s3 =	sand.u32 $0x4000, s31;
	s1 =	sadd.s32 s1, s30  }
0xba: {  	s0 =	sor.u32 s3, s0;
	s1 =	sshll.u32 s1, $0x11  }
0xbb: {  	s0 =	sor.u32 s1, s0  }
0xbc: {  	s0 =	sadd.s32 $0x8F2B, s0  }
0xbd: {  	[sflag:s0] =	ssyncadd.remote.s32 $0x1  }
0xbe: {  	_ =	sfence.sel $0xFFFF  }
0xbf: {  	[dreg:$0x0] =	wrdreg $0xFFFFFFFF;
	(pc) =	sbr.abs _section_cstart, $3  }
0xc0: {  	[dreg:$0x1] =	wrdreg $0xFFFFFFFF  }
0xc1: {  	_ =	task.clear_ibuf [dreg:s7], $0x2FFFF;
	_ =	strace $0x9FFFFFFF  }
0xc2: {  	(tm) =	ssettm $0x7FFFFFFF  }
0xc3: {  	_ =	shalt  }
tec
execute0_lowered:
.L_overlay_start_1:
0x0: {  	(tag) =	ssettag $0x1  }
0x1: {  	s8 =	rddreg [dreg:$0x0];
	s1 =	srdreg.scid  }
0x2: {  	s0 =	stileid.u32;
	s4 =	rddreg [dreg:$0x1]  }
0x3: {  	s2 =	simm.s32 $0x0;
	s14 =	simm.s32 $0x8400;
	s15 =	simm.s32 $0x280  }
0x4: {  	s16 =	simm.s32 $0xA400;
	s17 =	simm.s32 $0x300;
	s18 =	simm.s32 $0xC400  }
0x5: {  	s19 =	simm.s32 $0x380;
	s20 =	simm.s32 $0xE400;
	s9 =	smul.u32 $0x140000, s0  }
0x6: {  	s21 =	simm.s32 $0x0;
	s5 =	sand.u32 $0x1, s1;
	s11 =	smul.u32 $0x5000, s0  }
0x7: {  	s3 =	sshll.u32 s0, $0x1;
	[smem:$0x7FF] =	sst s2;
	s13 =	smul.u32 $0x2800, s5  }
0x8: {  	s10 =	sadd.s32 $0x4E00, s4;
	s3 =	sor.u32 s5, s3;
	s29 =	smul.u32 $0xA0000, s5  }
0x9: {  	_ =	strace $0x8000004A;
	s28 =	ssub.s32 $0x2, s5;
	s6 =	smul.u32 $0x2800, s3  }
0xa: {  	s7 =	smul.u32 $0xA0000, s3;
	s3 =	sadd.s32 $0xF47200, s4;
	s12 =	sshrl.u32 s28, $0x1  }
0xb: {  	s12 =	ssub.s32 s28, s12;
	s11 =	sadd.s32 s13, s11;
	s9 =	sadd.s32 s29, s9  }
0xc: {  	s6 =	sshrl.u32 s6, $0x3;
	s5 =	smax.u32 s12, $0x1;
	s7 =	sshrl.u32 s7, $0x3  }
0xd: {  	s11 =	sor.u32 $0x200, s11;
	s30 =	sshrl.u32 s9, $0x3;
	s9 =	simm.s32 $0x1  }
0xe: {  	s12 =	simm.s32 $0x3;
	s4 =	sadd.s32 s8, s6;
	s7 =	sadd.s32 s10, s7  }
0xf: {  	s31 =	sshrl.u32 s11, $0x3;
	s11 =	simm.s32 $0x2;
	s6 =	sadd.s32 $0x13000, s7  }
0x10: {  	s7 =	sadd.s32 s30, s10;
	s8 =	sadd.s32 s31, s8;
	s10 =	simm.s32 $0x80  }
.LBB2_1:
0x11: {  	[tilespmem:s2], [sflag:$0x1] =	stream.linear.gather [hbm4b:s4+s2], $0x200, $0x38;
	[tilespmem:$0x10400] =	vst v63  }
0x12: {  	s22 =	simm.s32 $0x800;
	_ =	swait.ge [sflag:s9], $0x200  }
0x13: {  	p0 =	por $0x1, $0x1;
	s22 =	sand.u32 $0x800, s22;
	[sflag:s9] =	ssyncset.done $0x0  }
0x14: {  	s23 =	simm.s32 @!p0 $0x3;
	s22 =	sshrl.u32 s22, $0x2;
	[sflag:s9] =	ssyncadd.s32 $0xFFFFFE00  }
0x15: {  	[tilespmem:s22], [sflag:$0x1] =	stream.linear.gather [hbm4b:s8+s2], $0x200, $0x38;
	[tilespmem:$0x10400] =	vst v63  }
0x16: {  	s24 =	sand.u32 $0x1, s2;
	_ =	swait.ge @!p0 [sflag:s23], $0x8000  }
0x17: {  	s25 =	sshll.u32 s24, $0xF;
	[sflag:s23] =	ssyncset.done @!p0 $0x0  }
0x18: {  	s24 =	sshll.u32 s24, $0x9;
	s22 =	sor.u32 $0x400, s25;
	[sflag:s23] =	ssyncadd.s32 @!p0 $0xFFFF8000  }
0x19: {  	[tilespmem:s22], [sflag:$0x2] =	stream.indirect.gather [hbm4b:s3+s10], $0x40, s24, s10, $0xb8;
	[tilespmem:$0x10400] =	vst v63  }
0x1a: {  	s13 =	sor.u32 $0x2400, s25;
	s26 =	sor.u32 $0x80, s24  }
0x1b: {  	[tilespmem:s13], [sflag:$0x2] =	stream.indirect.gather [hbm4b:s3+s10], $0x40, s26, s10, $0xb8;
	[tilespmem:$0x10400] =	vst v63  }
0x1c: {  	s29 =	sor.u32 $0x4400, s25;
	s30 =	sor.u32 $0x100, s24  }
0x1d: {  	[tilespmem:s29], [sflag:$0x2] =	stream.indirect.gather [hbm4b:s3+s10], $0x40, s30, s10, $0xb8;
	[tilespmem:$0x10400] =	vst v63  }
0x1e: {  	s31 =	sor.u32 $0x6400, s25;
	s24 =	sor.u32 $0x180, s24  }
0x1f: {  	[tilespmem:s31], [sflag:$0x2] =	stream.indirect.gather [hbm4b:s3+s10], $0x40, s24, s10, $0xb8;
	[tilespmem:$0x10400] =	vst v63  }
0x20: {  	_ =	swait.ge [sflag:s11], $0x2000  }
0x21: {  	[sflag:s11] =	ssyncset.done $0x0  }
0x22: {  	[sflag:s11] =	ssyncadd.s32 $0xFFFFE000  }
0x23: {  	_ =	swait.ge [sflag:s11], $0x2000  }
0x24: {  	[sflag:s11] =	ssyncset.done $0x0  }
0x25: {  	[sflag:s11] =	ssyncadd.s32 $0xFFFFE000  }
0x26: {  	_ =	swait.ge [sflag:s11], $0x2000  }
0x27: {  	[sflag:s11] =	ssyncset.done $0x0  }
0x28: {  	s28 =	smov.u32 s7;
	[sflag:s11] =	ssyncadd.s32 $0xFFFFE000  }
0x29: {  	s25 =	simm.s32 $0x1000;
	s23 =	simm.s32 $0x1;
	_ =	swait.ge [sflag:s11], $0x2000  }
0x2a: {  	s26 =	smov.u32 s7;
	s24 =	sadd.s32 $0x40, s8;
	[sflag:s11] =	ssyncset.done $0x0  }
.LBB2_2:
0x2b: {  	[sflag:s11] =	ssyncadd.s32 $0xFFFFE000  }
0x2c: {  	s26 =	sadd.s32 $0x1000, s26;
	s29 =	smov.u32 s23;
	s23 =	sadd.s32 $0x1, s23  }
0x2d: {  	[hbm4b:s28+s2] =	stream.linear.scatter [tilespmem:s22], [sflag:$0x3], $0x8000, $0x38;
	[tilespmem:$0x10400] =	vst v63  }
0x2e: {  	s22 =	sand.u32 $0x800, s25;
	p0 =	sne.s32 s23, $0x13;
	_ =	swait.ge [sflag:s9], $0x200  }
0x2f: {  	p1 =	slt.u32 s29, $0x2;
	s22 =	sshrl.u32 s22, $0x2;
	[sflag:s9] =	ssyncset.done $0x0  }
0x30: {  	s29 =	sand.u32 $0x1, s29;
	s30 =	simm.s32 @!p1 $0x3;
	[sflag:s9] =	ssyncadd.s32 $0xFFFFFE00  }
0x31: {  	[tilespmem:s22], [sflag:$0x1] =	stream.linear.gather [hbm4b:s24+s2], $0x200, $0x38;
	[tilespmem:$0x10400] =	vst v63  }
0x32: {  	s28 =	smov.u32 s26;
	s31 =	sshll.u32 s29, $0xF;
	_ =	swait.ge @!p1 [sflag:s30], $0x8000  }
0x33: {  	s29 =	sshll.u32 s29, $0x9;
	s22 =	sor.u32 $0x400, s31;
	[sflag:s30] =	ssyncset.done @!p1 $0x0  }
0x34: {  	s1 =	sor.u32 $0x80, s29;
	[sflag:s30] =	ssyncadd.s32 @!p1 $0xFFFF8000;
	s30 =	sor.u32 $0x2400, s31  }
0x35: {  	[tilespmem:s22], [sflag:$0x2] =	stream.indirect.gather [hbm4b:s3+s10], $0x40, s29, s10, $0xb8;
	[tilespmem:$0x10400] =	vst v63  }
0x36: {  	s0 =	sor.u32 $0x4400, s31;
	s13 =	sor.u32 $0x100, s29  }
0x37: {  	[tilespmem:s30], [sflag:$0x2] =	stream.indirect.gather [hbm4b:s3+s10], $0x40, s1, s10, $0xb8;
	[tilespmem:$0x10400] =	vst v63  }
0x38: {  	s29 =	sor.u32 $0x180, s29;
	s1 =	sor.u32 $0x6400, s31  }
0x39: {  	[tilespmem:s0], [sflag:$0x2] =	stream.indirect.gather [hbm4b:s3+s10], $0x40, s13, s10, $0xb8;
	[tilespmem:$0x10400] =	vst v63  }
0x3a: {  	_ = 	snop  }
0x3b: {  	[tilespmem:s1], [sflag:$0x2] =	stream.indirect.gather [hbm4b:s3+s10], $0x40, s29, s10, $0xb8;
	[tilespmem:$0x10400] =	vst v63  }
0x3c: {  	_ =	swait.ge [sflag:s11], $0x2000  }
0x3d: {  	[sflag:s11] =	ssyncset.done $0x0  }
0x3e: {  	[sflag:s11] =	ssyncadd.s32 $0xFFFFE000  }
0x3f: {  	_ =	swait.ge [sflag:s11], $0x2000  }
0x40: {  	[sflag:s11] =	ssyncset.done $0x0  }
0x41: {  	[sflag:s11] =	ssyncadd.s32 $0xFFFFE000  }
.Ltmp0:
0x42: {  	_ =	swait.ge [sflag:s11], $0x2000;
	(pc) =	sbr.rel @p0 .LBB2_2-.Ltmp0, $4  }
0x43: {  	[sflag:s11] =	ssyncset.done $0x0  }
0x44: {  	[sflag:s11] =	ssyncadd.s32 $0xFFFFE000  }
0x45: {  	_ =	swait.ge [sflag:s11], $0x2000  }
0x46: {  	s25 =	sadd.s32 $0x800, s25;
	s24 =	sadd.s32 $0x40, s24;
	[sflag:s11] =	ssyncset.done $0x0  }
0x47: {  	[sflag:s11] =	ssyncadd.s32 $0xFFFFE000  }
0x48: {  	[hbm4b:s28+s2] =	stream.linear.scatter [tilespmem:s22], [sflag:$0x3], $0x8000, $0x38;
	[tilespmem:$0x10400] =	vst v63  }
0x49: {  	_ =	swait.ge [sflag:s9], $0x200  }
0x4a: {  	[sflag:s9] =	ssyncset.done $0x0  }
0x4b: {  	[sflag:s9] =	ssyncadd.s32 $0xFFFFFE00  }
0x4c: {  	_ =	swait.ge [sflag:s12], $0x8000  }
0x4d: {  	[sflag:s12] =	ssyncset.done $0x0  }
0x4e: {  	s0 =	simm.s32 $0x200;
	[sflag:s12] =	ssyncadd.s32 $0xFFFF8000  }
0x4f: {  	[tilespmem:s14], [sflag:$0x2] =	stream.indirect.gather [hbm4b:s3+s10], $0x40, s0, s10, $0xb8;
	[tilespmem:$0x10400] =	vst v63  }
0x50: {  	_ = 	snop  }
0x51: {  	[tilespmem:s16], [sflag:$0x2] =	stream.indirect.gather [hbm4b:s3+s10], $0x40, s15, s10, $0xb8;
	[tilespmem:$0x10400] =	vst v63  }
0x52: {  	_ = 	snop  }
0x53: {  	[tilespmem:s18], [sflag:$0x2] =	stream.indirect.gather [hbm4b:s3+s10], $0x40, s17, s10, $0xb8;
	[tilespmem:$0x10400] =	vst v63  }
0x54: {  	_ = 	snop  }
0x55: {  	[tilespmem:s20], [sflag:$0x2] =	stream.indirect.gather [hbm4b:s3+s10], $0x40, s19, s10, $0xb8;
	[tilespmem:$0x10400] =	vst v63  }
0x56: {  	_ =	swait.ge [sflag:s11], $0x2000  }
0x57: {  	[sflag:s11] =	ssyncset.done $0x0  }
0x58: {  	[sflag:s11] =	ssyncadd.s32 $0xFFFFE000  }
0x59: {  	_ =	swait.ge [sflag:s11], $0x2000  }
0x5a: {  	[sflag:s11] =	ssyncset.done $0x0  }
0x5b: {  	[sflag:s11] =	ssyncadd.s32 $0xFFFFE000  }
0x5c: {  	_ =	swait.ge [sflag:s11], $0x2000  }
0x5d: {  	[sflag:s11] =	ssyncset.done $0x0  }
0x5e: {  	[sflag:s11] =	ssyncadd.s32 $0xFFFFE000  }
0x5f: {  	_ =	swait.ge [sflag:s11], $0x2000  }
0x60: {  	[sflag:s11] =	ssyncset.done $0x0  }
0x61: {  	s21 =	sadd.s32 $0x1, s21;
	[sflag:s11] =	ssyncadd.s32 $0xFFFFE000  }
0x62: {  	[hbm4b:s6+s2] =	stream.linear.scatter [tilespmem:s14], [sflag:$0x3], $0x8000, $0x38;
	[tilespmem:$0x10400] =	vst v63  }
0x63: {  	p0 =	sne.s32 s21, s5;
	_ =	swait.ge [sflag:s12], $0x8000  }
.Ltmp1:
0x64: {  	[sflag:s12] =	ssyncset.done $0x0;
	(pc) =	sbr.rel @p0 .LBB2_1-.Ltmp1, $4  }
0x65: {  	[sflag:s12] =	ssyncadd.s32 $0xFFFF8000  }
0x66: {  	_ =	swait.ge [sflag:s12], $0x8000  }
0x67: {  	[sflag:s12] =	ssyncset.done $0x0  }
0x68: {  	[sflag:s12] =	ssyncadd.s32 $0xFFFF8000  }
0x69: {  	_ =	sfence.sel $0x180000  }
0x6a: {  	[bflag:$0x0] =	sbarrier.arrive $0xFFFF  }
0x6b: {  	_ =	strace $0x9000004A  }
0x6c: {  	s0 =	stileid.u32;
	[bflag:$0x2] =	sbarrier.arrive $0xFFFF  }
0x6d: {  	p0 =	sne.s32 s0, $0x0;
	s0 =	rddreg [dreg:$0x2]  }
0x6e: {  	s0 =	sadd.s32 @!p0 $0x100000, s0  }
0x6f: {  	[sflag:s0] =	ssyncadd.tile.s32 @!p0 $0x1;
	_ =	shalt  }
.Lfunc_end2:
_tile_overlayer_lowered:
.L_overlay_start_2:
0x70: {  	(tag) =	ssettag $0x2  }
0x71: {  	s0 =	rddreg [dreg:$0x0];
	s2 =	stileid.u32  }
0x72: {  	s1 =	rddreg [dreg:$0x1];
	p0 =	sne.s32 s2, $0x0  }
0x73: {  	s3 =	rddreg [dreg:$0x2];
	[bflag:$0x3] =	sbarrier.arrive $0xFFFF;
	s2 =	simm.s32 @!p0 $0x1C04  }
0x74: {  	[timem:s3], [sflag:s2] =	dma.local @!p0 [hbm:s0], s1  }
0x75: {  	s0 =	simm.s32 @!p0 $0x4  }
0x76: {  	_ =	swait.ge @!p0 [sflag:s0], s1  }
0x77: {  	s1 =	ssub.s32 @!p0 $0x0, s1;
	[sflag:s0] =	ssyncset.done @!p0 $0x0  }
0x78: {  	[sflag:s0] =	ssyncadd.s32 @!p0 s1  }
0x79: {  	[bflag:$0x3] =	sbarrier.arrive $0xFFFF  }
0x7a: {  	_ =	shalt  }

// kernel: sparse-core-data-format-call.cloned.1.call-start
scs
called_computation_lowered:
.L_overlay_start_0:
0x0: {  	s2 =	sld [smem:$0x3FD9]  }
0x1: {  	s3 =	sld [smem:$0x3FFE];
	_ =	sdelay $0x1  }
0x2: {  	s1 =	srdreg.scid  }
0x3: {  	s0 =	sand.u32 $0x1, s1  }
0x4: {  	s18 =	sshll.u32 s0, $0xA;
	s2 =	sadd.s32 s3, s2  }
0x5: {  	s2 =	sadd.s32 s2, s18  }
0x6: {  	[smem:$0x3FAF] =	sst s2  }
0x7: {  	_ = 	snop  }
0x8: {  	s2 =	sld [smem:$0x3FC5];
	(tm) =	ssettm $0x1  }
0x9: {  	s19 =	sld [smem:$0x3FFB];
	_ =	sdelay $0x3  }
0xa: {  	_ =	strace s19  }
0xb: {  	s3 =	sld [smem:$0x3FFC];
	_ =	sdelay $0x3  }
0xc: {  	_ =	strace s3  }
0xd: {  	s3 =	sld [smem:$0x3FFD];
	_ =	sdelay $0x3  }
0xe: {  	_ =	strace s3  }
0xf: {  	_ =	strace $0x8FFFFFFF  }
0x10: {  	s20 =	sld [smem:$0x3FDB];
	_ =	sdelay $0x1  }
0x11: {  	s4 =	simm.s32 $_scs_section_size  }
0x12: {  	s5 =	simm.s32 $_size__tile_overlayer_lowered;
	s6 =	simm.s32 $_tile_overlayer_lowered  }
0x13: {  	s23 =	simm.s32 $0x1BFF;
	s22 =	sshll.u32 s6, $0x1;
	s3 =	sadd.s32 s4, s20  }
0x14: {  	s7 =	simm.s32 $0x0;
	s21 =	sshll.u32 s5, $0x1;
	s5 =	sadd.s32 s22, s3  }
0x15: {  	[timem:s7], [sflag:s23] =	dma.local [hbm:s5], s21  }
0x16: {  	_ =	swait.ge [sflag:s23], s21  }
0x17: {  	s4 =	ssub.s32 $0x0, s21;
	[sflag:s23] =	ssyncset.done $0x0  }
0x18: {  	[sflag:s23] =	ssyncadd.s32 s4;
	_ =	sdelay $0x1  }
0x19: {  	s24 =	simm.s32 $0x1B8B  }
0x1a: {  	_ =	swait.ge [sflag:s24], $0x1  }
0x1b: {  	[sflag:s24] =	ssyncset.done $0x0  }
0x1c: {  	s26 =	simm.s32 $0x1B8E;
	s25 =	sld [smem:$0x3FFE];
	[sflag:s24] =	ssyncadd.s32 $0xFFFFFFFF  }
0x1d: {  	s27 =	simm.s32 $execute0_lowered;
	[smem:$0x3FD2] =	sst s26  }
0x1e: {  	s5 =	sshll.u32 s27, $0x1;
	_ =	strace $0x80000046;
	[dreg:$0x1] =	wrdreg $0xFFFFFFFF  }
0x1f: {  	s28 =	simm.s32 $_size_execute0_lowered;
	s3 =	sadd.s32 s3, s5;
	[dreg:$0x0] =	wrdreg $0x0  }
0x20: {  	s5 =	sshll.u32 s28, $0x1;
	[dreg:$0x2] =	wrdreg s3  }
0x21: {  	[dreg:$0x3] =	wrdreg s5  }
0x22: {  	[dreg:$0x4] =	wrdreg $0xC0  }
0x23: {  	_ =	task [dreg:s7], $0x5FFFF  }
0x24: {  	[dreg:$0x1] =	wrdreg $0xFFFFFFFF  }
0x25: {  	[dreg:$0x0] =	wrdreg $0x60  }
0x26: {  	[dreg:$0x2] =	wrdreg s2  }
0x27: {  	[dreg:$0x3] =	wrdreg s25  }
0x28: {  	[dreg:$0x4] =	wrdreg $0x9  }
0x29: {  	_ =	task.clear_ibuf [dreg:s7], $0x5FFFF;
	_ =	strace $0x90000046  }
0x2a: {  	s29 =	simm.s32 $0x9;
	_ =	strace $0x80000048  }
0x2b: {  	_ =	swait.ge [sflag:s29], $0x1  }
0x2c: {  	[sflag:s29] =	ssyncadd.s32 $0xFFFFFFFF  }
0x2d: {  	_ =	strace $0x90000048  }
0x2e: {  	_ =	sfence  }
0x2f: {  	s30 =	sld [smem:$0x0];
	_ =	sdelay $0x2  }
0x30: {  	s31 =	sshll.u32 s1, $0xD;
	s1 =	sshrl.u32 s1, $0x2  }
0x31: {  	s3 =	sand.u32 $0x4000, s31;
	s1 =	sadd.s32 s1, s30  }
0x32: {  	s0 =	sor.u32 s3, s0;
	s1 =	sshll.u32 s1, $0x11  }
0x33: {  	s0 =	sor.u32 s1, s0  }
0x34: {  	s0 =	sadd.s32 $0x8F2B, s0  }
0x35: {  	[sflag:s0] =	ssyncadd.remote.s32 $0x1  }
0x36: {  	_ =	sfence.sel $0xFFFF  }
0x37: {  	[dreg:$0x0] =	wrdreg $0xFFFFFFFF;
	(pc) =	sbr.abs _section_cstart, $3  }
0x38: {  	[dreg:$0x1] =	wrdreg $0xFFFFFFFF  }
0x39: {  	_ =	task.clear_ibuf [dreg:s7], $0x2FFFF;
	_ =	strace $0x9FFFFFFF  }
0x3a: {  	(tm) =	ssettm $0x7FFFFFFF  }
0x3b: {  	_ =	shalt  }
tec
execute0_lowered:
.L_overlay_start_1:
0x0: {  	(tag) =	ssettag $0x1  }
0x1: {  	s0 =	srdreg.scid;
	s2 =	rddreg [dreg:$0x0]  }
0x2: {  	s5 =	rddreg [dreg:$0x1];
	s1 =	stileid.u32  }
0x3: {  	s4 =	simm.s32 $0x1;
	s6 =	simm.s32 $0x2;
	s15 =	simm.s32 $0x0  }
0x4: {  	p0 =	por $0x0, $0x0;
	s8 =	simm.s32 $0x80;
	s0 =	sshll.u32 s0, $0x4  }
0x5: {  	s14 =	simm.s32 $0x0;
	s9 =	simm.s32 $0x0;
	s3 =	sand.u32 $0x10, s0  }
.Ltmp0:
0x6: {  	s10 =	simm.s32 $0x0;
	s3 =	sor.u32 s1, s3;
	(pc) =	sbr.rel .LBB1_1-.Ltmp0, $4  }
0x7: {  	s0 =	rddreg [dreg:$0x2];
	_ =	strace $0x80000047;
	s3 =	sshll.u32 s3, $0x7  }
0x8: {  	s12 =	simm.s32 $0x0;
	[sflag:s4] =	ssyncpa.u1 $0x0;
	s7 =	ssub.s32 $0xF4200, s3  }
0x9: {  	s13 =	simm.s32 $0x0;
	[sflag:s6] =	ssyncpa.u1 $0x0;
	s6 =	sshrl.u32 s7, $0xC  }
0xa: {  	s5 =	sadd.s32 $0x4E00, s5;
	s11 =	smov.u32 s3;
	s7 =	sadd.s32 $0x2, s6  }
.LBB1_5:
0xb: {  	p1 =	slt.u32 s13, $0x2  }
0xc: {  	s17 =	smov.u32 s15;
	p2 =	sgt.s32 @!p1 s15, $0xF41C0;
	s16 =	sshra.s32 @!p1 s15, $0x1F  }
0xd: {  	p3 =	sgt.s32 @!p1 s14, $0x40;
	s18 =	sshra.s32 @!p1 s14, $0x1F;
	p2 =	por !p2, p1  }
0xe: {  	s15 =	sand.u32 @!p1 s16, s15;
	p3 =	por !p3, p1;
	s16 =	smov.u32 s14  }
0xf: {  	s14 =	sand.u32 @!p1 s18, s14;
	s17 =	simm.s32 @p2 $0xF41C0;
	s16 =	simm.s32 @p3 $0x40  }
0x10: {  	s15 =	ssub.s32 @!p1 s17, s15;
	s14 =	ssub.s32 @!p1 s16, s14  }
0x11: {  	s18 =	smov.u32 s12;
	s16 =	sadd.s32 @!p1 $0xFFF0BE40, s15;
	s17 =	sadd.s32 @!p1 $0xFFFFFFC0, s14  }
0x12: {  	s15 =	ssub.s32 @!p1 $0xF4240, s15;
	p2 =	sgt.s32 @!p1 s16, $0x7F;
	p3 =	sgt.s32 @!p1 s17, $0x3F  }
0x13: {  	s14 =	ssub.s32 @!p1 $0x80, s14;
	p2 =	por !p2, p1;
	p3 =	por !p3, p1  }
0x14: {  	s16 =	sadd.s32 $0x1000, s11;
	s15 =	simm.s32 @!p2 $0x0;
	s14 =	simm.s32 @!p3 $0x0  }
0x15: {  	p2 =	sgt.s32 s16, $0xF423F;
	s14 =	smul.u32 @!p1 s14, s15;
	s15 =	sadd.s32 $0x40, s12  }
0x16: {  	s18 =	smov.u32 @p2 s15  }
0x17: {  	s16 =	smov.u32 @p2 s3;
	p2 =	sgt.s32 s18, $0x3F  }
0x18: {  	s18 =	simm.s32 @p2 $0x0;
	p2 =	sne.s32 s13, s7  }
.Ltmp1:
0x19: {  	p0 =	por !p0, !p0;
	s17 =	simm.s32 @!p1 $0x2;
	(pc) =	sbr.rel @!p2 .LBB1_6-.Ltmp1, $4  }
0x1a: {  	s15 =	smov.u32 s9;
	s9 =	smov.u32 s11;
	s14 =	sand.u32 @!p1 $0x3FFFFFFF, s14  }
0x1b: {  	s11 =	smov.u32 s16;
	_ =	swait.ge @!p1 [sflag:s17], s14;
	s19 =	ssub.s32 @!p1 $0x0, s14  }
0x1c: {  	s14 =	smov.u32 s10;
	s13 =	sadd.s32 $0x1, s13;
	[sflag:s17] =	ssyncset.done @!p1 $0x0  }
0x1d: {  	s10 =	smov.u32 s12;
	s12 =	smov.u32 s18;
	[sflag:s17] =	ssyncadd.s32 @!p1 s19  }
.LBB1_1:
0x1e: {  	p1 =	sgt.u32 s13, s6  }
0x1f: {  	s16 =	sshrl.u32 @!p1 s12, $0x3  }
0x20: {  	s17 =	sshll.u32 @!p1 s11, $0x3;
	s16 =	smul.u32 @!p1 $0x7A1400, s16  }
0x21: {  	s18 =	sshll.u32 @!p1 s12, $0x7;
	s17 =	sand.u32 @!p1 $0xFFFFFC00, s17  }
0x22: {  	s16 =	sadd.s32 @!p1 s16, s17;
	s17 =	sand.u32 @!p1 $0x380, s18  }
0x23: {  	s18 =	sand.u32 @!p1 $0x7F, s11;
	s16 =	sor.u32 @!p1 s17, s16  }
0x24: {  	s17 =	sor.u32 @!p1 s18, s16  }
0x25: {  	s18 =	smulhi.u32 @!p1 $0x218D6287, s17;
	_ =	sdelay $0x1  }
0x26: {  	s16 =	smulhi.u32 @!p1 $0x218D6287, s16;
	s18 =	sshrl.u32 @!p1 s18, $0x11  }
0x27: {  	s18 =	smul.u32 @!p1 $0xF4280, s18  }
0x28: {  	s19 =	sxor.u32 @!p1 $0xFFFFFFFF, s13;
	s16 =	sshrl.u32 @!p1 s16, $0x11  }
0x29: {  	s19 =	sshll.u32 @!p1 s19, $0xD;
	s16 =	sand.u32 @!p1 $0x3F, s16;
	s17 =	ssub.s32 @!p1 s17, s18  }
0x2a: {  	s16 =	smul.u32 @!p1 $0x1E850, s16;
	s18 =	sshrl.u32 @!p1 s17, $0x3;
	s17 =	sand.u32 @!p1 $0x7, s17  }
0x2b: {  	s19 =	sand.u32 @!p1 $0x2000, s19;
	s18 =	sadd.s32 @!p1 s2, s18;
	s17 =	sshll.u32 @!p1 s17, $0x12  }
0x2c: {  	s16 =	sadd.s32 @!p1 s16, s18;
	s17 =	sor.u32 @!p1 $0x400, s17;
	s18 =	simm.s32 @!p1 $0x7A1400  }
0x2d: {  	[tilespmem:s19], [sflag:$0x1] =	stream.strided.gather @!p1 [hbm4b:s16+s17], $0x2000, s18, s17, $0x38;
	[tilespmem:$0x8100] =	vst v63  }
0x2e: {  	p1 =	seq.s32 s13, $0x0  }
0x2f: {  	p2 =	sge.u32 @!p1 s13, s7  }
0x30: {  	p1 =	por p1, p2  }
.Ltmp2:
0x31: {  	_ = 	snop;
	(pc) =	sbr.rel @p1 .LBB1_5-.Ltmp2, $1  }
0x32: {  	_ =	sdelay $0x3  }
0x33: {  	s16 =	simm.s32 $0x1  }
0x34: {  	_ =	swait.ge [sflag:s4], $0x2000;
	s16 =	simm.s32 @!p0 $0x0  }
0x35: {  	[sflag:s4] =	ssyncset.done $0x0;
	s17 =	sshll.u32 s16, $0xD  }
0x36: {  	[sflag:s4] =	ssyncadd.s32 $0xFFFFE000;
	s17 =	sor.u32 $0x40, s17  }
0x37: {  	s16 =	smul.u32 $0x8200, s16;
	v0 =	vld [tilespmem:s17+$0x30]  }
0x38: {  	v1 =	vld [tilespmem:s17+$0xFFFFFFD0]  }
0x39: {  	s16 =	sshrl.u32 s16, $0x2;
	v5 =	vld [tilespmem:s17+$0xFFFFFFE0]  }
0x3a: {  	v6 =	vld [tilespmem:s17+$0xFFFFFFF0];
	s19 =	sor.u32 $0x4000, s16  }
0x3b: {  	s31 =	sand.u32 $0x1, s13;
	v4 =	vld [tilespmem:s17+$0x0];
	s18 =	sadd.s32 $0x0, s19  }
0x3c: {  	v3 =	vld [tilespmem:s17+$0x10];
	s16 =	smul.u32 $0x8200, s31;
	[tilespmem:s18+$0x1C70 ss:$0x41] =	vst.msk $0xffff, v0  }
0x3d: {  	v2 =	vld [tilespmem:s17+$0x20];
	[tilespmem:s18+$0x410 ss:$0x41] =	vst.msk $0xffff, v1  }
0x3e: {  	s16 =	sshrl.u32 s16, $0x2;
	v1 =	vld [tilespmem:s17+$0xFFFFFFC0];
	[tilespmem:s18+$0x820 ss:$0x41] =	vst.msk $0xffff, v5;
	s17 =	sadd.s32 $0x80, s17  }
0x3f: {  	s20 =	simm.s32 $0x4;
	s21 =	simm.s32 $0x8;
	s16 =	sor.u32 $0x4000, s16;
	[tilespmem:s18+$0xC30 ss:$0x41] =	vst.msk $0xffff, v6;
	v0 =	vld [tilespmem:s17+$0x30]  }
.LBB1_3:
0x40: {  	p1 =	sne.s32 s21, $0xFC;
	v5 =	vld [tilespmem:s17+$0xFFFFFFD0];
	[tilespmem:s18+$0x1040 ss:$0x41] =	vst.msk $0xffff, v4  }
0x41: {  	v6 =	vld [tilespmem:s17+$0xFFFFFFE0];
	[tilespmem:s18+$0x1450 ss:$0x41] =	vst.msk $0xffff, v3  }
0x42: {  	s22 =	sshra.s32 s20, $0x2;
	s20 =	smov.u32 s21;
	v7 =	vld [tilespmem:s17+$0xFFFFFFF0];
	[tilespmem:s18+$0x1860 ss:$0x41] =	vst.msk $0xffff, v2  }
.Ltmp3:
0x43: {  	v4 =	vld [tilespmem:s17+$0x0];
	[tilespmem:s18+$0x0 ss:$0x41] =	vst.msk $0xffff, v1;
	s18 =	sadd.s32 s22, s19;
	(pc) =	sbr.rel @p1 .LBB1_3-.Ltmp3, $4  }
0x44: {  	v3 =	vld [tilespmem:s17+$0x10];
	[tilespmem:s18+$0x1C70 ss:$0x41] =	vst.msk $0xffff, v0  }
0x45: {  	[tilespmem:s18+$0x410 ss:$0x41] =	vst.msk $0xffff, v5;
	v2 =	vld [tilespmem:s17+$0x20]  }
0x46: {  	v1 =	vld [tilespmem:s17+$0xFFFFFFC0];
	[tilespmem:s18+$0x820 ss:$0x41] =	vst.msk $0xffff, v6;
	s17 =	sadd.s32 $0x80, s17  }
0x47: {  	s21 =	sadd.s32 $0x4, s21;
	v0 =	vld [tilespmem:s17+$0x30];
	[tilespmem:s18+$0xC30 ss:$0x41] =	vst.msk $0xffff, v7  }
0x48: {  	s21 =	sshll.u32 s9, $0x7;
	s22 =	sshll.u32 s10, $0x3;
	s20 =	sshra.s32 s20, $0x2  }
0x49: {  	p1 =	sgt.s32 s9, $0xF41C0;
	s30 =	sshra.s32 s9, $0x1F;
	s25 =	sshra.s32 s10, $0x1F  }
0x4a: {  	v5 =	vld [tilespmem:s17+$0xFFFFFFD0];
	s28 =	sshrl.u32 s10, $0x3;
	s23 =	sand.u32 $0xFFFFFC00, s21;
	s22 =	sand.u32 $0xFFFFFC00, s22  }
0x4b: {  	[tilespmem:s18+$0x1040 ss:$0x41] =	vst.msk $0xffff, v4;
	v58 =	vld [tilespmem:s17+$0xFFFFFFE0];
	s21 =	sand.u32 $0x380, s21;
	s19 =	sadd.s32 s20, s19;
	s22 =	sadd.s32 s22, s23  }
0x4c: {  	v59 =	vld [tilespmem:s17+$0xFFFFFFF0];
	[tilespmem:s18+$0x1450 ss:$0x41] =	vst.msk $0xffff, v3;
	s29 =	sor.u32 s21, s22;
	s21 =	smov.u32 s9;
	s22 =	sand.u32 s30, s9  }
0x4d: {  	v60 =	vld [tilespmem:s17+$0x0];
	[tilespmem:s18+$0x1860 ss:$0x41] =	vst.msk $0xffff, v2;
	s30 =	sand.u32 $0x7, s10;
	s20 =	sshrl.u32 s29, $0x7;
	s21 =	simm.s32 @!p1 $0xF41C0  }
0x4e: {  	v61 =	vld [tilespmem:s17+$0x10];
	[tilespmem:s18+$0x0 ss:$0x41] =	vst.msk $0xffff, v1;
	p1 =	sgt.s32 s10, $0x40;
	s24 =	ssub.s32 s21, s22;
	s21 =	smov.u32 s10  }
0x4f: {  	v62 =	vld [tilespmem:s17+$0x20];
	[tilespmem:s19+$0x1C70 ss:$0x41] =	vst.msk $0xffff, v0;
	s31 =	smulhi.u32 $0x218DEF5, s20;
	s22 =	sand.u32 s25, s10;
	s21 =	simm.s32 @!p1 $0x40  }
0x50: {  	v63 =	vld [tilespmem:s17+$0xFFFFFFC0];
	[tilespmem:s19+$0x410 ss:$0x41] =	vst.msk $0xffff, v5;
	s26 =	sadd.s32 $0xFFF0BE40, s24;
	s17 =	ssub.s32 $0xF4240, s24;
	s21 =	ssub.s32 s21, s22  }
0x51: {  	[tilespmem:s19+$0x820 ss:$0x41] =	vst.msk $0xffff, v58;
	s23 =	sshrl.u32 s31, $0xD;
	p1 =	sgt.s32 s26, $0x7F;
	s27 =	sadd.s32 $0xFFFFFFC0, s21  }
0x52: {  	[tilespmem:s19+$0xC30 ss:$0x41] =	vst.msk $0xffff, v59;
	s23 =	smul.u32 $0xF4240, s23;
	s18 =	ssub.s32 $0x80, s21;
	p2 =	sgt.s32 s27, $0x3F  }
.Ltmp4:
0x53: {  	[tilespmem:s19+$0x1040 ss:$0x41] =	vst.msk $0xffff, v60;
	s17 =	simm.s32 @p1 $0x0;
	s18 =	simm.s32 @p2 $0x0;
	(pc) =	sbr.rel .LBB1_5-.Ltmp4, $4  }
0x54: {  	s29 =	sand.u32 $0xF, s28;
	[tilespmem:s19+$0x1450 ss:$0x41] =	vst.msk $0xffff, v61;
	s20 =	ssub.s32 s20, s23;
	s17 =	smul.u32 s18, s17  }
0x55: {  	[tilespmem:s19+$0x1860 ss:$0x41] =	vst.msk $0xffff, v62;
	s21 =	sshll.u32 s30, $0x12;
	s20 =	sshll.u32 s20, $0x4;
	s18 =	sadd.s32 s5, s29  }
0x56: {  	[tilespmem:s19+$0x0 ss:$0x41] =	vst.msk $0xffff, v63;
	s31 =	sor.u32 $0x40, s21;
	s18 =	sadd.s32 s20, s18;
	s17 =	sand.u32 $0x3FFFFFFF, s17  }
0x57: {  	[hbm4b:s18+s31] =	stream.strided.scatter [tilespmem:s16], [sflag:$0x2], s17, s8, s31, $0x18;
	[tilespmem:$0x8100] =	vst v63  }
.LBB1_6:
0x58: {  	_ =	sfence.sel $0x180000  }
0x59: {  	s2 =	simm.s32 $0x1;
	[bflag:$0x0] =	sbarrier.arrive $0xFFFF  }
0x5a: {  	s31 =	simm.s32 $0x2;
	[sflag:s2] =	ssyncpa.u1 $0x1  }
0x5b: {  	[sflag:s31] =	ssyncpa.u1 $0x1  }
0x5c: {  	p0 =	sne.s32 s1, $0x0;
	_ =	strace $0x90000047  }
0x5d: {  	s0 =	sadd.s32 @!p0 $0x100000, s0;
	[bflag:$0x2] =	sbarrier.arrive $0xFFFF  }
0x5e: {  	[sflag:s0] =	ssyncadd.tile.s32 @!p0 $0x1;
	_ =	shalt  }
.Lfunc_end1:
_tile_overlayer_lowered:
.L_overlay_start_2:
0x5f: {  	(tag) =	ssettag $0x2  }
0x60: {  	s0 =	rddreg [dreg:$0x0];
	s2 =	stileid.u32  }
0x61: {  	s1 =	rddreg [dreg:$0x1];
	p0 =	sne.s32 s2, $0x0  }
0x62: {  	s3 =	rddreg [dreg:$0x2];
	[bflag:$0x3] =	sbarrier.arrive $0xFFFF;
	s2 =	simm.s32 @!p0 $0x1C01  }
0x63: {  	[timem:s3], [sflag:s2] =	dma.local @!p0 [hbm:s0], s1  }
0x64: {  	s0 =	simm.s32 @!p0 $0x1  }
0x65: {  	_ =	swait.ge @!p0 [sflag:s0], s1  }
0x66: {  	s1 =	ssub.s32 @!p0 $0x0, s1;
	[sflag:s0] =	ssyncset.done @!p0 $0x0  }
0x67: {  	[sflag:s0] =	ssyncadd.s32 @!p0 s1  }
0x68: {  	[bflag:$0x3] =	sbarrier.arrive $0xFFFF  }
0x69: {  	_ =	shalt  }

</sc_bundles>
